<compile_context>
chip_gen: v7x
topology: tpu7x:2x2x1
jax: 0.10.2.dev20260603
libtpu: 0.0.44.dev20260713+nightly
codegen_flags: <defaults>
</compile_context>

<pallas_src>
import functools

import jax
import jax.numpy as jnp
from jax import lax
from jax.experimental import pallas as pl
from jax.experimental.pallas import tpu as pltpu
from jax.experimental.pallas import tpu_sc as plsc

N_NODES = 10000
D = 128
N_EDGES = 320000
NT = 16
EPT = N_EDGES // NT
BD = 128
RPTD = EPT // BD
DTAIL = EPT - RPTD * BD
FIRE = 4
QD = RPTD // FIRE
BS = 40
RPT_S = EPT // BS
NB = 5
CH = 125
CHE = CH * BS
NCH = RPT_S // CH
ROUNDS = CH // NB
ROWS_PT = 624
TAIL_BASE = ROWS_PT * NT
TAIL = N_NODES - TAIL_BASE
DEGW = 16

_deg_struct = jax.ShapeDtypeStruct((N_NODES, DEGW), jnp.float32)
_agg_struct = jax.ShapeDtypeStruct((N_NODES, D), jnp.float32)


@functools.cache
def _sc_kernels():
    mesh = plsc.VectorSubcoreMesh(core_axis_name="c", subcore_axis_name="s")
    params = pltpu.CompilerParams(use_tc_tiling_on_sc=False)

    @functools.partial(
        pl.kernel,
        out_type=(_deg_struct, _deg_struct, _deg_struct, _deg_struct),
        mesh=mesh,
        compiler_params=params,
        scratch_types=(
            pltpu.VMEM_SHARED((N_NODES, DEGW), jnp.float32),
            pltpu.VMEM_SHARED((N_NODES, DEGW), jnp.float32),
            pltpu.VMEM((EPT,), jnp.int32),
            pltpu.VMEM((EPT,), jnp.int32),
            pltpu.VMEM((BD, DEGW), jnp.float32),
            pltpu.SemaphoreType.DMA,
        ),
    )
    def sc_degrees(e0, e1, ones_hbm, zeros_hbm,
                   outdeg0, indeg0, outdeg1, indeg1,
                   deg_out_sh, deg_in_sh, src_v, dst_v, ones_v, dsem):
        c = lax.axis_index("c")
        s = lax.axis_index("s")
        sl = pl.ds(s * ROWS_PT, ROWS_PT)
        tsl = pl.ds(TAIL_BASE, TAIL)
        pltpu.sync_copy(zeros_hbm.at[pl.ds(0, ROWS_PT)], deg_out_sh.at[sl])
        pltpu.sync_copy(zeros_hbm.at[pl.ds(0, ROWS_PT)], deg_in_sh.at[sl])

        @pl.when(s == NT - 1)
        def _():
            pltpu.sync_copy(zeros_hbm.at[pl.ds(0, TAIL)], deg_out_sh.at[tsl])
            pltpu.sync_copy(zeros_hbm.at[pl.ds(0, TAIL)], deg_in_sh.at[tsl])

        pltpu.sync_copy(ones_hbm, ones_v)
        esl = pl.ds(s * EPT, EPT)

        @pl.when(c == 0)
        def _():
            pltpu.sync_copy(e0.at[0, esl], src_v)
            pltpu.sync_copy(e0.at[1, esl], dst_v)

        @pl.when(c == 1)
        def _():
            pltpu.sync_copy(e1.at[0, esl], src_v)
            pltpu.sync_copy(e1.at[1, esl], dst_v)

        plsc.subcore_barrier()

        def fire(q):
            for t in range(FIRE):
                isl = pl.ds((FIRE * q + t) * BD, BD)
                pltpu.async_copy(ones_v, deg_out_sh.at[src_v.at[isl]],
                                 dsem, add=True)
                pltpu.async_copy(ones_v, deg_in_sh.at[dst_v.at[isl]],
                                 dsem, add=True)

        def drain():
            for _t in range(2 * FIRE):
                pltpu.make_async_copy(ones_v, deg_out_sh.at[src_v.at[pl.ds(0, BD)]],
                                      dsem).wait()

        fire(0)

        @pl.loop(1, QD)
        def _(q):
            fire(q)
            drain()

        drain()

        tisl = pl.ds(RPTD * BD, DTAIL)
        tones = ones_v.at[pl.ds(0, DTAIL)]
        pltpu.sync_copy(tones, deg_out_sh.at[src_v.at[tisl]], add=True)
        pltpu.sync_copy(tones, deg_in_sh.at[dst_v.at[tisl]], add=True)

        plsc.subcore_barrier()

        @pl.when(c == 0)
        def _():
            pltpu.sync_copy(deg_out_sh.at[sl], outdeg0.at[sl])
            pltpu.sync_copy(deg_in_sh.at[sl], indeg0.at[sl])

            @pl.when(s == NT - 1)
            def _():
                pltpu.sync_copy(deg_out_sh.at[tsl], outdeg0.at[tsl])
                pltpu.sync_copy(deg_in_sh.at[tsl], indeg0.at[tsl])

        @pl.when(c == 1)
        def _():
            pltpu.sync_copy(deg_out_sh.at[sl], outdeg1.at[sl])
            pltpu.sync_copy(deg_in_sh.at[sl], indeg1.at[sl])

            @pl.when(s == NT - 1)
            def _():
                pltpu.sync_copy(deg_out_sh.at[tsl], outdeg1.at[tsl])
                pltpu.sync_copy(deg_in_sh.at[tsl], indeg1.at[tsl])

    scatter_scratch = (
        [pltpu.VMEM_SHARED((N_NODES, D), jnp.float32)]
        + [pltpu.VMEM((CHE,), jnp.int32) for _ in range(4)]
        + [pltpu.VMEM((BS, D), jnp.float32) for _ in range(NB)]
        + [pltpu.SemaphoreType.DMA for _ in range(2 * NB + 2)]
    )

    @functools.partial(
        pl.kernel,
        out_type=(_agg_struct, _agg_struct),
        mesh=mesh,
        compiler_params=params,
        scratch_types=tuple(scatter_scratch),
    )
    def sc_scatter(y0, y1, e0, e1, zeros_hbm,
                   agg0, agg1,
                   agg_sh, srcA, dstA, srcB, dstB,
                   r0, r1, r2, r3, r4,
                   g0, g1, g2, g3, g4,
                   s0, s1, s2, s3, s4, isA, isB):
        c = lax.axis_index("c")
        s = lax.axis_index("s")
        bufs = (r0, r1, r2, r3, r4)
        gsems = (g0, g1, g2, g3, g4)
        ssems = (s0, s1, s2, s3, s4)
        sl = pl.ds(s * ROWS_PT, ROWS_PT)
        tsl = pl.ds(TAIL_BASE, TAIL)
        pltpu.sync_copy(zeros_hbm.at[pl.ds(0, ROWS_PT)], agg_sh.at[sl])

        @pl.when(s == NT - 1)
        def _():
            pltpu.sync_copy(zeros_hbm.at[pl.ds(0, TAIL)], agg_sh.at[tsl])

        plsc.subcore_barrier()

        ebase = s * EPT

        def edge_loop(y_hbm, e_hbm):
            def gather(sv, jj, buf, sem):
                pltpu.async_copy(y_hbm.at[sv.at[pl.ds(jj * BS, BS)]], buf, sem)

            def wait_g(buf, sem):
                pltpu.make_async_copy(y_hbm.at[srcA.at[pl.ds(0, BS)]],
                                      buf, sem).wait()

            def scat(dv, jj, buf, sem):
                pltpu.async_copy(buf, agg_sh.at[dv.at[pl.ds(jj * BS, BS)]],
                                 sem, add=True)

            def wait_s(buf, sem):
                pltpu.make_async_copy(buf, agg_sh.at[dstA.at[pl.ds(0, BS)]],
                                      sem).wait()

            def prefetch(k, sv, dv, isem):
                csl = pl.ds(ebase + k * CHE, CHE)
                pltpu.async_copy(e_hbm.at[0, csl], sv, isem)
                pltpu.async_copy(e_hbm.at[1, csl], dv, isem)

            def wait_idx(sv, dv, isem):
                pltpu.make_async_copy(e_hbm.at[0, pl.ds(0, CHE)], sv, isem).wait()
                pltpu.make_async_copy(e_hbm.at[0, pl.ds(0, CHE)], dv, isem).wait()

            def rounds(sv, dv):
                for b in range(NB):
                    gather(sv, b, bufs[b], gsems[b])

                @pl.loop(0, ROUNDS)
                def _(r):
                    for b in range(NB):
                        jj = NB * r + b
                        wait_g(bufs[b], gsems[b])
                        scat(dv, jj, bufs[b], ssems[b])

                        @pl.when(r < ROUNDS - 1)
                        def _(b=b, jj=jj):
                            wait_s(bufs[b], ssems[b])
                            gather(sv, jj + NB, bufs[b], gsems[b])

                for b in range(NB):
                    wait_s(bufs[b], ssems[b])

            csl0 = pl.ds(ebase, CHE)
            pltpu.sync_copy(e_hbm.at[0, csl0], srcA)
            pltpu.sync_copy(e_hbm.at[1, csl0], dstA)

            @pl.loop(0, NCH // 2)
            def _(m):
                k0 = 2 * m

                @pl.when(m > 0)
                def _():
                    wait_idx(srcA, dstA, isA)

                prefetch(k0 + 1, srcB, dstB, isB)
                rounds(srcA, dstA)

                wait_idx(srcB, dstB, isB)

                @pl.when(m < NCH // 2 - 1)
                def _():
                    prefetch(k0 + 2, srcA, dstA, isA)

                rounds(srcB, dstB)

        @pl.when(c == 0)
        def _():
            edge_loop(y0, e0)

        @pl.when(c == 1)
        def _():
            edge_loop(y1, e1)

        plsc.subcore_barrier()

        @pl.when(c == 0)
        def _():
            pltpu.sync_copy(agg_sh.at[sl], agg0.at[sl])

            @pl.when(s == NT - 1)
            def _():
                pltpu.sync_copy(agg_sh.at[tsl], agg0.at[tsl])

        @pl.when(c == 1)
        def _():
            pltpu.sync_copy(agg_sh.at[sl], agg1.at[sl])

            @pl.when(s == NT - 1)
            def _():
                pltpu.sync_copy(agg_sh.at[tsl], agg1.at[tsl])

    return sc_degrees, sc_scatter


_RB = 2000


def _y_body(x_ref, d0_ref, d1_ref, w0_ref, w1_ref, y0_ref, y1_ref):
    c0 = lax.rsqrt(jnp.maximum(d0_ref[:, 0:1], 1.0))
    c1 = lax.rsqrt(jnp.maximum(d1_ref[:, 0:1], 1.0))
    xb = x_ref[...]
    y0_ref[...] = jnp.dot(xb * c0, w0_ref[...], preferred_element_type=jnp.float32)
    y1_ref[...] = jnp.dot(xb * c1, w1_ref[...], preferred_element_type=jnp.float32)


def _tc_prepare_y(x, d0, d1, W0, W1):
    return pl.pallas_call(
        _y_body,
        grid=(N_NODES // _RB,),
        in_specs=[
            pl.BlockSpec((_RB, D), lambda i: (i, 0)),
            pl.BlockSpec((_RB, DEGW), lambda i: (i, 0)),
            pl.BlockSpec((_RB, DEGW), lambda i: (i, 0)),
            pl.BlockSpec((D, D), lambda i: (0, 0)),
            pl.BlockSpec((D, D), lambda i: (0, 0)),
        ],
        out_specs=[
            pl.BlockSpec((_RB, D), lambda i: (i, 0)),
            pl.BlockSpec((_RB, D), lambda i: (i, 0)),
        ],
        out_shape=[
            jax.ShapeDtypeStruct((N_NODES, D), jnp.float32),
            jax.ShapeDtypeStruct((N_NODES, D), jnp.float32),
        ],
    )(x, d0, d1, W0, W1)


def _fin_body(a0_ref, a1_ref, d0_ref, d1_ref, b0_ref, b1_ref, o_ref):
    s0 = lax.rsqrt(jnp.maximum(d0_ref[:, 0:1], 1.0))
    s1 = lax.rsqrt(jnp.maximum(d1_ref[:, 0:1], 1.0))
    o_ref[...] = a0_ref[...] * s0 + a1_ref[...] * s1 + b0_ref[...] + b1_ref[...]


def _tc_finalize(agg0, agg1, d0, d1, b0, b1):
    return pl.pallas_call(
        _fin_body,
        grid=(N_NODES // _RB,),
        in_specs=[
            pl.BlockSpec((_RB, D), lambda i: (i, 0)),
            pl.BlockSpec((_RB, D), lambda i: (i, 0)),
            pl.BlockSpec((_RB, DEGW), lambda i: (i, 0)),
            pl.BlockSpec((_RB, DEGW), lambda i: (i, 0)),
            pl.BlockSpec((1, D), lambda i: (0, 0)),
            pl.BlockSpec((1, D), lambda i: (0, 0)),
        ],
        out_specs=pl.BlockSpec((_RB, D), lambda i: (i, 0)),
        out_shape=jax.ShapeDtypeStruct((N_NODES, D), jnp.float32),
    )(agg0, agg1, d0, d1, b0, b1)


def kernel(x, edge_index_rel0, edge_index_rel1, W0, b0, W1, b1):
    e0 = edge_index_rel0.astype(jnp.int32)
    e1 = edge_index_rel1.astype(jnp.int32)
    ones_hbm = jnp.ones((BD, DEGW), jnp.float32)
    zeros_deg = jnp.zeros((ROWS_PT, DEGW), jnp.float32)
    zeros_agg = jnp.zeros((ROWS_PT, D), jnp.float32)

    sc_degrees, sc_scatter = _sc_kernels()
    outdeg0, indeg0, outdeg1, indeg1 = sc_degrees(e0, e1, ones_hbm, zeros_deg)
    y0, y1 = _tc_prepare_y(x, outdeg0, outdeg1, W0, W1)
    agg0, agg1 = sc_scatter(y0, y1, e0, e1, zeros_agg)
    return _tc_finalize(agg0, agg1, indeg0, indeg1,
                        b0.reshape(1, D), b1.reshape(1, D))

# --- scband reference (transcript-rebuilt; emitter-appended) ---
"""Pipeline reference for scband-hmpnnlayer-11304353923514 (READ-ONLY COPY).

The authoritative reference and input builder live on the scoring server;
editing this copy changes nothing except your own understanding.
"""

import jax, jax.numpy as jnp
import numpy as np

N_NODES = 10000
D_IN = 128
D_OUT = 128
N_EDGES = 320000


def setup_inputs(seed: int = 0) -> dict:
    key = jax.random.key(seed)
    ks = jax.random.split(key, 8)
    x = jax.random.normal(ks[0], (N_NODES, D_IN), dtype=jnp.float32)
    edge_index_rel0 = jax.random.randint(ks[1], (2, N_EDGES), 0, N_NODES, dtype=jnp.int64)
    edge_index_rel1 = jax.random.randint(ks[2], (2, N_EDGES), 0, N_NODES, dtype=jnp.int64)
    # GraphConv weights (glorot-ish) and biases per relation
    W0 = jax.random.normal(ks[3], (D_IN, D_OUT), dtype=jnp.float32) * (1.0 / np.sqrt(D_IN))
    b0 = jnp.zeros((D_OUT,), dtype=jnp.float32)
    W1 = jax.random.normal(ks[4], (D_IN, D_OUT), dtype=jnp.float32) * (1.0 / np.sqrt(D_IN))
    b1 = jnp.zeros((D_OUT,), dtype=jnp.float32)
    return {
        "x": x,
        "edge_index_rel0": edge_index_rel0,
        "edge_index_rel1": edge_index_rel1,
        "W0": W0,
        "b0": b0,
        "W1": W1,
        "b1": b1,
    }


def _graph_conv(x, src, dst, W, b, n_nodes):
    # DGL GraphConv with norm='both', weight=True, bias=True, activation=None.
    # in_feat <= out_feat -> aggregate first, then matmul.
    ones = jnp.ones(src.shape[0], dtype=x.dtype)
    out_deg = jax.ops.segment_sum(ones, src, num_segments=n_nodes)
    out_deg = jnp.clip(out_deg, 1.0)
    in_deg = jax.ops.segment_sum(ones, dst, num_segments=n_nodes)
    in_deg = jnp.clip(in_deg, 1.0)
    feat_src = x * (out_deg ** -0.5)[:, None]
    msgs = feat_src[src]  # gather over edges
    agg = jax.ops.segment_sum(msgs, dst, num_segments=n_nodes)  # scatter-add
    rst = agg * (in_deg ** -0.5)[:, None]
    return rst @ W + b


def reference(x, edge_index_rel0, edge_index_rel1, W0, b0, W1, b1):
    n = x.shape[0]
    # HeteroGraphConv with aggregate='sum' over relations onto the single dst node type
    h0 = _graph_conv(x, edge_index_rel0[0], edge_index_rel0[1], W0, b0, n)
    h1 = _graph_conv(x, edge_index_rel1[0], edge_index_rel1[1], W1, b1, n)
    return h0 + h1

if __name__ == "__main__":
    import jax
    _d = setup_inputs()
    print(jax.jit(kernel)(*tuple(_d.values())))

</pallas_src>

<mosaic_0001>
#map = affine_map<(d0, d1) -> (0, 0)>
module attributes {stable_mosaic.version = 14 : i64} {
  func.func @sc_degrees(%arg0: i32, %arg1: i32, %arg2: memref<2x320000xi32, #tpu.memory_space<hbm>>, %arg3: memref<2x320000xi32, #tpu.memory_space<hbm>>, %arg4: memref<128x16xf32, #tpu.memory_space<hbm>>, %arg5: memref<624x16xf32, #tpu.memory_space<hbm>>, %arg6: memref<10000x16xf32, #tpu.memory_space<hbm>>, %arg7: memref<10000x16xf32, #tpu.memory_space<hbm>>, %arg8: memref<10000x16xf32, #tpu.memory_space<hbm>>, %arg9: memref<10000x16xf32, #tpu.memory_space<hbm>>, %arg10: memref<10000x16xf32, #tpu.memory_space<vmem_shared>>, %arg11: memref<10000x16xf32, #tpu.memory_space<vmem_shared>>, %arg12: memref<20000xi32, #tpu.memory_space<vmem>>, %arg13: memref<20000xi32, #tpu.memory_space<vmem>>, %arg14: memref<128x16xf32, #tpu.memory_space<vmem>>, %arg15: memref<!tpu.dma_semaphore, #tpu.memory_space<semaphore_mem>>) attributes {dimension_semantics = [#tpu.dimension_semantics<core_parallel>, #tpu.dimension_semantics<subcore_parallel>], iteration_bounds = array<i64: 2, 16>, scalar_prefetch = 0 : i64, scratch_operands = 6 : i64, tpu.core_type = #tpu.core_type<sc_vector_subcore>, window_params = [{transform_indices = #map}, {transform_indices = #map}, {transform_indices = #map}, {transform_indices = #map}, {transform_indices = #map}, {transform_indices = #map}, {transform_indices = #map}, {transform_indices = #map}]} {
    %mul3A = arith.constant 624 : i32
    %mul3A_0 = arith.muli %arg1, %mul3A : i32
    "tpu.region"() ({
      %run_scoped3A = tpu.sem_alloc : memref<!tpu.dma_semaphore, #tpu.memory_space<semaphore_mem>>
      %dma_start3A_108 = arith.constant 0 : i32
      %dma_start3A_109 = tpu.memref_slice %arg10[%mul3A_0, %dma_start3A_108] : memref<10000x16xf32, #tpu.memory_space<vmem_shared>> -> memref<624x16xf32, #tpu.memory_space<vmem_shared>>
      %dma_start3A_110 = arith.constant 0 : i32
      %dma_start3A_111 = arith.constant 0 : i32
      %dma_start3A_112 = tpu.memref_slice %arg5[%dma_start3A_110, %dma_start3A_111] : memref<624x16xf32, #tpu.memory_space<hbm>> -> memref<624x16xf32, #tpu.memory_space<hbm>>
      tpu.enqueue_dma source(%dma_start3A_112 : memref<624x16xf32, #tpu.memory_space<hbm>>) target(%dma_start3A_109 : memref<624x16xf32, #tpu.memory_space<vmem_shared>>) target_semaphore(%run_scoped3A : memref<!tpu.dma_semaphore, #tpu.memory_space<semaphore_mem>>)
      %dma_wait3A_113 = arith.constant 0 : i32
      %dma_wait3A_114 = tpu.memref_slice %arg10[%mul3A_0, %dma_wait3A_113] : memref<10000x16xf32, #tpu.memory_space<vmem_shared>> -> memref<624x16xf32, #tpu.memory_space<vmem_shared>>
      %dma_wait3A_115 = arith.constant 0 : i32
      %dma_wait3A_116 = arith.constant 0 : i32
      %dma_wait3A_117 = tpu.memref_slice %arg5[%dma_wait3A_115, %dma_wait3A_116] : memref<624x16xf32, #tpu.memory_space<hbm>> -> memref<624x16xf32, #tpu.memory_space<hbm>>
      tpu.wait_dma2 semaphore(%run_scoped3A : memref<!tpu.dma_semaphore, #tpu.memory_space<semaphore_mem>>) src(%dma_wait3A_117 : memref<624x16xf32, #tpu.memory_space<hbm>>) dst(%dma_wait3A_114 : memref<624x16xf32, #tpu.memory_space<vmem_shared>>)
      tpu.yield
    }) : () -> ()
    "tpu.region"() ({
      %run_scoped3A = tpu.sem_alloc : memref<!tpu.dma_semaphore, #tpu.memory_space<semaphore_mem>>
      %dma_start3A_108 = arith.constant 0 : i32
      %dma_start3A_109 = tpu.memref_slice %arg11[%mul3A_0, %dma_start3A_108] : memref<10000x16xf32, #tpu.memory_space<vmem_shared>> -> memref<624x16xf32, #tpu.memory_space<vmem_shared>>
      %dma_start3A_110 = arith.constant 0 : i32
      %dma_start3A_111 = arith.constant 0 : i32
      %dma_start3A_112 = tpu.memref_slice %arg5[%dma_start3A_110, %dma_start3A_111] : memref<624x16xf32, #tpu.memory_space<hbm>> -> memref<624x16xf32, #tpu.memory_space<hbm>>
      tpu.enqueue_dma source(%dma_start3A_112 : memref<624x16xf32, #tpu.memory_space<hbm>>) target(%dma_start3A_109 : memref<624x16xf32, #tpu.memory_space<vmem_shared>>) target_semaphore(%run_scoped3A : memref<!tpu.dma_semaphore, #tpu.memory_space<semaphore_mem>>)
      %dma_wait3A_113 = arith.constant 0 : i32
      %dma_wait3A_114 = tpu.memref_slice %arg11[%mul3A_0, %dma_wait3A_113] : memref<10000x16xf32, #tpu.memory_space<vmem_shared>> -> memref<624x16xf32, #tpu.memory_space<vmem_shared>>
      %dma_wait3A_115 = arith.constant 0 : i32
      %dma_wait3A_116 = arith.constant 0 : i32
      %dma_wait3A_117 = tpu.memref_slice %arg5[%dma_wait3A_115, %dma_wait3A_116] : memref<624x16xf32, #tpu.memory_space<hbm>> -> memref<624x16xf32, #tpu.memory_space<hbm>>
      tpu.wait_dma2 semaphore(%run_scoped3A : memref<!tpu.dma_semaphore, #tpu.memory_space<semaphore_mem>>) src(%dma_wait3A_117 : memref<624x16xf32, #tpu.memory_space<hbm>>) dst(%dma_wait3A_114 : memref<624x16xf32, #tpu.memory_space<vmem_shared>>)
      tpu.yield
    }) : () -> ()
    %eq3A = arith.constant 15 : i32
    %eq3A_1 = arith.cmpi eq, %arg1, %eq3A : i32
    %convert_element_type3A = arith.extui %eq3A_1 : i1 to i32
    %cond3A = arith.constant 0 : i32
    %cond3A_2 = arith.cmpi ne, %convert_element_type3A, %cond3A : i32
    scf.if %cond3A_2 {
      "tpu.region"() ({
        %run_scoped3A = tpu.sem_alloc : memref<!tpu.dma_semaphore, #tpu.memory_space<semaphore_mem>>
        %dma_start3A_108 = arith.constant 9984 : i32
        %dma_start3A_109 = arith.constant 0 : i32
        %dma_start3A_110 = tpu.memref_slice %arg10[%dma_start3A_108, %dma_start3A_109] : memref<10000x16xf32, #tpu.memory_space<vmem_shared>> -> memref<16x16xf32, #tpu.memory_space<vmem_shared>>
        %dma_start3A_111 = arith.constant 0 : i32
        %dma_start3A_112 = arith.constant 0 : i32
        %dma_start3A_113 = tpu.memref_slice %arg5[%dma_start3A_111, %dma_start3A_112] : memref<624x16xf32, #tpu.memory_space<hbm>> -> memref<16x16xf32, #tpu.memory_space<hbm>>
        tpu.enqueue_dma source(%dma_start3A_113 : memref<16x16xf32, #tpu.memory_space<hbm>>) target(%dma_start3A_110 : memref<16x16xf32, #tpu.memory_space<vmem_shared>>) target_semaphore(%run_scoped3A : memref<!tpu.dma_semaphore, #tpu.memory_space<semaphore_mem>>)
        %dma_wait3A_114 = arith.constant 9984 : i32
        %dma_wait3A_115 = arith.constant 0 : i32
        %dma_wait3A_116 = tpu.memref_slice %arg10[%dma_wait3A_114, %dma_wait3A_115] : memref<10000x16xf32, #tpu.memory_space<vmem_shared>> -> memref<16x16xf32, #tpu.memory_space<vmem_shared>>
        %dma_wait3A_117 = arith.constant 0 : i32
        %dma_wait3A_118 = arith.constant 0 : i32
        %dma_wait3A_119 = tpu.memref_slice %arg5[%dma_wait3A_117, %dma_wait3A_118] : memref<624x16xf32, #tpu.memory_space<hbm>> -> memref<16x16xf32, #tpu.memory_space<hbm>>
        tpu.wait_dma2 semaphore(%run_scoped3A : memref<!tpu.dma_semaphore, #tpu.memory_space<semaphore_mem>>) src(%dma_wait3A_119 : memref<16x16xf32, #tpu.memory_space<hbm>>) dst(%dma_wait3A_116 : memref<16x16xf32, #tpu.memory_space<vmem_shared>>)
        tpu.yield
      }) : () -> ()
      "tpu.region"() ({
        %run_scoped3A = tpu.sem_alloc : memref<!tpu.dma_semaphore, #tpu.memory_space<semaphore_mem>>
        %dma_start3A_108 = arith.constant 9984 : i32
        %dma_start3A_109 = arith.constant 0 : i32
        %dma_start3A_110 = tpu.memref_slice %arg11[%dma_start3A_108, %dma_start3A_109] : memref<10000x16xf32, #tpu.memory_space<vmem_shared>> -> memref<16x16xf32, #tpu.memory_space<vmem_shared>>
        %dma_start3A_111 = arith.constant 0 : i32
        %dma_start3A_112 = arith.constant 0 : i32
        %dma_start3A_113 = tpu.memref_slice %arg5[%dma_start3A_111, %dma_start3A_112] : memref<624x16xf32, #tpu.memory_space<hbm>> -> memref<16x16xf32, #tpu.memory_space<hbm>>
        tpu.enqueue_dma source(%dma_start3A_113 : memref<16x16xf32, #tpu.memory_space<hbm>>) target(%dma_start3A_110 : memref<16x16xf32, #tpu.memory_space<vmem_shared>>) target_semaphore(%run_scoped3A : memref<!tpu.dma_semaphore, #tpu.memory_space<semaphore_mem>>)
        %dma_wait3A_114 = arith.constant 9984 : i32
        %dma_wait3A_115 = arith.constant 0 : i32
        %dma_wait3A_116 = tpu.memref_slice %arg11[%dma_wait3A_114, %dma_wait3A_115] : memref<10000x16xf32, #tpu.memory_space<vmem_shared>> -> memref<16x16xf32, #tpu.memory_space<vmem_shared>>
        %dma_wait3A_117 = arith.constant 0 : i32
        %dma_wait3A_118 = arith.constant 0 : i32
        %dma_wait3A_119 = tpu.memref_slice %arg5[%dma_wait3A_117, %dma_wait3A_118] : memref<624x16xf32, #tpu.memory_space<hbm>> -> memref<16x16xf32, #tpu.memory_space<hbm>>
        tpu.wait_dma2 semaphore(%run_scoped3A : memref<!tpu.dma_semaphore, #tpu.memory_space<semaphore_mem>>) src(%dma_wait3A_119 : memref<16x16xf32, #tpu.memory_space<hbm>>) dst(%dma_wait3A_116 : memref<16x16xf32, #tpu.memory_space<vmem_shared>>)
        tpu.yield
      }) : () -> ()
    } else {
    }
    "tpu.region"() ({
      %run_scoped3A = tpu.sem_alloc : memref<!tpu.dma_semaphore, #tpu.memory_space<semaphore_mem>>
      tpu.enqueue_dma source(%arg4 : memref<128x16xf32, #tpu.memory_space<hbm>>) target(%arg14 : memref<128x16xf32, #tpu.memory_space<vmem>>) target_semaphore(%run_scoped3A : memref<!tpu.dma_semaphore, #tpu.memory_space<semaphore_mem>>)
      tpu.wait_dma2 semaphore(%run_scoped3A : memref<!tpu.dma_semaphore, #tpu.memory_space<semaphore_mem>>) src(%arg4 : memref<128x16xf32, #tpu.memory_space<hbm>>) dst(%arg14 : memref<128x16xf32, #tpu.memory_space<vmem>>)
      tpu.yield
    }) : () -> ()
    %mul3A_3 = arith.constant 20000 : i32
    %mul3A_4 = arith.muli %arg1, %mul3A_3 : i32
    %eq3A_5 = arith.constant 0 : i32
    %eq3A_6 = arith.cmpi eq, %arg0, %eq3A_5 : i32
    %convert_element_type3A_7 = arith.extui %eq3A_6 : i1 to i32
    %cond3A_8 = arith.constant 0 : i32
    %cond3A_9 = arith.cmpi ne, %convert_element_type3A_7, %cond3A_8 : i32
    scf.if %cond3A_9 {
      %run_scoped3A = arith.constant 0 : i32
      "tpu.region"() ({
        %run_scoped3A_109 = tpu.sem_alloc : memref<!tpu.dma_semaphore, #tpu.memory_space<semaphore_mem>>
        %dma_start3A_110 = tpu.memref_slice %arg2[%run_scoped3A, %mul3A_4] : memref<2x320000xi32, #tpu.memory_space<hbm>> -> memref<1x20000xi32, #tpu.memory_space<hbm>>
        %dma_start3A_111 = tpu.memref_squeeze %dma_start3A_110 : memref<1x20000xi32, #tpu.memory_space<hbm>> -> memref<20000xi32, #tpu.memory_space<hbm>>
        %dma_start3A_112 = tpu.memref_slice %arg2[%run_scoped3A, %mul3A_4] : memref<2x320000xi32, #tpu.memory_space<hbm>> -> memref<1x20000xi32, #tpu.memory_space<hbm>>
        %dma_start3A_113 = tpu.memref_squeeze %dma_start3A_112 : memref<1x20000xi32, #tpu.memory_space<hbm>> -> memref<20000xi32, #tpu.memory_space<hbm>>
        tpu.enqueue_dma source(%dma_start3A_113 : memref<20000xi32, #tpu.memory_space<hbm>>) target(%arg12 : memref<20000xi32, #tpu.memory_space<vmem>>) target_semaphore(%run_scoped3A_109 : memref<!tpu.dma_semaphore, #tpu.memory_space<semaphore_mem>>)
        %dma_wait3A_114 = tpu.memref_slice %arg2[%run_scoped3A, %mul3A_4] : memref<2x320000xi32, #tpu.memory_space<hbm>> -> memref<1x20000xi32, #tpu.memory_space<hbm>>
        %dma_wait3A_115 = tpu.memref_squeeze %dma_wait3A_114 : memref<1x20000xi32, #tpu.memory_space<hbm>> -> memref<20000xi32, #tpu.memory_space<hbm>>
        %dma_wait3A_116 = tpu.memref_slice %arg2[%run_scoped3A, %mul3A_4] : memref<2x320000xi32, #tpu.memory_space<hbm>> -> memref<1x20000xi32, #tpu.memory_space<hbm>>
        %dma_wait3A_117 = tpu.memref_squeeze %dma_wait3A_116 : memref<1x20000xi32, #tpu.memory_space<hbm>> -> memref<20000xi32, #tpu.memory_space<hbm>>
        tpu.wait_dma2 semaphore(%run_scoped3A_109 : memref<!tpu.dma_semaphore, #tpu.memory_space<semaphore_mem>>) src(%dma_wait3A_117 : memref<20000xi32, #tpu.memory_space<hbm>>) dst(%arg12 : memref<20000xi32, #tpu.memory_space<vmem>>)
        tpu.yield
      }) : () -> ()
      %run_scoped3A_108 = arith.constant 1 : i32
      "tpu.region"() ({
        %run_scoped3A_109 = tpu.sem_alloc : memref<!tpu.dma_semaphore, #tpu.memory_space<semaphore_mem>>
        %dma_start3A_110 = tpu.memref_slice %arg2[%run_scoped3A_108, %mul3A_4] : memref<2x320000xi32, #tpu.memory_space<hbm>> -> memref<1x20000xi32, #tpu.memory_space<hbm>>
        %dma_start3A_111 = tpu.memref_squeeze %dma_start3A_110 : memref<1x20000xi32, #tpu.memory_space<hbm>> -> memref<20000xi32, #tpu.memory_space<hbm>>
        %dma_start3A_112 = tpu.memref_slice %arg2[%run_scoped3A_108, %mul3A_4] : memref<2x320000xi32, #tpu.memory_space<hbm>> -> memref<1x20000xi32, #tpu.memory_space<hbm>>
        %dma_start3A_113 = tpu.memref_squeeze %dma_start3A_112 : memref<1x20000xi32, #tpu.memory_space<hbm>> -> memref<20000xi32, #tpu.memory_space<hbm>>
        tpu.enqueue_dma source(%dma_start3A_113 : memref<20000xi32, #tpu.memory_space<hbm>>) target(%arg13 : memref<20000xi32, #tpu.memory_space<vmem>>) target_semaphore(%run_scoped3A_109 : memref<!tpu.dma_semaphore, #tpu.memory_space<semaphore_mem>>)
        %dma_wait3A_114 = tpu.memref_slice %arg2[%run_scoped3A_108, %mul3A_4] : memref<2x320000xi32, #tpu.memory_space<hbm>> -> memref<1x20000xi32, #tpu.memory_space<hbm>>
        %dma_wait3A_115 = tpu.memref_squeeze %dma_wait3A_114 : memref<1x20000xi32, #tpu.memory_space<hbm>> -> memref<20000xi32, #tpu.memory_space<hbm>>
        %dma_wait3A_116 = tpu.memref_slice %arg2[%run_scoped3A_108, %mul3A_4] : memref<2x320000xi32, #tpu.memory_space<hbm>> -> memref<1x20000xi32, #tpu.memory_space<hbm>>
        %dma_wait3A_117 = tpu.memref_squeeze %dma_wait3A_116 : memref<1x20000xi32, #tpu.memory_space<hbm>> -> memref<20000xi32, #tpu.memory_space<hbm>>
        tpu.wait_dma2 semaphore(%run_scoped3A_109 : memref<!tpu.dma_semaphore, #tpu.memory_space<semaphore_mem>>) src(%dma_wait3A_117 : memref<20000xi32, #tpu.memory_space<hbm>>) dst(%arg13 : memref<20000xi32, #tpu.memory_space<vmem>>)
        tpu.yield
      }) : () -> ()
    } else {
    }
    %eq3A_10 = arith.constant 1 : i32
    %eq3A_11 = arith.cmpi eq, %arg0, %eq3A_10 : i32
    %convert_element_type3A_12 = arith.extui %eq3A_11 : i1 to i32
    %cond3A_13 = arith.constant 0 : i32
    %cond3A_14 = arith.cmpi ne, %convert_element_type3A_12, %cond3A_13 : i32
    scf.if %cond3A_14 {
      %run_scoped3A = arith.constant 0 : i32
      "tpu.region"() ({
        %run_scoped3A_109 = tpu.sem_alloc : memref<!tpu.dma_semaphore, #tpu.memory_space<semaphore_mem>>
        %dma_start3A_110 = tpu.memref_slice %arg3[%run_scoped3A, %mul3A_4] : memref<2x320000xi32, #tpu.memory_space<hbm>> -> memref<1x20000xi32, #tpu.memory_space<hbm>>
        %dma_start3A_111 = tpu.memref_squeeze %dma_start3A_110 : memref<1x20000xi32, #tpu.memory_space<hbm>> -> memref<20000xi32, #tpu.memory_space<hbm>>
        %dma_start3A_112 = tpu.memref_slice %arg3[%run_scoped3A, %mul3A_4] : memref<2x320000xi32, #tpu.memory_space<hbm>> -> memref<1x20000xi32, #tpu.memory_space<hbm>>
        %dma_start3A_113 = tpu.memref_squeeze %dma_start3A_112 : memref<1x20000xi32, #tpu.memory_space<hbm>> -> memref<20000xi32, #tpu.memory_space<hbm>>
        tpu.enqueue_dma source(%dma_start3A_113 : memref<20000xi32, #tpu.memory_space<hbm>>) target(%arg12 : memref<20000xi32, #tpu.memory_space<vmem>>) target_semaphore(%run_scoped3A_109 : memref<!tpu.dma_semaphore, #tpu.memory_space<semaphore_mem>>)
        %dma_wait3A_114 = tpu.memref_slice %arg3[%run_scoped3A, %mul3A_4] : memref<2x320000xi32, #tpu.memory_space<hbm>> -> memref<1x20000xi32, #tpu.memory_space<hbm>>
        %dma_wait3A_115 = tpu.memref_squeeze %dma_wait3A_114 : memref<1x20000xi32, #tpu.memory_space<hbm>> -> memref<20000xi32, #tpu.memory_space<hbm>>
        %dma_wait3A_116 = tpu.memref_slice %arg3[%run_scoped3A, %mul3A_4] : memref<2x320000xi32, #tpu.memory_space<hbm>> -> memref<1x20000xi32, #tpu.memory_space<hbm>>
        %dma_wait3A_117 = tpu.memref_squeeze %dma_wait3A_116 : memref<1x20000xi32, #tpu.memory_space<hbm>> -> memref<20000xi32, #tpu.memory_space<hbm>>
        tpu.wait_dma2 semaphore(%run_scoped3A_109 : memref<!tpu.dma_semaphore, #tpu.memory_space<semaphore_mem>>) src(%dma_wait3A_117 : memref<20000xi32, #tpu.memory_space<hbm>>) dst(%arg12 : memref<20000xi32, #tpu.memory_space<vmem>>)
        tpu.yield
      }) : () -> ()
      %run_scoped3A_108 = arith.constant 1 : i32
      "tpu.region"() ({
        %run_scoped3A_109 = tpu.sem_alloc : memref<!tpu.dma_semaphore, #tpu.memory_space<semaphore_mem>>
        %dma_start3A_110 = tpu.memref_slice %arg3[%run_scoped3A_108, %mul3A_4] : memref<2x320000xi32, #tpu.memory_space<hbm>> -> memref<1x20000xi32, #tpu.memory_space<hbm>>
        %dma_start3A_111 = tpu.memref_squeeze %dma_start3A_110 : memref<1x20000xi32, #tpu.memory_space<hbm>> -> memref<20000xi32, #tpu.memory_space<hbm>>
        %dma_start3A_112 = tpu.memref_slice %arg3[%run_scoped3A_108, %mul3A_4] : memref<2x320000xi32, #tpu.memory_space<hbm>> -> memref<1x20000xi32, #tpu.memory_space<hbm>>
        %dma_start3A_113 = tpu.memref_squeeze %dma_start3A_112 : memref<1x20000xi32, #tpu.memory_space<hbm>> -> memref<20000xi32, #tpu.memory_space<hbm>>
        tpu.enqueue_dma source(%dma_start3A_113 : memref<20000xi32, #tpu.memory_space<hbm>>) target(%arg13 : memref<20000xi32, #tpu.memory_space<vmem>>) target_semaphore(%run_scoped3A_109 : memref<!tpu.dma_semaphore, #tpu.memory_space<semaphore_mem>>)
        %dma_wait3A_114 = tpu.memref_slice %arg3[%run_scoped3A_108, %mul3A_4] : memref<2x320000xi32, #tpu.memory_space<hbm>> -> memref<1x20000xi32, #tpu.memory_space<hbm>>
        %dma_wait3A_115 = tpu.memref_squeeze %dma_wait3A_114 : memref<1x20000xi32, #tpu.memory_space<hbm>> -> memref<20000xi32, #tpu.memory_space<hbm>>
        %dma_wait3A_116 = tpu.memref_slice %arg3[%run_scoped3A_108, %mul3A_4] : memref<2x320000xi32, #tpu.memory_space<hbm>> -> memref<1x20000xi32, #tpu.memory_space<hbm>>
        %dma_wait3A_117 = tpu.memref_squeeze %dma_wait3A_116 : memref<1x20000xi32, #tpu.memory_space<hbm>> -> memref<20000xi32, #tpu.memory_space<hbm>>
        tpu.wait_dma2 semaphore(%run_scoped3A_109 : memref<!tpu.dma_semaphore, #tpu.memory_space<semaphore_mem>>) src(%dma_wait3A_117 : memref<20000xi32, #tpu.memory_space<hbm>>) dst(%arg13 : memref<20000xi32, #tpu.memory_space<vmem>>)
        tpu.yield
      }) : () -> ()
    } else {
    }
    %barrier3A = arith.constant 0 : index
    tpu.barrier barrier_id(%barrier3A)
    %dma_start3A = arith.constant 0 : i32
    %dma_start3A_15 = tpu.memref_slice %arg12[%dma_start3A] : memref<20000xi32, #tpu.memory_space<vmem>> -> memref<128xi32, #tpu.memory_space<vmem>>
    %dma_start3A_16 = arith.constant 0 : i32
    %dma_start3A_17 = arith.constant 0 : i32
    %dma_start3A_18 = tpu.memref_slice %arg10[%dma_start3A_16, %dma_start3A_17] : memref<10000x16xf32, #tpu.memory_space<vmem_shared>> -> memref<10000x16xf32, #tpu.memory_space<vmem_shared>>
    tpu.enqueue_indirect_dma source(%arg14 : memref<128x16xf32, #tpu.memory_space<vmem>>) target(%dma_start3A_18 : memref<10000x16xf32, #tpu.memory_space<vmem_shared>>) offsets(%dma_start3A_15 : memref<128xi32, #tpu.memory_space<vmem>>) semaphore(%arg15 : memref<!tpu.dma_semaphore, #tpu.memory_space<semaphore_mem>>) {add = true}
    %dma_start3A_19 = arith.constant 0 : i32
    %dma_start3A_20 = tpu.memref_slice %arg13[%dma_start3A_19] : memref<20000xi32, #tpu.memory_space<vmem>> -> memref<128xi32, #tpu.memory_space<vmem>>
    %dma_start3A_21 = arith.constant 0 : i32
    %dma_start3A_22 = arith.constant 0 : i32
    %dma_start3A_23 = tpu.memref_slice %arg11[%dma_start3A_21, %dma_start3A_22] : memref<10000x16xf32, #tpu.memory_space<vmem_shared>> -> memref<10000x16xf32, #tpu.memory_space<vmem_shared>>
    tpu.enqueue_indirect_dma source(%arg14 : memref<128x16xf32, #tpu.memory_space<vmem>>) target(%dma_start3A_23 : memref<10000x16xf32, #tpu.memory_space<vmem_shared>>) offsets(%dma_start3A_20 : memref<128xi32, #tpu.memory_space<vmem>>) semaphore(%arg15 : memref<!tpu.dma_semaphore, #tpu.memory_space<semaphore_mem>>) {add = true}
    %dma_start3A_24 = arith.constant 128 : i32
    %dma_start3A_25 = tpu.memref_slice %arg12[%dma_start3A_24] : memref<20000xi32, #tpu.memory_space<vmem>> -> memref<128xi32, #tpu.memory_space<vmem>>
    %dma_start3A_26 = arith.constant 0 : i32
    %dma_start3A_27 = arith.constant 0 : i32
    %dma_start3A_28 = tpu.memref_slice %arg10[%dma_start3A_26, %dma_start3A_27] : memref<10000x16xf32, #tpu.memory_space<vmem_shared>> -> memref<10000x16xf32, #tpu.memory_space<vmem_shared>>
    tpu.enqueue_indirect_dma source(%arg14 : memref<128x16xf32, #tpu.memory_space<vmem>>) target(%dma_start3A_28 : memref<10000x16xf32, #tpu.memory_space<vmem_shared>>) offsets(%dma_start3A_25 : memref<128xi32, #tpu.memory_space<vmem>>) semaphore(%arg15 : memref<!tpu.dma_semaphore, #tpu.memory_space<semaphore_mem>>) {add = true}
    %dma_start3A_29 = arith.constant 128 : i32
    %dma_start3A_30 = tpu.memref_slice %arg13[%dma_start3A_29] : memref<20000xi32, #tpu.memory_space<vmem>> -> memref<128xi32, #tpu.memory_space<vmem>>
    %dma_start3A_31 = arith.constant 0 : i32
    %dma_start3A_32 = arith.constant 0 : i32
    %dma_start3A_33 = tpu.memref_slice %arg11[%dma_start3A_31, %dma_start3A_32] : memref<10000x16xf32, #tpu.memory_space<vmem_shared>> -> memref<10000x16xf32, #tpu.memory_space<vmem_shared>>
    tpu.enqueue_indirect_dma source(%arg14 : memref<128x16xf32, #tpu.memory_space<vmem>>) target(%dma_start3A_33 : memref<10000x16xf32, #tpu.memory_space<vmem_shared>>) offsets(%dma_start3A_30 : memref<128xi32, #tpu.memory_space<vmem>>) semaphore(%arg15 : memref<!tpu.dma_semaphore, #tpu.memory_space<semaphore_mem>>) {add = true}
    %dma_start3A_34 = arith.constant 256 : i32
    %dma_start3A_35 = tpu.memref_slice %arg12[%dma_start3A_34] : memref<20000xi32, #tpu.memory_space<vmem>> -> memref<128xi32, #tpu.memory_space<vmem>>
    %dma_start3A_36 = arith.constant 0 : i32
    %dma_start3A_37 = arith.constant 0 : i32
    %dma_start3A_38 = tpu.memref_slice %arg10[%dma_start3A_36, %dma_start3A_37] : memref<10000x16xf32, #tpu.memory_space<vmem_shared>> -> memref<10000x16xf32, #tpu.memory_space<vmem_shared>>
    tpu.enqueue_indirect_dma source(%arg14 : memref<128x16xf32, #tpu.memory_space<vmem>>) target(%dma_start3A_38 : memref<10000x16xf32, #tpu.memory_space<vmem_shared>>) offsets(%dma_start3A_35 : memref<128xi32, #tpu.memory_space<vmem>>) semaphore(%arg15 : memref<!tpu.dma_semaphore, #tpu.memory_space<semaphore_mem>>) {add = true}
    %dma_start3A_39 = arith.constant 256 : i32
    %dma_start3A_40 = tpu.memref_slice %arg13[%dma_start3A_39] : memref<20000xi32, #tpu.memory_space<vmem>> -> memref<128xi32, #tpu.memory_space<vmem>>
    %dma_start3A_41 = arith.constant 0 : i32
    %dma_start3A_42 = arith.constant 0 : i32
    %dma_start3A_43 = tpu.memref_slice %arg11[%dma_start3A_41, %dma_start3A_42] : memref<10000x16xf32, #tpu.memory_space<vmem_shared>> -> memref<10000x16xf32, #tpu.memory_space<vmem_shared>>
    tpu.enqueue_indirect_dma source(%arg14 : memref<128x16xf32, #tpu.memory_space<vmem>>) target(%dma_start3A_43 : memref<10000x16xf32, #tpu.memory_space<vmem_shared>>) offsets(%dma_start3A_40 : memref<128xi32, #tpu.memory_space<vmem>>) semaphore(%arg15 : memref<!tpu.dma_semaphore, #tpu.memory_space<semaphore_mem>>) {add = true}
    %dma_start3A_44 = arith.constant 384 : i32
    %dma_start3A_45 = tpu.memref_slice %arg12[%dma_start3A_44] : memref<20000xi32, #tpu.memory_space<vmem>> -> memref<128xi32, #tpu.memory_space<vmem>>
    %dma_start3A_46 = arith.constant 0 : i32
    %dma_start3A_47 = arith.constant 0 : i32
    %dma_start3A_48 = tpu.memref_slice %arg10[%dma_start3A_46, %dma_start3A_47] : memref<10000x16xf32, #tpu.memory_space<vmem_shared>> -> memref<10000x16xf32, #tpu.memory_space<vmem_shared>>
    tpu.enqueue_indirect_dma source(%arg14 : memref<128x16xf32, #tpu.memory_space<vmem>>) target(%dma_start3A_48 : memref<10000x16xf32, #tpu.memory_space<vmem_shared>>) offsets(%dma_start3A_45 : memref<128xi32, #tpu.memory_space<vmem>>) semaphore(%arg15 : memref<!tpu.dma_semaphore, #tpu.memory_space<semaphore_mem>>) {add = true}
    %dma_start3A_49 = arith.constant 384 : i32
    %dma_start3A_50 = tpu.memref_slice %arg13[%dma_start3A_49] : memref<20000xi32, #tpu.memory_space<vmem>> -> memref<128xi32, #tpu.memory_space<vmem>>
    %dma_start3A_51 = arith.constant 0 : i32
    %dma_start3A_52 = arith.constant 0 : i32
    %dma_start3A_53 = tpu.memref_slice %arg11[%dma_start3A_51, %dma_start3A_52] : memref<10000x16xf32, #tpu.memory_space<vmem_shared>> -> memref<10000x16xf32, #tpu.memory_space<vmem_shared>>
    tpu.enqueue_indirect_dma source(%arg14 : memref<128x16xf32, #tpu.memory_space<vmem>>) target(%dma_start3A_53 : memref<10000x16xf32, #tpu.memory_space<vmem_shared>>) offsets(%dma_start3A_50 : memref<128xi32, #tpu.memory_space<vmem>>) semaphore(%arg15 : memref<!tpu.dma_semaphore, #tpu.memory_space<semaphore_mem>>) {add = true}
    %scan3A = arith.constant 0 : i32
    %scan3A_54 = arith.constant 38 : i32
    %scan3A_55 = arith.addi %scan3A, %scan3A_54 : i32
    %scan3A_56 = arith.constant 1 : i32
    scf.for %scan3A_108 = %scan3A to %scan3A_55 step %scan3A_56  : i32 {
      %mul3A_109 = arith.constant 1 : i32
      %mul3A_110 = arith.muli %scan3A_108, %mul3A_109 : i32
      %add3A = arith.constant 1 : i32
      %add3A_111 = arith.addi %add3A, %mul3A_110 : i32
      %mul3A_112 = arith.constant 4 : i32
      %mul3A_113 = arith.muli %mul3A_112, %add3A_111 : i32
      %add3A_114 = arith.constant 0 : i32
      %add3A_115 = arith.addi %mul3A_113, %add3A_114 : i32
      %mul3A_116 = arith.constant 128 : i32
      %mul3A_117 = arith.muli %add3A_115, %mul3A_116 : i32
      %dma_start3A_118 = tpu.memref_slice %arg12[%mul3A_117] : memref<20000xi32, #tpu.memory_space<vmem>> -> memref<128xi32, #tpu.memory_space<vmem>>
      %dma_start3A_119 = arith.constant 0 : i32
      %dma_start3A_120 = arith.constant 0 : i32
      %dma_start3A_121 = tpu.memref_slice %arg10[%dma_start3A_119, %dma_start3A_120] : memref<10000x16xf32, #tpu.memory_space<vmem_shared>> -> memref<10000x16xf32, #tpu.memory_space<vmem_shared>>
      tpu.enqueue_indirect_dma source(%arg14 : memref<128x16xf32, #tpu.memory_space<vmem>>) target(%dma_start3A_121 : memref<10000x16xf32, #tpu.memory_space<vmem_shared>>) offsets(%dma_start3A_118 : memref<128xi32, #tpu.memory_space<vmem>>) semaphore(%arg15 : memref<!tpu.dma_semaphore, #tpu.memory_space<semaphore_mem>>) {add = true}
      %dma_start3A_122 = tpu.memref_slice %arg13[%mul3A_117] : memref<20000xi32, #tpu.memory_space<vmem>> -> memref<128xi32, #tpu.memory_space<vmem>>
      %dma_start3A_123 = arith.constant 0 : i32
      %dma_start3A_124 = arith.constant 0 : i32
      %dma_start3A_125 = tpu.memref_slice %arg11[%dma_start3A_123, %dma_start3A_124] : memref<10000x16xf32, #tpu.memory_space<vmem_shared>> -> memref<10000x16xf32, #tpu.memory_space<vmem_shared>>
      tpu.enqueue_indirect_dma source(%arg14 : memref<128x16xf32, #tpu.memory_space<vmem>>) target(%dma_start3A_125 : memref<10000x16xf32, #tpu.memory_space<vmem_shared>>) offsets(%dma_start3A_122 : memref<128xi32, #tpu.memory_space<vmem>>) semaphore(%arg15 : memref<!tpu.dma_semaphore, #tpu.memory_space<semaphore_mem>>) {add = true}
      %mul3A_126 = arith.constant 4 : i32
      %mul3A_127 = arith.muli %mul3A_126, %add3A_111 : i32
      %add3A_128 = arith.constant 1 : i32
      %add3A_129 = arith.addi %mul3A_127, %add3A_128 : i32
      %mul3A_130 = arith.constant 128 : i32
      %mul3A_131 = arith.muli %add3A_129, %mul3A_130 : i32
      %dma_start3A_132 = tpu.memref_slice %arg12[%mul3A_131] : memref<20000xi32, #tpu.memory_space<vmem>> -> memref<128xi32, #tpu.memory_space<vmem>>
      %dma_start3A_133 = arith.constant 0 : i32
      %dma_start3A_134 = arith.constant 0 : i32
      %dma_start3A_135 = tpu.memref_slice %arg10[%dma_start3A_133, %dma_start3A_134] : memref<10000x16xf32, #tpu.memory_space<vmem_shared>> -> memref<10000x16xf32, #tpu.memory_space<vmem_shared>>
      tpu.enqueue_indirect_dma source(%arg14 : memref<128x16xf32, #tpu.memory_space<vmem>>) target(%dma_start3A_135 : memref<10000x16xf32, #tpu.memory_space<vmem_shared>>) offsets(%dma_start3A_132 : memref<128xi32, #tpu.memory_space<vmem>>) semaphore(%arg15 : memref<!tpu.dma_semaphore, #tpu.memory_space<semaphore_mem>>) {add = true}
      %dma_start3A_136 = tpu.memref_slice %arg13[%mul3A_131] : memref<20000xi32, #tpu.memory_space<vmem>> -> memref<128xi32, #tpu.memory_space<vmem>>
      %dma_start3A_137 = arith.constant 0 : i32
      %dma_start3A_138 = arith.constant 0 : i32
      %dma_start3A_139 = tpu.memref_slice %arg11[%dma_start3A_137, %dma_start3A_138] : memref<10000x16xf32, #tpu.memory_space<vmem_shared>> -> memref<10000x16xf32, #tpu.memory_space<vmem_shared>>
      tpu.enqueue_indirect_dma source(%arg14 : memref<128x16xf32, #tpu.memory_space<vmem>>) target(%dma_start3A_139 : memref<10000x16xf32, #tpu.memory_space<vmem_shared>>) offsets(%dma_start3A_136 : memref<128xi32, #tpu.memory_space<vmem>>) semaphore(%arg15 : memref<!tpu.dma_semaphore, #tpu.memory_space<semaphore_mem>>) {add = true}
      %mul3A_140 = arith.constant 4 : i32
      %mul3A_141 = arith.muli %mul3A_140, %add3A_111 : i32
      %add3A_142 = arith.constant 2 : i32
      %add3A_143 = arith.addi %mul3A_141, %add3A_142 : i32
      %mul3A_144 = arith.constant 128 : i32
      %mul3A_145 = arith.muli %add3A_143, %mul3A_144 : i32
      %dma_start3A_146 = tpu.memref_slice %arg12[%mul3A_145] : memref<20000xi32, #tpu.memory_space<vmem>> -> memref<128xi32, #tpu.memory_space<vmem>>
      %dma_start3A_147 = arith.constant 0 : i32
      %dma_start3A_148 = arith.constant 0 : i32
      %dma_start3A_149 = tpu.memref_slice %arg10[%dma_start3A_147, %dma_start3A_148] : memref<10000x16xf32, #tpu.memory_space<vmem_shared>> -> memref<10000x16xf32, #tpu.memory_space<vmem_shared>>
      tpu.enqueue_indirect_dma source(%arg14 : memref<128x16xf32, #tpu.memory_space<vmem>>) target(%dma_start3A_149 : memref<10000x16xf32, #tpu.memory_space<vmem_shared>>) offsets(%dma_start3A_146 : memref<128xi32, #tpu.memory_space<vmem>>) semaphore(%arg15 : memref<!tpu.dma_semaphore, #tpu.memory_space<semaphore_mem>>) {add = true}
      %dma_start3A_150 = tpu.memref_slice %arg13[%mul3A_145] : memref<20000xi32, #tpu.memory_space<vmem>> -> memref<128xi32, #tpu.memory_space<vmem>>
      %dma_start3A_151 = arith.constant 0 : i32
      %dma_start3A_152 = arith.constant 0 : i32
      %dma_start3A_153 = tpu.memref_slice %arg11[%dma_start3A_151, %dma_start3A_152] : memref<10000x16xf32, #tpu.memory_space<vmem_shared>> -> memref<10000x16xf32, #tpu.memory_space<vmem_shared>>
      tpu.enqueue_indirect_dma source(%arg14 : memref<128x16xf32, #tpu.memory_space<vmem>>) target(%dma_start3A_153 : memref<10000x16xf32, #tpu.memory_space<vmem_shared>>) offsets(%dma_start3A_150 : memref<128xi32, #tpu.memory_space<vmem>>) semaphore(%arg15 : memref<!tpu.dma_semaphore, #tpu.memory_space<semaphore_mem>>) {add = true}
      %mul3A_154 = arith.constant 4 : i32
      %mul3A_155 = arith.muli %mul3A_154, %add3A_111 : i32
      %add3A_156 = arith.constant 3 : i32
      %add3A_157 = arith.addi %mul3A_155, %add3A_156 : i32
      %mul3A_158 = arith.constant 128 : i32
      %mul3A_159 = arith.muli %add3A_157, %mul3A_158 : i32
      %dma_start3A_160 = tpu.memref_slice %arg12[%mul3A_159] : memref<20000xi32, #tpu.memory_space<vmem>> -> memref<128xi32, #tpu.memory_space<vmem>>
      %dma_start3A_161 = arith.constant 0 : i32
      %dma_start3A_162 = arith.constant 0 : i32
      %dma_start3A_163 = tpu.memref_slice %arg10[%dma_start3A_161, %dma_start3A_162] : memref<10000x16xf32, #tpu.memory_space<vmem_shared>> -> memref<10000x16xf32, #tpu.memory_space<vmem_shared>>
      tpu.enqueue_indirect_dma source(%arg14 : memref<128x16xf32, #tpu.memory_space<vmem>>) target(%dma_start3A_163 : memref<10000x16xf32, #tpu.memory_space<vmem_shared>>) offsets(%dma_start3A_160 : memref<128xi32, #tpu.memory_space<vmem>>) semaphore(%arg15 : memref<!tpu.dma_semaphore, #tpu.memory_space<semaphore_mem>>) {add = true}
      %dma_start3A_164 = tpu.memref_slice %arg13[%mul3A_159] : memref<20000xi32, #tpu.memory_space<vmem>> -> memref<128xi32, #tpu.memory_space<vmem>>
      %dma_start3A_165 = arith.constant 0 : i32
      %dma_start3A_166 = arith.constant 0 : i32
      %dma_start3A_167 = tpu.memref_slice %arg11[%dma_start3A_165, %dma_start3A_166] : memref<10000x16xf32, #tpu.memory_space<vmem_shared>> -> memref<10000x16xf32, #tpu.memory_space<vmem_shared>>
      tpu.enqueue_indirect_dma source(%arg14 : memref<128x16xf32, #tpu.memory_space<vmem>>) target(%dma_start3A_167 : memref<10000x16xf32, #tpu.memory_space<vmem_shared>>) offsets(%dma_start3A_164 : memref<128xi32, #tpu.memory_space<vmem>>) semaphore(%arg15 : memref<!tpu.dma_semaphore, #tpu.memory_space<semaphore_mem>>) {add = true}
      %dma_wait3A_168 = arith.constant 0 : i32
      %dma_wait3A_169 = tpu.memref_slice %arg12[%dma_wait3A_168] : memref<20000xi32, #tpu.memory_space<vmem>> -> memref<128xi32, #tpu.memory_space<vmem>>
      %dma_wait3A_170 = arith.constant 0 : i32
      %dma_wait3A_171 = arith.constant 0 : i32
      %dma_wait3A_172 = tpu.memref_slice %arg10[%dma_wait3A_170, %dma_wait3A_171] : memref<10000x16xf32, #tpu.memory_space<vmem_shared>> -> memref<10000x16xf32, #tpu.memory_space<vmem_shared>>
      tpu.wait_indirect_dma semaphore(%arg15 : memref<!tpu.dma_semaphore, #tpu.memory_space<semaphore_mem>>) src(%arg14 : memref<128x16xf32, #tpu.memory_space<vmem>>) dst(%dma_wait3A_172 : memref<10000x16xf32, #tpu.memory_space<vmem_shared>>)
      %dma_wait3A_173 = arith.constant 0 : i32
      %dma_wait3A_174 = tpu.memref_slice %arg12[%dma_wait3A_173] : memref<20000xi32, #tpu.memory_space<vmem>> -> memref<128xi32, #tpu.memory_space<vmem>>
      %dma_wait3A_175 = arith.constant 0 : i32
      %dma_wait3A_176 = arith.constant 0 : i32
      %dma_wait3A_177 = tpu.memref_slice %arg10[%dma_wait3A_175, %dma_wait3A_176] : memref<10000x16xf32, #tpu.memory_space<vmem_shared>> -> memref<10000x16xf32, #tpu.memory_space<vmem_shared>>
      tpu.wait_indirect_dma semaphore(%arg15 : memref<!tpu.dma_semaphore, #tpu.memory_space<semaphore_mem>>) src(%arg14 : memref<128x16xf32, #tpu.memory_space<vmem>>) dst(%dma_wait3A_177 : memref<10000x16xf32, #tpu.memory_space<vmem_shared>>)
      %dma_wait3A_178 = arith.constant 0 : i32
      %dma_wait3A_179 = tpu.memref_slice %arg12[%dma_wait3A_178] : memref<20000xi32, #tpu.memory_space<vmem>> -> memref<128xi32, #tpu.memory_space<vmem>>
      %dma_wait3A_180 = arith.constant 0 : i32
      %dma_wait3A_181 = arith.constant 0 : i32
      %dma_wait3A_182 = tpu.memref_slice %arg10[%dma_wait3A_180, %dma_wait3A_181] : memref<10000x16xf32, #tpu.memory_space<vmem_shared>> -> memref<10000x16xf32, #tpu.memory_space<vmem_shared>>
      tpu.wait_indirect_dma semaphore(%arg15 : memref<!tpu.dma_semaphore, #tpu.memory_space<semaphore_mem>>) src(%arg14 : memref<128x16xf32, #tpu.memory_space<vmem>>) dst(%dma_wait3A_182 : memref<10000x16xf32, #tpu.memory_space<vmem_shared>>)
      %dma_wait3A_183 = arith.constant 0 : i32
      %dma_wait3A_184 = tpu.memref_slice %arg12[%dma_wait3A_183] : memref<20000xi32, #tpu.memory_space<vmem>> -> memref<128xi32, #tpu.memory_space<vmem>>
      %dma_wait3A_185 = arith.constant 0 : i32
      %dma_wait3A_186 = arith.constant 0 : i32
      %dma_wait3A_187 = tpu.memref_slice %arg10[%dma_wait3A_185, %dma_wait3A_186] : memref<10000x16xf32, #tpu.memory_space<vmem_shared>> -> memref<10000x16xf32, #tpu.memory_space<vmem_shared>>
      tpu.wait_indirect_dma semaphore(%arg15 : memref<!tpu.dma_semaphore, #tpu.memory_space<semaphore_mem>>) src(%arg14 : memref<128x16xf32, #tpu.memory_space<vmem>>) dst(%dma_wait3A_187 : memref<10000x16xf32, #tpu.memory_space<vmem_shared>>)
      %dma_wait3A_188 = arith.constant 0 : i32
      %dma_wait3A_189 = tpu.memref_slice %arg12[%dma_wait3A_188] : memref<20000xi32, #tpu.memory_space<vmem>> -> memref<128xi32, #tpu.memory_space<vmem>>
      %dma_wait3A_190 = arith.constant 0 : i32
      %dma_wait3A_191 = arith.constant 0 : i32
      %dma_wait3A_192 = tpu.memref_slice %arg10[%dma_wait3A_190, %dma_wait3A_191] : memref<10000x16xf32, #tpu.memory_space<vmem_shared>> -> memref<10000x16xf32, #tpu.memory_space<vmem_shared>>
      tpu.wait_indirect_dma semaphore(%arg15 : memref<!tpu.dma_semaphore, #tpu.memory_space<semaphore_mem>>) src(%arg14 : memref<128x16xf32, #tpu.memory_space<vmem>>) dst(%dma_wait3A_192 : memref<10000x16xf32, #tpu.memory_space<vmem_shared>>)
      %dma_wait3A_193 = arith.constant 0 : i32
      %dma_wait3A_194 = tpu.memref_slice %arg12[%dma_wait3A_193] : memref<20000xi32, #tpu.memory_space<vmem>> -> memref<128xi32, #tpu.memory_space<vmem>>
      %dma_wait3A_195 = arith.constant 0 : i32
      %dma_wait3A_196 = arith.constant 0 : i32
      %dma_wait3A_197 = tpu.memref_slice %arg10[%dma_wait3A_195, %dma_wait3A_196] : memref<10000x16xf32, #tpu.memory_space<vmem_shared>> -> memref<10000x16xf32, #tpu.memory_space<vmem_shared>>
      tpu.wait_indirect_dma semaphore(%arg15 : memref<!tpu.dma_semaphore, #tpu.memory_space<semaphore_mem>>) src(%arg14 : memref<128x16xf32, #tpu.memory_space<vmem>>) dst(%dma_wait3A_197 : memref<10000x16xf32, #tpu.memory_space<vmem_shared>>)
      %dma_wait3A_198 = arith.constant 0 : i32
      %dma_wait3A_199 = tpu.memref_slice %arg12[%dma_wait3A_198] : memref<20000xi32, #tpu.memory_space<vmem>> -> memref<128xi32, #tpu.memory_space<vmem>>
      %dma_wait3A_200 = arith.constant 0 : i32
      %dma_wait3A_201 = arith.constant 0 : i32
      %dma_wait3A_202 = tpu.memref_slice %arg10[%dma_wait3A_200, %dma_wait3A_201] : memref<10000x16xf32, #tpu.memory_space<vmem_shared>> -> memref<10000x16xf32, #tpu.memory_space<vmem_shared>>
      tpu.wait_indirect_dma semaphore(%arg15 : memref<!tpu.dma_semaphore, #tpu.memory_space<semaphore_mem>>) src(%arg14 : memref<128x16xf32, #tpu.memory_space<vmem>>) dst(%dma_wait3A_202 : memref<10000x16xf32, #tpu.memory_space<vmem_shared>>)
      %dma_wait3A_203 = arith.constant 0 : i32
      %dma_wait3A_204 = tpu.memref_slice %arg12[%dma_wait3A_203] : memref<20000xi32, #tpu.memory_space<vmem>> -> memref<128xi32, #tpu.memory_space<vmem>>
      %dma_wait3A_205 = arith.constant 0 : i32
      %dma_wait3A_206 = arith.constant 0 : i32
      %dma_wait3A_207 = tpu.memref_slice %arg10[%dma_wait3A_205, %dma_wait3A_206] : memref<10000x16xf32, #tpu.memory_space<vmem_shared>> -> memref<10000x16xf32, #tpu.memory_space<vmem_shared>>
      tpu.wait_indirect_dma semaphore(%arg15 : memref<!tpu.dma_semaphore, #tpu.memory_space<semaphore_mem>>) src(%arg14 : memref<128x16xf32, #tpu.memory_space<vmem>>) dst(%dma_wait3A_207 : memref<10000x16xf32, #tpu.memory_space<vmem_shared>>)
    }
    %scan3A_57 = arith.constant 38 : i32
    %dma_wait3A = arith.constant 0 : i32
    %dma_wait3A_58 = tpu.memref_slice %arg12[%dma_wait3A] : memref<20000xi32, #tpu.memory_space<vmem>> -> memref<128xi32, #tpu.memory_space<vmem>>
    %dma_wait3A_59 = arith.constant 0 : i32
    %dma_wait3A_60 = arith.constant 0 : i32
    %dma_wait3A_61 = tpu.memref_slice %arg10[%dma_wait3A_59, %dma_wait3A_60] : memref<10000x16xf32, #tpu.memory_space<vmem_shared>> -> memref<10000x16xf32, #tpu.memory_space<vmem_shared>>
    tpu.wait_indirect_dma semaphore(%arg15 : memref<!tpu.dma_semaphore, #tpu.memory_space<semaphore_mem>>) src(%arg14 : memref<128x16xf32, #tpu.memory_space<vmem>>) dst(%dma_wait3A_61 : memref<10000x16xf32, #tpu.memory_space<vmem_shared>>)
    %dma_wait3A_62 = arith.constant 0 : i32
    %dma_wait3A_63 = tpu.memref_slice %arg12[%dma_wait3A_62] : memref<20000xi32, #tpu.memory_space<vmem>> -> memref<128xi32, #tpu.memory_space<vmem>>
    %dma_wait3A_64 = arith.constant 0 : i32
    %dma_wait3A_65 = arith.constant 0 : i32
    %dma_wait3A_66 = tpu.memref_slice %arg10[%dma_wait3A_64, %dma_wait3A_65] : memref<10000x16xf32, #tpu.memory_space<vmem_shared>> -> memref<10000x16xf32, #tpu.memory_space<vmem_shared>>
    tpu.wait_indirect_dma semaphore(%arg15 : memref<!tpu.dma_semaphore, #tpu.memory_space<semaphore_mem>>) src(%arg14 : memref<128x16xf32, #tpu.memory_space<vmem>>) dst(%dma_wait3A_66 : memref<10000x16xf32, #tpu.memory_space<vmem_shared>>)
    %dma_wait3A_67 = arith.constant 0 : i32
    %dma_wait3A_68 = tpu.memref_slice %arg12[%dma_wait3A_67] : memref<20000xi32, #tpu.memory_space<vmem>> -> memref<128xi32, #tpu.memory_space<vmem>>
    %dma_wait3A_69 = arith.constant 0 : i32
    %dma_wait3A_70 = arith.constant 0 : i32
    %dma_wait3A_71 = tpu.memref_slice %arg10[%dma_wait3A_69, %dma_wait3A_70] : memref<10000x16xf32, #tpu.memory_space<vmem_shared>> -> memref<10000x16xf32, #tpu.memory_space<vmem_shared>>
    tpu.wait_indirect_dma semaphore(%arg15 : memref<!tpu.dma_semaphore, #tpu.memory_space<semaphore_mem>>) src(%arg14 : memref<128x16xf32, #tpu.memory_space<vmem>>) dst(%dma_wait3A_71 : memref<10000x16xf32, #tpu.memory_space<vmem_shared>>)
    %dma_wait3A_72 = arith.constant 0 : i32
    %dma_wait3A_73 = tpu.memref_slice %arg12[%dma_wait3A_72] : memref<20000xi32, #tpu.memory_space<vmem>> -> memref<128xi32, #tpu.memory_space<vmem>>
    %dma_wait3A_74 = arith.constant 0 : i32
    %dma_wait3A_75 = arith.constant 0 : i32
    %dma_wait3A_76 = tpu.memref_slice %arg10[%dma_wait3A_74, %dma_wait3A_75] : memref<10000x16xf32, #tpu.memory_space<vmem_shared>> -> memref<10000x16xf32, #tpu.memory_space<vmem_shared>>
    tpu.wait_indirect_dma semaphore(%arg15 : memref<!tpu.dma_semaphore, #tpu.memory_space<semaphore_mem>>) src(%arg14 : memref<128x16xf32, #tpu.memory_space<vmem>>) dst(%dma_wait3A_76 : memref<10000x16xf32, #tpu.memory_space<vmem_shared>>)
    %dma_wait3A_77 = arith.constant 0 : i32
    %dma_wait3A_78 = tpu.memref_slice %arg12[%dma_wait3A_77] : memref<20000xi32, #tpu.memory_space<vmem>> -> memref<128xi32, #tpu.memory_space<vmem>>
    %dma_wait3A_79 = arith.constant 0 : i32
    %dma_wait3A_80 = arith.constant 0 : i32
    %dma_wait3A_81 = tpu.memref_slice %arg10[%dma_wait3A_79, %dma_wait3A_80] : memref<10000x16xf32, #tpu.memory_space<vmem_shared>> -> memref<10000x16xf32, #tpu.memory_space<vmem_shared>>
    tpu.wait_indirect_dma semaphore(%arg15 : memref<!tpu.dma_semaphore, #tpu.memory_space<semaphore_mem>>) src(%arg14 : memref<128x16xf32, #tpu.memory_space<vmem>>) dst(%dma_wait3A_81 : memref<10000x16xf32, #tpu.memory_space<vmem_shared>>)
    %dma_wait3A_82 = arith.constant 0 : i32
    %dma_wait3A_83 = tpu.memref_slice %arg12[%dma_wait3A_82] : memref<20000xi32, #tpu.memory_space<vmem>> -> memref<128xi32, #tpu.memory_space<vmem>>
    %dma_wait3A_84 = arith.constant 0 : i32
    %dma_wait3A_85 = arith.constant 0 : i32
    %dma_wait3A_86 = tpu.memref_slice %arg10[%dma_wait3A_84, %dma_wait3A_85] : memref<10000x16xf32, #tpu.memory_space<vmem_shared>> -> memref<10000x16xf32, #tpu.memory_space<vmem_shared>>
    tpu.wait_indirect_dma semaphore(%arg15 : memref<!tpu.dma_semaphore, #tpu.memory_space<semaphore_mem>>) src(%arg14 : memref<128x16xf32, #tpu.memory_space<vmem>>) dst(%dma_wait3A_86 : memref<10000x16xf32, #tpu.memory_space<vmem_shared>>)
    %dma_wait3A_87 = arith.constant 0 : i32
    %dma_wait3A_88 = tpu.memref_slice %arg12[%dma_wait3A_87] : memref<20000xi32, #tpu.memory_space<vmem>> -> memref<128xi32, #tpu.memory_space<vmem>>
    %dma_wait3A_89 = arith.constant 0 : i32
    %dma_wait3A_90 = arith.constant 0 : i32
    %dma_wait3A_91 = tpu.memref_slice %arg10[%dma_wait3A_89, %dma_wait3A_90] : memref<10000x16xf32, #tpu.memory_space<vmem_shared>> -> memref<10000x16xf32, #tpu.memory_space<vmem_shared>>
    tpu.wait_indirect_dma semaphore(%arg15 : memref<!tpu.dma_semaphore, #tpu.memory_space<semaphore_mem>>) src(%arg14 : memref<128x16xf32, #tpu.memory_space<vmem>>) dst(%dma_wait3A_91 : memref<10000x16xf32, #tpu.memory_space<vmem_shared>>)
    %dma_wait3A_92 = arith.constant 0 : i32
    %dma_wait3A_93 = tpu.memref_slice %arg12[%dma_wait3A_92] : memref<20000xi32, #tpu.memory_space<vmem>> -> memref<128xi32, #tpu.memory_space<vmem>>
    %dma_wait3A_94 = arith.constant 0 : i32
    %dma_wait3A_95 = arith.constant 0 : i32
    %dma_wait3A_96 = tpu.memref_slice %arg10[%dma_wait3A_94, %dma_wait3A_95] : memref<10000x16xf32, #tpu.memory_space<vmem_shared>> -> memref<10000x16xf32, #tpu.memory_space<vmem_shared>>
    tpu.wait_indirect_dma semaphore(%arg15 : memref<!tpu.dma_semaphore, #tpu.memory_space<semaphore_mem>>) src(%arg14 : memref<128x16xf32, #tpu.memory_space<vmem>>) dst(%dma_wait3A_96 : memref<10000x16xf32, #tpu.memory_space<vmem_shared>>)
    "tpu.region"() ({
      %run_scoped3A = tpu.sem_alloc : memref<!tpu.dma_semaphore, #tpu.memory_space<semaphore_mem>>
      %dma_start3A_108 = arith.constant 0 : i32
      %dma_start3A_109 = arith.constant 0 : i32
      %dma_start3A_110 = tpu.memref_slice %arg14[%dma_start3A_108, %dma_start3A_109] : memref<128x16xf32, #tpu.memory_space<vmem>> -> memref<32x16xf32, #tpu.memory_space<vmem>>
      %dma_start3A_111 = arith.constant 19968 : i32
      %dma_start3A_112 = tpu.memref_slice %arg12[%dma_start3A_111] : memref<20000xi32, #tpu.memory_space<vmem>> -> memref<32xi32, #tpu.memory_space<vmem>>
      %dma_start3A_113 = arith.constant 0 : i32
      %dma_start3A_114 = arith.constant 0 : i32
      %dma_start3A_115 = tpu.memref_slice %arg10[%dma_start3A_113, %dma_start3A_114] : memref<10000x16xf32, #tpu.memory_space<vmem_shared>> -> memref<10000x16xf32, #tpu.memory_space<vmem_shared>>
      tpu.enqueue_indirect_dma source(%dma_start3A_110 : memref<32x16xf32, #tpu.memory_space<vmem>>) target(%dma_start3A_115 : memref<10000x16xf32, #tpu.memory_space<vmem_shared>>) offsets(%dma_start3A_112 : memref<32xi32, #tpu.memory_space<vmem>>) semaphore(%run_scoped3A : memref<!tpu.dma_semaphore, #tpu.memory_space<semaphore_mem>>) {add = true}
      %dma_wait3A_116 = arith.constant 0 : i32
      %dma_wait3A_117 = arith.constant 0 : i32
      %dma_wait3A_118 = tpu.memref_slice %arg14[%dma_wait3A_116, %dma_wait3A_117] : memref<128x16xf32, #tpu.memory_space<vmem>> -> memref<32x16xf32, #tpu.memory_space<vmem>>
      %dma_wait3A_119 = arith.constant 19968 : i32
      %dma_wait3A_120 = tpu.memref_slice %arg12[%dma_wait3A_119] : memref<20000xi32, #tpu.memory_space<vmem>> -> memref<32xi32, #tpu.memory_space<vmem>>
      %dma_wait3A_121 = arith.constant 0 : i32
      %dma_wait3A_122 = arith.constant 0 : i32
      %dma_wait3A_123 = tpu.memref_slice %arg10[%dma_wait3A_121, %dma_wait3A_122] : memref<10000x16xf32, #tpu.memory_space<vmem_shared>> -> memref<10000x16xf32, #tpu.memory_space<vmem_shared>>
      tpu.wait_indirect_dma semaphore(%run_scoped3A : memref<!tpu.dma_semaphore, #tpu.memory_space<semaphore_mem>>) src(%dma_wait3A_118 : memref<32x16xf32, #tpu.memory_space<vmem>>) dst(%dma_wait3A_123 : memref<10000x16xf32, #tpu.memory_space<vmem_shared>>)
      tpu.yield
    }) : () -> ()
    "tpu.region"() ({
      %run_scoped3A = tpu.sem_alloc : memref<!tpu.dma_semaphore, #tpu.memory_space<semaphore_mem>>
      %dma_start3A_108 = arith.constant 0 : i32
      %dma_start3A_109 = arith.constant 0 : i32
      %dma_start3A_110 = tpu.memref_slice %arg14[%dma_start3A_108, %dma_start3A_109] : memref<128x16xf32, #tpu.memory_space<vmem>> -> memref<32x16xf32, #tpu.memory_space<vmem>>
      %dma_start3A_111 = arith.constant 19968 : i32
      %dma_start3A_112 = tpu.memref_slice %arg13[%dma_start3A_111] : memref<20000xi32, #tpu.memory_space<vmem>> -> memref<32xi32, #tpu.memory_space<vmem>>
      %dma_start3A_113 = arith.constant 0 : i32
      %dma_start3A_114 = arith.constant 0 : i32
      %dma_start3A_115 = tpu.memref_slice %arg11[%dma_start3A_113, %dma_start3A_114] : memref<10000x16xf32, #tpu.memory_space<vmem_shared>> -> memref<10000x16xf32, #tpu.memory_space<vmem_shared>>
      tpu.enqueue_indirect_dma source(%dma_start3A_110 : memref<32x16xf32, #tpu.memory_space<vmem>>) target(%dma_start3A_115 : memref<10000x16xf32, #tpu.memory_space<vmem_shared>>) offsets(%dma_start3A_112 : memref<32xi32, #tpu.memory_space<vmem>>) semaphore(%run_scoped3A : memref<!tpu.dma_semaphore, #tpu.memory_space<semaphore_mem>>) {add = true}
      %dma_wait3A_116 = arith.constant 0 : i32
      %dma_wait3A_117 = arith.constant 0 : i32
      %dma_wait3A_118 = tpu.memref_slice %arg14[%dma_wait3A_116, %dma_wait3A_117] : memref<128x16xf32, #tpu.memory_space<vmem>> -> memref<32x16xf32, #tpu.memory_space<vmem>>
      %dma_wait3A_119 = arith.constant 19968 : i32
      %dma_wait3A_120 = tpu.memref_slice %arg13[%dma_wait3A_119] : memref<20000xi32, #tpu.memory_space<vmem>> -> memref<32xi32, #tpu.memory_space<vmem>>
      %dma_wait3A_121 = arith.constant 0 : i32
      %dma_wait3A_122 = arith.constant 0 : i32
      %dma_wait3A_123 = tpu.memref_slice %arg11[%dma_wait3A_121, %dma_wait3A_122] : memref<10000x16xf32, #tpu.memory_space<vmem_shared>> -> memref<10000x16xf32, #tpu.memory_space<vmem_shared>>
      tpu.wait_indirect_dma semaphore(%run_scoped3A : memref<!tpu.dma_semaphore, #tpu.memory_space<semaphore_mem>>) src(%dma_wait3A_118 : memref<32x16xf32, #tpu.memory_space<vmem>>) dst(%dma_wait3A_123 : memref<10000x16xf32, #tpu.memory_space<vmem_shared>>)
      tpu.yield
    }) : () -> ()
    %barrier3A_97 = arith.constant 0 : index
    tpu.barrier barrier_id(%barrier3A_97)
    %eq3A_98 = arith.constant 0 : i32
    %eq3A_99 = arith.cmpi eq, %arg0, %eq3A_98 : i32
    %convert_element_type3A_100 = arith.extui %eq3A_99 : i1 to i32
    %cond3A_101 = arith.constant 0 : i32
    %cond3A_102 = arith.cmpi ne, %convert_element_type3A_100, %cond3A_101 : i32
    scf.if %cond3A_102 {
      "tpu.region"() ({
        %run_scoped3A = tpu.sem_alloc : memref<!tpu.dma_semaphore, #tpu.memory_space<semaphore_mem>>
        %dma_start3A_113 = arith.constant 0 : i32
        %dma_start3A_114 = tpu.memref_slice %arg6[%mul3A_0, %dma_start3A_113] : memref<10000x16xf32, #tpu.memory_space<hbm>> -> memref<624x16xf32, #tpu.memory_space<hbm>>
        %dma_start3A_115 = arith.constant 0 : i32
        %dma_start3A_116 = tpu.memref_slice %arg10[%mul3A_0, %dma_start3A_115] : memref<10000x16xf32, #tpu.memory_space<vmem_shared>> -> memref<624x16xf32, #tpu.memory_space<vmem_shared>>
        tpu.enqueue_dma source(%dma_start3A_116 : memref<624x16xf32, #tpu.memory_space<vmem_shared>>) target(%dma_start3A_114 : memref<624x16xf32, #tpu.memory_space<hbm>>) target_semaphore(%run_scoped3A : memref<!tpu.dma_semaphore, #tpu.memory_space<semaphore_mem>>)
        %dma_wait3A_117 = arith.constant 0 : i32
        %dma_wait3A_118 = tpu.memref_slice %arg6[%mul3A_0, %dma_wait3A_117] : memref<10000x16xf32, #tpu.memory_space<hbm>> -> memref<624x16xf32, #tpu.memory_space<hbm>>
        %dma_wait3A_119 = arith.constant 0 : i32
        %dma_wait3A_120 = tpu.memref_slice %arg10[%mul3A_0, %dma_wait3A_119] : memref<10000x16xf32, #tpu.memory_space<vmem_shared>> -> memref<624x16xf32, #tpu.memory_space<vmem_shared>>
        tpu.wait_dma2 semaphore(%run_scoped3A : memref<!tpu.dma_semaphore, #tpu.memory_space<semaphore_mem>>) src(%dma_wait3A_120 : memref<624x16xf32, #tpu.memory_space<vmem_shared>>) dst(%dma_wait3A_118 : memref<624x16xf32, #tpu.memory_space<hbm>>)
        tpu.yield
      }) : () -> ()
      "tpu.region"() ({
        %run_scoped3A = tpu.sem_alloc : memref<!tpu.dma_semaphore, #tpu.memory_space<semaphore_mem>>
        %dma_start3A_113 = arith.constant 0 : i32
        %dma_start3A_114 = tpu.memref_slice %arg7[%mul3A_0, %dma_start3A_113] : memref<10000x16xf32, #tpu.memory_space<hbm>> -> memref<624x16xf32, #tpu.memory_space<hbm>>
        %dma_start3A_115 = arith.constant 0 : i32
        %dma_start3A_116 = tpu.memref_slice %arg11[%mul3A_0, %dma_start3A_115] : memref<10000x16xf32, #tpu.memory_space<vmem_shared>> -> memref<624x16xf32, #tpu.memory_space<vmem_shared>>
        tpu.enqueue_dma source(%dma_start3A_116 : memref<624x16xf32, #tpu.memory_space<vmem_shared>>) target(%dma_start3A_114 : memref<624x16xf32, #tpu.memory_space<hbm>>) target_semaphore(%run_scoped3A : memref<!tpu.dma_semaphore, #tpu.memory_space<semaphore_mem>>)
        %dma_wait3A_117 = arith.constant 0 : i32
        %dma_wait3A_118 = tpu.memref_slice %arg7[%mul3A_0, %dma_wait3A_117] : memref<10000x16xf32, #tpu.memory_space<hbm>> -> memref<624x16xf32, #tpu.memory_space<hbm>>
        %dma_wait3A_119 = arith.constant 0 : i32
        %dma_wait3A_120 = tpu.memref_slice %arg11[%mul3A_0, %dma_wait3A_119] : memref<10000x16xf32, #tpu.memory_space<vmem_shared>> -> memref<624x16xf32, #tpu.memory_space<vmem_shared>>
        tpu.wait_dma2 semaphore(%run_scoped3A : memref<!tpu.dma_semaphore, #tpu.memory_space<semaphore_mem>>) src(%dma_wait3A_120 : memref<624x16xf32, #tpu.memory_space<vmem_shared>>) dst(%dma_wait3A_118 : memref<624x16xf32, #tpu.memory_space<hbm>>)
        tpu.yield
      }) : () -> ()
      %eq3A_108 = arith.constant 15 : i32
      %eq3A_109 = arith.cmpi eq, %arg1, %eq3A_108 : i32
      %convert_element_type3A_110 = arith.extui %eq3A_109 : i1 to i32
      %cond3A_111 = arith.constant 0 : i32
      %cond3A_112 = arith.cmpi ne, %convert_element_type3A_110, %cond3A_111 : i32
      scf.if %cond3A_112 {
        "tpu.region"() ({
          %run_scoped3A = tpu.sem_alloc : memref<!tpu.dma_semaphore, #tpu.memory_space<semaphore_mem>>
          %dma_start3A_113 = arith.constant 9984 : i32
          %dma_start3A_114 = arith.constant 0 : i32
          %dma_start3A_115 = tpu.memref_slice %arg6[%dma_start3A_113, %dma_start3A_114] : memref<10000x16xf32, #tpu.memory_space<hbm>> -> memref<16x16xf32, #tpu.memory_space<hbm>>
          %dma_start3A_116 = arith.constant 9984 : i32
          %dma_start3A_117 = arith.constant 0 : i32
          %dma_start3A_118 = tpu.memref_slice %arg10[%dma_start3A_116, %dma_start3A_117] : memref<10000x16xf32, #tpu.memory_space<vmem_shared>> -> memref<16x16xf32, #tpu.memory_space<vmem_shared>>
          tpu.enqueue_dma source(%dma_start3A_118 : memref<16x16xf32, #tpu.memory_space<vmem_shared>>) target(%dma_start3A_115 : memref<16x16xf32, #tpu.memory_space<hbm>>) target_semaphore(%run_scoped3A : memref<!tpu.dma_semaphore, #tpu.memory_space<semaphore_mem>>)
          %dma_wait3A_119 = arith.constant 9984 : i32
          %dma_wait3A_120 = arith.constant 0 : i32
          %dma_wait3A_121 = tpu.memref_slice %arg6[%dma_wait3A_119, %dma_wait3A_120] : memref<10000x16xf32, #tpu.memory_space<hbm>> -> memref<16x16xf32, #tpu.memory_space<hbm>>
          %dma_wait3A_122 = arith.constant 9984 : i32
          %dma_wait3A_123 = arith.constant 0 : i32
          %dma_wait3A_124 = tpu.memref_slice %arg10[%dma_wait3A_122, %dma_wait3A_123] : memref<10000x16xf32, #tpu.memory_space<vmem_shared>> -> memref<16x16xf32, #tpu.memory_space<vmem_shared>>
          tpu.wait_dma2 semaphore(%run_scoped3A : memref<!tpu.dma_semaphore, #tpu.memory_space<semaphore_mem>>) src(%dma_wait3A_124 : memref<16x16xf32, #tpu.memory_space<vmem_shared>>) dst(%dma_wait3A_121 : memref<16x16xf32, #tpu.memory_space<hbm>>)
          tpu.yield
        }) : () -> ()
        "tpu.region"() ({
          %run_scoped3A = tpu.sem_alloc : memref<!tpu.dma_semaphore, #tpu.memory_space<semaphore_mem>>
          %dma_start3A_113 = arith.constant 9984 : i32
          %dma_start3A_114 = arith.constant 0 : i32
          %dma_start3A_115 = tpu.memref_slice %arg7[%dma_start3A_113, %dma_start3A_114] : memref<10000x16xf32, #tpu.memory_space<hbm>> -> memref<16x16xf32, #tpu.memory_space<hbm>>
          %dma_start3A_116 = arith.constant 9984 : i32
          %dma_start3A_117 = arith.constant 0 : i32
          %dma_start3A_118 = tpu.memref_slice %arg11[%dma_start3A_116, %dma_start3A_117] : memref<10000x16xf32, #tpu.memory_space<vmem_shared>> -> memref<16x16xf32, #tpu.memory_space<vmem_shared>>
          tpu.enqueue_dma source(%dma_start3A_118 : memref<16x16xf32, #tpu.memory_space<vmem_shared>>) target(%dma_start3A_115 : memref<16x16xf32, #tpu.memory_space<hbm>>) target_semaphore(%run_scoped3A : memref<!tpu.dma_semaphore, #tpu.memory_space<semaphore_mem>>)
          %dma_wait3A_119 = arith.constant 9984 : i32
          %dma_wait3A_120 = arith.constant 0 : i32
          %dma_wait3A_121 = tpu.memref_slice %arg7[%dma_wait3A_119, %dma_wait3A_120] : memref<10000x16xf32, #tpu.memory_space<hbm>> -> memref<16x16xf32, #tpu.memory_space<hbm>>
          %dma_wait3A_122 = arith.constant 9984 : i32
          %dma_wait3A_123 = arith.constant 0 : i32
          %dma_wait3A_124 = tpu.memref_slice %arg11[%dma_wait3A_122, %dma_wait3A_123] : memref<10000x16xf32, #tpu.memory_space<vmem_shared>> -> memref<16x16xf32, #tpu.memory_space<vmem_shared>>
          tpu.wait_dma2 semaphore(%run_scoped3A : memref<!tpu.dma_semaphore, #tpu.memory_space<semaphore_mem>>) src(%dma_wait3A_124 : memref<16x16xf32, #tpu.memory_space<vmem_shared>>) dst(%dma_wait3A_121 : memref<16x16xf32, #tpu.memory_space<hbm>>)
          tpu.yield
        }) : () -> ()
      } else {
      }
    } else {
    }
    %eq3A_103 = arith.constant 1 : i32
    %eq3A_104 = arith.cmpi eq, %arg0, %eq3A_103 : i32
    %convert_element_type3A_105 = arith.extui %eq3A_104 : i1 to i32
    %cond3A_106 = arith.constant 0 : i32
    %cond3A_107 = arith.cmpi ne, %convert_element_type3A_105, %cond3A_106 : i32
    scf.if %cond3A_107 {
      "tpu.region"() ({
        %run_scoped3A = tpu.sem_alloc : memref<!tpu.dma_semaphore, #tpu.memory_space<semaphore_mem>>
        %dma_start3A_113 = arith.constant 0 : i32
        %dma_start3A_114 = tpu.memref_slice %arg8[%mul3A_0, %dma_start3A_113] : memref<10000x16xf32, #tpu.memory_space<hbm>> -> memref<624x16xf32, #tpu.memory_space<hbm>>
        %dma_start3A_115 = arith.constant 0 : i32
        %dma_start3A_116 = tpu.memref_slice %arg10[%mul3A_0, %dma_start3A_115] : memref<10000x16xf32, #tpu.memory_space<vmem_shared>> -> memref<624x16xf32, #tpu.memory_space<vmem_shared>>
        tpu.enqueue_dma source(%dma_start3A_116 : memref<624x16xf32, #tpu.memory_space<vmem_shared>>) target(%dma_start3A_114 : memref<624x16xf32, #tpu.memory_space<hbm>>) target_semaphore(%run_scoped3A : memref<!tpu.dma_semaphore, #tpu.memory_space<semaphore_mem>>)
        %dma_wait3A_117 = arith.constant 0 : i32
        %dma_wait3A_118 = tpu.memref_slice %arg8[%mul3A_0, %dma_wait3A_117] : memref<10000x16xf32, #tpu.memory_space<hbm>> -> memref<624x16xf32, #tpu.memory_space<hbm>>
        %dma_wait3A_119 = arith.constant 0 : i32
        %dma_wait3A_120 = tpu.memref_slice %arg10[%mul3A_0, %dma_wait3A_119] : memref<10000x16xf32, #tpu.memory_space<vmem_shared>> -> memref<624x16xf32, #tpu.memory_space<vmem_shared>>
        tpu.wait_dma2 semaphore(%run_scoped3A : memref<!tpu.dma_semaphore, #tpu.memory_space<semaphore_mem>>) src(%dma_wait3A_120 : memref<624x16xf32, #tpu.memory_space<vmem_shared>>) dst(%dma_wait3A_118 : memref<624x16xf32, #tpu.memory_space<hbm>>)
        tpu.yield
      }) : () -> ()
      "tpu.region"() ({
        %run_scoped3A = tpu.sem_alloc : memref<!tpu.dma_semaphore, #tpu.memory_space<semaphore_mem>>
        %dma_start3A_113 = arith.constant 0 : i32
        %dma_start3A_114 = tpu.memref_slice %arg9[%mul3A_0, %dma_start3A_113] : memref<10000x16xf32, #tpu.memory_space<hbm>> -> memref<624x16xf32, #tpu.memory_space<hbm>>
        %dma_start3A_115 = arith.constant 0 : i32
        %dma_start3A_116 = tpu.memref_slice %arg11[%mul3A_0, %dma_start3A_115] : memref<10000x16xf32, #tpu.memory_space<vmem_shared>> -> memref<624x16xf32, #tpu.memory_space<vmem_shared>>
        tpu.enqueue_dma source(%dma_start3A_116 : memref<624x16xf32, #tpu.memory_space<vmem_shared>>) target(%dma_start3A_114 : memref<624x16xf32, #tpu.memory_space<hbm>>) target_semaphore(%run_scoped3A : memref<!tpu.dma_semaphore, #tpu.memory_space<semaphore_mem>>)
        %dma_wait3A_117 = arith.constant 0 : i32
        %dma_wait3A_118 = tpu.memref_slice %arg9[%mul3A_0, %dma_wait3A_117] : memref<10000x16xf32, #tpu.memory_space<hbm>> -> memref<624x16xf32, #tpu.memory_space<hbm>>
        %dma_wait3A_119 = arith.constant 0 : i32
        %dma_wait3A_120 = tpu.memref_slice %arg11[%mul3A_0, %dma_wait3A_119] : memref<10000x16xf32, #tpu.memory_space<vmem_shared>> -> memref<624x16xf32, #tpu.memory_space<vmem_shared>>
        tpu.wait_dma2 semaphore(%run_scoped3A : memref<!tpu.dma_semaphore, #tpu.memory_space<semaphore_mem>>) src(%dma_wait3A_120 : memref<624x16xf32, #tpu.memory_space<vmem_shared>>) dst(%dma_wait3A_118 : memref<624x16xf32, #tpu.memory_space<hbm>>)
        tpu.yield
      }) : () -> ()
      %eq3A_108 = arith.constant 15 : i32
      %eq3A_109 = arith.cmpi eq, %arg1, %eq3A_108 : i32
      %convert_element_type3A_110 = arith.extui %eq3A_109 : i1 to i32
      %cond3A_111 = arith.constant 0 : i32
      %cond3A_112 = arith.cmpi ne, %convert_element_type3A_110, %cond3A_111 : i32
      scf.if %cond3A_112 {
        "tpu.region"() ({
          %run_scoped3A = tpu.sem_alloc : memref<!tpu.dma_semaphore, #tpu.memory_space<semaphore_mem>>
          %dma_start3A_113 = arith.constant 9984 : i32
          %dma_start3A_114 = arith.constant 0 : i32
          %dma_start3A_115 = tpu.memref_slice %arg8[%dma_start3A_113, %dma_start3A_114] : memref<10000x16xf32, #tpu.memory_space<hbm>> -> memref<16x16xf32, #tpu.memory_space<hbm>>
          %dma_start3A_116 = arith.constant 9984 : i32
          %dma_start3A_117 = arith.constant 0 : i32
          %dma_start3A_118 = tpu.memref_slice %arg10[%dma_start3A_116, %dma_start3A_117] : memref<10000x16xf32, #tpu.memory_space<vmem_shared>> -> memref<16x16xf32, #tpu.memory_space<vmem_shared>>
          tpu.enqueue_dma source(%dma_start3A_118 : memref<16x16xf32, #tpu.memory_space<vmem_shared>>) target(%dma_start3A_115 : memref<16x16xf32, #tpu.memory_space<hbm>>) target_semaphore(%run_scoped3A : memref<!tpu.dma_semaphore, #tpu.memory_space<semaphore_mem>>)
          %dma_wait3A_119 = arith.constant 9984 : i32
          %dma_wait3A_120 = arith.constant 0 : i32
          %dma_wait3A_121 = tpu.memref_slice %arg8[%dma_wait3A_119, %dma_wait3A_120] : memref<10000x16xf32, #tpu.memory_space<hbm>> -> memref<16x16xf32, #tpu.memory_space<hbm>>
          %dma_wait3A_122 = arith.constant 9984 : i32
          %dma_wait3A_123 = arith.constant 0 : i32
          %dma_wait3A_124 = tpu.memref_slice %arg10[%dma_wait3A_122, %dma_wait3A_123] : memref<10000x16xf32, #tpu.memory_space<vmem_shared>> -> memref<16x16xf32, #tpu.memory_space<vmem_shared>>
          tpu.wait_dma2 semaphore(%run_scoped3A : memref<!tpu.dma_semaphore, #tpu.memory_space<semaphore_mem>>) src(%dma_wait3A_124 : memref<16x16xf32, #tpu.memory_space<vmem_shared>>) dst(%dma_wait3A_121 : memref<16x16xf32, #tpu.memory_space<hbm>>)
          tpu.yield
        }) : () -> ()
        "tpu.region"() ({
          %run_scoped3A = tpu.sem_alloc : memref<!tpu.dma_semaphore, #tpu.memory_space<semaphore_mem>>
          %dma_start3A_113 = arith.constant 9984 : i32
          %dma_start3A_114 = arith.constant 0 : i32
          %dma_start3A_115 = tpu.memref_slice %arg9[%dma_start3A_113, %dma_start3A_114] : memref<10000x16xf32, #tpu.memory_space<hbm>> -> memref<16x16xf32, #tpu.memory_space<hbm>>
          %dma_start3A_116 = arith.constant 9984 : i32
          %dma_start3A_117 = arith.constant 0 : i32
          %dma_start3A_118 = tpu.memref_slice %arg11[%dma_start3A_116, %dma_start3A_117] : memref<10000x16xf32, #tpu.memory_space<vmem_shared>> -> memref<16x16xf32, #tpu.memory_space<vmem_shared>>
          tpu.enqueue_dma source(%dma_start3A_118 : memref<16x16xf32, #tpu.memory_space<vmem_shared>>) target(%dma_start3A_115 : memref<16x16xf32, #tpu.memory_space<hbm>>) target_semaphore(%run_scoped3A : memref<!tpu.dma_semaphore, #tpu.memory_space<semaphore_mem>>)
          %dma_wait3A_119 = arith.constant 9984 : i32
          %dma_wait3A_120 = arith.constant 0 : i32
          %dma_wait3A_121 = tpu.memref_slice %arg9[%dma_wait3A_119, %dma_wait3A_120] : memref<10000x16xf32, #tpu.memory_space<hbm>> -> memref<16x16xf32, #tpu.memory_space<hbm>>
          %dma_wait3A_122 = arith.constant 9984 : i32
          %dma_wait3A_123 = arith.constant 0 : i32
          %dma_wait3A_124 = tpu.memref_slice %arg11[%dma_wait3A_122, %dma_wait3A_123] : memref<10000x16xf32, #tpu.memory_space<vmem_shared>> -> memref<16x16xf32, #tpu.memory_space<vmem_shared>>
          tpu.wait_dma2 semaphore(%run_scoped3A : memref<!tpu.dma_semaphore, #tpu.memory_space<semaphore_mem>>) src(%dma_wait3A_124 : memref<16x16xf32, #tpu.memory_space<vmem_shared>>) dst(%dma_wait3A_121 : memref<16x16xf32, #tpu.memory_space<hbm>>)
          tpu.yield
        }) : () -> ()
      } else {
      }
    } else {
    }
    return
  }
}

#map = affine_map<(d0, d1) -> (0, 0)>
module attributes {stable_mosaic.version = 14 : i64} {
  func.func @sc_scatter(%arg0: i32, %arg1: i32, %arg2: memref<10000x128xf32, #tpu.memory_space<hbm>>, %arg3: memref<10000x128xf32, #tpu.memory_space<hbm>>, %arg4: memref<2x320000xi32, #tpu.memory_space<hbm>>, %arg5: memref<2x320000xi32, #tpu.memory_space<hbm>>, %arg6: memref<624x128xf32, #tpu.memory_space<hbm>>, %arg7: memref<10000x128xf32, #tpu.memory_space<hbm>>, %arg8: memref<10000x128xf32, #tpu.memory_space<hbm>>, %arg9: memref<10000x128xf32, #tpu.memory_space<vmem_shared>>, %arg10: memref<5000xi32, #tpu.memory_space<vmem>>, %arg11: memref<5000xi32, #tpu.memory_space<vmem>>, %arg12: memref<5000xi32, #tpu.memory_space<vmem>>, %arg13: memref<5000xi32, #tpu.memory_space<vmem>>, %arg14: memref<40x128xf32, #tpu.memory_space<vmem>>, %arg15: memref<40x128xf32, #tpu.memory_space<vmem>>, %arg16: memref<40x128xf32, #tpu.memory_space<vmem>>, %arg17: memref<40x128xf32, #tpu.memory_space<vmem>>, %arg18: memref<40x128xf32, #tpu.memory_space<vmem>>, %arg19: memref<!tpu.dma_semaphore, #tpu.memory_space<semaphore_mem>>, %arg20: memref<!tpu.dma_semaphore, #tpu.memory_space<semaphore_mem>>, %arg21: memref<!tpu.dma_semaphore, #tpu.memory_space<semaphore_mem>>, %arg22: memref<!tpu.dma_semaphore, #tpu.memory_space<semaphore_mem>>, %arg23: memref<!tpu.dma_semaphore, #tpu.memory_space<semaphore_mem>>, %arg24: memref<!tpu.dma_semaphore, #tpu.memory_space<semaphore_mem>>, %arg25: memref<!tpu.dma_semaphore, #tpu.memory_space<semaphore_mem>>, %arg26: memref<!tpu.dma_semaphore, #tpu.memory_space<semaphore_mem>>, %arg27: memref<!tpu.dma_semaphore, #tpu.memory_space<semaphore_mem>>, %arg28: memref<!tpu.dma_semaphore, #tpu.memory_space<semaphore_mem>>, %arg29: memref<!tpu.dma_semaphore, #tpu.memory_space<semaphore_mem>>, %arg30: memref<!tpu.dma_semaphore, #tpu.memory_space<semaphore_mem>>) attributes {dimension_semantics = [#tpu.dimension_semantics<core_parallel>, #tpu.dimension_semantics<subcore_parallel>], iteration_bounds = array<i64: 2, 16>, scalar_prefetch = 0 : i64, scratch_operands = 22 : i64, tpu.core_type = #tpu.core_type<sc_vector_subcore>, window_params = [{transform_indices = #map}, {transform_indices = #map}, {transform_indices = #map}, {transform_indices = #map}, {transform_indices = #map}, {transform_indices = #map}, {transform_indices = #map}]} {
    %mul3A = arith.constant 624 : i32
    %mul3A_0 = arith.muli %arg1, %mul3A : i32
    "tpu.region"() ({
      %run_scoped3A = tpu.sem_alloc : memref<!tpu.dma_semaphore, #tpu.memory_space<semaphore_mem>>
      %dma_start3A = arith.constant 0 : i32
      %dma_start3A_26 = tpu.memref_slice %arg9[%mul3A_0, %dma_start3A] : memref<10000x128xf32, #tpu.memory_space<vmem_shared>> -> memref<624x128xf32, #tpu.memory_space<vmem_shared>>
      %dma_start3A_27 = arith.constant 0 : i32
      %dma_start3A_28 = arith.constant 0 : i32
      %dma_start3A_29 = tpu.memref_slice %arg6[%dma_start3A_27, %dma_start3A_28] : memref<624x128xf32, #tpu.memory_space<hbm>> -> memref<624x128xf32, #tpu.memory_space<hbm>>
      tpu.enqueue_dma source(%dma_start3A_29 : memref<624x128xf32, #tpu.memory_space<hbm>>) target(%dma_start3A_26 : memref<624x128xf32, #tpu.memory_space<vmem_shared>>) target_semaphore(%run_scoped3A : memref<!tpu.dma_semaphore, #tpu.memory_space<semaphore_mem>>)
      %dma_wait3A = arith.constant 0 : i32
      %dma_wait3A_30 = tpu.memref_slice %arg9[%mul3A_0, %dma_wait3A] : memref<10000x128xf32, #tpu.memory_space<vmem_shared>> -> memref<624x128xf32, #tpu.memory_space<vmem_shared>>
      %dma_wait3A_31 = arith.constant 0 : i32
      %dma_wait3A_32 = arith.constant 0 : i32
      %dma_wait3A_33 = tpu.memref_slice %arg6[%dma_wait3A_31, %dma_wait3A_32] : memref<624x128xf32, #tpu.memory_space<hbm>> -> memref<624x128xf32, #tpu.memory_space<hbm>>
      tpu.wait_dma2 semaphore(%run_scoped3A : memref<!tpu.dma_semaphore, #tpu.memory_space<semaphore_mem>>) src(%dma_wait3A_33 : memref<624x128xf32, #tpu.memory_space<hbm>>) dst(%dma_wait3A_30 : memref<624x128xf32, #tpu.memory_space<vmem_shared>>)
      tpu.yield
    }) : () -> ()
    %eq3A = arith.constant 15 : i32
    %eq3A_1 = arith.cmpi eq, %arg1, %eq3A : i32
    %convert_element_type3A = arith.extui %eq3A_1 : i1 to i32
    %cond3A = arith.constant 0 : i32
    %cond3A_2 = arith.cmpi ne, %convert_element_type3A, %cond3A : i32
    scf.if %cond3A_2 {
      "tpu.region"() ({
        %run_scoped3A = tpu.sem_alloc : memref<!tpu.dma_semaphore, #tpu.memory_space<semaphore_mem>>
        %dma_start3A = arith.constant 9984 : i32
        %dma_start3A_26 = arith.constant 0 : i32
        %dma_start3A_27 = tpu.memref_slice %arg9[%dma_start3A, %dma_start3A_26] : memref<10000x128xf32, #tpu.memory_space<vmem_shared>> -> memref<16x128xf32, #tpu.memory_space<vmem_shared>>
        %dma_start3A_28 = arith.constant 0 : i32
        %dma_start3A_29 = arith.constant 0 : i32
        %dma_start3A_30 = tpu.memref_slice %arg6[%dma_start3A_28, %dma_start3A_29] : memref<624x128xf32, #tpu.memory_space<hbm>> -> memref<16x128xf32, #tpu.memory_space<hbm>>
        tpu.enqueue_dma source(%dma_start3A_30 : memref<16x128xf32, #tpu.memory_space<hbm>>) target(%dma_start3A_27 : memref<16x128xf32, #tpu.memory_space<vmem_shared>>) target_semaphore(%run_scoped3A : memref<!tpu.dma_semaphore, #tpu.memory_space<semaphore_mem>>)
        %dma_wait3A = arith.constant 9984 : i32
        %dma_wait3A_31 = arith.constant 0 : i32
        %dma_wait3A_32 = tpu.memref_slice %arg9[%dma_wait3A, %dma_wait3A_31] : memref<10000x128xf32, #tpu.memory_space<vmem_shared>> -> memref<16x128xf32, #tpu.memory_space<vmem_shared>>
        %dma_wait3A_33 = arith.constant 0 : i32
        %dma_wait3A_34 = arith.constant 0 : i32
        %dma_wait3A_35 = tpu.memref_slice %arg6[%dma_wait3A_33, %dma_wait3A_34] : memref<624x128xf32, #tpu.memory_space<hbm>> -> memref<16x128xf32, #tpu.memory_space<hbm>>
        tpu.wait_dma2 semaphore(%run_scoped3A : memref<!tpu.dma_semaphore, #tpu.memory_space<semaphore_mem>>) src(%dma_wait3A_35 : memref<16x128xf32, #tpu.memory_space<hbm>>) dst(%dma_wait3A_32 : memref<16x128xf32, #tpu.memory_space<vmem_shared>>)
        tpu.yield
      }) : () -> ()
    } else {
    }
    %barrier3A = arith.constant 0 : index
    tpu.barrier barrier_id(%barrier3A)
    %mul3A_3 = arith.constant 20000 : i32
    %mul3A_4 = arith.muli %arg1, %mul3A_3 : i32
    %eq3A_5 = arith.constant 0 : i32
    %eq3A_6 = arith.cmpi eq, %arg0, %eq3A_5 : i32
    %convert_element_type3A_7 = arith.extui %eq3A_6 : i1 to i32
    %cond3A_8 = arith.constant 0 : i32
    %cond3A_9 = arith.cmpi ne, %convert_element_type3A_7, %cond3A_8 : i32
    scf.if %cond3A_9 {
      %run_scoped3A = arith.constant 0 : i32
      "tpu.region"() ({
        %run_scoped3A_31 = tpu.sem_alloc : memref<!tpu.dma_semaphore, #tpu.memory_space<semaphore_mem>>
        %dma_start3A = tpu.memref_slice %arg4[%run_scoped3A, %mul3A_4] : memref<2x320000xi32, #tpu.memory_space<hbm>> -> memref<1x5000xi32, #tpu.memory_space<hbm>>
        %dma_start3A_32 = tpu.memref_squeeze %dma_start3A : memref<1x5000xi32, #tpu.memory_space<hbm>> -> memref<5000xi32, #tpu.memory_space<hbm>>
        %dma_start3A_33 = tpu.memref_slice %arg4[%run_scoped3A, %mul3A_4] : memref<2x320000xi32, #tpu.memory_space<hbm>> -> memref<1x5000xi32, #tpu.memory_space<hbm>>
        %dma_start3A_34 = tpu.memref_squeeze %dma_start3A_33 : memref<1x5000xi32, #tpu.memory_space<hbm>> -> memref<5000xi32, #tpu.memory_space<hbm>>
        tpu.enqueue_dma source(%dma_start3A_34 : memref<5000xi32, #tpu.memory_space<hbm>>) target(%arg10 : memref<5000xi32, #tpu.memory_space<vmem>>) target_semaphore(%run_scoped3A_31 : memref<!tpu.dma_semaphore, #tpu.memory_space<semaphore_mem>>)
        %dma_wait3A = tpu.memref_slice %arg4[%run_scoped3A, %mul3A_4] : memref<2x320000xi32, #tpu.memory_space<hbm>> -> memref<1x5000xi32, #tpu.memory_space<hbm>>
        %dma_wait3A_35 = tpu.memref_squeeze %dma_wait3A : memref<1x5000xi32, #tpu.memory_space<hbm>> -> memref<5000xi32, #tpu.memory_space<hbm>>
        %dma_wait3A_36 = tpu.memref_slice %arg4[%run_scoped3A, %mul3A_4] : memref<2x320000xi32, #tpu.memory_space<hbm>> -> memref<1x5000xi32, #tpu.memory_space<hbm>>
        %dma_wait3A_37 = tpu.memref_squeeze %dma_wait3A_36 : memref<1x5000xi32, #tpu.memory_space<hbm>> -> memref<5000xi32, #tpu.memory_space<hbm>>
        tpu.wait_dma2 semaphore(%run_scoped3A_31 : memref<!tpu.dma_semaphore, #tpu.memory_space<semaphore_mem>>) src(%dma_wait3A_37 : memref<5000xi32, #tpu.memory_space<hbm>>) dst(%arg10 : memref<5000xi32, #tpu.memory_space<vmem>>)
        tpu.yield
      }) : () -> ()
      %run_scoped3A_26 = arith.constant 1 : i32
      "tpu.region"() ({
        %run_scoped3A_31 = tpu.sem_alloc : memref<!tpu.dma_semaphore, #tpu.memory_space<semaphore_mem>>
        %dma_start3A = tpu.memref_slice %arg4[%run_scoped3A_26, %mul3A_4] : memref<2x320000xi32, #tpu.memory_space<hbm>> -> memref<1x5000xi32, #tpu.memory_space<hbm>>
        %dma_start3A_32 = tpu.memref_squeeze %dma_start3A : memref<1x5000xi32, #tpu.memory_space<hbm>> -> memref<5000xi32, #tpu.memory_space<hbm>>
        %dma_start3A_33 = tpu.memref_slice %arg4[%run_scoped3A_26, %mul3A_4] : memref<2x320000xi32, #tpu.memory_space<hbm>> -> memref<1x5000xi32, #tpu.memory_space<hbm>>
        %dma_start3A_34 = tpu.memref_squeeze %dma_start3A_33 : memref<1x5000xi32, #tpu.memory_space<hbm>> -> memref<5000xi32, #tpu.memory_space<hbm>>
        tpu.enqueue_dma source(%dma_start3A_34 : memref<5000xi32, #tpu.memory_space<hbm>>) target(%arg11 : memref<5000xi32, #tpu.memory_space<vmem>>) target_semaphore(%run_scoped3A_31 : memref<!tpu.dma_semaphore, #tpu.memory_space<semaphore_mem>>)
        %dma_wait3A = tpu.memref_slice %arg4[%run_scoped3A_26, %mul3A_4] : memref<2x320000xi32, #tpu.memory_space<hbm>> -> memref<1x5000xi32, #tpu.memory_space<hbm>>
        %dma_wait3A_35 = tpu.memref_squeeze %dma_wait3A : memref<1x5000xi32, #tpu.memory_space<hbm>> -> memref<5000xi32, #tpu.memory_space<hbm>>
        %dma_wait3A_36 = tpu.memref_slice %arg4[%run_scoped3A_26, %mul3A_4] : memref<2x320000xi32, #tpu.memory_space<hbm>> -> memref<1x5000xi32, #tpu.memory_space<hbm>>
        %dma_wait3A_37 = tpu.memref_squeeze %dma_wait3A_36 : memref<1x5000xi32, #tpu.memory_space<hbm>> -> memref<5000xi32, #tpu.memory_space<hbm>>
        tpu.wait_dma2 semaphore(%run_scoped3A_31 : memref<!tpu.dma_semaphore, #tpu.memory_space<semaphore_mem>>) src(%dma_wait3A_37 : memref<5000xi32, #tpu.memory_space<hbm>>) dst(%arg11 : memref<5000xi32, #tpu.memory_space<vmem>>)
        tpu.yield
      }) : () -> ()
      %scan3A = arith.constant 0 : i32
      %scan3A_27 = arith.constant 2 : i32
      %scan3A_28 = arith.addi %scan3A, %scan3A_27 : i32
      %scan3A_29 = arith.constant 1 : i32
      scf.for %scan3A_31 = %scan3A to %scan3A_28 step %scan3A_29  : i32 {
        %mul3A_32 = arith.constant 1 : i32
        %mul3A_33 = arith.muli %scan3A_31, %mul3A_32 : i32
        %add3A = arith.constant 0 : i32
        %add3A_34 = arith.addi %add3A, %mul3A_33 : i32
        %mul3A_35 = arith.constant 2 : i32
        %mul3A_36 = arith.muli %mul3A_35, %add3A_34 : i32
        %gt3A = arith.constant 0 : i32
        %gt3A_37 = arith.cmpi sgt, %add3A_34, %gt3A : i32
        %convert_element_type3A_38 = arith.extui %gt3A_37 : i1 to i32
        %cond3A_39 = arith.constant 0 : i32
        %cond3A_40 = arith.cmpi ne, %convert_element_type3A_38, %cond3A_39 : i32
        scf.if %cond3A_40 {
          %dma_wait3A_182 = arith.constant 0 : i32
          %dma_wait3A_183 = arith.constant 0 : i32
          %dma_wait3A_184 = tpu.memref_slice %arg4[%dma_wait3A_182, %dma_wait3A_183] : memref<2x320000xi32, #tpu.memory_space<hbm>> -> memref<1x5000xi32, #tpu.memory_space<hbm>>
          %dma_wait3A_185 = tpu.memref_squeeze %dma_wait3A_184 : memref<1x5000xi32, #tpu.memory_space<hbm>> -> memref<5000xi32, #tpu.memory_space<hbm>>
          %dma_wait3A_186 = arith.constant 0 : i32
          %dma_wait3A_187 = tpu.memref_slice %arg4[%dma_wait3A_182, %dma_wait3A_186] : memref<2x320000xi32, #tpu.memory_space<hbm>> -> memref<1x5000xi32, #tpu.memory_space<hbm>>
          %dma_wait3A_188 = tpu.memref_squeeze %dma_wait3A_187 : memref<1x5000xi32, #tpu.memory_space<hbm>> -> memref<5000xi32, #tpu.memory_space<hbm>>
          tpu.wait_dma2 semaphore(%arg29 : memref<!tpu.dma_semaphore, #tpu.memory_space<semaphore_mem>>) src(%dma_wait3A_188 : memref<5000xi32, #tpu.memory_space<hbm>>) dst(%arg10 : memref<5000xi32, #tpu.memory_space<vmem>>)
          %dma_wait3A_189 = arith.constant 0 : i32
          %dma_wait3A_190 = arith.constant 0 : i32
          %dma_wait3A_191 = tpu.memref_slice %arg4[%dma_wait3A_189, %dma_wait3A_190] : memref<2x320000xi32, #tpu.memory_space<hbm>> -> memref<1x5000xi32, #tpu.memory_space<hbm>>
          %dma_wait3A_192 = tpu.memref_squeeze %dma_wait3A_191 : memref<1x5000xi32, #tpu.memory_space<hbm>> -> memref<5000xi32, #tpu.memory_space<hbm>>
          %dma_wait3A_193 = arith.constant 0 : i32
          %dma_wait3A_194 = tpu.memref_slice %arg4[%dma_wait3A_189, %dma_wait3A_193] : memref<2x320000xi32, #tpu.memory_space<hbm>> -> memref<1x5000xi32, #tpu.memory_space<hbm>>
          %dma_wait3A_195 = tpu.memref_squeeze %dma_wait3A_194 : memref<1x5000xi32, #tpu.memory_space<hbm>> -> memref<5000xi32, #tpu.memory_space<hbm>>
          tpu.wait_dma2 semaphore(%arg29 : memref<!tpu.dma_semaphore, #tpu.memory_space<semaphore_mem>>) src(%dma_wait3A_195 : memref<5000xi32, #tpu.memory_space<hbm>>) dst(%arg11 : memref<5000xi32, #tpu.memory_space<vmem>>)
        } else {
        }
        %add3A_41 = arith.constant 1 : i32
        %add3A_42 = arith.addi %mul3A_36, %add3A_41 : i32
        %mul3A_43 = arith.constant 5000 : i32
        %mul3A_44 = arith.muli %add3A_42, %mul3A_43 : i32
        %add3A_45 = arith.addi %mul3A_4, %mul3A_44 : i32
        %dma_start3A = arith.constant 0 : i32
        %dma_start3A_46 = tpu.memref_slice %arg4[%dma_start3A, %add3A_45] : memref<2x320000xi32, #tpu.memory_space<hbm>> -> memref<1x5000xi32, #tpu.memory_space<hbm>>
        %dma_start3A_47 = tpu.memref_squeeze %dma_start3A_46 : memref<1x5000xi32, #tpu.memory_space<hbm>> -> memref<5000xi32, #tpu.memory_space<hbm>>
        %dma_start3A_48 = tpu.memref_slice %arg4[%dma_start3A, %add3A_45] : memref<2x320000xi32, #tpu.memory_space<hbm>> -> memref<1x5000xi32, #tpu.memory_space<hbm>>
        %dma_start3A_49 = tpu.memref_squeeze %dma_start3A_48 : memref<1x5000xi32, #tpu.memory_space<hbm>> -> memref<5000xi32, #tpu.memory_space<hbm>>
        tpu.enqueue_dma source(%dma_start3A_49 : memref<5000xi32, #tpu.memory_space<hbm>>) target(%arg12 : memref<5000xi32, #tpu.memory_space<vmem>>) target_semaphore(%arg30 : memref<!tpu.dma_semaphore, #tpu.memory_space<semaphore_mem>>)
        %dma_start3A_50 = arith.constant 1 : i32
        %dma_start3A_51 = tpu.memref_slice %arg4[%dma_start3A_50, %add3A_45] : memref<2x320000xi32, #tpu.memory_space<hbm>> -> memref<1x5000xi32, #tpu.memory_space<hbm>>
        %dma_start3A_52 = tpu.memref_squeeze %dma_start3A_51 : memref<1x5000xi32, #tpu.memory_space<hbm>> -> memref<5000xi32, #tpu.memory_space<hbm>>
        %dma_start3A_53 = tpu.memref_slice %arg4[%dma_start3A_50, %add3A_45] : memref<2x320000xi32, #tpu.memory_space<hbm>> -> memref<1x5000xi32, #tpu.memory_space<hbm>>
        %dma_start3A_54 = tpu.memref_squeeze %dma_start3A_53 : memref<1x5000xi32, #tpu.memory_space<hbm>> -> memref<5000xi32, #tpu.memory_space<hbm>>
        tpu.enqueue_dma source(%dma_start3A_54 : memref<5000xi32, #tpu.memory_space<hbm>>) target(%arg13 : memref<5000xi32, #tpu.memory_space<vmem>>) target_semaphore(%arg30 : memref<!tpu.dma_semaphore, #tpu.memory_space<semaphore_mem>>)
        %dma_start3A_55 = arith.constant 0 : i32
        %dma_start3A_56 = tpu.memref_slice %arg10[%dma_start3A_55] : memref<5000xi32, #tpu.memory_space<vmem>> -> memref<40xi32, #tpu.memory_space<vmem>>
        %dma_start3A_57 = arith.constant 0 : i32
        %dma_start3A_58 = arith.constant 0 : i32
        %dma_start3A_59 = tpu.memref_slice %arg2[%dma_start3A_57, %dma_start3A_58] : memref<10000x128xf32, #tpu.memory_space<hbm>> -> memref<10000x128xf32, #tpu.memory_space<hbm>>
        tpu.enqueue_indirect_dma source(%dma_start3A_59 : memref<10000x128xf32, #tpu.memory_space<hbm>>) target(%arg14 : memref<40x128xf32, #tpu.memory_space<vmem>>) offsets(%dma_start3A_56 : memref<40xi32, #tpu.memory_space<vmem>>) semaphore(%arg19 : memref<!tpu.dma_semaphore, #tpu.memory_space<semaphore_mem>>)
        %dma_start3A_60 = arith.constant 40 : i32
        %dma_start3A_61 = tpu.memref_slice %arg10[%dma_start3A_60] : memref<5000xi32, #tpu.memory_space<vmem>> -> memref<40xi32, #tpu.memory_space<vmem>>
        %dma_start3A_62 = arith.constant 0 : i32
        %dma_start3A_63 = arith.constant 0 : i32
        %dma_start3A_64 = tpu.memref_slice %arg2[%dma_start3A_62, %dma_start3A_63] : memref<10000x128xf32, #tpu.memory_space<hbm>> -> memref<10000x128xf32, #tpu.memory_space<hbm>>
        tpu.enqueue_indirect_dma source(%dma_start3A_64 : memref<10000x128xf32, #tpu.memory_space<hbm>>) target(%arg15 : memref<40x128xf32, #tpu.memory_space<vmem>>) offsets(%dma_start3A_61 : memref<40xi32, #tpu.memory_space<vmem>>) semaphore(%arg20 : memref<!tpu.dma_semaphore, #tpu.memory_space<semaphore_mem>>)
        %dma_start3A_65 = arith.constant 80 : i32
        %dma_start3A_66 = tpu.memref_slice %arg10[%dma_start3A_65] : memref<5000xi32, #tpu.memory_space<vmem>> -> memref<40xi32, #tpu.memory_space<vmem>>
        %dma_start3A_67 = arith.constant 0 : i32
        %dma_start3A_68 = arith.constant 0 : i32
        %dma_start3A_69 = tpu.memref_slice %arg2[%dma_start3A_67, %dma_start3A_68] : memref<10000x128xf32, #tpu.memory_space<hbm>> -> memref<10000x128xf32, #tpu.memory_space<hbm>>
        tpu.enqueue_indirect_dma source(%dma_start3A_69 : memref<10000x128xf32, #tpu.memory_space<hbm>>) target(%arg16 : memref<40x128xf32, #tpu.memory_space<vmem>>) offsets(%dma_start3A_66 : memref<40xi32, #tpu.memory_space<vmem>>) semaphore(%arg21 : memref<!tpu.dma_semaphore, #tpu.memory_space<semaphore_mem>>)
        %dma_start3A_70 = arith.constant 120 : i32
        %dma_start3A_71 = tpu.memref_slice %arg10[%dma_start3A_70] : memref<5000xi32, #tpu.memory_space<vmem>> -> memref<40xi32, #tpu.memory_space<vmem>>
        %dma_start3A_72 = arith.constant 0 : i32
        %dma_start3A_73 = arith.constant 0 : i32
        %dma_start3A_74 = tpu.memref_slice %arg2[%dma_start3A_72, %dma_start3A_73] : memref<10000x128xf32, #tpu.memory_space<hbm>> -> memref<10000x128xf32, #tpu.memory_space<hbm>>
        tpu.enqueue_indirect_dma source(%dma_start3A_74 : memref<10000x128xf32, #tpu.memory_space<hbm>>) target(%arg17 : memref<40x128xf32, #tpu.memory_space<vmem>>) offsets(%dma_start3A_71 : memref<40xi32, #tpu.memory_space<vmem>>) semaphore(%arg22 : memref<!tpu.dma_semaphore, #tpu.memory_space<semaphore_mem>>)
        %dma_start3A_75 = arith.constant 160 : i32
        %dma_start3A_76 = tpu.memref_slice %arg10[%dma_start3A_75] : memref<5000xi32, #tpu.memory_space<vmem>> -> memref<40xi32, #tpu.memory_space<vmem>>
        %dma_start3A_77 = arith.constant 0 : i32
        %dma_start3A_78 = arith.constant 0 : i32
        %dma_start3A_79 = tpu.memref_slice %arg2[%dma_start3A_77, %dma_start3A_78] : memref<10000x128xf32, #tpu.memory_space<hbm>> -> memref<10000x128xf32, #tpu.memory_space<hbm>>
        tpu.enqueue_indirect_dma source(%dma_start3A_79 : memref<10000x128xf32, #tpu.memory_space<hbm>>) target(%arg18 : memref<40x128xf32, #tpu.memory_space<vmem>>) offsets(%dma_start3A_76 : memref<40xi32, #tpu.memory_space<vmem>>) semaphore(%arg23 : memref<!tpu.dma_semaphore, #tpu.memory_space<semaphore_mem>>)
        %scan3A_80 = arith.constant 0 : i32
        %scan3A_81 = arith.constant 25 : i32
        %scan3A_82 = arith.addi %scan3A_80, %scan3A_81 : i32
        %scan3A_83 = arith.constant 1 : i32
        scf.for %scan3A_182 = %scan3A_80 to %scan3A_82 step %scan3A_83  : i32 {
          %mul3A_183 = arith.constant 1 : i32
          %mul3A_184 = arith.muli %scan3A_182, %mul3A_183 : i32
          %add3A_185 = arith.constant 0 : i32
          %add3A_186 = arith.addi %add3A_185, %mul3A_184 : i32
          %mul3A_187 = arith.constant 5 : i32
          %mul3A_188 = arith.muli %mul3A_187, %add3A_186 : i32
          %add3A_189 = arith.constant 0 : i32
          %add3A_190 = arith.addi %mul3A_188, %add3A_189 : i32
          %dma_wait3A_191 = arith.constant 0 : i32
          %dma_wait3A_192 = tpu.memref_slice %arg10[%dma_wait3A_191] : memref<5000xi32, #tpu.memory_space<vmem>> -> memref<40xi32, #tpu.memory_space<vmem>>
          %dma_wait3A_193 = arith.constant 0 : i32
          %dma_wait3A_194 = arith.constant 0 : i32
          %dma_wait3A_195 = tpu.memref_slice %arg2[%dma_wait3A_193, %dma_wait3A_194] : memref<10000x128xf32, #tpu.memory_space<hbm>> -> memref<10000x128xf32, #tpu.memory_space<hbm>>
          tpu.wait_indirect_dma semaphore(%arg19 : memref<!tpu.dma_semaphore, #tpu.memory_space<semaphore_mem>>) src(%dma_wait3A_195 : memref<10000x128xf32, #tpu.memory_space<hbm>>) dst(%arg14 : memref<40x128xf32, #tpu.memory_space<vmem>>)
          %mul3A_196 = arith.constant 40 : i32
          %mul3A_197 = arith.muli %add3A_190, %mul3A_196 : i32
          %dma_start3A_198 = tpu.memref_slice %arg11[%mul3A_197] : memref<5000xi32, #tpu.memory_space<vmem>> -> memref<40xi32, #tpu.memory_space<vmem>>
          %dma_start3A_199 = arith.constant 0 : i32
          %dma_start3A_200 = arith.constant 0 : i32
          %dma_start3A_201 = tpu.memref_slice %arg9[%dma_start3A_199, %dma_start3A_200] : memref<10000x128xf32, #tpu.memory_space<vmem_shared>> -> memref<10000x128xf32, #tpu.memory_space<vmem_shared>>
          tpu.enqueue_indirect_dma source(%arg14 : memref<40x128xf32, #tpu.memory_space<vmem>>) target(%dma_start3A_201 : memref<10000x128xf32, #tpu.memory_space<vmem_shared>>) offsets(%dma_start3A_198 : memref<40xi32, #tpu.memory_space<vmem>>) semaphore(%arg24 : memref<!tpu.dma_semaphore, #tpu.memory_space<semaphore_mem>>) {add = true}
          %lt3A_202 = arith.constant 24 : i32
          %lt3A_203 = arith.cmpi slt, %add3A_186, %lt3A_202 : i32
          %convert_element_type3A_204 = arith.extui %lt3A_203 : i1 to i32
          %cond3A_205 = arith.constant 0 : i32
          %cond3A_206 = arith.cmpi ne, %convert_element_type3A_204, %cond3A_205 : i32
          scf.if %cond3A_206 {
            %dma_wait3A_287 = arith.constant 0 : i32
            %dma_wait3A_288 = tpu.memref_slice %arg11[%dma_wait3A_287] : memref<5000xi32, #tpu.memory_space<vmem>> -> memref<40xi32, #tpu.memory_space<vmem>>
            %dma_wait3A_289 = arith.constant 0 : i32
            %dma_wait3A_290 = arith.constant 0 : i32
            %dma_wait3A_291 = tpu.memref_slice %arg9[%dma_wait3A_289, %dma_wait3A_290] : memref<10000x128xf32, #tpu.memory_space<vmem_shared>> -> memref<10000x128xf32, #tpu.memory_space<vmem_shared>>
            tpu.wait_indirect_dma semaphore(%arg24 : memref<!tpu.dma_semaphore, #tpu.memory_space<semaphore_mem>>) src(%arg14 : memref<40x128xf32, #tpu.memory_space<vmem>>) dst(%dma_wait3A_291 : memref<10000x128xf32, #tpu.memory_space<vmem_shared>>)
            %add3A_292 = arith.constant 5 : i32
            %add3A_293 = arith.addi %add3A_190, %add3A_292 : i32
            %mul3A_294 = arith.constant 40 : i32
            %mul3A_295 = arith.muli %add3A_293, %mul3A_294 : i32
            %dma_start3A_296 = tpu.memref_slice %arg10[%mul3A_295] : memref<5000xi32, #tpu.memory_space<vmem>> -> memref<40xi32, #tpu.memory_space<vmem>>
            %dma_start3A_297 = arith.constant 0 : i32
            %dma_start3A_298 = arith.constant 0 : i32
            %dma_start3A_299 = tpu.memref_slice %arg2[%dma_start3A_297, %dma_start3A_298] : memref<10000x128xf32, #tpu.memory_space<hbm>> -> memref<10000x128xf32, #tpu.memory_space<hbm>>
            tpu.enqueue_indirect_dma source(%dma_start3A_299 : memref<10000x128xf32, #tpu.memory_space<hbm>>) target(%arg14 : memref<40x128xf32, #tpu.memory_space<vmem>>) offsets(%dma_start3A_296 : memref<40xi32, #tpu.memory_space<vmem>>) semaphore(%arg19 : memref<!tpu.dma_semaphore, #tpu.memory_space<semaphore_mem>>)
          } else {
          }
          %mul3A_207 = arith.constant 5 : i32
          %mul3A_208 = arith.muli %mul3A_207, %add3A_186 : i32
          %add3A_209 = arith.constant 1 : i32
          %add3A_210 = arith.addi %mul3A_208, %add3A_209 : i32
          %dma_wait3A_211 = arith.constant 0 : i32
          %dma_wait3A_212 = tpu.memref_slice %arg10[%dma_wait3A_211] : memref<5000xi32, #tpu.memory_space<vmem>> -> memref<40xi32, #tpu.memory_space<vmem>>
          %dma_wait3A_213 = arith.constant 0 : i32
          %dma_wait3A_214 = arith.constant 0 : i32
          %dma_wait3A_215 = tpu.memref_slice %arg2[%dma_wait3A_213, %dma_wait3A_214] : memref<10000x128xf32, #tpu.memory_space<hbm>> -> memref<10000x128xf32, #tpu.memory_space<hbm>>
          tpu.wait_indirect_dma semaphore(%arg20 : memref<!tpu.dma_semaphore, #tpu.memory_space<semaphore_mem>>) src(%dma_wait3A_215 : memref<10000x128xf32, #tpu.memory_space<hbm>>) dst(%arg15 : memref<40x128xf32, #tpu.memory_space<vmem>>)
          %mul3A_216 = arith.constant 40 : i32
          %mul3A_217 = arith.muli %add3A_210, %mul3A_216 : i32
          %dma_start3A_218 = tpu.memref_slice %arg11[%mul3A_217] : memref<5000xi32, #tpu.memory_space<vmem>> -> memref<40xi32, #tpu.memory_space<vmem>>
          %dma_start3A_219 = arith.constant 0 : i32
          %dma_start3A_220 = arith.constant 0 : i32
          %dma_start3A_221 = tpu.memref_slice %arg9[%dma_start3A_219, %dma_start3A_220] : memref<10000x128xf32, #tpu.memory_space<vmem_shared>> -> memref<10000x128xf32, #tpu.memory_space<vmem_shared>>
          tpu.enqueue_indirect_dma source(%arg15 : memref<40x128xf32, #tpu.memory_space<vmem>>) target(%dma_start3A_221 : memref<10000x128xf32, #tpu.memory_space<vmem_shared>>) offsets(%dma_start3A_218 : memref<40xi32, #tpu.memory_space<vmem>>) semaphore(%arg25 : memref<!tpu.dma_semaphore, #tpu.memory_space<semaphore_mem>>) {add = true}
          %lt3A_222 = arith.constant 24 : i32
          %lt3A_223 = arith.cmpi slt, %add3A_186, %lt3A_222 : i32
          %convert_element_type3A_224 = arith.extui %lt3A_223 : i1 to i32
          %cond3A_225 = arith.constant 0 : i32
          %cond3A_226 = arith.cmpi ne, %convert_element_type3A_224, %cond3A_225 : i32
          scf.if %cond3A_226 {
            %dma_wait3A_287 = arith.constant 0 : i32
            %dma_wait3A_288 = tpu.memref_slice %arg11[%dma_wait3A_287] : memref<5000xi32, #tpu.memory_space<vmem>> -> memref<40xi32, #tpu.memory_space<vmem>>
            %dma_wait3A_289 = arith.constant 0 : i32
            %dma_wait3A_290 = arith.constant 0 : i32
            %dma_wait3A_291 = tpu.memref_slice %arg9[%dma_wait3A_289, %dma_wait3A_290] : memref<10000x128xf32, #tpu.memory_space<vmem_shared>> -> memref<10000x128xf32, #tpu.memory_space<vmem_shared>>
            tpu.wait_indirect_dma semaphore(%arg25 : memref<!tpu.dma_semaphore, #tpu.memory_space<semaphore_mem>>) src(%arg15 : memref<40x128xf32, #tpu.memory_space<vmem>>) dst(%dma_wait3A_291 : memref<10000x128xf32, #tpu.memory_space<vmem_shared>>)
            %add3A_292 = arith.constant 5 : i32
            %add3A_293 = arith.addi %add3A_210, %add3A_292 : i32
            %mul3A_294 = arith.constant 40 : i32
            %mul3A_295 = arith.muli %add3A_293, %mul3A_294 : i32
            %dma_start3A_296 = tpu.memref_slice %arg10[%mul3A_295] : memref<5000xi32, #tpu.memory_space<vmem>> -> memref<40xi32, #tpu.memory_space<vmem>>
            %dma_start3A_297 = arith.constant 0 : i32
            %dma_start3A_298 = arith.constant 0 : i32
            %dma_start3A_299 = tpu.memref_slice %arg2[%dma_start3A_297, %dma_start3A_298] : memref<10000x128xf32, #tpu.memory_space<hbm>> -> memref<10000x128xf32, #tpu.memory_space<hbm>>
            tpu.enqueue_indirect_dma source(%dma_start3A_299 : memref<10000x128xf32, #tpu.memory_space<hbm>>) target(%arg15 : memref<40x128xf32, #tpu.memory_space<vmem>>) offsets(%dma_start3A_296 : memref<40xi32, #tpu.memory_space<vmem>>) semaphore(%arg20 : memref<!tpu.dma_semaphore, #tpu.memory_space<semaphore_mem>>)
          } else {
          }
          %mul3A_227 = arith.constant 5 : i32
          %mul3A_228 = arith.muli %mul3A_227, %add3A_186 : i32
          %add3A_229 = arith.constant 2 : i32
          %add3A_230 = arith.addi %mul3A_228, %add3A_229 : i32
          %dma_wait3A_231 = arith.constant 0 : i32
          %dma_wait3A_232 = tpu.memref_slice %arg10[%dma_wait3A_231] : memref<5000xi32, #tpu.memory_space<vmem>> -> memref<40xi32, #tpu.memory_space<vmem>>
          %dma_wait3A_233 = arith.constant 0 : i32
          %dma_wait3A_234 = arith.constant 0 : i32
          %dma_wait3A_235 = tpu.memref_slice %arg2[%dma_wait3A_233, %dma_wait3A_234] : memref<10000x128xf32, #tpu.memory_space<hbm>> -> memref<10000x128xf32, #tpu.memory_space<hbm>>
          tpu.wait_indirect_dma semaphore(%arg21 : memref<!tpu.dma_semaphore, #tpu.memory_space<semaphore_mem>>) src(%dma_wait3A_235 : memref<10000x128xf32, #tpu.memory_space<hbm>>) dst(%arg16 : memref<40x128xf32, #tpu.memory_space<vmem>>)
          %mul3A_236 = arith.constant 40 : i32
          %mul3A_237 = arith.muli %add3A_230, %mul3A_236 : i32
          %dma_start3A_238 = tpu.memref_slice %arg11[%mul3A_237] : memref<5000xi32, #tpu.memory_space<vmem>> -> memref<40xi32, #tpu.memory_space<vmem>>
          %dma_start3A_239 = arith.constant 0 : i32
          %dma_start3A_240 = arith.constant 0 : i32
          %dma_start3A_241 = tpu.memref_slice %arg9[%dma_start3A_239, %dma_start3A_240] : memref<10000x128xf32, #tpu.memory_space<vmem_shared>> -> memref<10000x128xf32, #tpu.memory_space<vmem_shared>>
          tpu.enqueue_indirect_dma source(%arg16 : memref<40x128xf32, #tpu.memory_space<vmem>>) target(%dma_start3A_241 : memref<10000x128xf32, #tpu.memory_space<vmem_shared>>) offsets(%dma_start3A_238 : memref<40xi32, #tpu.memory_space<vmem>>) semaphore(%arg26 : memref<!tpu.dma_semaphore, #tpu.memory_space<semaphore_mem>>) {add = true}
          %lt3A_242 = arith.constant 24 : i32
          %lt3A_243 = arith.cmpi slt, %add3A_186, %lt3A_242 : i32
          %convert_element_type3A_244 = arith.extui %lt3A_243 : i1 to i32
          %cond3A_245 = arith.constant 0 : i32
          %cond3A_246 = arith.cmpi ne, %convert_element_type3A_244, %cond3A_245 : i32
          scf.if %cond3A_246 {
            %dma_wait3A_287 = arith.constant 0 : i32
            %dma_wait3A_288 = tpu.memref_slice %arg11[%dma_wait3A_287] : memref<5000xi32, #tpu.memory_space<vmem>> -> memref<40xi32, #tpu.memory_space<vmem>>
            %dma_wait3A_289 = arith.constant 0 : i32
            %dma_wait3A_290 = arith.constant 0 : i32
            %dma_wait3A_291 = tpu.memref_slice %arg9[%dma_wait3A_289, %dma_wait3A_290] : memref<10000x128xf32, #tpu.memory_space<vmem_shared>> -> memref<10000x128xf32, #tpu.memory_space<vmem_shared>>
            tpu.wait_indirect_dma semaphore(%arg26 : memref<!tpu.dma_semaphore, #tpu.memory_space<semaphore_mem>>) src(%arg16 : memref<40x128xf32, #tpu.memory_space<vmem>>) dst(%dma_wait3A_291 : memref<10000x128xf32, #tpu.memory_space<vmem_shared>>)
            %add3A_292 = arith.constant 5 : i32
            %add3A_293 = arith.addi %add3A_230, %add3A_292 : i32
            %mul3A_294 = arith.constant 40 : i32
            %mul3A_295 = arith.muli %add3A_293, %mul3A_294 : i32
            %dma_start3A_296 = tpu.memref_slice %arg10[%mul3A_295] : memref<5000xi32, #tpu.memory_space<vmem>> -> memref<40xi32, #tpu.memory_space<vmem>>
            %dma_start3A_297 = arith.constant 0 : i32
            %dma_start3A_298 = arith.constant 0 : i32
            %dma_start3A_299 = tpu.memref_slice %arg2[%dma_start3A_297, %dma_start3A_298] : memref<10000x128xf32, #tpu.memory_space<hbm>> -> memref<10000x128xf32, #tpu.memory_space<hbm>>
            tpu.enqueue_indirect_dma source(%dma_start3A_299 : memref<10000x128xf32, #tpu.memory_space<hbm>>) target(%arg16 : memref<40x128xf32, #tpu.memory_space<vmem>>) offsets(%dma_start3A_296 : memref<40xi32, #tpu.memory_space<vmem>>) semaphore(%arg21 : memref<!tpu.dma_semaphore, #tpu.memory_space<semaphore_mem>>)
          } else {
          }
          %mul3A_247 = arith.constant 5 : i32
          %mul3A_248 = arith.muli %mul3A_247, %add3A_186 : i32
          %add3A_249 = arith.constant 3 : i32
          %add3A_250 = arith.addi %mul3A_248, %add3A_249 : i32
          %dma_wait3A_251 = arith.constant 0 : i32
          %dma_wait3A_252 = tpu.memref_slice %arg10[%dma_wait3A_251] : memref<5000xi32, #tpu.memory_space<vmem>> -> memref<40xi32, #tpu.memory_space<vmem>>
          %dma_wait3A_253 = arith.constant 0 : i32
          %dma_wait3A_254 = arith.constant 0 : i32
          %dma_wait3A_255 = tpu.memref_slice %arg2[%dma_wait3A_253, %dma_wait3A_254] : memref<10000x128xf32, #tpu.memory_space<hbm>> -> memref<10000x128xf32, #tpu.memory_space<hbm>>
          tpu.wait_indirect_dma semaphore(%arg22 : memref<!tpu.dma_semaphore, #tpu.memory_space<semaphore_mem>>) src(%dma_wait3A_255 : memref<10000x128xf32, #tpu.memory_space<hbm>>) dst(%arg17 : memref<40x128xf32, #tpu.memory_space<vmem>>)
          %mul3A_256 = arith.constant 40 : i32
          %mul3A_257 = arith.muli %add3A_250, %mul3A_256 : i32
          %dma_start3A_258 = tpu.memref_slice %arg11[%mul3A_257] : memref<5000xi32, #tpu.memory_space<vmem>> -> memref<40xi32, #tpu.memory_space<vmem>>
          %dma_start3A_259 = arith.constant 0 : i32
          %dma_start3A_260 = arith.constant 0 : i32
          %dma_start3A_261 = tpu.memref_slice %arg9[%dma_start3A_259, %dma_start3A_260] : memref<10000x128xf32, #tpu.memory_space<vmem_shared>> -> memref<10000x128xf32, #tpu.memory_space<vmem_shared>>
          tpu.enqueue_indirect_dma source(%arg17 : memref<40x128xf32, #tpu.memory_space<vmem>>) target(%dma_start3A_261 : memref<10000x128xf32, #tpu.memory_space<vmem_shared>>) offsets(%dma_start3A_258 : memref<40xi32, #tpu.memory_space<vmem>>) semaphore(%arg27 : memref<!tpu.dma_semaphore, #tpu.memory_space<semaphore_mem>>) {add = true}
          %lt3A_262 = arith.constant 24 : i32
          %lt3A_263 = arith.cmpi slt, %add3A_186, %lt3A_262 : i32
          %convert_element_type3A_264 = arith.extui %lt3A_263 : i1 to i32
          %cond3A_265 = arith.constant 0 : i32
          %cond3A_266 = arith.cmpi ne, %convert_element_type3A_264, %cond3A_265 : i32
          scf.if %cond3A_266 {
            %dma_wait3A_287 = arith.constant 0 : i32
            %dma_wait3A_288 = tpu.memref_slice %arg11[%dma_wait3A_287] : memref<5000xi32, #tpu.memory_space<vmem>> -> memref<40xi32, #tpu.memory_space<vmem>>
            %dma_wait3A_289 = arith.constant 0 : i32
            %dma_wait3A_290 = arith.constant 0 : i32
            %dma_wait3A_291 = tpu.memref_slice %arg9[%dma_wait3A_289, %dma_wait3A_290] : memref<10000x128xf32, #tpu.memory_space<vmem_shared>> -> memref<10000x128xf32, #tpu.memory_space<vmem_shared>>
            tpu.wait_indirect_dma semaphore(%arg27 : memref<!tpu.dma_semaphore, #tpu.memory_space<semaphore_mem>>) src(%arg17 : memref<40x128xf32, #tpu.memory_space<vmem>>) dst(%dma_wait3A_291 : memref<10000x128xf32, #tpu.memory_space<vmem_shared>>)
            %add3A_292 = arith.constant 5 : i32
            %add3A_293 = arith.addi %add3A_250, %add3A_292 : i32
            %mul3A_294 = arith.constant 40 : i32
            %mul3A_295 = arith.muli %add3A_293, %mul3A_294 : i32
            %dma_start3A_296 = tpu.memref_slice %arg10[%mul3A_295] : memref<5000xi32, #tpu.memory_space<vmem>> -> memref<40xi32, #tpu.memory_space<vmem>>
            %dma_start3A_297 = arith.constant 0 : i32
            %dma_start3A_298 = arith.constant 0 : i32
            %dma_start3A_299 = tpu.memref_slice %arg2[%dma_start3A_297, %dma_start3A_298] : memref<10000x128xf32, #tpu.memory_space<hbm>> -> memref<10000x128xf32, #tpu.memory_space<hbm>>
            tpu.enqueue_indirect_dma source(%dma_start3A_299 : memref<10000x128xf32, #tpu.memory_space<hbm>>) target(%arg17 : memref<40x128xf32, #tpu.memory_space<vmem>>) offsets(%dma_start3A_296 : memref<40xi32, #tpu.memory_space<vmem>>) semaphore(%arg22 : memref<!tpu.dma_semaphore, #tpu.memory_space<semaphore_mem>>)
          } else {
          }
          %mul3A_267 = arith.constant 5 : i32
          %mul3A_268 = arith.muli %mul3A_267, %add3A_186 : i32
          %add3A_269 = arith.constant 4 : i32
          %add3A_270 = arith.addi %mul3A_268, %add3A_269 : i32
          %dma_wait3A_271 = arith.constant 0 : i32
          %dma_wait3A_272 = tpu.memref_slice %arg10[%dma_wait3A_271] : memref<5000xi32, #tpu.memory_space<vmem>> -> memref<40xi32, #tpu.memory_space<vmem>>
          %dma_wait3A_273 = arith.constant 0 : i32
          %dma_wait3A_274 = arith.constant 0 : i32
          %dma_wait3A_275 = tpu.memref_slice %arg2[%dma_wait3A_273, %dma_wait3A_274] : memref<10000x128xf32, #tpu.memory_space<hbm>> -> memref<10000x128xf32, #tpu.memory_space<hbm>>
          tpu.wait_indirect_dma semaphore(%arg23 : memref<!tpu.dma_semaphore, #tpu.memory_space<semaphore_mem>>) src(%dma_wait3A_275 : memref<10000x128xf32, #tpu.memory_space<hbm>>) dst(%arg18 : memref<40x128xf32, #tpu.memory_space<vmem>>)
          %mul3A_276 = arith.constant 40 : i32
          %mul3A_277 = arith.muli %add3A_270, %mul3A_276 : i32
          %dma_start3A_278 = tpu.memref_slice %arg11[%mul3A_277] : memref<5000xi32, #tpu.memory_space<vmem>> -> memref<40xi32, #tpu.memory_space<vmem>>
          %dma_start3A_279 = arith.constant 0 : i32
          %dma_start3A_280 = arith.constant 0 : i32
          %dma_start3A_281 = tpu.memref_slice %arg9[%dma_start3A_279, %dma_start3A_280] : memref<10000x128xf32, #tpu.memory_space<vmem_shared>> -> memref<10000x128xf32, #tpu.memory_space<vmem_shared>>
          tpu.enqueue_indirect_dma source(%arg18 : memref<40x128xf32, #tpu.memory_space<vmem>>) target(%dma_start3A_281 : memref<10000x128xf32, #tpu.memory_space<vmem_shared>>) offsets(%dma_start3A_278 : memref<40xi32, #tpu.memory_space<vmem>>) semaphore(%arg28 : memref<!tpu.dma_semaphore, #tpu.memory_space<semaphore_mem>>) {add = true}
          %lt3A_282 = arith.constant 24 : i32
          %lt3A_283 = arith.cmpi slt, %add3A_186, %lt3A_282 : i32
          %convert_element_type3A_284 = arith.extui %lt3A_283 : i1 to i32
          %cond3A_285 = arith.constant 0 : i32
          %cond3A_286 = arith.cmpi ne, %convert_element_type3A_284, %cond3A_285 : i32
          scf.if %cond3A_286 {
            %dma_wait3A_287 = arith.constant 0 : i32
            %dma_wait3A_288 = tpu.memref_slice %arg11[%dma_wait3A_287] : memref<5000xi32, #tpu.memory_space<vmem>> -> memref<40xi32, #tpu.memory_space<vmem>>
            %dma_wait3A_289 = arith.constant 0 : i32
            %dma_wait3A_290 = arith.constant 0 : i32
            %dma_wait3A_291 = tpu.memref_slice %arg9[%dma_wait3A_289, %dma_wait3A_290] : memref<10000x128xf32, #tpu.memory_space<vmem_shared>> -> memref<10000x128xf32, #tpu.memory_space<vmem_shared>>
            tpu.wait_indirect_dma semaphore(%arg28 : memref<!tpu.dma_semaphore, #tpu.memory_space<semaphore_mem>>) src(%arg18 : memref<40x128xf32, #tpu.memory_space<vmem>>) dst(%dma_wait3A_291 : memref<10000x128xf32, #tpu.memory_space<vmem_shared>>)
            %add3A_292 = arith.constant 5 : i32
            %add3A_293 = arith.addi %add3A_270, %add3A_292 : i32
            %mul3A_294 = arith.constant 40 : i32
            %mul3A_295 = arith.muli %add3A_293, %mul3A_294 : i32
            %dma_start3A_296 = tpu.memref_slice %arg10[%mul3A_295] : memref<5000xi32, #tpu.memory_space<vmem>> -> memref<40xi32, #tpu.memory_space<vmem>>
            %dma_start3A_297 = arith.constant 0 : i32
            %dma_start3A_298 = arith.constant 0 : i32
            %dma_start3A_299 = tpu.memref_slice %arg2[%dma_start3A_297, %dma_start3A_298] : memref<10000x128xf32, #tpu.memory_space<hbm>> -> memref<10000x128xf32, #tpu.memory_space<hbm>>
            tpu.enqueue_indirect_dma source(%dma_start3A_299 : memref<10000x128xf32, #tpu.memory_space<hbm>>) target(%arg18 : memref<40x128xf32, #tpu.memory_space<vmem>>) offsets(%dma_start3A_296 : memref<40xi32, #tpu.memory_space<vmem>>) semaphore(%arg23 : memref<!tpu.dma_semaphore, #tpu.memory_space<semaphore_mem>>)
          } else {
          }
        }
        %scan3A_84 = arith.constant 25 : i32
        %dma_wait3A = arith.constant 0 : i32
        %dma_wait3A_85 = tpu.memref_slice %arg11[%dma_wait3A] : memref<5000xi32, #tpu.memory_space<vmem>> -> memref<40xi32, #tpu.memory_space<vmem>>
        %dma_wait3A_86 = arith.constant 0 : i32
        %dma_wait3A_87 = arith.constant 0 : i32
        %dma_wait3A_88 = tpu.memref_slice %arg9[%dma_wait3A_86, %dma_wait3A_87] : memref<10000x128xf32, #tpu.memory_space<vmem_shared>> -> memref<10000x128xf32, #tpu.memory_space<vmem_shared>>
        tpu.wait_indirect_dma semaphore(%arg24 : memref<!tpu.dma_semaphore, #tpu.memory_space<semaphore_mem>>) src(%arg14 : memref<40x128xf32, #tpu.memory_space<vmem>>) dst(%dma_wait3A_88 : memref<10000x128xf32, #tpu.memory_space<vmem_shared>>)
        %dma_wait3A_89 = arith.constant 0 : i32
        %dma_wait3A_90 = tpu.memref_slice %arg11[%dma_wait3A_89] : memref<5000xi32, #tpu.memory_space<vmem>> -> memref<40xi32, #tpu.memory_space<vmem>>
        %dma_wait3A_91 = arith.constant 0 : i32
        %dma_wait3A_92 = arith.constant 0 : i32
        %dma_wait3A_93 = tpu.memref_slice %arg9[%dma_wait3A_91, %dma_wait3A_92] : memref<10000x128xf32, #tpu.memory_space<vmem_shared>> -> memref<10000x128xf32, #tpu.memory_space<vmem_shared>>
        tpu.wait_indirect_dma semaphore(%arg25 : memref<!tpu.dma_semaphore, #tpu.memory_space<semaphore_mem>>) src(%arg15 : memref<40x128xf32, #tpu.memory_space<vmem>>) dst(%dma_wait3A_93 : memref<10000x128xf32, #tpu.memory_space<vmem_shared>>)
        %dma_wait3A_94 = arith.constant 0 : i32
        %dma_wait3A_95 = tpu.memref_slice %arg11[%dma_wait3A_94] : memref<5000xi32, #tpu.memory_space<vmem>> -> memref<40xi32, #tpu.memory_space<vmem>>
        %dma_wait3A_96 = arith.constant 0 : i32
        %dma_wait3A_97 = arith.constant 0 : i32
        %dma_wait3A_98 = tpu.memref_slice %arg9[%dma_wait3A_96, %dma_wait3A_97] : memref<10000x128xf32, #tpu.memory_space<vmem_shared>> -> memref<10000x128xf32, #tpu.memory_space<vmem_shared>>
        tpu.wait_indirect_dma semaphore(%arg26 : memref<!tpu.dma_semaphore, #tpu.memory_space<semaphore_mem>>) src(%arg16 : memref<40x128xf32, #tpu.memory_space<vmem>>) dst(%dma_wait3A_98 : memref<10000x128xf32, #tpu.memory_space<vmem_shared>>)
        %dma_wait3A_99 = arith.constant 0 : i32
        %dma_wait3A_100 = tpu.memref_slice %arg11[%dma_wait3A_99] : memref<5000xi32, #tpu.memory_space<vmem>> -> memref<40xi32, #tpu.memory_space<vmem>>
        %dma_wait3A_101 = arith.constant 0 : i32
        %dma_wait3A_102 = arith.constant 0 : i32
        %dma_wait3A_103 = tpu.memref_slice %arg9[%dma_wait3A_101, %dma_wait3A_102] : memref<10000x128xf32, #tpu.memory_space<vmem_shared>> -> memref<10000x128xf32, #tpu.memory_space<vmem_shared>>
        tpu.wait_indirect_dma semaphore(%arg27 : memref<!tpu.dma_semaphore, #tpu.memory_space<semaphore_mem>>) src(%arg17 : memref<40x128xf32, #tpu.memory_space<vmem>>) dst(%dma_wait3A_103 : memref<10000x128xf32, #tpu.memory_space<vmem_shared>>)
        %dma_wait3A_104 = arith.constant 0 : i32
        %dma_wait3A_105 = tpu.memref_slice %arg11[%dma_wait3A_104] : memref<5000xi32, #tpu.memory_space<vmem>> -> memref<40xi32, #tpu.memory_space<vmem>>
        %dma_wait3A_106 = arith.constant 0 : i32
        %dma_wait3A_107 = arith.constant 0 : i32
        %dma_wait3A_108 = tpu.memref_slice %arg9[%dma_wait3A_106, %dma_wait3A_107] : memref<10000x128xf32, #tpu.memory_space<vmem_shared>> -> memref<10000x128xf32, #tpu.memory_space<vmem_shared>>
        tpu.wait_indirect_dma semaphore(%arg28 : memref<!tpu.dma_semaphore, #tpu.memory_space<semaphore_mem>>) src(%arg18 : memref<40x128xf32, #tpu.memory_space<vmem>>) dst(%dma_wait3A_108 : memref<10000x128xf32, #tpu.memory_space<vmem_shared>>)
        %dma_wait3A_109 = arith.constant 0 : i32
        %dma_wait3A_110 = arith.constant 0 : i32
        %dma_wait3A_111 = tpu.memref_slice %arg4[%dma_wait3A_109, %dma_wait3A_110] : memref<2x320000xi32, #tpu.memory_space<hbm>> -> memref<1x5000xi32, #tpu.memory_space<hbm>>
        %dma_wait3A_112 = tpu.memref_squeeze %dma_wait3A_111 : memref<1x5000xi32, #tpu.memory_space<hbm>> -> memref<5000xi32, #tpu.memory_space<hbm>>
        %dma_wait3A_113 = arith.constant 0 : i32
        %dma_wait3A_114 = tpu.memref_slice %arg4[%dma_wait3A_109, %dma_wait3A_113] : memref<2x320000xi32, #tpu.memory_space<hbm>> -> memref<1x5000xi32, #tpu.memory_space<hbm>>
        %dma_wait3A_115 = tpu.memref_squeeze %dma_wait3A_114 : memref<1x5000xi32, #tpu.memory_space<hbm>> -> memref<5000xi32, #tpu.memory_space<hbm>>
        tpu.wait_dma2 semaphore(%arg30 : memref<!tpu.dma_semaphore, #tpu.memory_space<semaphore_mem>>) src(%dma_wait3A_115 : memref<5000xi32, #tpu.memory_space<hbm>>) dst(%arg12 : memref<5000xi32, #tpu.memory_space<vmem>>)
        %dma_wait3A_116 = arith.constant 0 : i32
        %dma_wait3A_117 = arith.constant 0 : i32
        %dma_wait3A_118 = tpu.memref_slice %arg4[%dma_wait3A_116, %dma_wait3A_117] : memref<2x320000xi32, #tpu.memory_space<hbm>> -> memref<1x5000xi32, #tpu.memory_space<hbm>>
        %dma_wait3A_119 = tpu.memref_squeeze %dma_wait3A_118 : memref<1x5000xi32, #tpu.memory_space<hbm>> -> memref<5000xi32, #tpu.memory_space<hbm>>
        %dma_wait3A_120 = arith.constant 0 : i32
        %dma_wait3A_121 = tpu.memref_slice %arg4[%dma_wait3A_116, %dma_wait3A_120] : memref<2x320000xi32, #tpu.memory_space<hbm>> -> memref<1x5000xi32, #tpu.memory_space<hbm>>
        %dma_wait3A_122 = tpu.memref_squeeze %dma_wait3A_121 : memref<1x5000xi32, #tpu.memory_space<hbm>> -> memref<5000xi32, #tpu.memory_space<hbm>>
        tpu.wait_dma2 semaphore(%arg30 : memref<!tpu.dma_semaphore, #tpu.memory_space<semaphore_mem>>) src(%dma_wait3A_122 : memref<5000xi32, #tpu.memory_space<hbm>>) dst(%arg13 : memref<5000xi32, #tpu.memory_space<vmem>>)
        %lt3A = arith.constant 1 : i32
        %lt3A_123 = arith.cmpi slt, %add3A_34, %lt3A : i32
        %convert_element_type3A_124 = arith.extui %lt3A_123 : i1 to i32
        %cond3A_125 = arith.constant 0 : i32
        %cond3A_126 = arith.cmpi ne, %convert_element_type3A_124, %cond3A_125 : i32
        scf.if %cond3A_126 {
          %add3A_182 = arith.constant 2 : i32
          %add3A_183 = arith.addi %mul3A_36, %add3A_182 : i32
          %mul3A_184 = arith.constant 5000 : i32
          %mul3A_185 = arith.muli %add3A_183, %mul3A_184 : i32
          %add3A_186 = arith.addi %mul3A_4, %mul3A_185 : i32
          %dma_start3A_187 = arith.constant 0 : i32
          %dma_start3A_188 = tpu.memref_slice %arg4[%dma_start3A_187, %add3A_186] : memref<2x320000xi32, #tpu.memory_space<hbm>> -> memref<1x5000xi32, #tpu.memory_space<hbm>>
          %dma_start3A_189 = tpu.memref_squeeze %dma_start3A_188 : memref<1x5000xi32, #tpu.memory_space<hbm>> -> memref<5000xi32, #tpu.memory_space<hbm>>
          %dma_start3A_190 = tpu.memref_slice %arg4[%dma_start3A_187, %add3A_186] : memref<2x320000xi32, #tpu.memory_space<hbm>> -> memref<1x5000xi32, #tpu.memory_space<hbm>>
          %dma_start3A_191 = tpu.memref_squeeze %dma_start3A_190 : memref<1x5000xi32, #tpu.memory_space<hbm>> -> memref<5000xi32, #tpu.memory_space<hbm>>
          tpu.enqueue_dma source(%dma_start3A_191 : memref<5000xi32, #tpu.memory_space<hbm>>) target(%arg10 : memref<5000xi32, #tpu.memory_space<vmem>>) target_semaphore(%arg29 : memref<!tpu.dma_semaphore, #tpu.memory_space<semaphore_mem>>)
          %dma_start3A_192 = arith.constant 1 : i32
          %dma_start3A_193 = tpu.memref_slice %arg4[%dma_start3A_192, %add3A_186] : memref<2x320000xi32, #tpu.memory_space<hbm>> -> memref<1x5000xi32, #tpu.memory_space<hbm>>
          %dma_start3A_194 = tpu.memref_squeeze %dma_start3A_193 : memref<1x5000xi32, #tpu.memory_space<hbm>> -> memref<5000xi32, #tpu.memory_space<hbm>>
          %dma_start3A_195 = tpu.memref_slice %arg4[%dma_start3A_192, %add3A_186] : memref<2x320000xi32, #tpu.memory_space<hbm>> -> memref<1x5000xi32, #tpu.memory_space<hbm>>
          %dma_start3A_196 = tpu.memref_squeeze %dma_start3A_195 : memref<1x5000xi32, #tpu.memory_space<hbm>> -> memref<5000xi32, #tpu.memory_space<hbm>>
          tpu.enqueue_dma source(%dma_start3A_196 : memref<5000xi32, #tpu.memory_space<hbm>>) target(%arg11 : memref<5000xi32, #tpu.memory_space<vmem>>) target_semaphore(%arg29 : memref<!tpu.dma_semaphore, #tpu.memory_space<semaphore_mem>>)
        } else {
        }
        %dma_start3A_127 = arith.constant 0 : i32
        %dma_start3A_128 = tpu.memref_slice %arg12[%dma_start3A_127] : memref<5000xi32, #tpu.memory_space<vmem>> -> memref<40xi32, #tpu.memory_space<vmem>>
        %dma_start3A_129 = arith.constant 0 : i32
        %dma_start3A_130 = arith.constant 0 : i32
        %dma_start3A_131 = tpu.memref_slice %arg2[%dma_start3A_129, %dma_start3A_130] : memref<10000x128xf32, #tpu.memory_space<hbm>> -> memref<10000x128xf32, #tpu.memory_space<hbm>>
        tpu.enqueue_indirect_dma source(%dma_start3A_131 : memref<10000x128xf32, #tpu.memory_space<hbm>>) target(%arg14 : memref<40x128xf32, #tpu.memory_space<vmem>>) offsets(%dma_start3A_128 : memref<40xi32, #tpu.memory_space<vmem>>) semaphore(%arg19 : memref<!tpu.dma_semaphore, #tpu.memory_space<semaphore_mem>>)
        %dma_start3A_132 = arith.constant 40 : i32
        %dma_start3A_133 = tpu.memref_slice %arg12[%dma_start3A_132] : memref<5000xi32, #tpu.memory_space<vmem>> -> memref<40xi32, #tpu.memory_space<vmem>>
        %dma_start3A_134 = arith.constant 0 : i32
        %dma_start3A_135 = arith.constant 0 : i32
        %dma_start3A_136 = tpu.memref_slice %arg2[%dma_start3A_134, %dma_start3A_135] : memref<10000x128xf32, #tpu.memory_space<hbm>> -> memref<10000x128xf32, #tpu.memory_space<hbm>>
        tpu.enqueue_indirect_dma source(%dma_start3A_136 : memref<10000x128xf32, #tpu.memory_space<hbm>>) target(%arg15 : memref<40x128xf32, #tpu.memory_space<vmem>>) offsets(%dma_start3A_133 : memref<40xi32, #tpu.memory_space<vmem>>) semaphore(%arg20 : memref<!tpu.dma_semaphore, #tpu.memory_space<semaphore_mem>>)
        %dma_start3A_137 = arith.constant 80 : i32
        %dma_start3A_138 = tpu.memref_slice %arg12[%dma_start3A_137] : memref<5000xi32, #tpu.memory_space<vmem>> -> memref<40xi32, #tpu.memory_space<vmem>>
        %dma_start3A_139 = arith.constant 0 : i32
        %dma_start3A_140 = arith.constant 0 : i32
        %dma_start3A_141 = tpu.memref_slice %arg2[%dma_start3A_139, %dma_start3A_140] : memref<10000x128xf32, #tpu.memory_space<hbm>> -> memref<10000x128xf32, #tpu.memory_space<hbm>>
        tpu.enqueue_indirect_dma source(%dma_start3A_141 : memref<10000x128xf32, #tpu.memory_space<hbm>>) target(%arg16 : memref<40x128xf32, #tpu.memory_space<vmem>>) offsets(%dma_start3A_138 : memref<40xi32, #tpu.memory_space<vmem>>) semaphore(%arg21 : memref<!tpu.dma_semaphore, #tpu.memory_space<semaphore_mem>>)
        %dma_start3A_142 = arith.constant 120 : i32
        %dma_start3A_143 = tpu.memref_slice %arg12[%dma_start3A_142] : memref<5000xi32, #tpu.memory_space<vmem>> -> memref<40xi32, #tpu.memory_space<vmem>>
        %dma_start3A_144 = arith.constant 0 : i32
        %dma_start3A_145 = arith.constant 0 : i32
        %dma_start3A_146 = tpu.memref_slice %arg2[%dma_start3A_144, %dma_start3A_145] : memref<10000x128xf32, #tpu.memory_space<hbm>> -> memref<10000x128xf32, #tpu.memory_space<hbm>>
        tpu.enqueue_indirect_dma source(%dma_start3A_146 : memref<10000x128xf32, #tpu.memory_space<hbm>>) target(%arg17 : memref<40x128xf32, #tpu.memory_space<vmem>>) offsets(%dma_start3A_143 : memref<40xi32, #tpu.memory_space<vmem>>) semaphore(%arg22 : memref<!tpu.dma_semaphore, #tpu.memory_space<semaphore_mem>>)
        %dma_start3A_147 = arith.constant 160 : i32
        %dma_start3A_148 = tpu.memref_slice %arg12[%dma_start3A_147] : memref<5000xi32, #tpu.memory_space<vmem>> -> memref<40xi32, #tpu.memory_space<vmem>>
        %dma_start3A_149 = arith.constant 0 : i32
        %dma_start3A_150 = arith.constant 0 : i32
        %dma_start3A_151 = tpu.memref_slice %arg2[%dma_start3A_149, %dma_start3A_150] : memref<10000x128xf32, #tpu.memory_space<hbm>> -> memref<10000x128xf32, #tpu.memory_space<hbm>>
        tpu.enqueue_indirect_dma source(%dma_start3A_151 : memref<10000x128xf32, #tpu.memory_space<hbm>>) target(%arg18 : memref<40x128xf32, #tpu.memory_space<vmem>>) offsets(%dma_start3A_148 : memref<40xi32, #tpu.memory_space<vmem>>) semaphore(%arg23 : memref<!tpu.dma_semaphore, #tpu.memory_space<semaphore_mem>>)
        %scan3A_152 = arith.constant 0 : i32
        %scan3A_153 = arith.constant 25 : i32
        %scan3A_154 = arith.addi %scan3A_152, %scan3A_153 : i32
        %scan3A_155 = arith.constant 1 : i32
        scf.for %scan3A_182 = %scan3A_152 to %scan3A_154 step %scan3A_155  : i32 {
          %mul3A_183 = arith.constant 1 : i32
          %mul3A_184 = arith.muli %scan3A_182, %mul3A_183 : i32
          %add3A_185 = arith.constant 0 : i32
          %add3A_186 = arith.addi %add3A_185, %mul3A_184 : i32
          %mul3A_187 = arith.constant 5 : i32
          %mul3A_188 = arith.muli %mul3A_187, %add3A_186 : i32
          %add3A_189 = arith.constant 0 : i32
          %add3A_190 = arith.addi %mul3A_188, %add3A_189 : i32
          %dma_wait3A_191 = arith.constant 0 : i32
          %dma_wait3A_192 = tpu.memref_slice %arg10[%dma_wait3A_191] : memref<5000xi32, #tpu.memory_space<vmem>> -> memref<40xi32, #tpu.memory_space<vmem>>
          %dma_wait3A_193 = arith.constant 0 : i32
          %dma_wait3A_194 = arith.constant 0 : i32
          %dma_wait3A_195 = tpu.memref_slice %arg2[%dma_wait3A_193, %dma_wait3A_194] : memref<10000x128xf32, #tpu.memory_space<hbm>> -> memref<10000x128xf32, #tpu.memory_space<hbm>>
          tpu.wait_indirect_dma semaphore(%arg19 : memref<!tpu.dma_semaphore, #tpu.memory_space<semaphore_mem>>) src(%dma_wait3A_195 : memref<10000x128xf32, #tpu.memory_space<hbm>>) dst(%arg14 : memref<40x128xf32, #tpu.memory_space<vmem>>)
          %mul3A_196 = arith.constant 40 : i32
          %mul3A_197 = arith.muli %add3A_190, %mul3A_196 : i32
          %dma_start3A_198 = tpu.memref_slice %arg13[%mul3A_197] : memref<5000xi32, #tpu.memory_space<vmem>> -> memref<40xi32, #tpu.memory_space<vmem>>
          %dma_start3A_199 = arith.constant 0 : i32
          %dma_start3A_200 = arith.constant 0 : i32
          %dma_start3A_201 = tpu.memref_slice %arg9[%dma_start3A_199, %dma_start3A_200] : memref<10000x128xf32, #tpu.memory_space<vmem_shared>> -> memref<10000x128xf32, #tpu.memory_space<vmem_shared>>
          tpu.enqueue_indirect_dma source(%arg14 : memref<40x128xf32, #tpu.memory_space<vmem>>) target(%dma_start3A_201 : memref<10000x128xf32, #tpu.memory_space<vmem_shared>>) offsets(%dma_start3A_198 : memref<40xi32, #tpu.memory_space<vmem>>) semaphore(%arg24 : memref<!tpu.dma_semaphore, #tpu.memory_space<semaphore_mem>>) {add = true}
          %lt3A_202 = arith.constant 24 : i32
          %lt3A_203 = arith.cmpi slt, %add3A_186, %lt3A_202 : i32
          %convert_element_type3A_204 = arith.extui %lt3A_203 : i1 to i32
          %cond3A_205 = arith.constant 0 : i32
          %cond3A_206 = arith.cmpi ne, %convert_element_type3A_204, %cond3A_205 : i32
          scf.if %cond3A_206 {
            %dma_wait3A_287 = arith.constant 0 : i32
            %dma_wait3A_288 = tpu.memref_slice %arg11[%dma_wait3A_287] : memref<5000xi32, #tpu.memory_space<vmem>> -> memref<40xi32, #tpu.memory_space<vmem>>
            %dma_wait3A_289 = arith.constant 0 : i32
            %dma_wait3A_290 = arith.constant 0 : i32
            %dma_wait3A_291 = tpu.memref_slice %arg9[%dma_wait3A_289, %dma_wait3A_290] : memref<10000x128xf32, #tpu.memory_space<vmem_shared>> -> memref<10000x128xf32, #tpu.memory_space<vmem_shared>>
            tpu.wait_indirect_dma semaphore(%arg24 : memref<!tpu.dma_semaphore, #tpu.memory_space<semaphore_mem>>) src(%arg14 : memref<40x128xf32, #tpu.memory_space<vmem>>) dst(%dma_wait3A_291 : memref<10000x128xf32, #tpu.memory_space<vmem_shared>>)
            %add3A_292 = arith.constant 5 : i32
            %add3A_293 = arith.addi %add3A_190, %add3A_292 : i32
            %mul3A_294 = arith.constant 40 : i32
            %mul3A_295 = arith.muli %add3A_293, %mul3A_294 : i32
            %dma_start3A_296 = tpu.memref_slice %arg12[%mul3A_295] : memref<5000xi32, #tpu.memory_space<vmem>> -> memref<40xi32, #tpu.memory_space<vmem>>
            %dma_start3A_297 = arith.constant 0 : i32
            %dma_start3A_298 = arith.constant 0 : i32
            %dma_start3A_299 = tpu.memref_slice %arg2[%dma_start3A_297, %dma_start3A_298] : memref<10000x128xf32, #tpu.memory_space<hbm>> -> memref<10000x128xf32, #tpu.memory_space<hbm>>
            tpu.enqueue_indirect_dma source(%dma_start3A_299 : memref<10000x128xf32, #tpu.memory_space<hbm>>) target(%arg14 : memref<40x128xf32, #tpu.memory_space<vmem>>) offsets(%dma_start3A_296 : memref<40xi32, #tpu.memory_space<vmem>>) semaphore(%arg19 : memref<!tpu.dma_semaphore, #tpu.memory_space<semaphore_mem>>)
          } else {
          }
          %mul3A_207 = arith.constant 5 : i32
          %mul3A_208 = arith.muli %mul3A_207, %add3A_186 : i32
          %add3A_209 = arith.constant 1 : i32
          %add3A_210 = arith.addi %mul3A_208, %add3A_209 : i32
          %dma_wait3A_211 = arith.constant 0 : i32
          %dma_wait3A_212 = tpu.memref_slice %arg10[%dma_wait3A_211] : memref<5000xi32, #tpu.memory_space<vmem>> -> memref<40xi32, #tpu.memory_space<vmem>>
          %dma_wait3A_213 = arith.constant 0 : i32
          %dma_wait3A_214 = arith.constant 0 : i32
          %dma_wait3A_215 = tpu.memref_slice %arg2[%dma_wait3A_213, %dma_wait3A_214] : memref<10000x128xf32, #tpu.memory_space<hbm>> -> memref<10000x128xf32, #tpu.memory_space<hbm>>
          tpu.wait_indirect_dma semaphore(%arg20 : memref<!tpu.dma_semaphore, #tpu.memory_space<semaphore_mem>>) src(%dma_wait3A_215 : memref<10000x128xf32, #tpu.memory_space<hbm>>) dst(%arg15 : memref<40x128xf32, #tpu.memory_space<vmem>>)
          %mul3A_216 = arith.constant 40 : i32
          %mul3A_217 = arith.muli %add3A_210, %mul3A_216 : i32
          %dma_start3A_218 = tpu.memref_slice %arg13[%mul3A_217] : memref<5000xi32, #tpu.memory_space<vmem>> -> memref<40xi32, #tpu.memory_space<vmem>>
          %dma_start3A_219 = arith.constant 0 : i32
          %dma_start3A_220 = arith.constant 0 : i32
          %dma_start3A_221 = tpu.memref_slice %arg9[%dma_start3A_219, %dma_start3A_220] : memref<10000x128xf32, #tpu.memory_space<vmem_shared>> -> memref<10000x128xf32, #tpu.memory_space<vmem_shared>>
          tpu.enqueue_indirect_dma source(%arg15 : memref<40x128xf32, #tpu.memory_space<vmem>>) target(%dma_start3A_221 : memref<10000x128xf32, #tpu.memory_space<vmem_shared>>) offsets(%dma_start3A_218 : memref<40xi32, #tpu.memory_space<vmem>>) semaphore(%arg25 : memref<!tpu.dma_semaphore, #tpu.memory_space<semaphore_mem>>) {add = true}
          %lt3A_222 = arith.constant 24 : i32
          %lt3A_223 = arith.cmpi slt, %add3A_186, %lt3A_222 : i32
          %convert_element_type3A_224 = arith.extui %lt3A_223 : i1 to i32
          %cond3A_225 = arith.constant 0 : i32
          %cond3A_226 = arith.cmpi ne, %convert_element_type3A_224, %cond3A_225 : i32
          scf.if %cond3A_226 {
            %dma_wait3A_287 = arith.constant 0 : i32
            %dma_wait3A_288 = tpu.memref_slice %arg11[%dma_wait3A_287] : memref<5000xi32, #tpu.memory_space<vmem>> -> memref<40xi32, #tpu.memory_space<vmem>>
            %dma_wait3A_289 = arith.constant 0 : i32
            %dma_wait3A_290 = arith.constant 0 : i32
            %dma_wait3A_291 = tpu.memref_slice %arg9[%dma_wait3A_289, %dma_wait3A_290] : memref<10000x128xf32, #tpu.memory_space<vmem_shared>> -> memref<10000x128xf32, #tpu.memory_space<vmem_shared>>
            tpu.wait_indirect_dma semaphore(%arg25 : memref<!tpu.dma_semaphore, #tpu.memory_space<semaphore_mem>>) src(%arg15 : memref<40x128xf32, #tpu.memory_space<vmem>>) dst(%dma_wait3A_291 : memref<10000x128xf32, #tpu.memory_space<vmem_shared>>)
            %add3A_292 = arith.constant 5 : i32
            %add3A_293 = arith.addi %add3A_210, %add3A_292 : i32
            %mul3A_294 = arith.constant 40 : i32
            %mul3A_295 = arith.muli %add3A_293, %mul3A_294 : i32
            %dma_start3A_296 = tpu.memref_slice %arg12[%mul3A_295] : memref<5000xi32, #tpu.memory_space<vmem>> -> memref<40xi32, #tpu.memory_space<vmem>>
            %dma_start3A_297 = arith.constant 0 : i32
            %dma_start3A_298 = arith.constant 0 : i32
            %dma_start3A_299 = tpu.memref_slice %arg2[%dma_start3A_297, %dma_start3A_298] : memref<10000x128xf32, #tpu.memory_space<hbm>> -> memref<10000x128xf32, #tpu.memory_space<hbm>>
            tpu.enqueue_indirect_dma source(%dma_start3A_299 : memref<10000x128xf32, #tpu.memory_space<hbm>>) target(%arg15 : memref<40x128xf32, #tpu.memory_space<vmem>>) offsets(%dma_start3A_296 : memref<40xi32, #tpu.memory_space<vmem>>) semaphore(%arg20 : memref<!tpu.dma_semaphore, #tpu.memory_space<semaphore_mem>>)
          } else {
          }
          %mul3A_227 = arith.constant 5 : i32
          %mul3A_228 = arith.muli %mul3A_227, %add3A_186 : i32
          %add3A_229 = arith.constant 2 : i32
          %add3A_230 = arith.addi %mul3A_228, %add3A_229 : i32
          %dma_wait3A_231 = arith.constant 0 : i32
          %dma_wait3A_232 = tpu.memref_slice %arg10[%dma_wait3A_231] : memref<5000xi32, #tpu.memory_space<vmem>> -> memref<40xi32, #tpu.memory_space<vmem>>
          %dma_wait3A_233 = arith.constant 0 : i32
          %dma_wait3A_234 = arith.constant 0 : i32
          %dma_wait3A_235 = tpu.memref_slice %arg2[%dma_wait3A_233, %dma_wait3A_234] : memref<10000x128xf32, #tpu.memory_space<hbm>> -> memref<10000x128xf32, #tpu.memory_space<hbm>>
          tpu.wait_indirect_dma semaphore(%arg21 : memref<!tpu.dma_semaphore, #tpu.memory_space<semaphore_mem>>) src(%dma_wait3A_235 : memref<10000x128xf32, #tpu.memory_space<hbm>>) dst(%arg16 : memref<40x128xf32, #tpu.memory_space<vmem>>)
          %mul3A_236 = arith.constant 40 : i32
          %mul3A_237 = arith.muli %add3A_230, %mul3A_236 : i32
          %dma_start3A_238 = tpu.memref_slice %arg13[%mul3A_237] : memref<5000xi32, #tpu.memory_space<vmem>> -> memref<40xi32, #tpu.memory_space<vmem>>
          %dma_start3A_239 = arith.constant 0 : i32
          %dma_start3A_240 = arith.constant 0 : i32
          %dma_start3A_241 = tpu.memref_slice %arg9[%dma_start3A_239, %dma_start3A_240] : memref<10000x128xf32, #tpu.memory_space<vmem_shared>> -> memref<10000x128xf32, #tpu.memory_space<vmem_shared>>
          tpu.enqueue_indirect_dma source(%arg16 : memref<40x128xf32, #tpu.memory_space<vmem>>) target(%dma_start3A_241 : memref<10000x128xf32, #tpu.memory_space<vmem_shared>>) offsets(%dma_start3A_238 : memref<40xi32, #tpu.memory_space<vmem>>) semaphore(%arg26 : memref<!tpu.dma_semaphore, #tpu.memory_space<semaphore_mem>>) {add = true}
          %lt3A_242 = arith.constant 24 : i32
          %lt3A_243 = arith.cmpi slt, %add3A_186, %lt3A_242 : i32
          %convert_element_type3A_244 = arith.extui %lt3A_243 : i1 to i32
          %cond3A_245 = arith.constant 0 : i32
          %cond3A_246 = arith.cmpi ne, %convert_element_type3A_244, %cond3A_245 : i32
          scf.if %cond3A_246 {
            %dma_wait3A_287 = arith.constant 0 : i32
            %dma_wait3A_288 = tpu.memref_slice %arg11[%dma_wait3A_287] : memref<5000xi32, #tpu.memory_space<vmem>> -> memref<40xi32, #tpu.memory_space<vmem>>
            %dma_wait3A_289 = arith.constant 0 : i32
            %dma_wait3A_290 = arith.constant 0 : i32
            %dma_wait3A_291 = tpu.memref_slice %arg9[%dma_wait3A_289, %dma_wait3A_290] : memref<10000x128xf32, #tpu.memory_space<vmem_shared>> -> memref<10000x128xf32, #tpu.memory_space<vmem_shared>>
            tpu.wait_indirect_dma semaphore(%arg26 : memref<!tpu.dma_semaphore, #tpu.memory_space<semaphore_mem>>) src(%arg16 : memref<40x128xf32, #tpu.memory_space<vmem>>) dst(%dma_wait3A_291 : memref<10000x128xf32, #tpu.memory_space<vmem_shared>>)
            %add3A_292 = arith.constant 5 : i32
            %add3A_293 = arith.addi %add3A_230, %add3A_292 : i32
            %mul3A_294 = arith.constant 40 : i32
            %mul3A_295 = arith.muli %add3A_293, %mul3A_294 : i32
            %dma_start3A_296 = tpu.memref_slice %arg12[%mul3A_295] : memref<5000xi32, #tpu.memory_space<vmem>> -> memref<40xi32, #tpu.memory_space<vmem>>
            %dma_start3A_297 = arith.constant 0 : i32
            %dma_start3A_298 = arith.constant 0 : i32
            %dma_start3A_299 = tpu.memref_slice %arg2[%dma_start3A_297, %dma_start3A_298] : memref<10000x128xf32, #tpu.memory_space<hbm>> -> memref<10000x128xf32, #tpu.memory_space<hbm>>
            tpu.enqueue_indirect_dma source(%dma_start3A_299 : memref<10000x128xf32, #tpu.memory_space<hbm>>) target(%arg16 : memref<40x128xf32, #tpu.memory_space<vmem>>) offsets(%dma_start3A_296 : memref<40xi32, #tpu.memory_space<vmem>>) semaphore(%arg21 : memref<!tpu.dma_semaphore, #tpu.memory_space<semaphore_mem>>)
          } else {
          }
          %mul3A_247 = arith.constant 5 : i32
          %mul3A_248 = arith.muli %mul3A_247, %add3A_186 : i32
          %add3A_249 = arith.constant 3 : i32
          %add3A_250 = arith.addi %mul3A_248, %add3A_249 : i32
          %dma_wait3A_251 = arith.constant 0 : i32
          %dma_wait3A_252 = tpu.memref_slice %arg10[%dma_wait3A_251] : memref<5000xi32, #tpu.memory_space<vmem>> -> memref<40xi32, #tpu.memory_space<vmem>>
          %dma_wait3A_253 = arith.constant 0 : i32
          %dma_wait3A_254 = arith.constant 0 : i32
          %dma_wait3A_255 = tpu.memref_slice %arg2[%dma_wait3A_253, %dma_wait3A_254] : memref<10000x128xf32, #tpu.memory_space<hbm>> -> memref<10000x128xf32, #tpu.memory_space<hbm>>
          tpu.wait_indirect_dma semaphore(%arg22 : memref<!tpu.dma_semaphore, #tpu.memory_space<semaphore_mem>>) src(%dma_wait3A_255 : memref<10000x128xf32, #tpu.memory_space<hbm>>) dst(%arg17 : memref<40x128xf32, #tpu.memory_space<vmem>>)
          %mul3A_256 = arith.constant 40 : i32
          %mul3A_257 = arith.muli %add3A_250, %mul3A_256 : i32
          %dma_start3A_258 = tpu.memref_slice %arg13[%mul3A_257] : memref<5000xi32, #tpu.memory_space<vmem>> -> memref<40xi32, #tpu.memory_space<vmem>>
          %dma_start3A_259 = arith.constant 0 : i32
          %dma_start3A_260 = arith.constant 0 : i32
          %dma_start3A_261 = tpu.memref_slice %arg9[%dma_start3A_259, %dma_start3A_260] : memref<10000x128xf32, #tpu.memory_space<vmem_shared>> -> memref<10000x128xf32, #tpu.memory_space<vmem_shared>>
          tpu.enqueue_indirect_dma source(%arg17 : memref<40x128xf32, #tpu.memory_space<vmem>>) target(%dma_start3A_261 : memref<10000x128xf32, #tpu.memory_space<vmem_shared>>) offsets(%dma_start3A_258 : memref<40xi32, #tpu.memory_space<vmem>>) semaphore(%arg27 : memref<!tpu.dma_semaphore, #tpu.memory_space<semaphore_mem>>) {add = true}
          %lt3A_262 = arith.constant 24 : i32
          %lt3A_263 = arith.cmpi slt, %add3A_186, %lt3A_262 : i32
          %convert_element_type3A_264 = arith.extui %lt3A_263 : i1 to i32
          %cond3A_265 = arith.constant 0 : i32
          %cond3A_266 = arith.cmpi ne, %convert_element_type3A_264, %cond3A_265 : i32
          scf.if %cond3A_266 {
            %dma_wait3A_287 = arith.constant 0 : i32
            %dma_wait3A_288 = tpu.memref_slice %arg11[%dma_wait3A_287] : memref<5000xi32, #tpu.memory_space<vmem>> -> memref<40xi32, #tpu.memory_space<vmem>>
            %dma_wait3A_289 = arith.constant 0 : i32
            %dma_wait3A_290 = arith.constant 0 : i32
            %dma_wait3A_291 = tpu.memref_slice %arg9[%dma_wait3A_289, %dma_wait3A_290] : memref<10000x128xf32, #tpu.memory_space<vmem_shared>> -> memref<10000x128xf32, #tpu.memory_space<vmem_shared>>
            tpu.wait_indirect_dma semaphore(%arg27 : memref<!tpu.dma_semaphore, #tpu.memory_space<semaphore_mem>>) src(%arg17 : memref<40x128xf32, #tpu.memory_space<vmem>>) dst(%dma_wait3A_291 : memref<10000x128xf32, #tpu.memory_space<vmem_shared>>)
            %add3A_292 = arith.constant 5 : i32
            %add3A_293 = arith.addi %add3A_250, %add3A_292 : i32
            %mul3A_294 = arith.constant 40 : i32
            %mul3A_295 = arith.muli %add3A_293, %mul3A_294 : i32
            %dma_start3A_296 = tpu.memref_slice %arg12[%mul3A_295] : memref<5000xi32, #tpu.memory_space<vmem>> -> memref<40xi32, #tpu.memory_space<vmem>>
            %dma_start3A_297 = arith.constant 0 : i32
            %dma_start3A_298 = arith.constant 0 : i32
            %dma_start3A_299 = tpu.memref_slice %arg2[%dma_start3A_297, %dma_start3A_298] : memref<10000x128xf32, #tpu.memory_space<hbm>> -> memref<10000x128xf32, #tpu.memory_space<hbm>>
            tpu.enqueue_indirect_dma source(%dma_start3A_299 : memref<10000x128xf32, #tpu.memory_space<hbm>>) target(%arg17 : memref<40x128xf32, #tpu.memory_space<vmem>>) offsets(%dma_start3A_296 : memref<40xi32, #tpu.memory_space<vmem>>) semaphore(%arg22 : memref<!tpu.dma_semaphore, #tpu.memory_space<semaphore_mem>>)
          } else {
          }
          %mul3A_267 = arith.constant 5 : i32
          %mul3A_268 = arith.muli %mul3A_267, %add3A_186 : i32
          %add3A_269 = arith.constant 4 : i32
          %add3A_270 = arith.addi %mul3A_268, %add3A_269 : i32
          %dma_wait3A_271 = arith.constant 0 : i32
          %dma_wait3A_272 = tpu.memref_slice %arg10[%dma_wait3A_271] : memref<5000xi32, #tpu.memory_space<vmem>> -> memref<40xi32, #tpu.memory_space<vmem>>
          %dma_wait3A_273 = arith.constant 0 : i32
          %dma_wait3A_274 = arith.constant 0 : i32
          %dma_wait3A_275 = tpu.memref_slice %arg2[%dma_wait3A_273, %dma_wait3A_274] : memref<10000x128xf32, #tpu.memory_space<hbm>> -> memref<10000x128xf32, #tpu.memory_space<hbm>>
          tpu.wait_indirect_dma semaphore(%arg23 : memref<!tpu.dma_semaphore, #tpu.memory_space<semaphore_mem>>) src(%dma_wait3A_275 : memref<10000x128xf32, #tpu.memory_space<hbm>>) dst(%arg18 : memref<40x128xf32, #tpu.memory_space<vmem>>)
          %mul3A_276 = arith.constant 40 : i32
          %mul3A_277 = arith.muli %add3A_270, %mul3A_276 : i32
          %dma_start3A_278 = tpu.memref_slice %arg13[%mul3A_277] : memref<5000xi32, #tpu.memory_space<vmem>> -> memref<40xi32, #tpu.memory_space<vmem>>
          %dma_start3A_279 = arith.constant 0 : i32
          %dma_start3A_280 = arith.constant 0 : i32
          %dma_start3A_281 = tpu.memref_slice %arg9[%dma_start3A_279, %dma_start3A_280] : memref<10000x128xf32, #tpu.memory_space<vmem_shared>> -> memref<10000x128xf32, #tpu.memory_space<vmem_shared>>
          tpu.enqueue_indirect_dma source(%arg18 : memref<40x128xf32, #tpu.memory_space<vmem>>) target(%dma_start3A_281 : memref<10000x128xf32, #tpu.memory_space<vmem_shared>>) offsets(%dma_start3A_278 : memref<40xi32, #tpu.memory_space<vmem>>) semaphore(%arg28 : memref<!tpu.dma_semaphore, #tpu.memory_space<semaphore_mem>>) {add = true}
          %lt3A_282 = arith.constant 24 : i32
          %lt3A_283 = arith.cmpi slt, %add3A_186, %lt3A_282 : i32
          %convert_element_type3A_284 = arith.extui %lt3A_283 : i1 to i32
          %cond3A_285 = arith.constant 0 : i32
          %cond3A_286 = arith.cmpi ne, %convert_element_type3A_284, %cond3A_285 : i32
          scf.if %cond3A_286 {
            %dma_wait3A_287 = arith.constant 0 : i32
            %dma_wait3A_288 = tpu.memref_slice %arg11[%dma_wait3A_287] : memref<5000xi32, #tpu.memory_space<vmem>> -> memref<40xi32, #tpu.memory_space<vmem>>
            %dma_wait3A_289 = arith.constant 0 : i32
            %dma_wait3A_290 = arith.constant 0 : i32
            %dma_wait3A_291 = tpu.memref_slice %arg9[%dma_wait3A_289, %dma_wait3A_290] : memref<10000x128xf32, #tpu.memory_space<vmem_shared>> -> memref<10000x128xf32, #tpu.memory_space<vmem_shared>>
            tpu.wait_indirect_dma semaphore(%arg28 : memref<!tpu.dma_semaphore, #tpu.memory_space<semaphore_mem>>) src(%arg18 : memref<40x128xf32, #tpu.memory_space<vmem>>) dst(%dma_wait3A_291 : memref<10000x128xf32, #tpu.memory_space<vmem_shared>>)
            %add3A_292 = arith.constant 5 : i32
            %add3A_293 = arith.addi %add3A_270, %add3A_292 : i32
            %mul3A_294 = arith.constant 40 : i32
            %mul3A_295 = arith.muli %add3A_293, %mul3A_294 : i32
            %dma_start3A_296 = tpu.memref_slice %arg12[%mul3A_295] : memref<5000xi32, #tpu.memory_space<vmem>> -> memref<40xi32, #tpu.memory_space<vmem>>
            %dma_start3A_297 = arith.constant 0 : i32
            %dma_start3A_298 = arith.constant 0 : i32
            %dma_start3A_299 = tpu.memref_slice %arg2[%dma_start3A_297, %dma_start3A_298] : memref<10000x128xf32, #tpu.memory_space<hbm>> -> memref<10000x128xf32, #tpu.memory_space<hbm>>
            tpu.enqueue_indirect_dma source(%dma_start3A_299 : memref<10000x128xf32, #tpu.memory_space<hbm>>) target(%arg18 : memref<40x128xf32, #tpu.memory_space<vmem>>) offsets(%dma_start3A_296 : memref<40xi32, #tpu.memory_space<vmem>>) semaphore(%arg23 : memref<!tpu.dma_semaphore, #tpu.memory_space<semaphore_mem>>)
          } else {
          }
        }
        %scan3A_156 = arith.constant 25 : i32
        %dma_wait3A_157 = arith.constant 0 : i32
        %dma_wait3A_158 = tpu.memref_slice %arg11[%dma_wait3A_157] : memref<5000xi32, #tpu.memory_space<vmem>> -> memref<40xi32, #tpu.memory_space<vmem>>
        %dma_wait3A_159 = arith.constant 0 : i32
        %dma_wait3A_160 = arith.constant 0 : i32
        %dma_wait3A_161 = tpu.memref_slice %arg9[%dma_wait3A_159, %dma_wait3A_160] : memref<10000x128xf32, #tpu.memory_space<vmem_shared>> -> memref<10000x128xf32, #tpu.memory_space<vmem_shared>>
        tpu.wait_indirect_dma semaphore(%arg24 : memref<!tpu.dma_semaphore, #tpu.memory_space<semaphore_mem>>) src(%arg14 : memref<40x128xf32, #tpu.memory_space<vmem>>) dst(%dma_wait3A_161 : memref<10000x128xf32, #tpu.memory_space<vmem_shared>>)
        %dma_wait3A_162 = arith.constant 0 : i32
        %dma_wait3A_163 = tpu.memref_slice %arg11[%dma_wait3A_162] : memref<5000xi32, #tpu.memory_space<vmem>> -> memref<40xi32, #tpu.memory_space<vmem>>
        %dma_wait3A_164 = arith.constant 0 : i32
        %dma_wait3A_165 = arith.constant 0 : i32
        %dma_wait3A_166 = tpu.memref_slice %arg9[%dma_wait3A_164, %dma_wait3A_165] : memref<10000x128xf32, #tpu.memory_space<vmem_shared>> -> memref<10000x128xf32, #tpu.memory_space<vmem_shared>>
        tpu.wait_indirect_dma semaphore(%arg25 : memref<!tpu.dma_semaphore, #tpu.memory_space<semaphore_mem>>) src(%arg15 : memref<40x128xf32, #tpu.memory_space<vmem>>) dst(%dma_wait3A_166 : memref<10000x128xf32, #tpu.memory_space<vmem_shared>>)
        %dma_wait3A_167 = arith.constant 0 : i32
        %dma_wait3A_168 = tpu.memref_slice %arg11[%dma_wait3A_167] : memref<5000xi32, #tpu.memory_space<vmem>> -> memref<40xi32, #tpu.memory_space<vmem>>
        %dma_wait3A_169 = arith.constant 0 : i32
        %dma_wait3A_170 = arith.constant 0 : i32
        %dma_wait3A_171 = tpu.memref_slice %arg9[%dma_wait3A_169, %dma_wait3A_170] : memref<10000x128xf32, #tpu.memory_space<vmem_shared>> -> memref<10000x128xf32, #tpu.memory_space<vmem_shared>>
        tpu.wait_indirect_dma semaphore(%arg26 : memref<!tpu.dma_semaphore, #tpu.memory_space<semaphore_mem>>) src(%arg16 : memref<40x128xf32, #tpu.memory_space<vmem>>) dst(%dma_wait3A_171 : memref<10000x128xf32, #tpu.memory_space<vmem_shared>>)
        %dma_wait3A_172 = arith.constant 0 : i32
        %dma_wait3A_173 = tpu.memref_slice %arg11[%dma_wait3A_172] : memref<5000xi32, #tpu.memory_space<vmem>> -> memref<40xi32, #tpu.memory_space<vmem>>
        %dma_wait3A_174 = arith.constant 0 : i32
        %dma_wait3A_175 = arith.constant 0 : i32
        %dma_wait3A_176 = tpu.memref_slice %arg9[%dma_wait3A_174, %dma_wait3A_175] : memref<10000x128xf32, #tpu.memory_space<vmem_shared>> -> memref<10000x128xf32, #tpu.memory_space<vmem_shared>>
        tpu.wait_indirect_dma semaphore(%arg27 : memref<!tpu.dma_semaphore, #tpu.memory_space<semaphore_mem>>) src(%arg17 : memref<40x128xf32, #tpu.memory_space<vmem>>) dst(%dma_wait3A_176 : memref<10000x128xf32, #tpu.memory_space<vmem_shared>>)
        %dma_wait3A_177 = arith.constant 0 : i32
        %dma_wait3A_178 = tpu.memref_slice %arg11[%dma_wait3A_177] : memref<5000xi32, #tpu.memory_space<vmem>> -> memref<40xi32, #tpu.memory_space<vmem>>
        %dma_wait3A_179 = arith.constant 0 : i32
        %dma_wait3A_180 = arith.constant 0 : i32
        %dma_wait3A_181 = tpu.memref_slice %arg9[%dma_wait3A_179, %dma_wait3A_180] : memref<10000x128xf32, #tpu.memory_space<vmem_shared>> -> memref<10000x128xf32, #tpu.memory_space<vmem_shared>>
        tpu.wait_indirect_dma semaphore(%arg28 : memref<!tpu.dma_semaphore, #tpu.memory_space<semaphore_mem>>) src(%arg18 : memref<40x128xf32, #tpu.memory_space<vmem>>) dst(%dma_wait3A_181 : memref<10000x128xf32, #tpu.memory_space<vmem_shared>>)
      }
      %scan3A_30 = arith.constant 2 : i32
    } else {
    }
    %eq3A_10 = arith.constant 1 : i32
    %eq3A_11 = arith.cmpi eq, %arg0, %eq3A_10 : i32
    %convert_element_type3A_12 = arith.extui %eq3A_11 : i1 to i32
    %cond3A_13 = arith.constant 0 : i32
    %cond3A_14 = arith.cmpi ne, %convert_element_type3A_12, %cond3A_13 : i32
    scf.if %cond3A_14 {
      %run_scoped3A = arith.constant 0 : i32
      "tpu.region"() ({
        %run_scoped3A_31 = tpu.sem_alloc : memref<!tpu.dma_semaphore, #tpu.memory_space<semaphore_mem>>
        %dma_start3A = tpu.memref_slice %arg5[%run_scoped3A, %mul3A_4] : memref<2x320000xi32, #tpu.memory_space<hbm>> -> memref<1x5000xi32, #tpu.memory_space<hbm>>
        %dma_start3A_32 = tpu.memref_squeeze %dma_start3A : memref<1x5000xi32, #tpu.memory_space<hbm>> -> memref<5000xi32, #tpu.memory_space<hbm>>
        %dma_start3A_33 = tpu.memref_slice %arg5[%run_scoped3A, %mul3A_4] : memref<2x320000xi32, #tpu.memory_space<hbm>> -> memref<1x5000xi32, #tpu.memory_space<hbm>>
        %dma_start3A_34 = tpu.memref_squeeze %dma_start3A_33 : memref<1x5000xi32, #tpu.memory_space<hbm>> -> memref<5000xi32, #tpu.memory_space<hbm>>
        tpu.enqueue_dma source(%dma_start3A_34 : memref<5000xi32, #tpu.memory_space<hbm>>) target(%arg10 : memref<5000xi32, #tpu.memory_space<vmem>>) target_semaphore(%run_scoped3A_31 : memref<!tpu.dma_semaphore, #tpu.memory_space<semaphore_mem>>)
        %dma_wait3A = tpu.memref_slice %arg5[%run_scoped3A, %mul3A_4] : memref<2x320000xi32, #tpu.memory_space<hbm>> -> memref<1x5000xi32, #tpu.memory_space<hbm>>
        %dma_wait3A_35 = tpu.memref_squeeze %dma_wait3A : memref<1x5000xi32, #tpu.memory_space<hbm>> -> memref<5000xi32, #tpu.memory_space<hbm>>
        %dma_wait3A_36 = tpu.memref_slice %arg5[%run_scoped3A, %mul3A_4] : memref<2x320000xi32, #tpu.memory_space<hbm>> -> memref<1x5000xi32, #tpu.memory_space<hbm>>
        %dma_wait3A_37 = tpu.memref_squeeze %dma_wait3A_36 : memref<1x5000xi32, #tpu.memory_space<hbm>> -> memref<5000xi32, #tpu.memory_space<hbm>>
        tpu.wait_dma2 semaphore(%run_scoped3A_31 : memref<!tpu.dma_semaphore, #tpu.memory_space<semaphore_mem>>) src(%dma_wait3A_37 : memref<5000xi32, #tpu.memory_space<hbm>>) dst(%arg10 : memref<5000xi32, #tpu.memory_space<vmem>>)
        tpu.yield
      }) : () -> ()
      %run_scoped3A_26 = arith.constant 1 : i32
      "tpu.region"() ({
        %run_scoped3A_31 = tpu.sem_alloc : memref<!tpu.dma_semaphore, #tpu.memory_space<semaphore_mem>>
        %dma_start3A = tpu.memref_slice %arg5[%run_scoped3A_26, %mul3A_4] : memref<2x320000xi32, #tpu.memory_space<hbm>> -> memref<1x5000xi32, #tpu.memory_space<hbm>>
        %dma_start3A_32 = tpu.memref_squeeze %dma_start3A : memref<1x5000xi32, #tpu.memory_space<hbm>> -> memref<5000xi32, #tpu.memory_space<hbm>>
        %dma_start3A_33 = tpu.memref_slice %arg5[%run_scoped3A_26, %mul3A_4] : memref<2x320000xi32, #tpu.memory_space<hbm>> -> memref<1x5000xi32, #tpu.memory_space<hbm>>
        %dma_start3A_34 = tpu.memref_squeeze %dma_start3A_33 : memref<1x5000xi32, #tpu.memory_space<hbm>> -> memref<5000xi32, #tpu.memory_space<hbm>>
        tpu.enqueue_dma source(%dma_start3A_34 : memref<5000xi32, #tpu.memory_space<hbm>>) target(%arg11 : memref<5000xi32, #tpu.memory_space<vmem>>) target_semaphore(%run_scoped3A_31 : memref<!tpu.dma_semaphore, #tpu.memory_space<semaphore_mem>>)
        %dma_wait3A = tpu.memref_slice %arg5[%run_scoped3A_26, %mul3A_4] : memref<2x320000xi32, #tpu.memory_space<hbm>> -> memref<1x5000xi32, #tpu.memory_space<hbm>>
        %dma_wait3A_35 = tpu.memref_squeeze %dma_wait3A : memref<1x5000xi32, #tpu.memory_space<hbm>> -> memref<5000xi32, #tpu.memory_space<hbm>>
        %dma_wait3A_36 = tpu.memref_slice %arg5[%run_scoped3A_26, %mul3A_4] : memref<2x320000xi32, #tpu.memory_space<hbm>> -> memref<1x5000xi32, #tpu.memory_space<hbm>>
        %dma_wait3A_37 = tpu.memref_squeeze %dma_wait3A_36 : memref<1x5000xi32, #tpu.memory_space<hbm>> -> memref<5000xi32, #tpu.memory_space<hbm>>
        tpu.wait_dma2 semaphore(%run_scoped3A_31 : memref<!tpu.dma_semaphore, #tpu.memory_space<semaphore_mem>>) src(%dma_wait3A_37 : memref<5000xi32, #tpu.memory_space<hbm>>) dst(%arg11 : memref<5000xi32, #tpu.memory_space<vmem>>)
        tpu.yield
      }) : () -> ()
      %scan3A = arith.constant 0 : i32
      %scan3A_27 = arith.constant 2 : i32
      %scan3A_28 = arith.addi %scan3A, %scan3A_27 : i32
      %scan3A_29 = arith.constant 1 : i32
      scf.for %scan3A_31 = %scan3A to %scan3A_28 step %scan3A_29  : i32 {
        %mul3A_32 = arith.constant 1 : i32
        %mul3A_33 = arith.muli %scan3A_31, %mul3A_32 : i32
        %add3A = arith.constant 0 : i32
        %add3A_34 = arith.addi %add3A, %mul3A_33 : i32
        %mul3A_35 = arith.constant 2 : i32
        %mul3A_36 = arith.muli %mul3A_35, %add3A_34 : i32
        %gt3A = arith.constant 0 : i32
        %gt3A_37 = arith.cmpi sgt, %add3A_34, %gt3A : i32
        %convert_element_type3A_38 = arith.extui %gt3A_37 : i1 to i32
        %cond3A_39 = arith.constant 0 : i32
        %cond3A_40 = arith.cmpi ne, %convert_element_type3A_38, %cond3A_39 : i32
        scf.if %cond3A_40 {
          %dma_wait3A_182 = arith.constant 0 : i32
          %dma_wait3A_183 = arith.constant 0 : i32
          %dma_wait3A_184 = tpu.memref_slice %arg5[%dma_wait3A_182, %dma_wait3A_183] : memref<2x320000xi32, #tpu.memory_space<hbm>> -> memref<1x5000xi32, #tpu.memory_space<hbm>>
          %dma_wait3A_185 = tpu.memref_squeeze %dma_wait3A_184 : memref<1x5000xi32, #tpu.memory_space<hbm>> -> memref<5000xi32, #tpu.memory_space<hbm>>
          %dma_wait3A_186 = arith.constant 0 : i32
          %dma_wait3A_187 = tpu.memref_slice %arg5[%dma_wait3A_182, %dma_wait3A_186] : memref<2x320000xi32, #tpu.memory_space<hbm>> -> memref<1x5000xi32, #tpu.memory_space<hbm>>
          %dma_wait3A_188 = tpu.memref_squeeze %dma_wait3A_187 : memref<1x5000xi32, #tpu.memory_space<hbm>> -> memref<5000xi32, #tpu.memory_space<hbm>>
          tpu.wait_dma2 semaphore(%arg29 : memref<!tpu.dma_semaphore, #tpu.memory_space<semaphore_mem>>) src(%dma_wait3A_188 : memref<5000xi32, #tpu.memory_space<hbm>>) dst(%arg10 : memref<5000xi32, #tpu.memory_space<vmem>>)
          %dma_wait3A_189 = arith.constant 0 : i32
          %dma_wait3A_190 = arith.constant 0 : i32
          %dma_wait3A_191 = tpu.memref_slice %arg5[%dma_wait3A_189, %dma_wait3A_190] : memref<2x320000xi32, #tpu.memory_space<hbm>> -> memref<1x5000xi32, #tpu.memory_space<hbm>>
          %dma_wait3A_192 = tpu.memref_squeeze %dma_wait3A_191 : memref<1x5000xi32, #tpu.memory_space<hbm>> -> memref<5000xi32, #tpu.memory_space<hbm>>
          %dma_wait3A_193 = arith.constant 0 : i32
          %dma_wait3A_194 = tpu.memref_slice %arg5[%dma_wait3A_189, %dma_wait3A_193] : memref<2x320000xi32, #tpu.memory_space<hbm>> -> memref<1x5000xi32, #tpu.memory_space<hbm>>
          %dma_wait3A_195 = tpu.memref_squeeze %dma_wait3A_194 : memref<1x5000xi32, #tpu.memory_space<hbm>> -> memref<5000xi32, #tpu.memory_space<hbm>>
          tpu.wait_dma2 semaphore(%arg29 : memref<!tpu.dma_semaphore, #tpu.memory_space<semaphore_mem>>) src(%dma_wait3A_195 : memref<5000xi32, #tpu.memory_space<hbm>>) dst(%arg11 : memref<5000xi32, #tpu.memory_space<vmem>>)
        } else {
        }
        %add3A_41 = arith.constant 1 : i32
        %add3A_42 = arith.addi %mul3A_36, %add3A_41 : i32
        %mul3A_43 = arith.constant 5000 : i32
        %mul3A_44 = arith.muli %add3A_42, %mul3A_43 : i32
        %add3A_45 = arith.addi %mul3A_4, %mul3A_44 : i32
        %dma_start3A = arith.constant 0 : i32
        %dma_start3A_46 = tpu.memref_slice %arg5[%dma_start3A, %add3A_45] : memref<2x320000xi32, #tpu.memory_space<hbm>> -> memref<1x5000xi32, #tpu.memory_space<hbm>>
        %dma_start3A_47 = tpu.memref_squeeze %dma_start3A_46 : memref<1x5000xi32, #tpu.memory_space<hbm>> -> memref<5000xi32, #tpu.memory_space<hbm>>
        %dma_start3A_48 = tpu.memref_slice %arg5[%dma_start3A, %add3A_45] : memref<2x320000xi32, #tpu.memory_space<hbm>> -> memref<1x5000xi32, #tpu.memory_space<hbm>>
        %dma_start3A_49 = tpu.memref_squeeze %dma_start3A_48 : memref<1x5000xi32, #tpu.memory_space<hbm>> -> memref<5000xi32, #tpu.memory_space<hbm>>
        tpu.enqueue_dma source(%dma_start3A_49 : memref<5000xi32, #tpu.memory_space<hbm>>) target(%arg12 : memref<5000xi32, #tpu.memory_space<vmem>>) target_semaphore(%arg30 : memref<!tpu.dma_semaphore, #tpu.memory_space<semaphore_mem>>)
        %dma_start3A_50 = arith.constant 1 : i32
        %dma_start3A_51 = tpu.memref_slice %arg5[%dma_start3A_50, %add3A_45] : memref<2x320000xi32, #tpu.memory_space<hbm>> -> memref<1x5000xi32, #tpu.memory_space<hbm>>
        %dma_start3A_52 = tpu.memref_squeeze %dma_start3A_51 : memref<1x5000xi32, #tpu.memory_space<hbm>> -> memref<5000xi32, #tpu.memory_space<hbm>>
        %dma_start3A_53 = tpu.memref_slice %arg5[%dma_start3A_50, %add3A_45] : memref<2x320000xi32, #tpu.memory_space<hbm>> -> memref<1x5000xi32, #tpu.memory_space<hbm>>
        %dma_start3A_54 = tpu.memref_squeeze %dma_start3A_53 : memref<1x5000xi32, #tpu.memory_space<hbm>> -> memref<5000xi32, #tpu.memory_space<hbm>>
        tpu.enqueue_dma source(%dma_start3A_54 : memref<5000xi32, #tpu.memory_space<hbm>>) target(%arg13 : memref<5000xi32, #tpu.memory_space<vmem>>) target_semaphore(%arg30 : memref<!tpu.dma_semaphore, #tpu.memory_space<semaphore_mem>>)
        %dma_start3A_55 = arith.constant 0 : i32
        %dma_start3A_56 = tpu.memref_slice %arg10[%dma_start3A_55] : memref<5000xi32, #tpu.memory_space<vmem>> -> memref<40xi32, #tpu.memory_space<vmem>>
        %dma_start3A_57 = arith.constant 0 : i32
        %dma_start3A_58 = arith.constant 0 : i32
        %dma_start3A_59 = tpu.memref_slice %arg3[%dma_start3A_57, %dma_start3A_58] : memref<10000x128xf32, #tpu.memory_space<hbm>> -> memref<10000x128xf32, #tpu.memory_space<hbm>>
        tpu.enqueue_indirect_dma source(%dma_start3A_59 : memref<10000x128xf32, #tpu.memory_space<hbm>>) target(%arg14 : memref<40x128xf32, #tpu.memory_space<vmem>>) offsets(%dma_start3A_56 : memref<40xi32, #tpu.memory_space<vmem>>) semaphore(%arg19 : memref<!tpu.dma_semaphore, #tpu.memory_space<semaphore_mem>>)
        %dma_start3A_60 = arith.constant 40 : i32
        %dma_start3A_61 = tpu.memref_slice %arg10[%dma_start3A_60] : memref<5000xi32, #tpu.memory_space<vmem>> -> memref<40xi32, #tpu.memory_space<vmem>>
        %dma_start3A_62 = arith.constant 0 : i32
        %dma_start3A_63 = arith.constant 0 : i32
        %dma_start3A_64 = tpu.memref_slice %arg3[%dma_start3A_62, %dma_start3A_63] : memref<10000x128xf32, #tpu.memory_space<hbm>> -> memref<10000x128xf32, #tpu.memory_space<hbm>>
        tpu.enqueue_indirect_dma source(%dma_start3A_64 : memref<10000x128xf32, #tpu.memory_space<hbm>>) target(%arg15 : memref<40x128xf32, #tpu.memory_space<vmem>>) offsets(%dma_start3A_61 : memref<40xi32, #tpu.memory_space<vmem>>) semaphore(%arg20 : memref<!tpu.dma_semaphore, #tpu.memory_space<semaphore_mem>>)
        %dma_start3A_65 = arith.constant 80 : i32
        %dma_start3A_66 = tpu.memref_slice %arg10[%dma_start3A_65] : memref<5000xi32, #tpu.memory_space<vmem>> -> memref<40xi32, #tpu.memory_space<vmem>>
        %dma_start3A_67 = arith.constant 0 : i32
        %dma_start3A_68 = arith.constant 0 : i32
        %dma_start3A_69 = tpu.memref_slice %arg3[%dma_start3A_67, %dma_start3A_68] : memref<10000x128xf32, #tpu.memory_space<hbm>> -> memref<10000x128xf32, #tpu.memory_space<hbm>>
        tpu.enqueue_indirect_dma source(%dma_start3A_69 : memref<10000x128xf32, #tpu.memory_space<hbm>>) target(%arg16 : memref<40x128xf32, #tpu.memory_space<vmem>>) offsets(%dma_start3A_66 : memref<40xi32, #tpu.memory_space<vmem>>) semaphore(%arg21 : memref<!tpu.dma_semaphore, #tpu.memory_space<semaphore_mem>>)
        %dma_start3A_70 = arith.constant 120 : i32
        %dma_start3A_71 = tpu.memref_slice %arg10[%dma_start3A_70] : memref<5000xi32, #tpu.memory_space<vmem>> -> memref<40xi32, #tpu.memory_space<vmem>>
        %dma_start3A_72 = arith.constant 0 : i32
        %dma_start3A_73 = arith.constant 0 : i32
        %dma_start3A_74 = tpu.memref_slice %arg3[%dma_start3A_72, %dma_start3A_73] : memref<10000x128xf32, #tpu.memory_space<hbm>> -> memref<10000x128xf32, #tpu.memory_space<hbm>>
        tpu.enqueue_indirect_dma source(%dma_start3A_74 : memref<10000x128xf32, #tpu.memory_space<hbm>>) target(%arg17 : memref<40x128xf32, #tpu.memory_space<vmem>>) offsets(%dma_start3A_71 : memref<40xi32, #tpu.memory_space<vmem>>) semaphore(%arg22 : memref<!tpu.dma_semaphore, #tpu.memory_space<semaphore_mem>>)
        %dma_start3A_75 = arith.constant 160 : i32
        %dma_start3A_76 = tpu.memref_slice %arg10[%dma_start3A_75] : memref<5000xi32, #tpu.memory_space<vmem>> -> memref<40xi32, #tpu.memory_space<vmem>>
        %dma_start3A_77 = arith.constant 0 : i32
        %dma_start3A_78 = arith.constant 0 : i32
        %dma_start3A_79 = tpu.memref_slice %arg3[%dma_start3A_77, %dma_start3A_78] : memref<10000x128xf32, #tpu.memory_space<hbm>> -> memref<10000x128xf32, #tpu.memory_space<hbm>>
        tpu.enqueue_indirect_dma source(%dma_start3A_79 : memref<10000x128xf32, #tpu.memory_space<hbm>>) target(%arg18 : memref<40x128xf32, #tpu.memory_space<vmem>>) offsets(%dma_start3A_76 : memref<40xi32, #tpu.memory_space<vmem>>) semaphore(%arg23 : memref<!tpu.dma_semaphore, #tpu.memory_space<semaphore_mem>>)
        %scan3A_80 = arith.constant 0 : i32
        %scan3A_81 = arith.constant 25 : i32
        %scan3A_82 = arith.addi %scan3A_80, %scan3A_81 : i32
        %scan3A_83 = arith.constant 1 : i32
        scf.for %scan3A_182 = %scan3A_80 to %scan3A_82 step %scan3A_83  : i32 {
          %mul3A_183 = arith.constant 1 : i32
          %mul3A_184 = arith.muli %scan3A_182, %mul3A_183 : i32
          %add3A_185 = arith.constant 0 : i32
          %add3A_186 = arith.addi %add3A_185, %mul3A_184 : i32
          %mul3A_187 = arith.constant 5 : i32
          %mul3A_188 = arith.muli %mul3A_187, %add3A_186 : i32
          %add3A_189 = arith.constant 0 : i32
          %add3A_190 = arith.addi %mul3A_188, %add3A_189 : i32
          %dma_wait3A_191 = arith.constant 0 : i32
          %dma_wait3A_192 = tpu.memref_slice %arg10[%dma_wait3A_191] : memref<5000xi32, #tpu.memory_space<vmem>> -> memref<40xi32, #tpu.memory_space<vmem>>
          %dma_wait3A_193 = arith.constant 0 : i32
          %dma_wait3A_194 = arith.constant 0 : i32
          %dma_wait3A_195 = tpu.memref_slice %arg3[%dma_wait3A_193, %dma_wait3A_194] : memref<10000x128xf32, #tpu.memory_space<hbm>> -> memref<10000x128xf32, #tpu.memory_space<hbm>>
          tpu.wait_indirect_dma semaphore(%arg19 : memref<!tpu.dma_semaphore, #tpu.memory_space<semaphore_mem>>) src(%dma_wait3A_195 : memref<10000x128xf32, #tpu.memory_space<hbm>>) dst(%arg14 : memref<40x128xf32, #tpu.memory_space<vmem>>)
          %mul3A_196 = arith.constant 40 : i32
          %mul3A_197 = arith.muli %add3A_190, %mul3A_196 : i32
          %dma_start3A_198 = tpu.memref_slice %arg11[%mul3A_197] : memref<5000xi32, #tpu.memory_space<vmem>> -> memref<40xi32, #tpu.memory_space<vmem>>
          %dma_start3A_199 = arith.constant 0 : i32
          %dma_start3A_200 = arith.constant 0 : i32
          %dma_start3A_201 = tpu.memref_slice %arg9[%dma_start3A_199, %dma_start3A_200] : memref<10000x128xf32, #tpu.memory_space<vmem_shared>> -> memref<10000x128xf32, #tpu.memory_space<vmem_shared>>
          tpu.enqueue_indirect_dma source(%arg14 : memref<40x128xf32, #tpu.memory_space<vmem>>) target(%dma_start3A_201 : memref<10000x128xf32, #tpu.memory_space<vmem_shared>>) offsets(%dma_start3A_198 : memref<40xi32, #tpu.memory_space<vmem>>) semaphore(%arg24 : memref<!tpu.dma_semaphore, #tpu.memory_space<semaphore_mem>>) {add = true}
          %lt3A_202 = arith.constant 24 : i32
          %lt3A_203 = arith.cmpi slt, %add3A_186, %lt3A_202 : i32
          %convert_element_type3A_204 = arith.extui %lt3A_203 : i1 to i32
          %cond3A_205 = arith.constant 0 : i32
          %cond3A_206 = arith.cmpi ne, %convert_element_type3A_204, %cond3A_205 : i32
          scf.if %cond3A_206 {
            %dma_wait3A_287 = arith.constant 0 : i32
            %dma_wait3A_288 = tpu.memref_slice %arg11[%dma_wait3A_287] : memref<5000xi32, #tpu.memory_space<vmem>> -> memref<40xi32, #tpu.memory_space<vmem>>
            %dma_wait3A_289 = arith.constant 0 : i32
            %dma_wait3A_290 = arith.constant 0 : i32
            %dma_wait3A_291 = tpu.memref_slice %arg9[%dma_wait3A_289, %dma_wait3A_290] : memref<10000x128xf32, #tpu.memory_space<vmem_shared>> -> memref<10000x128xf32, #tpu.memory_space<vmem_shared>>
            tpu.wait_indirect_dma semaphore(%arg24 : memref<!tpu.dma_semaphore, #tpu.memory_space<semaphore_mem>>) src(%arg14 : memref<40x128xf32, #tpu.memory_space<vmem>>) dst(%dma_wait3A_291 : memref<10000x128xf32, #tpu.memory_space<vmem_shared>>)
            %add3A_292 = arith.constant 5 : i32
            %add3A_293 = arith.addi %add3A_190, %add3A_292 : i32
            %mul3A_294 = arith.constant 40 : i32
            %mul3A_295 = arith.muli %add3A_293, %mul3A_294 : i32
            %dma_start3A_296 = tpu.memref_slice %arg10[%mul3A_295] : memref<5000xi32, #tpu.memory_space<vmem>> -> memref<40xi32, #tpu.memory_space<vmem>>
            %dma_start3A_297 = arith.constant 0 : i32
            %dma_start3A_298 = arith.constant 0 : i32
            %dma_start3A_299 = tpu.memref_slice %arg3[%dma_start3A_297, %dma_start3A_298] : memref<10000x128xf32, #tpu.memory_space<hbm>> -> memref<10000x128xf32, #tpu.memory_space<hbm>>
            tpu.enqueue_indirect_dma source(%dma_start3A_299 : memref<10000x128xf32, #tpu.memory_space<hbm>>) target(%arg14 : memref<40x128xf32, #tpu.memory_space<vmem>>) offsets(%dma_start3A_296 : memref<40xi32, #tpu.memory_space<vmem>>) semaphore(%arg19 : memref<!tpu.dma_semaphore, #tpu.memory_space<semaphore_mem>>)
          } else {
          }
          %mul3A_207 = arith.constant 5 : i32
          %mul3A_208 = arith.muli %mul3A_207, %add3A_186 : i32
          %add3A_209 = arith.constant 1 : i32
          %add3A_210 = arith.addi %mul3A_208, %add3A_209 : i32
          %dma_wait3A_211 = arith.constant 0 : i32
          %dma_wait3A_212 = tpu.memref_slice %arg10[%dma_wait3A_211] : memref<5000xi32, #tpu.memory_space<vmem>> -> memref<40xi32, #tpu.memory_space<vmem>>
          %dma_wait3A_213 = arith.constant 0 : i32
          %dma_wait3A_214 = arith.constant 0 : i32
          %dma_wait3A_215 = tpu.memref_slice %arg3[%dma_wait3A_213, %dma_wait3A_214] : memref<10000x128xf32, #tpu.memory_space<hbm>> -> memref<10000x128xf32, #tpu.memory_space<hbm>>
          tpu.wait_indirect_dma semaphore(%arg20 : memref<!tpu.dma_semaphore, #tpu.memory_space<semaphore_mem>>) src(%dma_wait3A_215 : memref<10000x128xf32, #tpu.memory_space<hbm>>) dst(%arg15 : memref<40x128xf32, #tpu.memory_space<vmem>>)
          %mul3A_216 = arith.constant 40 : i32
          %mul3A_217 = arith.muli %add3A_210, %mul3A_216 : i32
          %dma_start3A_218 = tpu.memref_slice %arg11[%mul3A_217] : memref<5000xi32, #tpu.memory_space<vmem>> -> memref<40xi32, #tpu.memory_space<vmem>>
          %dma_start3A_219 = arith.constant 0 : i32
          %dma_start3A_220 = arith.constant 0 : i32
          %dma_start3A_221 = tpu.memref_slice %arg9[%dma_start3A_219, %dma_start3A_220] : memref<10000x128xf32, #tpu.memory_space<vmem_shared>> -> memref<10000x128xf32, #tpu.memory_space<vmem_shared>>
          tpu.enqueue_indirect_dma source(%arg15 : memref<40x128xf32, #tpu.memory_space<vmem>>) target(%dma_start3A_221 : memref<10000x128xf32, #tpu.memory_space<vmem_shared>>) offsets(%dma_start3A_218 : memref<40xi32, #tpu.memory_space<vmem>>) semaphore(%arg25 : memref<!tpu.dma_semaphore, #tpu.memory_space<semaphore_mem>>) {add = true}
          %lt3A_222 = arith.constant 24 : i32
          %lt3A_223 = arith.cmpi slt, %add3A_186, %lt3A_222 : i32
          %convert_element_type3A_224 = arith.extui %lt3A_223 : i1 to i32
          %cond3A_225 = arith.constant 0 : i32
          %cond3A_226 = arith.cmpi ne, %convert_element_type3A_224, %cond3A_225 : i32
          scf.if %cond3A_226 {
            %dma_wait3A_287 = arith.constant 0 : i32
            %dma_wait3A_288 = tpu.memref_slice %arg11[%dma_wait3A_287] : memref<5000xi32, #tpu.memory_space<vmem>> -> memref<40xi32, #tpu.memory_space<vmem>>
            %dma_wait3A_289 = arith.constant 0 : i32
            %dma_wait3A_290 = arith.constant 0 : i32
            %dma_wait3A_291 = tpu.memref_slice %arg9[%dma_wait3A_289, %dma_wait3A_290] : memref<10000x128xf32, #tpu.memory_space<vmem_shared>> -> memref<10000x128xf32, #tpu.memory_space<vmem_shared>>
            tpu.wait_indirect_dma semaphore(%arg25 : memref<!tpu.dma_semaphore, #tpu.memory_space<semaphore_mem>>) src(%arg15 : memref<40x128xf32, #tpu.memory_space<vmem>>) dst(%dma_wait3A_291 : memref<10000x128xf32, #tpu.memory_space<vmem_shared>>)
            %add3A_292 = arith.constant 5 : i32
            %add3A_293 = arith.addi %add3A_210, %add3A_292 : i32
            %mul3A_294 = arith.constant 40 : i32
            %mul3A_295 = arith.muli %add3A_293, %mul3A_294 : i32
            %dma_start3A_296 = tpu.memref_slice %arg10[%mul3A_295] : memref<5000xi32, #tpu.memory_space<vmem>> -> memref<40xi32, #tpu.memory_space<vmem>>
            %dma_start3A_297 = arith.constant 0 : i32
            %dma_start3A_298 = arith.constant 0 : i32
            %dma_start3A_299 = tpu.memref_slice %arg3[%dma_start3A_297, %dma_start3A_298] : memref<10000x128xf32, #tpu.memory_space<hbm>> -> memref<10000x128xf32, #tpu.memory_space<hbm>>
            tpu.enqueue_indirect_dma source(%dma_start3A_299 : memref<10000x128xf32, #tpu.memory_space<hbm>>) target(%arg15 : memref<40x128xf32, #tpu.memory_space<vmem>>) offsets(%dma_start3A_296 : memref<40xi32, #tpu.memory_space<vmem>>) semaphore(%arg20 : memref<!tpu.dma_semaphore, #tpu.memory_space<semaphore_mem>>)
          } else {
          }
          %mul3A_227 = arith.constant 5 : i32
          %mul3A_228 = arith.muli %mul3A_227, %add3A_186 : i32
          %add3A_229 = arith.constant 2 : i32
          %add3A_230 = arith.addi %mul3A_228, %add3A_229 : i32
          %dma_wait3A_231 = arith.constant 0 : i32
          %dma_wait3A_232 = tpu.memref_slice %arg10[%dma_wait3A_231] : memref<5000xi32, #tpu.memory_space<vmem>> -> memref<40xi32, #tpu.memory_space<vmem>>
          %dma_wait3A_233 = arith.constant 0 : i32
          %dma_wait3A_234 = arith.constant 0 : i32
          %dma_wait3A_235 = tpu.memref_slice %arg3[%dma_wait3A_233, %dma_wait3A_234] : memref<10000x128xf32, #tpu.memory_space<hbm>> -> memref<10000x128xf32, #tpu.memory_space<hbm>>
          tpu.wait_indirect_dma semaphore(%arg21 : memref<!tpu.dma_semaphore, #tpu.memory_space<semaphore_mem>>) src(%dma_wait3A_235 : memref<10000x128xf32, #tpu.memory_space<hbm>>) dst(%arg16 : memref<40x128xf32, #tpu.memory_space<vmem>>)
          %mul3A_236 = arith.constant 40 : i32
          %mul3A_237 = arith.muli %add3A_230, %mul3A_236 : i32
          %dma_start3A_238 = tpu.memref_slice %arg11[%mul3A_237] : memref<5000xi32, #tpu.memory_space<vmem>> -> memref<40xi32, #tpu.memory_space<vmem>>
          %dma_start3A_239 = arith.constant 0 : i32
          %dma_start3A_240 = arith.constant 0 : i32
          %dma_start3A_241 = tpu.memref_slice %arg9[%dma_start3A_239, %dma_start3A_240] : memref<10000x128xf32, #tpu.memory_space<vmem_shared>> -> memref<10000x128xf32, #tpu.memory_space<vmem_shared>>
          tpu.enqueue_indirect_dma source(%arg16 : memref<40x128xf32, #tpu.memory_space<vmem>>) target(%dma_start3A_241 : memref<10000x128xf32, #tpu.memory_space<vmem_shared>>) offsets(%dma_start3A_238 : memref<40xi32, #tpu.memory_space<vmem>>) semaphore(%arg26 : memref<!tpu.dma_semaphore, #tpu.memory_space<semaphore_mem>>) {add = true}
          %lt3A_242 = arith.constant 24 : i32
          %lt3A_243 = arith.cmpi slt, %add3A_186, %lt3A_242 : i32
          %convert_element_type3A_244 = arith.extui %lt3A_243 : i1 to i32
          %cond3A_245 = arith.constant 0 : i32
          %cond3A_246 = arith.cmpi ne, %convert_element_type3A_244, %cond3A_245 : i32
          scf.if %cond3A_246 {
            %dma_wait3A_287 = arith.constant 0 : i32
            %dma_wait3A_288 = tpu.memref_slice %arg11[%dma_wait3A_287] : memref<5000xi32, #tpu.memory_space<vmem>> -> memref<40xi32, #tpu.memory_space<vmem>>
            %dma_wait3A_289 = arith.constant 0 : i32
            %dma_wait3A_290 = arith.constant 0 : i32
            %dma_wait3A_291 = tpu.memref_slice %arg9[%dma_wait3A_289, %dma_wait3A_290] : memref<10000x128xf32, #tpu.memory_space<vmem_shared>> -> memref<10000x128xf32, #tpu.memory_space<vmem_shared>>
            tpu.wait_indirect_dma semaphore(%arg26 : memref<!tpu.dma_semaphore, #tpu.memory_space<semaphore_mem>>) src(%arg16 : memref<40x128xf32, #tpu.memory_space<vmem>>) dst(%dma_wait3A_291 : memref<10000x128xf32, #tpu.memory_space<vmem_shared>>)
            %add3A_292 = arith.constant 5 : i32
            %add3A_293 = arith.addi %add3A_230, %add3A_292 : i32
            %mul3A_294 = arith.constant 40 : i32
            %mul3A_295 = arith.muli %add3A_293, %mul3A_294 : i32
            %dma_start3A_296 = tpu.memref_slice %arg10[%mul3A_295] : memref<5000xi32, #tpu.memory_space<vmem>> -> memref<40xi32, #tpu.memory_space<vmem>>
            %dma_start3A_297 = arith.constant 0 : i32
            %dma_start3A_298 = arith.constant 0 : i32
            %dma_start3A_299 = tpu.memref_slice %arg3[%dma_start3A_297, %dma_start3A_298] : memref<10000x128xf32, #tpu.memory_space<hbm>> -> memref<10000x128xf32, #tpu.memory_space<hbm>>
            tpu.enqueue_indirect_dma source(%dma_start3A_299 : memref<10000x128xf32, #tpu.memory_space<hbm>>) target(%arg16 : memref<40x128xf32, #tpu.memory_space<vmem>>) offsets(%dma_start3A_296 : memref<40xi32, #tpu.memory_space<vmem>>) semaphore(%arg21 : memref<!tpu.dma_semaphore, #tpu.memory_space<semaphore_mem>>)
          } else {
          }
          %mul3A_247 = arith.constant 5 : i32
          %mul3A_248 = arith.muli %mul3A_247, %add3A_186 : i32
          %add3A_249 = arith.constant 3 : i32
          %add3A_250 = arith.addi %mul3A_248, %add3A_249 : i32
          %dma_wait3A_251 = arith.constant 0 : i32
          %dma_wait3A_252 = tpu.memref_slice %arg10[%dma_wait3A_251] : memref<5000xi32, #tpu.memory_space<vmem>> -> memref<40xi32, #tpu.memory_space<vmem>>
          %dma_wait3A_253 = arith.constant 0 : i32
          %dma_wait3A_254 = arith.constant 0 : i32
          %dma_wait3A_255 = tpu.memref_slice %arg3[%dma_wait3A_253, %dma_wait3A_254] : memref<10000x128xf32, #tpu.memory_space<hbm>> -> memref<10000x128xf32, #tpu.memory_space<hbm>>
          tpu.wait_indirect_dma semaphore(%arg22 : memref<!tpu.dma_semaphore, #tpu.memory_space<semaphore_mem>>) src(%dma_wait3A_255 : memref<10000x128xf32, #tpu.memory_space<hbm>>) dst(%arg17 : memref<40x128xf32, #tpu.memory_space<vmem>>)
          %mul3A_256 = arith.constant 40 : i32
          %mul3A_257 = arith.muli %add3A_250, %mul3A_256 : i32
          %dma_start3A_258 = tpu.memref_slice %arg11[%mul3A_257] : memref<5000xi32, #tpu.memory_space<vmem>> -> memref<40xi32, #tpu.memory_space<vmem>>
          %dma_start3A_259 = arith.constant 0 : i32
          %dma_start3A_260 = arith.constant 0 : i32
          %dma_start3A_261 = tpu.memref_slice %arg9[%dma_start3A_259, %dma_start3A_260] : memref<10000x128xf32, #tpu.memory_space<vmem_shared>> -> memref<10000x128xf32, #tpu.memory_space<vmem_shared>>
          tpu.enqueue_indirect_dma source(%arg17 : memref<40x128xf32, #tpu.memory_space<vmem>>) target(%dma_start3A_261 : memref<10000x128xf32, #tpu.memory_space<vmem_shared>>) offsets(%dma_start3A_258 : memref<40xi32, #tpu.memory_space<vmem>>) semaphore(%arg27 : memref<!tpu.dma_semaphore, #tpu.memory_space<semaphore_mem>>) {add = true}
          %lt3A_262 = arith.constant 24 : i32
          %lt3A_263 = arith.cmpi slt, %add3A_186, %lt3A_262 : i32
          %convert_element_type3A_264 = arith.extui %lt3A_263 : i1 to i32
          %cond3A_265 = arith.constant 0 : i32
          %cond3A_266 = arith.cmpi ne, %convert_element_type3A_264, %cond3A_265 : i32
          scf.if %cond3A_266 {
            %dma_wait3A_287 = arith.constant 0 : i32
            %dma_wait3A_288 = tpu.memref_slice %arg11[%dma_wait3A_287] : memref<5000xi32, #tpu.memory_space<vmem>> -> memref<40xi32, #tpu.memory_space<vmem>>
            %dma_wait3A_289 = arith.constant 0 : i32
            %dma_wait3A_290 = arith.constant 0 : i32
            %dma_wait3A_291 = tpu.memref_slice %arg9[%dma_wait3A_289, %dma_wait3A_290] : memref<10000x128xf32, #tpu.memory_space<vmem_shared>> -> memref<10000x128xf32, #tpu.memory_space<vmem_shared>>
            tpu.wait_indirect_dma semaphore(%arg27 : memref<!tpu.dma_semaphore, #tpu.memory_space<semaphore_mem>>) src(%arg17 : memref<40x128xf32, #tpu.memory_space<vmem>>) dst(%dma_wait3A_291 : memref<10000x128xf32, #tpu.memory_space<vmem_shared>>)
            %add3A_292 = arith.constant 5 : i32
            %add3A_293 = arith.addi %add3A_250, %add3A_292 : i32
            %mul3A_294 = arith.constant 40 : i32
            %mul3A_295 = arith.muli %add3A_293, %mul3A_294 : i32
            %dma_start3A_296 = tpu.memref_slice %arg10[%mul3A_295] : memref<5000xi32, #tpu.memory_space<vmem>> -> memref<40xi32, #tpu.memory_space<vmem>>
            %dma_start3A_297 = arith.constant 0 : i32
            %dma_start3A_298 = arith.constant 0 : i32
            %dma_start3A_299 = tpu.memref_slice %arg3[%dma_start3A_297, %dma_start3A_298] : memref<10000x128xf32, #tpu.memory_space<hbm>> -> memref<10000x128xf32, #tpu.memory_space<hbm>>
            tpu.enqueue_indirect_dma source(%dma_start3A_299 : memref<10000x128xf32, #tpu.memory_space<hbm>>) target(%arg17 : memref<40x128xf32, #tpu.memory_space<vmem>>) offsets(%dma_start3A_296 : memref<40xi32, #tpu.memory_space<vmem>>) semaphore(%arg22 : memref<!tpu.dma_semaphore, #tpu.memory_space<semaphore_mem>>)
          } else {
          }
          %mul3A_267 = arith.constant 5 : i32
          %mul3A_268 = arith.muli %mul3A_267, %add3A_186 : i32
          %add3A_269 = arith.constant 4 : i32
          %add3A_270 = arith.addi %mul3A_268, %add3A_269 : i32
          %dma_wait3A_271 = arith.constant 0 : i32
          %dma_wait3A_272 = tpu.memref_slice %arg10[%dma_wait3A_271] : memref<5000xi32, #tpu.memory_space<vmem>> -> memref<40xi32, #tpu.memory_space<vmem>>
          %dma_wait3A_273 = arith.constant 0 : i32
          %dma_wait3A_274 = arith.constant 0 : i32
          %dma_wait3A_275 = tpu.memref_slice %arg3[%dma_wait3A_273, %dma_wait3A_274] : memref<10000x128xf32, #tpu.memory_space<hbm>> -> memref<10000x128xf32, #tpu.memory_space<hbm>>
          tpu.wait_indirect_dma semaphore(%arg23 : memref<!tpu.dma_semaphore, #tpu.memory_space<semaphore_mem>>) src(%dma_wait3A_275 : memref<10000x128xf32, #tpu.memory_space<hbm>>) dst(%arg18 : memref<40x128xf32, #tpu.memory_space<vmem>>)
          %mul3A_276 = arith.constant 40 : i32
          %mul3A_277 = arith.muli %add3A_270, %mul3A_276 : i32
          %dma_start3A_278 = tpu.memref_slice %arg11[%mul3A_277] : memref<5000xi32, #tpu.memory_space<vmem>> -> memref<40xi32, #tpu.memory_space<vmem>>
          %dma_start3A_279 = arith.constant 0 : i32
          %dma_start3A_280 = arith.constant 0 : i32
          %dma_start3A_281 = tpu.memref_slice %arg9[%dma_start3A_279, %dma_start3A_280] : memref<10000x128xf32, #tpu.memory_space<vmem_shared>> -> memref<10000x128xf32, #tpu.memory_space<vmem_shared>>
          tpu.enqueue_indirect_dma source(%arg18 : memref<40x128xf32, #tpu.memory_space<vmem>>) target(%dma_start3A_281 : memref<10000x128xf32, #tpu.memory_space<vmem_shared>>) offsets(%dma_start3A_278 : memref<40xi32, #tpu.memory_space<vmem>>) semaphore(%arg28 : memref<!tpu.dma_semaphore, #tpu.memory_space<semaphore_mem>>) {add = true}
          %lt3A_282 = arith.constant 24 : i32
          %lt3A_283 = arith.cmpi slt, %add3A_186, %lt3A_282 : i32
          %convert_element_type3A_284 = arith.extui %lt3A_283 : i1 to i32
          %cond3A_285 = arith.constant 0 : i32
          %cond3A_286 = arith.cmpi ne, %convert_element_type3A_284, %cond3A_285 : i32
          scf.if %cond3A_286 {
            %dma_wait3A_287 = arith.constant 0 : i32
            %dma_wait3A_288 = tpu.memref_slice %arg11[%dma_wait3A_287] : memref<5000xi32, #tpu.memory_space<vmem>> -> memref<40xi32, #tpu.memory_space<vmem>>
            %dma_wait3A_289 = arith.constant 0 : i32
            %dma_wait3A_290 = arith.constant 0 : i32
            %dma_wait3A_291 = tpu.memref_slice %arg9[%dma_wait3A_289, %dma_wait3A_290] : memref<10000x128xf32, #tpu.memory_space<vmem_shared>> -> memref<10000x128xf32, #tpu.memory_space<vmem_shared>>
            tpu.wait_indirect_dma semaphore(%arg28 : memref<!tpu.dma_semaphore, #tpu.memory_space<semaphore_mem>>) src(%arg18 : memref<40x128xf32, #tpu.memory_space<vmem>>) dst(%dma_wait3A_291 : memref<10000x128xf32, #tpu.memory_space<vmem_shared>>)
            %add3A_292 = arith.constant 5 : i32
            %add3A_293 = arith.addi %add3A_270, %add3A_292 : i32
            %mul3A_294 = arith.constant 40 : i32
            %mul3A_295 = arith.muli %add3A_293, %mul3A_294 : i32
            %dma_start3A_296 = tpu.memref_slice %arg10[%mul3A_295] : memref<5000xi32, #tpu.memory_space<vmem>> -> memref<40xi32, #tpu.memory_space<vmem>>
            %dma_start3A_297 = arith.constant 0 : i32
            %dma_start3A_298 = arith.constant 0 : i32
            %dma_start3A_299 = tpu.memref_slice %arg3[%dma_start3A_297, %dma_start3A_298] : memref<10000x128xf32, #tpu.memory_space<hbm>> -> memref<10000x128xf32, #tpu.memory_space<hbm>>
            tpu.enqueue_indirect_dma source(%dma_start3A_299 : memref<10000x128xf32, #tpu.memory_space<hbm>>) target(%arg18 : memref<40x128xf32, #tpu.memory_space<vmem>>) offsets(%dma_start3A_296 : memref<40xi32, #tpu.memory_space<vmem>>) semaphore(%arg23 : memref<!tpu.dma_semaphore, #tpu.memory_space<semaphore_mem>>)
          } else {
          }
        }
        %scan3A_84 = arith.constant 25 : i32
        %dma_wait3A = arith.constant 0 : i32
        %dma_wait3A_85 = tpu.memref_slice %arg11[%dma_wait3A] : memref<5000xi32, #tpu.memory_space<vmem>> -> memref<40xi32, #tpu.memory_space<vmem>>
        %dma_wait3A_86 = arith.constant 0 : i32
        %dma_wait3A_87 = arith.constant 0 : i32
        %dma_wait3A_88 = tpu.memref_slice %arg9[%dma_wait3A_86, %dma_wait3A_87] : memref<10000x128xf32, #tpu.memory_space<vmem_shared>> -> memref<10000x128xf32, #tpu.memory_space<vmem_shared>>
        tpu.wait_indirect_dma semaphore(%arg24 : memref<!tpu.dma_semaphore, #tpu.memory_space<semaphore_mem>>) src(%arg14 : memref<40x128xf32, #tpu.memory_space<vmem>>) dst(%dma_wait3A_88 : memref<10000x128xf32, #tpu.memory_space<vmem_shared>>)
        %dma_wait3A_89 = arith.constant 0 : i32
        %dma_wait3A_90 = tpu.memref_slice %arg11[%dma_wait3A_89] : memref<5000xi32, #tpu.memory_space<vmem>> -> memref<40xi32, #tpu.memory_space<vmem>>
        %dma_wait3A_91 = arith.constant 0 : i32
        %dma_wait3A_92 = arith.constant 0 : i32
        %dma_wait3A_93 = tpu.memref_slice %arg9[%dma_wait3A_91, %dma_wait3A_92] : memref<10000x128xf32, #tpu.memory_space<vmem_shared>> -> memref<10000x128xf32, #tpu.memory_space<vmem_shared>>
        tpu.wait_indirect_dma semaphore(%arg25 : memref<!tpu.dma_semaphore, #tpu.memory_space<semaphore_mem>>) src(%arg15 : memref<40x128xf32, #tpu.memory_space<vmem>>) dst(%dma_wait3A_93 : memref<10000x128xf32, #tpu.memory_space<vmem_shared>>)
        %dma_wait3A_94 = arith.constant 0 : i32
        %dma_wait3A_95 = tpu.memref_slice %arg11[%dma_wait3A_94] : memref<5000xi32, #tpu.memory_space<vmem>> -> memref<40xi32, #tpu.memory_space<vmem>>
        %dma_wait3A_96 = arith.constant 0 : i32
        %dma_wait3A_97 = arith.constant 0 : i32
        %dma_wait3A_98 = tpu.memref_slice %arg9[%dma_wait3A_96, %dma_wait3A_97] : memref<10000x128xf32, #tpu.memory_space<vmem_shared>> -> memref<10000x128xf32, #tpu.memory_space<vmem_shared>>
        tpu.wait_indirect_dma semaphore(%arg26 : memref<!tpu.dma_semaphore, #tpu.memory_space<semaphore_mem>>) src(%arg16 : memref<40x128xf32, #tpu.memory_space<vmem>>) dst(%dma_wait3A_98 : memref<10000x128xf32, #tpu.memory_space<vmem_shared>>)
        %dma_wait3A_99 = arith.constant 0 : i32
        %dma_wait3A_100 = tpu.memref_slice %arg11[%dma_wait3A_99] : memref<5000xi32, #tpu.memory_space<vmem>> -> memref<40xi32, #tpu.memory_space<vmem>>
        %dma_wait3A_101 = arith.constant 0 : i32
        %dma_wait3A_102 = arith.constant 0 : i32
        %dma_wait3A_103 = tpu.memref_slice %arg9[%dma_wait3A_101, %dma_wait3A_102] : memref<10000x128xf32, #tpu.memory_space<vmem_shared>> -> memref<10000x128xf32, #tpu.memory_space<vmem_shared>>
        tpu.wait_indirect_dma semaphore(%arg27 : memref<!tpu.dma_semaphore, #tpu.memory_space<semaphore_mem>>) src(%arg17 : memref<40x128xf32, #tpu.memory_space<vmem>>) dst(%dma_wait3A_103 : memref<10000x128xf32, #tpu.memory_space<vmem_shared>>)
        %dma_wait3A_104 = arith.constant 0 : i32
        %dma_wait3A_105 = tpu.memref_slice %arg11[%dma_wait3A_104] : memref<5000xi32, #tpu.memory_space<vmem>> -> memref<40xi32, #tpu.memory_space<vmem>>
        %dma_wait3A_106 = arith.constant 0 : i32
        %dma_wait3A_107 = arith.constant 0 : i32
        %dma_wait3A_108 = tpu.memref_slice %arg9[%dma_wait3A_106, %dma_wait3A_107] : memref<10000x128xf32, #tpu.memory_space<vmem_shared>> -> memref<10000x128xf32, #tpu.memory_space<vmem_shared>>
        tpu.wait_indirect_dma semaphore(%arg28 : memref<!tpu.dma_semaphore, #tpu.memory_space<semaphore_mem>>) src(%arg18 : memref<40x128xf32, #tpu.memory_space<vmem>>) dst(%dma_wait3A_108 : memref<10000x128xf32, #tpu.memory_space<vmem_shared>>)
        %dma_wait3A_109 = arith.constant 0 : i32
        %dma_wait3A_110 = arith.constant 0 : i32
        %dma_wait3A_111 = tpu.memref_slice %arg5[%dma_wait3A_109, %dma_wait3A_110] : memref<2x320000xi32, #tpu.memory_space<hbm>> -> memref<1x5000xi32, #tpu.memory_space<hbm>>
        %dma_wait3A_112 = tpu.memref_squeeze %dma_wait3A_111 : memref<1x5000xi32, #tpu.memory_space<hbm>> -> memref<5000xi32, #tpu.memory_space<hbm>>
        %dma_wait3A_113 = arith.constant 0 : i32
        %dma_wait3A_114 = tpu.memref_slice %arg5[%dma_wait3A_109, %dma_wait3A_113] : memref<2x320000xi32, #tpu.memory_space<hbm>> -> memref<1x5000xi32, #tpu.memory_space<hbm>>
        %dma_wait3A_115 = tpu.memref_squeeze %dma_wait3A_114 : memref<1x5000xi32, #tpu.memory_space<hbm>> -> memref<5000xi32, #tpu.memory_space<hbm>>
        tpu.wait_dma2 semaphore(%arg30 : memref<!tpu.dma_semaphore, #tpu.memory_space<semaphore_mem>>) src(%dma_wait3A_115 : memref<5000xi32, #tpu.memory_space<hbm>>) dst(%arg12 : memref<5000xi32, #tpu.memory_space<vmem>>)
        %dma_wait3A_116 = arith.constant 0 : i32
        %dma_wait3A_117 = arith.constant 0 : i32
        %dma_wait3A_118 = tpu.memref_slice %arg5[%dma_wait3A_116, %dma_wait3A_117] : memref<2x320000xi32, #tpu.memory_space<hbm>> -> memref<1x5000xi32, #tpu.memory_space<hbm>>
        %dma_wait3A_119 = tpu.memref_squeeze %dma_wait3A_118 : memref<1x5000xi32, #tpu.memory_space<hbm>> -> memref<5000xi32, #tpu.memory_space<hbm>>
        %dma_wait3A_120 = arith.constant 0 : i32
        %dma_wait3A_121 = tpu.memref_slice %arg5[%dma_wait3A_116, %dma_wait3A_120] : memref<2x320000xi32, #tpu.memory_space<hbm>> -> memref<1x5000xi32, #tpu.memory_space<hbm>>
        %dma_wait3A_122 = tpu.memref_squeeze %dma_wait3A_121 : memref<1x5000xi32, #tpu.memory_space<hbm>> -> memref<5000xi32, #tpu.memory_space<hbm>>
        tpu.wait_dma2 semaphore(%arg30 : memref<!tpu.dma_semaphore, #tpu.memory_space<semaphore_mem>>) src(%dma_wait3A_122 : memref<5000xi32, #tpu.memory_space<hbm>>) dst(%arg13 : memref<5000xi32, #tpu.memory_space<vmem>>)
        %lt3A = arith.constant 1 : i32
        %lt3A_123 = arith.cmpi slt, %add3A_34, %lt3A : i32
        %convert_element_type3A_124 = arith.extui %lt3A_123 : i1 to i32
        %cond3A_125 = arith.constant 0 : i32
        %cond3A_126 = arith.cmpi ne, %convert_element_type3A_124, %cond3A_125 : i32
        scf.if %cond3A_126 {
          %add3A_182 = arith.constant 2 : i32
          %add3A_183 = arith.addi %mul3A_36, %add3A_182 : i32
          %mul3A_184 = arith.constant 5000 : i32
          %mul3A_185 = arith.muli %add3A_183, %mul3A_184 : i32
          %add3A_186 = arith.addi %mul3A_4, %mul3A_185 : i32
          %dma_start3A_187 = arith.constant 0 : i32
          %dma_start3A_188 = tpu.memref_slice %arg5[%dma_start3A_187, %add3A_186] : memref<2x320000xi32, #tpu.memory_space<hbm>> -> memref<1x5000xi32, #tpu.memory_space<hbm>>
          %dma_start3A_189 = tpu.memref_squeeze %dma_start3A_188 : memref<1x5000xi32, #tpu.memory_space<hbm>> -> memref<5000xi32, #tpu.memory_space<hbm>>
          %dma_start3A_190 = tpu.memref_slice %arg5[%dma_start3A_187, %add3A_186] : memref<2x320000xi32, #tpu.memory_space<hbm>> -> memref<1x5000xi32, #tpu.memory_space<hbm>>
          %dma_start3A_191 = tpu.memref_squeeze %dma_start3A_190 : memref<1x5000xi32, #tpu.memory_space<hbm>> -> memref<5000xi32, #tpu.memory_space<hbm>>
          tpu.enqueue_dma source(%dma_start3A_191 : memref<5000xi32, #tpu.memory_space<hbm>>) target(%arg10 : memref<5000xi32, #tpu.memory_space<vmem>>) target_semaphore(%arg29 : memref<!tpu.dma_semaphore, #tpu.memory_space<semaphore_mem>>)
          %dma_start3A_192 = arith.constant 1 : i32
          %dma_start3A_193 = tpu.memref_slice %arg5[%dma_start3A_192, %add3A_186] : memref<2x320000xi32, #tpu.memory_space<hbm>> -> memref<1x5000xi32, #tpu.memory_space<hbm>>
          %dma_start3A_194 = tpu.memref_squeeze %dma_start3A_193 : memref<1x5000xi32, #tpu.memory_space<hbm>> -> memref<5000xi32, #tpu.memory_space<hbm>>
          %dma_start3A_195 = tpu.memref_slice %arg5[%dma_start3A_192, %add3A_186] : memref<2x320000xi32, #tpu.memory_space<hbm>> -> memref<1x5000xi32, #tpu.memory_space<hbm>>
          %dma_start3A_196 = tpu.memref_squeeze %dma_start3A_195 : memref<1x5000xi32, #tpu.memory_space<hbm>> -> memref<5000xi32, #tpu.memory_space<hbm>>
          tpu.enqueue_dma source(%dma_start3A_196 : memref<5000xi32, #tpu.memory_space<hbm>>) target(%arg11 : memref<5000xi32, #tpu.memory_space<vmem>>) target_semaphore(%arg29 : memref<!tpu.dma_semaphore, #tpu.memory_space<semaphore_mem>>)
        } else {
        }
        %dma_start3A_127 = arith.constant 0 : i32
        %dma_start3A_128 = tpu.memref_slice %arg12[%dma_start3A_127] : memref<5000xi32, #tpu.memory_space<vmem>> -> memref<40xi32, #tpu.memory_space<vmem>>
        %dma_start3A_129 = arith.constant 0 : i32
        %dma_start3A_130 = arith.constant 0 : i32
        %dma_start3A_131 = tpu.memref_slice %arg3[%dma_start3A_129, %dma_start3A_130] : memref<10000x128xf32, #tpu.memory_space<hbm>> -> memref<10000x128xf32, #tpu.memory_space<hbm>>
        tpu.enqueue_indirect_dma source(%dma_start3A_131 : memref<10000x128xf32, #tpu.memory_space<hbm>>) target(%arg14 : memref<40x128xf32, #tpu.memory_space<vmem>>) offsets(%dma_start3A_128 : memref<40xi32, #tpu.memory_space<vmem>>) semaphore(%arg19 : memref<!tpu.dma_semaphore, #tpu.memory_space<semaphore_mem>>)
        %dma_start3A_132 = arith.constant 40 : i32
        %dma_start3A_133 = tpu.memref_slice %arg12[%dma_start3A_132] : memref<5000xi32, #tpu.memory_space<vmem>> -> memref<40xi32, #tpu.memory_space<vmem>>
        %dma_start3A_134 = arith.constant 0 : i32
        %dma_start3A_135 = arith.constant 0 : i32
        %dma_start3A_136 = tpu.memref_slice %arg3[%dma_start3A_134, %dma_start3A_135] : memref<10000x128xf32, #tpu.memory_space<hbm>> -> memref<10000x128xf32, #tpu.memory_space<hbm>>
        tpu.enqueue_indirect_dma source(%dma_start3A_136 : memref<10000x128xf32, #tpu.memory_space<hbm>>) target(%arg15 : memref<40x128xf32, #tpu.memory_space<vmem>>) offsets(%dma_start3A_133 : memref<40xi32, #tpu.memory_space<vmem>>) semaphore(%arg20 : memref<!tpu.dma_semaphore, #tpu.memory_space<semaphore_mem>>)
        %dma_start3A_137 = arith.constant 80 : i32
        %dma_start3A_138 = tpu.memref_slice %arg12[%dma_start3A_137] : memref<5000xi32, #tpu.memory_space<vmem>> -> memref<40xi32, #tpu.memory_space<vmem>>
        %dma_start3A_139 = arith.constant 0 : i32
        %dma_start3A_140 = arith.constant 0 : i32
        %dma_start3A_141 = tpu.memref_slice %arg3[%dma_start3A_139, %dma_start3A_140] : memref<10000x128xf32, #tpu.memory_space<hbm>> -> memref<10000x128xf32, #tpu.memory_space<hbm>>
        tpu.enqueue_indirect_dma source(%dma_start3A_141 : memref<10000x128xf32, #tpu.memory_space<hbm>>) target(%arg16 : memref<40x128xf32, #tpu.memory_space<vmem>>) offsets(%dma_start3A_138 : memref<40xi32, #tpu.memory_space<vmem>>) semaphore(%arg21 : memref<!tpu.dma_semaphore, #tpu.memory_space<semaphore_mem>>)
        %dma_start3A_142 = arith.constant 120 : i32
        %dma_start3A_143 = tpu.memref_slice %arg12[%dma_start3A_142] : memref<5000xi32, #tpu.memory_space<vmem>> -> memref<40xi32, #tpu.memory_space<vmem>>
        %dma_start3A_144 = arith.constant 0 : i32
        %dma_start3A_145 = arith.constant 0 : i32
        %dma_start3A_146 = tpu.memref_slice %arg3[%dma_start3A_144, %dma_start3A_145] : memref<10000x128xf32, #tpu.memory_space<hbm>> -> memref<10000x128xf32, #tpu.memory_space<hbm>>
        tpu.enqueue_indirect_dma source(%dma_start3A_146 : memref<10000x128xf32, #tpu.memory_space<hbm>>) target(%arg17 : memref<40x128xf32, #tpu.memory_space<vmem>>) offsets(%dma_start3A_143 : memref<40xi32, #tpu.memory_space<vmem>>) semaphore(%arg22 : memref<!tpu.dma_semaphore, #tpu.memory_space<semaphore_mem>>)
        %dma_start3A_147 = arith.constant 160 : i32
        %dma_start3A_148 = tpu.memref_slice %arg12[%dma_start3A_147] : memref<5000xi32, #tpu.memory_space<vmem>> -> memref<40xi32, #tpu.memory_space<vmem>>
        %dma_start3A_149 = arith.constant 0 : i32
        %dma_start3A_150 = arith.constant 0 : i32
        %dma_start3A_151 = tpu.memref_slice %arg3[%dma_start3A_149, %dma_start3A_150] : memref<10000x128xf32, #tpu.memory_space<hbm>> -> memref<10000x128xf32, #tpu.memory_space<hbm>>
        tpu.enqueue_indirect_dma source(%dma_start3A_151 : memref<10000x128xf32, #tpu.memory_space<hbm>>) target(%arg18 : memref<40x128xf32, #tpu.memory_space<vmem>>) offsets(%dma_start3A_148 : memref<40xi32, #tpu.memory_space<vmem>>) semaphore(%arg23 : memref<!tpu.dma_semaphore, #tpu.memory_space<semaphore_mem>>)
        %scan3A_152 = arith.constant 0 : i32
        %scan3A_153 = arith.constant 25 : i32
        %scan3A_154 = arith.addi %scan3A_152, %scan3A_153 : i32
        %scan3A_155 = arith.constant 1 : i32
        scf.for %scan3A_182 = %scan3A_152 to %scan3A_154 step %scan3A_155  : i32 {
          %mul3A_183 = arith.constant 1 : i32
          %mul3A_184 = arith.muli %scan3A_182, %mul3A_183 : i32
          %add3A_185 = arith.constant 0 : i32
          %add3A_186 = arith.addi %add3A_185, %mul3A_184 : i32
          %mul3A_187 = arith.constant 5 : i32
          %mul3A_188 = arith.muli %mul3A_187, %add3A_186 : i32
          %add3A_189 = arith.constant 0 : i32
          %add3A_190 = arith.addi %mul3A_188, %add3A_189 : i32
          %dma_wait3A_191 = arith.constant 0 : i32
          %dma_wait3A_192 = tpu.memref_slice %arg10[%dma_wait3A_191] : memref<5000xi32, #tpu.memory_space<vmem>> -> memref<40xi32, #tpu.memory_space<vmem>>
          %dma_wait3A_193 = arith.constant 0 : i32
          %dma_wait3A_194 = arith.constant 0 : i32
          %dma_wait3A_195 = tpu.memref_slice %arg3[%dma_wait3A_193, %dma_wait3A_194] : memref<10000x128xf32, #tpu.memory_space<hbm>> -> memref<10000x128xf32, #tpu.memory_space<hbm>>
          tpu.wait_indirect_dma semaphore(%arg19 : memref<!tpu.dma_semaphore, #tpu.memory_space<semaphore_mem>>) src(%dma_wait3A_195 : memref<10000x128xf32, #tpu.memory_space<hbm>>) dst(%arg14 : memref<40x128xf32, #tpu.memory_space<vmem>>)
          %mul3A_196 = arith.constant 40 : i32
          %mul3A_197 = arith.muli %add3A_190, %mul3A_196 : i32
          %dma_start3A_198 = tpu.memref_slice %arg13[%mul3A_197] : memref<5000xi32, #tpu.memory_space<vmem>> -> memref<40xi32, #tpu.memory_space<vmem>>
          %dma_start3A_199 = arith.constant 0 : i32
          %dma_start3A_200 = arith.constant 0 : i32
          %dma_start3A_201 = tpu.memref_slice %arg9[%dma_start3A_199, %dma_start3A_200] : memref<10000x128xf32, #tpu.memory_space<vmem_shared>> -> memref<10000x128xf32, #tpu.memory_space<vmem_shared>>
          tpu.enqueue_indirect_dma source(%arg14 : memref<40x128xf32, #tpu.memory_space<vmem>>) target(%dma_start3A_201 : memref<10000x128xf32, #tpu.memory_space<vmem_shared>>) offsets(%dma_start3A_198 : memref<40xi32, #tpu.memory_space<vmem>>) semaphore(%arg24 : memref<!tpu.dma_semaphore, #tpu.memory_space<semaphore_mem>>) {add = true}
          %lt3A_202 = arith.constant 24 : i32
          %lt3A_203 = arith.cmpi slt, %add3A_186, %lt3A_202 : i32
          %convert_element_type3A_204 = arith.extui %lt3A_203 : i1 to i32
          %cond3A_205 = arith.constant 0 : i32
          %cond3A_206 = arith.cmpi ne, %convert_element_type3A_204, %cond3A_205 : i32
          scf.if %cond3A_206 {
            %dma_wait3A_287 = arith.constant 0 : i32
            %dma_wait3A_288 = tpu.memref_slice %arg11[%dma_wait3A_287] : memref<5000xi32, #tpu.memory_space<vmem>> -> memref<40xi32, #tpu.memory_space<vmem>>
            %dma_wait3A_289 = arith.constant 0 : i32
            %dma_wait3A_290 = arith.constant 0 : i32
            %dma_wait3A_291 = tpu.memref_slice %arg9[%dma_wait3A_289, %dma_wait3A_290] : memref<10000x128xf32, #tpu.memory_space<vmem_shared>> -> memref<10000x128xf32, #tpu.memory_space<vmem_shared>>
            tpu.wait_indirect_dma semaphore(%arg24 : memref<!tpu.dma_semaphore, #tpu.memory_space<semaphore_mem>>) src(%arg14 : memref<40x128xf32, #tpu.memory_space<vmem>>) dst(%dma_wait3A_291 : memref<10000x128xf32, #tpu.memory_space<vmem_shared>>)
            %add3A_292 = arith.constant 5 : i32
            %add3A_293 = arith.addi %add3A_190, %add3A_292 : i32
            %mul3A_294 = arith.constant 40 : i32
            %mul3A_295 = arith.muli %add3A_293, %mul3A_294 : i32
            %dma_start3A_296 = tpu.memref_slice %arg12[%mul3A_295] : memref<5000xi32, #tpu.memory_space<vmem>> -> memref<40xi32, #tpu.memory_space<vmem>>
            %dma_start3A_297 = arith.constant 0 : i32
            %dma_start3A_298 = arith.constant 0 : i32
            %dma_start3A_299 = tpu.memref_slice %arg3[%dma_start3A_297, %dma_start3A_298] : memref<10000x128xf32, #tpu.memory_space<hbm>> -> memref<10000x128xf32, #tpu.memory_space<hbm>>
            tpu.enqueue_indirect_dma source(%dma_start3A_299 : memref<10000x128xf32, #tpu.memory_space<hbm>>) target(%arg14 : memref<40x128xf32, #tpu.memory_space<vmem>>) offsets(%dma_start3A_296 : memref<40xi32, #tpu.memory_space<vmem>>) semaphore(%arg19 : memref<!tpu.dma_semaphore, #tpu.memory_space<semaphore_mem>>)
          } else {
          }
          %mul3A_207 = arith.constant 5 : i32
          %mul3A_208 = arith.muli %mul3A_207, %add3A_186 : i32
          %add3A_209 = arith.constant 1 : i32
          %add3A_210 = arith.addi %mul3A_208, %add3A_209 : i32
          %dma_wait3A_211 = arith.constant 0 : i32
          %dma_wait3A_212 = tpu.memref_slice %arg10[%dma_wait3A_211] : memref<5000xi32, #tpu.memory_space<vmem>> -> memref<40xi32, #tpu.memory_space<vmem>>
          %dma_wait3A_213 = arith.constant 0 : i32
          %dma_wait3A_214 = arith.constant 0 : i32
          %dma_wait3A_215 = tpu.memref_slice %arg3[%dma_wait3A_213, %dma_wait3A_214] : memref<10000x128xf32, #tpu.memory_space<hbm>> -> memref<10000x128xf32, #tpu.memory_space<hbm>>
          tpu.wait_indirect_dma semaphore(%arg20 : memref<!tpu.dma_semaphore, #tpu.memory_space<semaphore_mem>>) src(%dma_wait3A_215 : memref<10000x128xf32, #tpu.memory_space<hbm>>) dst(%arg15 : memref<40x128xf32, #tpu.memory_space<vmem>>)
          %mul3A_216 = arith.constant 40 : i32
          %mul3A_217 = arith.muli %add3A_210, %mul3A_216 : i32
          %dma_start3A_218 = tpu.memref_slice %arg13[%mul3A_217] : memref<5000xi32, #tpu.memory_space<vmem>> -> memref<40xi32, #tpu.memory_space<vmem>>
          %dma_start3A_219 = arith.constant 0 : i32
          %dma_start3A_220 = arith.constant 0 : i32
          %dma_start3A_221 = tpu.memref_slice %arg9[%dma_start3A_219, %dma_start3A_220] : memref<10000x128xf32, #tpu.memory_space<vmem_shared>> -> memref<10000x128xf32, #tpu.memory_space<vmem_shared>>
          tpu.enqueue_indirect_dma source(%arg15 : memref<40x128xf32, #tpu.memory_space<vmem>>) target(%dma_start3A_221 : memref<10000x128xf32, #tpu.memory_space<vmem_shared>>) offsets(%dma_start3A_218 : memref<40xi32, #tpu.memory_space<vmem>>) semaphore(%arg25 : memref<!tpu.dma_semaphore, #tpu.memory_space<semaphore_mem>>) {add = true}
          %lt3A_222 = arith.constant 24 : i32
          %lt3A_223 = arith.cmpi slt, %add3A_186, %lt3A_222 : i32
          %convert_element_type3A_224 = arith.extui %lt3A_223 : i1 to i32
          %cond3A_225 = arith.constant 0 : i32
          %cond3A_226 = arith.cmpi ne, %convert_element_type3A_224, %cond3A_225 : i32
          scf.if %cond3A_226 {
            %dma_wait3A_287 = arith.constant 0 : i32
            %dma_wait3A_288 = tpu.memref_slice %arg11[%dma_wait3A_287] : memref<5000xi32, #tpu.memory_space<vmem>> -> memref<40xi32, #tpu.memory_space<vmem>>
            %dma_wait3A_289 = arith.constant 0 : i32
            %dma_wait3A_290 = arith.constant 0 : i32
            %dma_wait3A_291 = tpu.memref_slice %arg9[%dma_wait3A_289, %dma_wait3A_290] : memref<10000x128xf32, #tpu.memory_space<vmem_shared>> -> memref<10000x128xf32, #tpu.memory_space<vmem_shared>>
            tpu.wait_indirect_dma semaphore(%arg25 : memref<!tpu.dma_semaphore, #tpu.memory_space<semaphore_mem>>) src(%arg15 : memref<40x128xf32, #tpu.memory_space<vmem>>) dst(%dma_wait3A_291 : memref<10000x128xf32, #tpu.memory_space<vmem_shared>>)
            %add3A_292 = arith.constant 5 : i32
            %add3A_293 = arith.addi %add3A_210, %add3A_292 : i32
            %mul3A_294 = arith.constant 40 : i32
            %mul3A_295 = arith.muli %add3A_293, %mul3A_294 : i32
            %dma_start3A_296 = tpu.memref_slice %arg12[%mul3A_295] : memref<5000xi32, #tpu.memory_space<vmem>> -> memref<40xi32, #tpu.memory_space<vmem>>
            %dma_start3A_297 = arith.constant 0 : i32
            %dma_start3A_298 = arith.constant 0 : i32
            %dma_start3A_299 = tpu.memref_slice %arg3[%dma_start3A_297, %dma_start3A_298] : memref<10000x128xf32, #tpu.memory_space<hbm>> -> memref<10000x128xf32, #tpu.memory_space<hbm>>
            tpu.enqueue_indirect_dma source(%dma_start3A_299 : memref<10000x128xf32, #tpu.memory_space<hbm>>) target(%arg15 : memref<40x128xf32, #tpu.memory_space<vmem>>) offsets(%dma_start3A_296 : memref<40xi32, #tpu.memory_space<vmem>>) semaphore(%arg20 : memref<!tpu.dma_semaphore, #tpu.memory_space<semaphore_mem>>)
          } else {
          }
          %mul3A_227 = arith.constant 5 : i32
          %mul3A_228 = arith.muli %mul3A_227, %add3A_186 : i32
          %add3A_229 = arith.constant 2 : i32
          %add3A_230 = arith.addi %mul3A_228, %add3A_229 : i32
          %dma_wait3A_231 = arith.constant 0 : i32
          %dma_wait3A_232 = tpu.memref_slice %arg10[%dma_wait3A_231] : memref<5000xi32, #tpu.memory_space<vmem>> -> memref<40xi32, #tpu.memory_space<vmem>>
          %dma_wait3A_233 = arith.constant 0 : i32
          %dma_wait3A_234 = arith.constant 0 : i32
          %dma_wait3A_235 = tpu.memref_slice %arg3[%dma_wait3A_233, %dma_wait3A_234] : memref<10000x128xf32, #tpu.memory_space<hbm>> -> memref<10000x128xf32, #tpu.memory_space<hbm>>
          tpu.wait_indirect_dma semaphore(%arg21 : memref<!tpu.dma_semaphore, #tpu.memory_space<semaphore_mem>>) src(%dma_wait3A_235 : memref<10000x128xf32, #tpu.memory_space<hbm>>) dst(%arg16 : memref<40x128xf32, #tpu.memory_space<vmem>>)
          %mul3A_236 = arith.constant 40 : i32
          %mul3A_237 = arith.muli %add3A_230, %mul3A_236 : i32
          %dma_start3A_238 = tpu.memref_slice %arg13[%mul3A_237] : memref<5000xi32, #tpu.memory_space<vmem>> -> memref<40xi32, #tpu.memory_space<vmem>>
          %dma_start3A_239 = arith.constant 0 : i32
          %dma_start3A_240 = arith.constant 0 : i32
          %dma_start3A_241 = tpu.memref_slice %arg9[%dma_start3A_239, %dma_start3A_240] : memref<10000x128xf32, #tpu.memory_space<vmem_shared>> -> memref<10000x128xf32, #tpu.memory_space<vmem_shared>>
          tpu.enqueue_indirect_dma source(%arg16 : memref<40x128xf32, #tpu.memory_space<vmem>>) target(%dma_start3A_241 : memref<10000x128xf32, #tpu.memory_space<vmem_shared>>) offsets(%dma_start3A_238 : memref<40xi32, #tpu.memory_space<vmem>>) semaphore(%arg26 : memref<!tpu.dma_semaphore, #tpu.memory_space<semaphore_mem>>) {add = true}
          %lt3A_242 = arith.constant 24 : i32
          %lt3A_243 = arith.cmpi slt, %add3A_186, %lt3A_242 : i32
          %convert_element_type3A_244 = arith.extui %lt3A_243 : i1 to i32
          %cond3A_245 = arith.constant 0 : i32
          %cond3A_246 = arith.cmpi ne, %convert_element_type3A_244, %cond3A_245 : i32
          scf.if %cond3A_246 {
            %dma_wait3A_287 = arith.constant 0 : i32
            %dma_wait3A_288 = tpu.memref_slice %arg11[%dma_wait3A_287] : memref<5000xi32, #tpu.memory_space<vmem>> -> memref<40xi32, #tpu.memory_space<vmem>>
            %dma_wait3A_289 = arith.constant 0 : i32
            %dma_wait3A_290 = arith.constant 0 : i32
            %dma_wait3A_291 = tpu.memref_slice %arg9[%dma_wait3A_289, %dma_wait3A_290] : memref<10000x128xf32, #tpu.memory_space<vmem_shared>> -> memref<10000x128xf32, #tpu.memory_space<vmem_shared>>
            tpu.wait_indirect_dma semaphore(%arg26 : memref<!tpu.dma_semaphore, #tpu.memory_space<semaphore_mem>>) src(%arg16 : memref<40x128xf32, #tpu.memory_space<vmem>>) dst(%dma_wait3A_291 : memref<10000x128xf32, #tpu.memory_space<vmem_shared>>)
            %add3A_292 = arith.constant 5 : i32
            %add3A_293 = arith.addi %add3A_230, %add3A_292 : i32
            %mul3A_294 = arith.constant 40 : i32
            %mul3A_295 = arith.muli %add3A_293, %mul3A_294 : i32
            %dma_start3A_296 = tpu.memref_slice %arg12[%mul3A_295] : memref<5000xi32, #tpu.memory_space<vmem>> -> memref<40xi32, #tpu.memory_space<vmem>>
            %dma_start3A_297 = arith.constant 0 : i32
            %dma_start3A_298 = arith.constant 0 : i32
            %dma_start3A_299 = tpu.memref_slice %arg3[%dma_start3A_297, %dma_start3A_298] : memref<10000x128xf32, #tpu.memory_space<hbm>> -> memref<10000x128xf32, #tpu.memory_space<hbm>>
            tpu.enqueue_indirect_dma source(%dma_start3A_299 : memref<10000x128xf32, #tpu.memory_space<hbm>>) target(%arg16 : memref<40x128xf32, #tpu.memory_space<vmem>>) offsets(%dma_start3A_296 : memref<40xi32, #tpu.memory_space<vmem>>) semaphore(%arg21 : memref<!tpu.dma_semaphore, #tpu.memory_space<semaphore_mem>>)
          } else {
          }
          %mul3A_247 = arith.constant 5 : i32
          %mul3A_248 = arith.muli %mul3A_247, %add3A_186 : i32
          %add3A_249 = arith.constant 3 : i32
          %add3A_250 = arith.addi %mul3A_248, %add3A_249 : i32
          %dma_wait3A_251 = arith.constant 0 : i32
          %dma_wait3A_252 = tpu.memref_slice %arg10[%dma_wait3A_251] : memref<5000xi32, #tpu.memory_space<vmem>> -> memref<40xi32, #tpu.memory_space<vmem>>
          %dma_wait3A_253 = arith.constant 0 : i32
          %dma_wait3A_254 = arith.constant 0 : i32
          %dma_wait3A_255 = tpu.memref_slice %arg3[%dma_wait3A_253, %dma_wait3A_254] : memref<10000x128xf32, #tpu.memory_space<hbm>> -> memref<10000x128xf32, #tpu.memory_space<hbm>>
          tpu.wait_indirect_dma semaphore(%arg22 : memref<!tpu.dma_semaphore, #tpu.memory_space<semaphore_mem>>) src(%dma_wait3A_255 : memref<10000x128xf32, #tpu.memory_space<hbm>>) dst(%arg17 : memref<40x128xf32, #tpu.memory_space<vmem>>)
          %mul3A_256 = arith.constant 40 : i32
          %mul3A_257 = arith.muli %add3A_250, %mul3A_256 : i32
          %dma_start3A_258 = tpu.memref_slice %arg13[%mul3A_257] : memref<5000xi32, #tpu.memory_space<vmem>> -> memref<40xi32, #tpu.memory_space<vmem>>
          %dma_start3A_259 = arith.constant 0 : i32
          %dma_start3A_260 = arith.constant 0 : i32
          %dma_start3A_261 = tpu.memref_slice %arg9[%dma_start3A_259, %dma_start3A_260] : memref<10000x128xf32, #tpu.memory_space<vmem_shared>> -> memref<10000x128xf32, #tpu.memory_space<vmem_shared>>
          tpu.enqueue_indirect_dma source(%arg17 : memref<40x128xf32, #tpu.memory_space<vmem>>) target(%dma_start3A_261 : memref<10000x128xf32, #tpu.memory_space<vmem_shared>>) offsets(%dma_start3A_258 : memref<40xi32, #tpu.memory_space<vmem>>) semaphore(%arg27 : memref<!tpu.dma_semaphore, #tpu.memory_space<semaphore_mem>>) {add = true}
          %lt3A_262 = arith.constant 24 : i32
          %lt3A_263 = arith.cmpi slt, %add3A_186, %lt3A_262 : i32
          %convert_element_type3A_264 = arith.extui %lt3A_263 : i1 to i32
          %cond3A_265 = arith.constant 0 : i32
          %cond3A_266 = arith.cmpi ne, %convert_element_type3A_264, %cond3A_265 : i32
          scf.if %cond3A_266 {
            %dma_wait3A_287 = arith.constant 0 : i32
            %dma_wait3A_288 = tpu.memref_slice %arg11[%dma_wait3A_287] : memref<5000xi32, #tpu.memory_space<vmem>> -> memref<40xi32, #tpu.memory_space<vmem>>
            %dma_wait3A_289 = arith.constant 0 : i32
            %dma_wait3A_290 = arith.constant 0 : i32
            %dma_wait3A_291 = tpu.memref_slice %arg9[%dma_wait3A_289, %dma_wait3A_290] : memref<10000x128xf32, #tpu.memory_space<vmem_shared>> -> memref<10000x128xf32, #tpu.memory_space<vmem_shared>>
            tpu.wait_indirect_dma semaphore(%arg27 : memref<!tpu.dma_semaphore, #tpu.memory_space<semaphore_mem>>) src(%arg17 : memref<40x128xf32, #tpu.memory_space<vmem>>) dst(%dma_wait3A_291 : memref<10000x128xf32, #tpu.memory_space<vmem_shared>>)
            %add3A_292 = arith.constant 5 : i32
            %add3A_293 = arith.addi %add3A_250, %add3A_292 : i32
            %mul3A_294 = arith.constant 40 : i32
            %mul3A_295 = arith.muli %add3A_293, %mul3A_294 : i32
            %dma_start3A_296 = tpu.memref_slice %arg12[%mul3A_295] : memref<5000xi32, #tpu.memory_space<vmem>> -> memref<40xi32, #tpu.memory_space<vmem>>
            %dma_start3A_297 = arith.constant 0 : i32
            %dma_start3A_298 = arith.constant 0 : i32
            %dma_start3A_299 = tpu.memref_slice %arg3[%dma_start3A_297, %dma_start3A_298] : memref<10000x128xf32, #tpu.memory_space<hbm>> -> memref<10000x128xf32, #tpu.memory_space<hbm>>
            tpu.enqueue_indirect_dma source(%dma_start3A_299 : memref<10000x128xf32, #tpu.memory_space<hbm>>) target(%arg17 : memref<40x128xf32, #tpu.memory_space<vmem>>) offsets(%dma_start3A_296 : memref<40xi32, #tpu.memory_space<vmem>>) semaphore(%arg22 : memref<!tpu.dma_semaphore, #tpu.memory_space<semaphore_mem>>)
          } else {
          }
          %mul3A_267 = arith.constant 5 : i32
          %mul3A_268 = arith.muli %mul3A_267, %add3A_186 : i32
          %add3A_269 = arith.constant 4 : i32
          %add3A_270 = arith.addi %mul3A_268, %add3A_269 : i32
          %dma_wait3A_271 = arith.constant 0 : i32
          %dma_wait3A_272 = tpu.memref_slice %arg10[%dma_wait3A_271] : memref<5000xi32, #tpu.memory_space<vmem>> -> memref<40xi32, #tpu.memory_space<vmem>>
          %dma_wait3A_273 = arith.constant 0 : i32
          %dma_wait3A_274 = arith.constant 0 : i32
          %dma_wait3A_275 = tpu.memref_slice %arg3[%dma_wait3A_273, %dma_wait3A_274] : memref<10000x128xf32, #tpu.memory_space<hbm>> -> memref<10000x128xf32, #tpu.memory_space<hbm>>
          tpu.wait_indirect_dma semaphore(%arg23 : memref<!tpu.dma_semaphore, #tpu.memory_space<semaphore_mem>>) src(%dma_wait3A_275 : memref<10000x128xf32, #tpu.memory_space<hbm>>) dst(%arg18 : memref<40x128xf32, #tpu.memory_space<vmem>>)
          %mul3A_276 = arith.constant 40 : i32
          %mul3A_277 = arith.muli %add3A_270, %mul3A_276 : i32
          %dma_start3A_278 = tpu.memref_slice %arg13[%mul3A_277] : memref<5000xi32, #tpu.memory_space<vmem>> -> memref<40xi32, #tpu.memory_space<vmem>>
          %dma_start3A_279 = arith.constant 0 : i32
          %dma_start3A_280 = arith.constant 0 : i32
          %dma_start3A_281 = tpu.memref_slice %arg9[%dma_start3A_279, %dma_start3A_280] : memref<10000x128xf32, #tpu.memory_space<vmem_shared>> -> memref<10000x128xf32, #tpu.memory_space<vmem_shared>>
          tpu.enqueue_indirect_dma source(%arg18 : memref<40x128xf32, #tpu.memory_space<vmem>>) target(%dma_start3A_281 : memref<10000x128xf32, #tpu.memory_space<vmem_shared>>) offsets(%dma_start3A_278 : memref<40xi32, #tpu.memory_space<vmem>>) semaphore(%arg28 : memref<!tpu.dma_semaphore, #tpu.memory_space<semaphore_mem>>) {add = true}
          %lt3A_282 = arith.constant 24 : i32
          %lt3A_283 = arith.cmpi slt, %add3A_186, %lt3A_282 : i32
          %convert_element_type3A_284 = arith.extui %lt3A_283 : i1 to i32
          %cond3A_285 = arith.constant 0 : i32
          %cond3A_286 = arith.cmpi ne, %convert_element_type3A_284, %cond3A_285 : i32
          scf.if %cond3A_286 {
            %dma_wait3A_287 = arith.constant 0 : i32
            %dma_wait3A_288 = tpu.memref_slice %arg11[%dma_wait3A_287] : memref<5000xi32, #tpu.memory_space<vmem>> -> memref<40xi32, #tpu.memory_space<vmem>>
            %dma_wait3A_289 = arith.constant 0 : i32
            %dma_wait3A_290 = arith.constant 0 : i32
            %dma_wait3A_291 = tpu.memref_slice %arg9[%dma_wait3A_289, %dma_wait3A_290] : memref<10000x128xf32, #tpu.memory_space<vmem_shared>> -> memref<10000x128xf32, #tpu.memory_space<vmem_shared>>
            tpu.wait_indirect_dma semaphore(%arg28 : memref<!tpu.dma_semaphore, #tpu.memory_space<semaphore_mem>>) src(%arg18 : memref<40x128xf32, #tpu.memory_space<vmem>>) dst(%dma_wait3A_291 : memref<10000x128xf32, #tpu.memory_space<vmem_shared>>)
            %add3A_292 = arith.constant 5 : i32
            %add3A_293 = arith.addi %add3A_270, %add3A_292 : i32
            %mul3A_294 = arith.constant 40 : i32
            %mul3A_295 = arith.muli %add3A_293, %mul3A_294 : i32
            %dma_start3A_296 = tpu.memref_slice %arg12[%mul3A_295] : memref<5000xi32, #tpu.memory_space<vmem>> -> memref<40xi32, #tpu.memory_space<vmem>>
            %dma_start3A_297 = arith.constant 0 : i32
            %dma_start3A_298 = arith.constant 0 : i32
            %dma_start3A_299 = tpu.memref_slice %arg3[%dma_start3A_297, %dma_start3A_298] : memref<10000x128xf32, #tpu.memory_space<hbm>> -> memref<10000x128xf32, #tpu.memory_space<hbm>>
            tpu.enqueue_indirect_dma source(%dma_start3A_299 : memref<10000x128xf32, #tpu.memory_space<hbm>>) target(%arg18 : memref<40x128xf32, #tpu.memory_space<vmem>>) offsets(%dma_start3A_296 : memref<40xi32, #tpu.memory_space<vmem>>) semaphore(%arg23 : memref<!tpu.dma_semaphore, #tpu.memory_space<semaphore_mem>>)
          } else {
          }
        }
        %scan3A_156 = arith.constant 25 : i32
        %dma_wait3A_157 = arith.constant 0 : i32
        %dma_wait3A_158 = tpu.memref_slice %arg11[%dma_wait3A_157] : memref<5000xi32, #tpu.memory_space<vmem>> -> memref<40xi32, #tpu.memory_space<vmem>>
        %dma_wait3A_159 = arith.constant 0 : i32
        %dma_wait3A_160 = arith.constant 0 : i32
        %dma_wait3A_161 = tpu.memref_slice %arg9[%dma_wait3A_159, %dma_wait3A_160] : memref<10000x128xf32, #tpu.memory_space<vmem_shared>> -> memref<10000x128xf32, #tpu.memory_space<vmem_shared>>
        tpu.wait_indirect_dma semaphore(%arg24 : memref<!tpu.dma_semaphore, #tpu.memory_space<semaphore_mem>>) src(%arg14 : memref<40x128xf32, #tpu.memory_space<vmem>>) dst(%dma_wait3A_161 : memref<10000x128xf32, #tpu.memory_space<vmem_shared>>)
        %dma_wait3A_162 = arith.constant 0 : i32
        %dma_wait3A_163 = tpu.memref_slice %arg11[%dma_wait3A_162] : memref<5000xi32, #tpu.memory_space<vmem>> -> memref<40xi32, #tpu.memory_space<vmem>>
        %dma_wait3A_164 = arith.constant 0 : i32
        %dma_wait3A_165 = arith.constant 0 : i32
        %dma_wait3A_166 = tpu.memref_slice %arg9[%dma_wait3A_164, %dma_wait3A_165] : memref<10000x128xf32, #tpu.memory_space<vmem_shared>> -> memref<10000x128xf32, #tpu.memory_space<vmem_shared>>
        tpu.wait_indirect_dma semaphore(%arg25 : memref<!tpu.dma_semaphore, #tpu.memory_space<semaphore_mem>>) src(%arg15 : memref<40x128xf32, #tpu.memory_space<vmem>>) dst(%dma_wait3A_166 : memref<10000x128xf32, #tpu.memory_space<vmem_shared>>)
        %dma_wait3A_167 = arith.constant 0 : i32
        %dma_wait3A_168 = tpu.memref_slice %arg11[%dma_wait3A_167] : memref<5000xi32, #tpu.memory_space<vmem>> -> memref<40xi32, #tpu.memory_space<vmem>>
        %dma_wait3A_169 = arith.constant 0 : i32
        %dma_wait3A_170 = arith.constant 0 : i32
        %dma_wait3A_171 = tpu.memref_slice %arg9[%dma_wait3A_169, %dma_wait3A_170] : memref<10000x128xf32, #tpu.memory_space<vmem_shared>> -> memref<10000x128xf32, #tpu.memory_space<vmem_shared>>
        tpu.wait_indirect_dma semaphore(%arg26 : memref<!tpu.dma_semaphore, #tpu.memory_space<semaphore_mem>>) src(%arg16 : memref<40x128xf32, #tpu.memory_space<vmem>>) dst(%dma_wait3A_171 : memref<10000x128xf32, #tpu.memory_space<vmem_shared>>)
        %dma_wait3A_172 = arith.constant 0 : i32
        %dma_wait3A_173 = tpu.memref_slice %arg11[%dma_wait3A_172] : memref<5000xi32, #tpu.memory_space<vmem>> -> memref<40xi32, #tpu.memory_space<vmem>>
        %dma_wait3A_174 = arith.constant 0 : i32
        %dma_wait3A_175 = arith.constant 0 : i32
        %dma_wait3A_176 = tpu.memref_slice %arg9[%dma_wait3A_174, %dma_wait3A_175] : memref<10000x128xf32, #tpu.memory_space<vmem_shared>> -> memref<10000x128xf32, #tpu.memory_space<vmem_shared>>
        tpu.wait_indirect_dma semaphore(%arg27 : memref<!tpu.dma_semaphore, #tpu.memory_space<semaphore_mem>>) src(%arg17 : memref<40x128xf32, #tpu.memory_space<vmem>>) dst(%dma_wait3A_176 : memref<10000x128xf32, #tpu.memory_space<vmem_shared>>)
        %dma_wait3A_177 = arith.constant 0 : i32
        %dma_wait3A_178 = tpu.memref_slice %arg11[%dma_wait3A_177] : memref<5000xi32, #tpu.memory_space<vmem>> -> memref<40xi32, #tpu.memory_space<vmem>>
        %dma_wait3A_179 = arith.constant 0 : i32
        %dma_wait3A_180 = arith.constant 0 : i32
        %dma_wait3A_181 = tpu.memref_slice %arg9[%dma_wait3A_179, %dma_wait3A_180] : memref<10000x128xf32, #tpu.memory_space<vmem_shared>> -> memref<10000x128xf32, #tpu.memory_space<vmem_shared>>
        tpu.wait_indirect_dma semaphore(%arg28 : memref<!tpu.dma_semaphore, #tpu.memory_space<semaphore_mem>>) src(%arg18 : memref<40x128xf32, #tpu.memory_space<vmem>>) dst(%dma_wait3A_181 : memref<10000x128xf32, #tpu.memory_space<vmem_shared>>)
      }
      %scan3A_30 = arith.constant 2 : i32
    } else {
    }
    %barrier3A_15 = arith.constant 0 : index
    tpu.barrier barrier_id(%barrier3A_15)
    %eq3A_16 = arith.constant 0 : i32
    %eq3A_17 = arith.cmpi eq, %arg0, %eq3A_16 : i32
    %convert_element_type3A_18 = arith.extui %eq3A_17 : i1 to i32
    %cond3A_19 = arith.constant 0 : i32
    %cond3A_20 = arith.cmpi ne, %convert_element_type3A_18, %cond3A_19 : i32
    scf.if %cond3A_20 {
      "tpu.region"() ({
        %run_scoped3A = tpu.sem_alloc : memref<!tpu.dma_semaphore, #tpu.memory_space<semaphore_mem>>
        %dma_start3A = arith.constant 0 : i32
        %dma_start3A_31 = tpu.memref_slice %arg7[%mul3A_0, %dma_start3A] : memref<10000x128xf32, #tpu.memory_space<hbm>> -> memref<624x128xf32, #tpu.memory_space<hbm>>
        %dma_start3A_32 = arith.constant 0 : i32
        %dma_start3A_33 = tpu.memref_slice %arg9[%mul3A_0, %dma_start3A_32] : memref<10000x128xf32, #tpu.memory_space<vmem_shared>> -> memref<624x128xf32, #tpu.memory_space<vmem_shared>>
        tpu.enqueue_dma source(%dma_start3A_33 : memref<624x128xf32, #tpu.memory_space<vmem_shared>>) target(%dma_start3A_31 : memref<624x128xf32, #tpu.memory_space<hbm>>) target_semaphore(%run_scoped3A : memref<!tpu.dma_semaphore, #tpu.memory_space<semaphore_mem>>)
        %dma_wait3A = arith.constant 0 : i32
        %dma_wait3A_34 = tpu.memref_slice %arg7[%mul3A_0, %dma_wait3A] : memref<10000x128xf32, #tpu.memory_space<hbm>> -> memref<624x128xf32, #tpu.memory_space<hbm>>
        %dma_wait3A_35 = arith.constant 0 : i32
        %dma_wait3A_36 = tpu.memref_slice %arg9[%mul3A_0, %dma_wait3A_35] : memref<10000x128xf32, #tpu.memory_space<vmem_shared>> -> memref<624x128xf32, #tpu.memory_space<vmem_shared>>
        tpu.wait_dma2 semaphore(%run_scoped3A : memref<!tpu.dma_semaphore, #tpu.memory_space<semaphore_mem>>) src(%dma_wait3A_36 : memref<624x128xf32, #tpu.memory_space<vmem_shared>>) dst(%dma_wait3A_34 : memref<624x128xf32, #tpu.memory_space<hbm>>)
        tpu.yield
      }) : () -> ()
      %eq3A_26 = arith.constant 15 : i32
      %eq3A_27 = arith.cmpi eq, %arg1, %eq3A_26 : i32
      %convert_element_type3A_28 = arith.extui %eq3A_27 : i1 to i32
      %cond3A_29 = arith.constant 0 : i32
      %cond3A_30 = arith.cmpi ne, %convert_element_type3A_28, %cond3A_29 : i32
      scf.if %cond3A_30 {
        "tpu.region"() ({
          %run_scoped3A = tpu.sem_alloc : memref<!tpu.dma_semaphore, #tpu.memory_space<semaphore_mem>>
          %dma_start3A = arith.constant 9984 : i32
          %dma_start3A_31 = arith.constant 0 : i32
          %dma_start3A_32 = tpu.memref_slice %arg7[%dma_start3A, %dma_start3A_31] : memref<10000x128xf32, #tpu.memory_space<hbm>> -> memref<16x128xf32, #tpu.memory_space<hbm>>
          %dma_start3A_33 = arith.constant 9984 : i32
          %dma_start3A_34 = arith.constant 0 : i32
          %dma_start3A_35 = tpu.memref_slice %arg9[%dma_start3A_33, %dma_start3A_34] : memref<10000x128xf32, #tpu.memory_space<vmem_shared>> -> memref<16x128xf32, #tpu.memory_space<vmem_shared>>
          tpu.enqueue_dma source(%dma_start3A_35 : memref<16x128xf32, #tpu.memory_space<vmem_shared>>) target(%dma_start3A_32 : memref<16x128xf32, #tpu.memory_space<hbm>>) target_semaphore(%run_scoped3A : memref<!tpu.dma_semaphore, #tpu.memory_space<semaphore_mem>>)
          %dma_wait3A = arith.constant 9984 : i32
          %dma_wait3A_36 = arith.constant 0 : i32
          %dma_wait3A_37 = tpu.memref_slice %arg7[%dma_wait3A, %dma_wait3A_36] : memref<10000x128xf32, #tpu.memory_space<hbm>> -> memref<16x128xf32, #tpu.memory_space<hbm>>
          %dma_wait3A_38 = arith.constant 9984 : i32
          %dma_wait3A_39 = arith.constant 0 : i32
          %dma_wait3A_40 = tpu.memref_slice %arg9[%dma_wait3A_38, %dma_wait3A_39] : memref<10000x128xf32, #tpu.memory_space<vmem_shared>> -> memref<16x128xf32, #tpu.memory_space<vmem_shared>>
          tpu.wait_dma2 semaphore(%run_scoped3A : memref<!tpu.dma_semaphore, #tpu.memory_space<semaphore_mem>>) src(%dma_wait3A_40 : memref<16x128xf32, #tpu.memory_space<vmem_shared>>) dst(%dma_wait3A_37 : memref<16x128xf32, #tpu.memory_space<hbm>>)
          tpu.yield
        }) : () -> ()
      } else {
      }
    } else {
    }
    %eq3A_21 = arith.constant 1 : i32
    %eq3A_22 = arith.cmpi eq, %arg0, %eq3A_21 : i32
    %convert_element_type3A_23 = arith.extui %eq3A_22 : i1 to i32
    %cond3A_24 = arith.constant 0 : i32
    %cond3A_25 = arith.cmpi ne, %convert_element_type3A_23, %cond3A_24 : i32
    scf.if %cond3A_25 {
      "tpu.region"() ({
        %run_scoped3A = tpu.sem_alloc : memref<!tpu.dma_semaphore, #tpu.memory_space<semaphore_mem>>
        %dma_start3A = arith.constant 0 : i32
        %dma_start3A_31 = tpu.memref_slice %arg8[%mul3A_0, %dma_start3A] : memref<10000x128xf32, #tpu.memory_space<hbm>> -> memref<624x128xf32, #tpu.memory_space<hbm>>
        %dma_start3A_32 = arith.constant 0 : i32
        %dma_start3A_33 = tpu.memref_slice %arg9[%mul3A_0, %dma_start3A_32] : memref<10000x128xf32, #tpu.memory_space<vmem_shared>> -> memref<624x128xf32, #tpu.memory_space<vmem_shared>>
        tpu.enqueue_dma source(%dma_start3A_33 : memref<624x128xf32, #tpu.memory_space<vmem_shared>>) target(%dma_start3A_31 : memref<624x128xf32, #tpu.memory_space<hbm>>) target_semaphore(%run_scoped3A : memref<!tpu.dma_semaphore, #tpu.memory_space<semaphore_mem>>)
        %dma_wait3A = arith.constant 0 : i32
        %dma_wait3A_34 = tpu.memref_slice %arg8[%mul3A_0, %dma_wait3A] : memref<10000x128xf32, #tpu.memory_space<hbm>> -> memref<624x128xf32, #tpu.memory_space<hbm>>
        %dma_wait3A_35 = arith.constant 0 : i32
        %dma_wait3A_36 = tpu.memref_slice %arg9[%mul3A_0, %dma_wait3A_35] : memref<10000x128xf32, #tpu.memory_space<vmem_shared>> -> memref<624x128xf32, #tpu.memory_space<vmem_shared>>
        tpu.wait_dma2 semaphore(%run_scoped3A : memref<!tpu.dma_semaphore, #tpu.memory_space<semaphore_mem>>) src(%dma_wait3A_36 : memref<624x128xf32, #tpu.memory_space<vmem_shared>>) dst(%dma_wait3A_34 : memref<624x128xf32, #tpu.memory_space<hbm>>)
        tpu.yield
      }) : () -> ()
      %eq3A_26 = arith.constant 15 : i32
      %eq3A_27 = arith.cmpi eq, %arg1, %eq3A_26 : i32
      %convert_element_type3A_28 = arith.extui %eq3A_27 : i1 to i32
      %cond3A_29 = arith.constant 0 : i32
      %cond3A_30 = arith.cmpi ne, %convert_element_type3A_28, %cond3A_29 : i32
      scf.if %cond3A_30 {
        "tpu.region"() ({
          %run_scoped3A = tpu.sem_alloc : memref<!tpu.dma_semaphore, #tpu.memory_space<semaphore_mem>>
          %dma_start3A = arith.constant 9984 : i32
          %dma_start3A_31 = arith.constant 0 : i32
          %dma_start3A_32 = tpu.memref_slice %arg8[%dma_start3A, %dma_start3A_31] : memref<10000x128xf32, #tpu.memory_space<hbm>> -> memref<16x128xf32, #tpu.memory_space<hbm>>
          %dma_start3A_33 = arith.constant 9984 : i32
          %dma_start3A_34 = arith.constant 0 : i32
          %dma_start3A_35 = tpu.memref_slice %arg9[%dma_start3A_33, %dma_start3A_34] : memref<10000x128xf32, #tpu.memory_space<vmem_shared>> -> memref<16x128xf32, #tpu.memory_space<vmem_shared>>
          tpu.enqueue_dma source(%dma_start3A_35 : memref<16x128xf32, #tpu.memory_space<vmem_shared>>) target(%dma_start3A_32 : memref<16x128xf32, #tpu.memory_space<hbm>>) target_semaphore(%run_scoped3A : memref<!tpu.dma_semaphore, #tpu.memory_space<semaphore_mem>>)
          %dma_wait3A = arith.constant 9984 : i32
          %dma_wait3A_36 = arith.constant 0 : i32
          %dma_wait3A_37 = tpu.memref_slice %arg8[%dma_wait3A, %dma_wait3A_36] : memref<10000x128xf32, #tpu.memory_space<hbm>> -> memref<16x128xf32, #tpu.memory_space<hbm>>
          %dma_wait3A_38 = arith.constant 9984 : i32
          %dma_wait3A_39 = arith.constant 0 : i32
          %dma_wait3A_40 = tpu.memref_slice %arg9[%dma_wait3A_38, %dma_wait3A_39] : memref<10000x128xf32, #tpu.memory_space<vmem_shared>> -> memref<16x128xf32, #tpu.memory_space<vmem_shared>>
          tpu.wait_dma2 semaphore(%run_scoped3A : memref<!tpu.dma_semaphore, #tpu.memory_space<semaphore_mem>>) src(%dma_wait3A_40 : memref<16x128xf32, #tpu.memory_space<vmem_shared>>) dst(%dma_wait3A_37 : memref<16x128xf32, #tpu.memory_space<hbm>>)
          tpu.yield
        }) : () -> ()
      } else {
      }
    } else {
    }
    return
  }
}

module attributes {stable_mosaic.version = 14 : i64} {
  func.func @_y_body(%arg0: i32, %arg1: memref<2000x128xf32, #tpu.memory_space<vmem>>, %arg2: memref<2000x16xf32, #tpu.memory_space<vmem>>, %arg3: memref<2000x16xf32, #tpu.memory_space<vmem>>, %arg4: memref<128x128xf32, #tpu.memory_space<vmem>>, %arg5: memref<128x128xf32, #tpu.memory_space<vmem>>, %arg6: memref<2000x128xf32, #tpu.memory_space<vmem>>, %arg7: memref<2000x128xf32, #tpu.memory_space<vmem>>) attributes {dimension_semantics = [#tpu.dimension_semantics<arbitrary>], iteration_bounds = array<i64: 5>, scalar_prefetch = 0 : i64, scratch_operands = 0 : i64, tpu.core_type = #tpu.core_type<tc>, window_params = [{transform_indices = @transform_0, window_bounds = array<i64: 2000, 128>}, {transform_indices = @transform_1, window_bounds = array<i64: 2000, 16>}, {transform_indices = @transform_2, window_bounds = array<i64: 2000, 16>}, {pipeline_mode = #tpu.pipeline_mode<synchronous>, transform_indices = @transform_3, window_bounds = array<i64: 128, 128>}, {pipeline_mode = #tpu.pipeline_mode<synchronous>, transform_indices = @transform_4, window_bounds = array<i64: 128, 128>}, {transform_indices = @transform_5, window_bounds = array<i64: 2000, 128>}, {transform_indices = @transform_6, window_bounds = array<i64: 2000, 128>}]} {
    %get3A = arith.constant 0 : index
    %get3A_0 = arith.constant 0 : index
    %get3A_1 = vector.load %arg2[%get3A, %get3A_0] : memref<2000x16xf32, #tpu.memory_space<vmem>>, vector<2000x1xf32>
    %max3A = arith.constant 1.000000e+00 : f32
    %max3A_2 = vector.broadcast %max3A : f32 to vector<2000x1xf32>
    %max3A_3 = arith.maximumf %get3A_1, %max3A_2 : vector<2000x1xf32>
    %rsqrt3A = math.rsqrt %max3A_3 : vector<2000x1xf32>
    %get3A_4 = arith.constant 0 : index
    %get3A_5 = arith.constant 0 : index
    %get3A_6 = vector.load %arg3[%get3A_4, %get3A_5] : memref<2000x16xf32, #tpu.memory_space<vmem>>, vector<2000x1xf32>
    %max3A_7 = arith.constant 1.000000e+00 : f32
    %max3A_8 = vector.broadcast %max3A_7 : f32 to vector<2000x1xf32>
    %max3A_9 = arith.maximumf %get3A_6, %max3A_8 : vector<2000x1xf32>
    %rsqrt3A_10 = math.rsqrt %max3A_9 : vector<2000x1xf32>
    %get3A_11 = arith.constant 0 : index
    %get3A_12 = arith.constant 0 : index
    %get3A_13 = vector.load %arg1[%get3A_11, %get3A_12] : memref<2000x128xf32, #tpu.memory_space<vmem>>, vector<2000x128xf32>
    %mul3A = vector.broadcast %rsqrt3A : vector<2000x1xf32> to vector<2000x128xf32>
    %mul3A_14 = arith.mulf %get3A_13, %mul3A : vector<2000x128xf32>
    %get3A_15 = arith.constant 0 : index
    %get3A_16 = arith.constant 0 : index
    %get3A_17 = vector.load %arg4[%get3A_15, %get3A_16] : memref<128x128xf32, #tpu.memory_space<vmem>>, vector<128x128xf32>
    %dot_general3A = arith.constant dense<0.000000e+00> : vector<2000x128xf32>
    %dot_general3A_18 = tpu.matmul %mul3A_14, %get3A_17, %dot_general3A {dimension_numbers = #tpu.dot_dimension_numbers<[1], [0], [0], [1], [0, 0, 1, 1], [], []>, transpose_lhs_hint = false} : vector<2000x128xf32>, vector<128x128xf32>, vector<2000x128xf32> -> vector<2000x128xf32>
    %swap3A = arith.constant 0 : index
    %swap3A_19 = arith.constant 0 : index
    %swap3A_20 = vector.load %arg6[%swap3A, %swap3A_19] : memref<2000x128xf32, #tpu.memory_space<vmem>>, vector<2000x128xf32>
    tpu.vector_store %arg6[%swap3A, %swap3A_19], %dot_general3A_18 {strides = array<i32>} : memref<2000x128xf32, #tpu.memory_space<vmem>>, vector<2000x128xf32>,
    %mul3A_21 = vector.broadcast %rsqrt3A_10 : vector<2000x1xf32> to vector<2000x128xf32>
    %mul3A_22 = arith.mulf %get3A_13, %mul3A_21 : vector<2000x128xf32>
    %get3A_23 = arith.constant 0 : index
    %get3A_24 = arith.constant 0 : index
    %get3A_25 = vector.load %arg5[%get3A_23, %get3A_24] : memref<128x128xf32, #tpu.memory_space<vmem>>, vector<128x128xf32>
    %dot_general3A_26 = arith.constant dense<0.000000e+00> : vector<2000x128xf32>
    %dot_general3A_27 = tpu.matmul %mul3A_22, %get3A_25, %dot_general3A_26 {dimension_numbers = #tpu.dot_dimension_numbers<[1], [0], [0], [1], [0, 0, 1, 1], [], []>, transpose_lhs_hint = false} : vector<2000x128xf32>, vector<128x128xf32>, vector<2000x128xf32> -> vector<2000x128xf32>
    %swap3A_28 = arith.constant 0 : index
    %swap3A_29 = arith.constant 0 : index
    %swap3A_30 = vector.load %arg7[%swap3A_28, %swap3A_29] : memref<2000x128xf32, #tpu.memory_space<vmem>>, vector<2000x128xf32>
    tpu.vector_store %arg7[%swap3A_28, %swap3A_29], %dot_general3A_27 {strides = array<i32>} : memref<2000x128xf32, #tpu.memory_space<vmem>>, vector<2000x128xf32>,
    return
  }
  func.func @transform_0(%arg0: i32) -> (i32, i32) {
    %c0_i32 = arith.constant 0 : i32
    %c0_i32_0 = arith.constant 0 : i32
    return %arg0, %c0_i32 : i32, i32
  }
  func.func @transform_1(%arg0: i32) -> (i32, i32) {
    %c0_i32 = arith.constant 0 : i32
    %c0_i32_0 = arith.constant 0 : i32
    return %arg0, %c0_i32 : i32, i32
  }
  func.func @transform_2(%arg0: i32) -> (i32, i32) {
    %c0_i32 = arith.constant 0 : i32
    %c0_i32_0 = arith.constant 0 : i32
    return %arg0, %c0_i32 : i32, i32
  }
  func.func @transform_3(%arg0: i32) -> (i32, i32) {
    %c0_i32 = arith.constant 0 : i32
    %c0_i32_0 = arith.constant 0 : i32
    %c0_i32_1 = arith.constant 0 : i32
    return %c0_i32, %c0_i32_0 : i32, i32
  }
  func.func @transform_4(%arg0: i32) -> (i32, i32) {
    %c0_i32 = arith.constant 0 : i32
    %c0_i32_0 = arith.constant 0 : i32
    %c0_i32_1 = arith.constant 0 : i32
    return %c0_i32, %c0_i32_0 : i32, i32
  }
  func.func @transform_5(%arg0: i32) -> (i32, i32) {
    %c0_i32 = arith.constant 0 : i32
    %c0_i32_0 = arith.constant 0 : i32
    return %arg0, %c0_i32 : i32, i32
  }
  func.func @transform_6(%arg0: i32) -> (i32, i32) {
    %c0_i32 = arith.constant 0 : i32
    %c0_i32_0 = arith.constant 0 : i32
    return %arg0, %c0_i32 : i32, i32
  }
}

module attributes {stable_mosaic.version = 14 : i64} {
  func.func @_fin_body(%arg0: i32, %arg1: memref<2000x128xf32, #tpu.memory_space<vmem>>, %arg2: memref<2000x128xf32, #tpu.memory_space<vmem>>, %arg3: memref<2000x16xf32, #tpu.memory_space<vmem>>, %arg4: memref<2000x16xf32, #tpu.memory_space<vmem>>, %arg5: memref<1x128xf32, #tpu.memory_space<vmem>>, %arg6: memref<1x128xf32, #tpu.memory_space<vmem>>, %arg7: memref<2000x128xf32, #tpu.memory_space<vmem>>) attributes {dimension_semantics = [#tpu.dimension_semantics<arbitrary>], iteration_bounds = array<i64: 5>, scalar_prefetch = 0 : i64, scratch_operands = 0 : i64, tpu.core_type = #tpu.core_type<tc>, window_params = [{transform_indices = @transform_0, window_bounds = array<i64: 2000, 128>}, {transform_indices = @transform_1, window_bounds = array<i64: 2000, 128>}, {transform_indices = @transform_2, window_bounds = array<i64: 2000, 16>}, {transform_indices = @transform_3, window_bounds = array<i64: 2000, 16>}, {pipeline_mode = #tpu.pipeline_mode<synchronous>, transform_indices = @transform_4, window_bounds = array<i64: 1, 128>}, {pipeline_mode = #tpu.pipeline_mode<synchronous>, transform_indices = @transform_5, window_bounds = array<i64: 1, 128>}, {transform_indices = @transform_6, window_bounds = array<i64: 2000, 128>}]} {
    %get3A = arith.constant 0 : index
    %get3A_0 = arith.constant 0 : index
    %get3A_1 = vector.load %arg3[%get3A, %get3A_0] : memref<2000x16xf32, #tpu.memory_space<vmem>>, vector<2000x1xf32>
    %max3A = arith.constant 1.000000e+00 : f32
    %max3A_2 = vector.broadcast %max3A : f32 to vector<2000x1xf32>
    %max3A_3 = arith.maximumf %get3A_1, %max3A_2 : vector<2000x1xf32>
    %rsqrt3A = math.rsqrt %max3A_3 : vector<2000x1xf32>
    %get3A_4 = arith.constant 0 : index
    %get3A_5 = arith.constant 0 : index
    %get3A_6 = vector.load %arg4[%get3A_4, %get3A_5] : memref<2000x16xf32, #tpu.memory_space<vmem>>, vector<2000x1xf32>
    %max3A_7 = arith.constant 1.000000e+00 : f32
    %max3A_8 = vector.broadcast %max3A_7 : f32 to vector<2000x1xf32>
    %max3A_9 = arith.maximumf %get3A_6, %max3A_8 : vector<2000x1xf32>
    %rsqrt3A_10 = math.rsqrt %max3A_9 : vector<2000x1xf32>
    %get3A_11 = arith.constant 0 : index
    %get3A_12 = arith.constant 0 : index
    %get3A_13 = vector.load %arg1[%get3A_11, %get3A_12] : memref<2000x128xf32, #tpu.memory_space<vmem>>, vector<2000x128xf32>
    %mul3A = vector.broadcast %rsqrt3A : vector<2000x1xf32> to vector<2000x128xf32>
    %mul3A_14 = arith.mulf %get3A_13, %mul3A : vector<2000x128xf32>
    %get3A_15 = arith.constant 0 : index
    %get3A_16 = arith.constant 0 : index
    %get3A_17 = vector.load %arg2[%get3A_15, %get3A_16] : memref<2000x128xf32, #tpu.memory_space<vmem>>, vector<2000x128xf32>
    %mul3A_18 = vector.broadcast %rsqrt3A_10 : vector<2000x1xf32> to vector<2000x128xf32>
    %mul3A_19 = arith.mulf %get3A_17, %mul3A_18 : vector<2000x128xf32>
    %add3A = arith.addf %mul3A_14, %mul3A_19 : vector<2000x128xf32>
    %get3A_20 = arith.constant 0 : index
    %get3A_21 = arith.constant 0 : index
    %get3A_22 = vector.load %arg5[%get3A_20, %get3A_21] : memref<1x128xf32, #tpu.memory_space<vmem>>, vector<1x128xf32>
    %add3A_23 = vector.broadcast %get3A_22 : vector<1x128xf32> to vector<2000x128xf32>
    %add3A_24 = arith.addf %add3A, %add3A_23 : vector<2000x128xf32>
    %get3A_25 = arith.constant 0 : index
    %get3A_26 = arith.constant 0 : index
    %get3A_27 = vector.load %arg6[%get3A_25, %get3A_26] : memref<1x128xf32, #tpu.memory_space<vmem>>, vector<1x128xf32>
    %add3A_28 = vector.broadcast %get3A_27 : vector<1x128xf32> to vector<2000x128xf32>
    %add3A_29 = arith.addf %add3A_24, %add3A_28 : vector<2000x128xf32>
    %swap3A = arith.constant 0 : index
    %swap3A_30 = arith.constant 0 : index
    %swap3A_31 = vector.load %arg7[%swap3A, %swap3A_30] : memref<2000x128xf32, #tpu.memory_space<vmem>>, vector<2000x128xf32>
    tpu.vector_store %arg7[%swap3A, %swap3A_30], %add3A_29 {strides = array<i32>} : memref<2000x128xf32, #tpu.memory_space<vmem>>, vector<2000x128xf32>,
    return
  }
  func.func @transform_0(%arg0: i32) -> (i32, i32) {
    %c0_i32 = arith.constant 0 : i32
    %c0_i32_0 = arith.constant 0 : i32
    return %arg0, %c0_i32 : i32, i32
  }
  func.func @transform_1(%arg0: i32) -> (i32, i32) {
    %c0_i32 = arith.constant 0 : i32
    %c0_i32_0 = arith.constant 0 : i32
    return %arg0, %c0_i32 : i32, i32
  }
  func.func @transform_2(%arg0: i32) -> (i32, i32) {
    %c0_i32 = arith.constant 0 : i32
    %c0_i32_0 = arith.constant 0 : i32
    return %arg0, %c0_i32 : i32, i32
  }
  func.func @transform_3(%arg0: i32) -> (i32, i32) {
    %c0_i32 = arith.constant 0 : i32
    %c0_i32_0 = arith.constant 0 : i32
    return %arg0, %c0_i32 : i32, i32
  }
  func.func @transform_4(%arg0: i32) -> (i32, i32) {
    %c0_i32 = arith.constant 0 : i32
    %c0_i32_0 = arith.constant 0 : i32
    %c0_i32_1 = arith.constant 0 : i32
    return %c0_i32, %c0_i32_0 : i32, i32
  }
  func.func @transform_5(%arg0: i32) -> (i32, i32) {
    %c0_i32 = arith.constant 0 : i32
    %c0_i32_0 = arith.constant 0 : i32
    %c0_i32_1 = arith.constant 0 : i32
    return %c0_i32, %c0_i32_0 : i32, i32
  }
  func.func @transform_6(%arg0: i32) -> (i32, i32) {
    %c0_i32 = arith.constant 0 : i32
    %c0_i32_0 = arith.constant 0 : i32
    return %arg0, %c0_i32 : i32, i32
  }
}

</mosaic_0001>

<sc_bundles>
// kernel: kernel.6.cloned.1.call-start
scs
__scs_entry_jumppad:
0x0: {  	(pc) =	sbr.rel $0x88, $3  }
0x1: {  	(tag) =	ssettag $0x0;
	lr =	simm.s32 $0x1  }
0x2: {  	[smem:$0x3F9A] =	sst lr;
	_ =	strace $0xD0000000  }
0x3: {  	_ = 	snop  }
0x4: {  	_ = 	snop  }
0x5: {  	_ = 	snop  }
0x6: {  	_ = 	snop  }
0x7: {  	_ = 	snop  }
__scs_overlays_trampoline_lowered:
0x8: {  	[smem:$0x3FA9] =	sst s0  }
0x9: {  	[smem:$0x3FAA] =	sst s1  }
0xa: {  	[smem:$0x3FAB] =	sst s2  }
0xb: {  	[smem:$0x3FAC] =	sst s3  }
0xc: {  	[smem:$0x3FAD] =	sst s4  }
0xd: {  	[smem:$0x3FAE] =	sst s5  }
0xe: {  	[smem:$0x3FAF] =	sst s6  }
0xf: {  	[smem:$0x3FB0] =	sst s7  }
0x10: {  	[smem:$0x3FB1] =	sst s8  }
0x11: {  	[smem:$0x3FB2] =	sst s9;
	s0 =	simm.s32 @!p0 $0x0  }
0x12: {  	s1 =	sld [smem:$0x3F98];
	s0 =	simm.s32 @p0 $0x1  }
0x13: {  	[smem:$0x3FB3] =	sst s0;
	s0 =	simm.s32 @!p1 $0x0  }
0x14: {  	s2 =	sld [smem:$0x3F97];
	s0 =	simm.s32 @p1 $0x1  }
0x15: {  	[smem:$0x3FB4] =	sst s0;
	s0 =	simm.s32 @!p2 $0x0  }
0x16: {  	s3 =	sld [smem:$0x3FDB];
	s0 =	simm.s32 @p2 $0x1  }
0x17: {  	s4 =	simm.s32 $0x1BF5;
	[smem:$0x3FB6] =	sst s0  }
0x18: {  	s0 =	sld [smem:$0x3F99];
	_ =	swait.ge [sflag:s4], $0x0  }
0x19: {  	s7 =	sld [smem:$0x3F9A]  }
0x1a: {  	s8 =	sadd.s32 $0xFFFFE003, lr  }
0x1b: {  	s9 =	sadd.s32 $0xFFFFFEF7, lr;
	s5 =	simm.s32 $0xFFFFFFFF;
	p2 =	slt.u32 s8, $0xFFFFF086  }
0x1c: {  	p1 =	slt.u32 s9, $0xF7A;
	s5 =	simm.s32 @!p2 $0x0  }
0x1d: {  	s5 =	simm.s32 @p1 $0x1;
	p0 =	seq.s32 s7, s2  }
0x1e: {  	s7 =	smul.u32 @!p0 $0xF7A, s2;
	p2 =	seq.s32 @!p0 s5, $0x0  }
0x1f: {  	s9 =	smul.u32 $0xF7A, s1;
	s8 =	simm.s32 @!p0 $0x1BF5;
	p2 =	por !p2, p0  }
0x20: {  	[sflag:s8] =	ssyncset.s32 @!p0 $0xFFFFF086;
	s6 =	sadd.s32 @!p0 s3, s7;
	s7 =	simm.s32 @!p0 $0x108  }
0x21: {  	s3 =	sadd.s32 s3, s9;
	s6 =	sadd.s32 @!p0 $0x88, s6;
	s7 =	simm.s32 @p2 $0x1082  }
0x22: {  	[simem:s7], [sflag:s8] =	dma.local @!p0 [hbm:s6], $0xF7A  }
0x23: {  	s9 =	sor.u32 $0xD0000000, s2;
	s6 =	simm.s32 $0x108;
	_ =	swait.ge @!p0 [sflag:s8], $0x0  }
0x24: {  	s3 =	sadd.s32 $0x88, s3;
	s6 =	simm.s32 @!p1 $0x1082;
	[sflag:s4] =	ssyncset.s32 $0xFFFFF086  }
0x25: {  	[simem:s6], [sflag:s4] =	dma.local [hbm:s3], $0xF7A  }
0x26: {  	[smem:$0x3F9A] =	sst s1;
	(tag) =	ssettag s2;
	_ =	strace s9  }
0x27: {  	s1 =	sld [smem:$0x3FAA]  }
0x28: {  	s2 =	sld [smem:$0x3FAB]  }
0x29: {  	s4 =	sld [smem:$0x3FAD]  }
0x2a: {  	p0 =	seq.s32 s5, $0x0;
	s5 =	sld [smem:$0x3FAE]  }
0x2b: {  	s6 =	sld [smem:$0x3FAF]  }
0x2c: {  	s7 =	sld [smem:$0x3FB0]  }
0x2d: {  	s3 =	simm.s32 $0x108;
	s8 =	sld [smem:$0x3FB1]  }
0x2e: {  	s3 =	simm.s32 @!p0 $0x1082;
	s9 =	sld [smem:$0x3FB2]  }
0x2f: {  	lr =	sadd.s32 s0, s3;
	s0 =	sld [smem:$0x3FA9]  }
0x30: {  	s3 =	sld [smem:$0x3FAC]  }
0x31: {  	[smem:$0x3FB5] =	sst s10  }
0x32: {  	s10 =	sld [smem:$0x3FB3];
	_ =	sdelay $0x3  }
0x33: {  	p0 =	seq.s32 s10, $0x1;
	s10 =	sld [smem:$0x3FB5];
	_ =	sdelay $0x3  }
0x34: {  	[smem:$0x3FB5] =	sst s10  }
0x35: {  	s10 =	sld [smem:$0x3FB4];
	_ =	sdelay $0x3  }
0x36: {  	p1 =	seq.s32 s10, $0x1;
	s10 =	sld [smem:$0x3FB5];
	_ =	sdelay $0x3  }
0x37: {  	[smem:$0x3FB5] =	sst s10  }
0x38: {  	s10 =	sld [smem:$0x3FB6]  }
0x39: {  	_ = 	snop;
	(pc) =	sbr.ind lr, $3  }
0x3a: {  	_ = 	snop  }
0x3b: {  	_ = 	snop  }
0x3c: {  	p2 =	seq.s32 s10, $0x1;
	s10 =	sld [smem:$0x3FB5]  }
0x3d: {  	_ =	shalt  }
0x3e: {  	_ =	shalt  }
0x3f: {  	_ =	shalt  }
0x40: {  	_ =	shalt  }
0x41: {  	_ =	shalt  }
0x42: {  	_ =	shalt  }
0x43: {  	_ =	shalt  }
0x44: {  	_ =	shalt  }
0x45: {  	_ =	shalt  }
0x46: {  	_ =	shalt  }
0x47: {  	_ =	shalt  }
0x48: {  	_ =	shalt  }
0x49: {  	_ =	shalt  }
0x4a: {  	_ =	shalt  }
0x4b: {  	_ =	shalt  }
0x4c: {  	_ =	shalt  }
0x4d: {  	_ =	shalt  }
0x4e: {  	_ =	shalt  }
0x4f: {  	_ =	shalt  }
0x50: {  	_ =	shalt  }
0x51: {  	_ =	shalt  }
0x52: {  	_ =	shalt  }
0x53: {  	_ =	shalt  }
0x54: {  	_ =	shalt  }
0x55: {  	_ =	shalt  }
0x56: {  	_ =	shalt  }
0x57: {  	_ =	shalt  }
0x58: {  	_ =	shalt  }
0x59: {  	_ =	shalt  }
0x5a: {  	_ =	shalt  }
0x5b: {  	_ =	shalt  }
0x5c: {  	_ =	shalt  }
0x5d: {  	_ =	shalt  }
0x5e: {  	_ =	shalt  }
0x5f: {  	_ =	shalt  }
0x60: {  	_ =	shalt  }
0x61: {  	_ =	shalt  }
0x62: {  	_ =	shalt  }
0x63: {  	_ =	shalt  }
0x64: {  	_ =	shalt  }
0x65: {  	_ =	shalt  }
0x66: {  	_ =	shalt  }
0x67: {  	_ =	shalt  }
0x68: {  	_ =	shalt  }
0x69: {  	_ =	shalt  }
0x6a: {  	_ =	shalt  }
0x6b: {  	_ =	shalt  }
0x6c: {  	_ =	shalt  }
0x6d: {  	_ =	shalt  }
0x6e: {  	_ =	shalt  }
0x6f: {  	_ =	shalt  }
0x70: {  	_ =	shalt  }
0x71: {  	_ =	shalt  }
0x72: {  	_ =	shalt  }
0x73: {  	_ =	shalt  }
0x74: {  	_ =	shalt  }
0x75: {  	_ =	shalt  }
0x76: {  	_ =	shalt  }
0x77: {  	_ =	shalt  }
0x78: {  	_ =	shalt  }
0x79: {  	_ =	shalt  }
0x7a: {  	_ =	shalt  }
0x7b: {  	_ =	shalt  }
0x7c: {  	_ =	shalt  }
0x7d: {  	_ =	shalt  }
0x7e: {  	_ =	shalt  }
0x7f: {  	_ =	shalt  }
0x80: {  	_ =	shalt  }
0x81: {  	_ =	shalt  }
0x82: {  	_ =	shalt  }
0x83: {  	_ =	shalt  }
0x84: {  	_ =	shalt  }
0x85: {  	_ =	shalt  }
0x86: {  	_ =	shalt  }
0x87: {  	_ =	shalt  }
.Lfunc_end0:
.L_simem_size_0:
called_computation_lowered:
.L_overlay_start_0:
0x88: {  	s2 =	sld [smem:$0x3FD9]  }
0x89: {  	s3 =	sld [smem:$0x3FFE];
	_ =	sdelay $0x1  }
0x8a: {  	s1 =	srdreg.scid  }
0x8b: {  	s0 =	sand.u32 $0x1, s1  }
0x8c: {  	s17 =	sshll.u32 s0, $0xA;
	s2 =	sadd.s32 s3, s2  }
0x8d: {  	s2 =	sadd.s32 s2, s17  }
0x8e: {  	[smem:$0x3FC1] =	sst s2  }
0x8f: {  	_ = 	snop  }
0x90: {  	s2 =	sld [smem:$0x3FD0];
	(tm) =	ssettm $0x1  }
0x91: {  	s18 =	sld [smem:$0x3FFB];
	_ =	sdelay $0x3  }
0x92: {  	_ =	strace s18  }
0x93: {  	s3 =	sld [smem:$0x3FFC];
	_ =	sdelay $0x3  }
0x94: {  	_ =	strace s3  }
0x95: {  	s3 =	sld [smem:$0x3FFD];
	_ =	sdelay $0x3  }
0x96: {  	_ =	strace s3  }
0x97: {  	_ =	strace $0x8FFFFFFF  }
0x98: {  	s19 =	sld [smem:$0x3FDB];
	_ =	sdelay $0x1  }
0x99: {  	s4 =	simm.s32 $_scs_section_size  }
0x9a: {  	s5 =	simm.s32 $_size__tile_overlayer_lowered;
	s6 =	simm.s32 $_tile_overlayer_lowered  }
0x9b: {  	s22 =	simm.s32 $0x1BFF;
	s21 =	sshll.u32 s6, $0x1;
	s3 =	sadd.s32 s4, s19  }
0x9c: {  	s7 =	simm.s32 $0x0;
	s20 =	sshll.u32 s5, $0x1;
	s5 =	sadd.s32 s21, s3  }
0x9d: {  	[timem:s7], [sflag:s22] =	dma.local [hbm:s5], s20  }
0x9e: {  	_ =	swait.ge [sflag:s22], s20  }
0x9f: {  	s4 =	ssub.s32 $0x0, s20;
	[sflag:s22] =	ssyncset.done $0x0  }
0xa0: {  	[sflag:s22] =	ssyncadd.s32 s4;
	_ =	sdelay $0x1  }
0xa1: {  	s23 =	simm.s32 $0x1B8B  }
0xa2: {  	_ =	swait.ge [sflag:s23], $0x1  }
0xa3: {  	[sflag:s23] =	ssyncset.done $0x0  }
0xa4: {  	s25 =	simm.s32 $0x1B8E;
	s24 =	sld [smem:$0x3FFE];
	[sflag:s23] =	ssyncadd.s32 $0xFFFFFFFF  }
0xa5: {  	s26 =	simm.s32 $execute0_lowered;
	[smem:$0x3FD2] =	sst s25  }
0xa6: {  	s5 =	sshll.u32 s26, $0x1;
	_ =	strace $0x80000046;
	[dreg:$0x1] =	wrdreg $0xFFFFFFFF  }
0xa7: {  	s28 =	simm.s32 $_size_execute0_lowered;
	s3 =	sadd.s32 s3, s5;
	[dreg:$0x0] =	wrdreg $0x0  }
0xa8: {  	s5 =	sshll.u32 s28, $0x1;
	[dreg:$0x2] =	wrdreg s3  }
0xa9: {  	[dreg:$0x3] =	wrdreg s5  }
0xaa: {  	[dreg:$0x4] =	wrdreg $0xC0  }
0xab: {  	_ =	task [dreg:s7], $0x5FFFF  }
0xac: {  	[dreg:$0x1] =	wrdreg $0xFFFFFFFF  }
0xad: {  	[dreg:$0x0] =	wrdreg $0x60  }
0xae: {  	[dreg:$0x2] =	wrdreg s24  }
0xaf: {  	[dreg:$0x3] =	wrdreg s2  }
0xb0: {  	[dreg:$0x4] =	wrdreg $0x0  }
0xb1: {  	[dreg:$0x5] =	wrdreg $0x27100  }
0xb2: {  	[dreg:$0x6] =	wrdreg $0x9  }
0xb3: {  	_ =	task.clear_ibuf [dreg:s7], $0x7FFFF;
	_ =	strace $0x90000046  }
0xb4: {  	s29 =	simm.s32 $0x9;
	_ =	strace $0x80000048  }
0xb5: {  	_ =	swait.ge [sflag:s29], $0x1  }
0xb6: {  	[sflag:s29] =	ssyncadd.s32 $0xFFFFFFFF  }
0xb7: {  	_ =	strace $0x90000048  }
0xb8: {  	_ =	sfence  }
0xb9: {  	s30 =	sld [smem:$0x0];
	_ =	sdelay $0x2  }
0xba: {  	s31 =	sshll.u32 s1, $0xD;
	s1 =	sshrl.u32 s1, $0x2  }
0xbb: {  	s3 =	sand.u32 $0x4000, s31;
	s1 =	sadd.s32 s1, s30  }
0xbc: {  	s0 =	sor.u32 s3, s0;
	s1 =	sshll.u32 s1, $0x11  }
0xbd: {  	s0 =	sor.u32 s1, s0  }
0xbe: {  	s0 =	sadd.s32 $0x8F2B, s0  }
0xbf: {  	[sflag:s0] =	ssyncadd.remote.s32 $0x1  }
0xc0: {  	_ =	sfence.sel $0xFFFF  }
0xc1: {  	[dreg:$0x0] =	wrdreg $0xFFFFFFFF;
	(pc) =	sbr.abs _section_cstart, $3  }
0xc2: {  	[dreg:$0x1] =	wrdreg $0xFFFFFFFF  }
0xc3: {  	_ =	task.clear_ibuf [dreg:s7], $0x2FFFF;
	_ =	strace $0x9FFFFFFF  }
0xc4: {  	(tm) =	ssettm $0x7FFFFFFF  }
0xc5: {  	_ =	shalt  }
tec
execute0_lowered:
.L_overlay_start_1:
0x0: {  	(tag) =	ssettag $0x1  }
0x1: {  	s0 =	rddreg [dreg:$0x0]  }
0x2: {  	s1 =	rddreg [dreg:$0x1]  }
0x3: {  	s2 =	rddreg [dreg:$0x2]  }
0x4: {  	s3 =	rddreg [dreg:$0x3];
	s4 =	simm.s32 $0x0;
	s5 =	srdreg.scid  }
0x5: {  	s16 =	stileid.u32;
	s15 =	simm.s32 $0x16C00;
	s22 =	simm.s32 $0x2  }
0x6: {  	s24 =	simm.s32 $0xEA60;
	s28 =	simm.s32 $0x80;
	[smem:$0x7FF] =	sst s4  }
0x7: {  	s6 =	sadd.s32 $0x2A600, s0;
	s17 =	sadd.s32 $0x2F800, s0;
	s5 =	sand.u32 $0x1, s5  }
0x8: {  	s18 =	sadd.s32 $0x39800, s0;
	s8 =	smul.u32 $0x2700, s16;
	s19 =	sadd.s32 $0x2A800, s0  }
0x9: {  	s20 =	sadd.s32 $0x34800, s0;
	s10 =	sshll.u32 s16, $0x6;
	s12 =	sadd.s32 $0x27000, s2  }
0xa: {  	s14 =	smul.u32 $0x4E20, s16;
	_ =	strace $0x80000047;
	[dreg:$0x7] =	wrdreg s19  }
0xb: {  	s13 =	sadd.s32 $0x27000, s3;
	p2 =	seq.s32 s16, $0xF;
	[dreg:$0x8] =	wrdreg s20  }
0xc: {  	s7 =	ssub.s32 $0x2, s5;
	s11 =	sor.u32 $0x1C02, s10;
	[dreg:$0x5] =	wrdreg s17  }
0xd: {  	p0 =	seq.s32 s5, $0x0;
	[dreg:$0x6] =	wrdreg s18;
	p1 =	sne.s32 s5, $0x0  }
0xe: {  	s5 =	simm.s32 $0x4FA0;
	s9 =	sshrl.u32 s7, $0x1;
	s25 =	sadd.s32 s8, s2  }
0xf: {  	s26 =	sadd.s32 s8, s3;
	s8 =	sshrl.u32 s8, $0x3;
	s15 =	simm.s32 @!p0 $0x3200  }
0x10: {  	s14 =	sshrl.u32 s14, $0x3;
	p0 =	sne.s32 s16, $0xF;
	s16 =	simm.s32 $0x9C20  }
0x11: {  	s7 =	ssub.s32 s7, s9;
	s19 =	sadd.s32 s19, s8;
	s0 =	sadd.s32 s15, s0  }
0x12: {  	s29 =	sadd.s32 s20, s8;
	s30 =	sadd.s32 s17, s8;
	s31 =	sadd.s32 s18, s8  }
0x13: {  	s21 =	sshrl.u32 s25, $0x3;
	s23 =	sshrl.u32 s26, $0x3;
	s25 =	simm.s32 $0x4E20  }
.Ltmp0:
0x14: {  	s26 =	simm.s32 $0x9C40;
	[dreg:$0x9] =	wrdreg s19;
	(pc) =	sbr.rel .LBB2_1-.Ltmp0, $4  }
0x15: {  	s15 =	simm.s32 $0x20;
	s8 =	simm.s32 $0xEA40;
	[dreg:$0xa] =	wrdreg s29  }
0x16: {  	s18 =	simm.s32 $0x0;
	[dreg:$0xb] =	wrdreg s30;
	s17 =	sadd.s32 s0, s14  }
0x17: {  	[dreg:$0xc] =	wrdreg s31;
	s19 =	smax.u32 s7, $0x1;
	s0 =	simm.s32 $0x9D40  }
0x18: {  	s14 =	simm.s32 $0x9DC0;
	s7 =	simm.s32 $0x1;
	s20 =	sadd.s32 $0x9C40, s17  }
.LBB2_6:
0x19: {  	s10 =	sadd.s32 $0x4E00, s10;
	s29 =	sshrl.u32 s12, $0x3  }
0x1a: {  	[hbm:s10], [sflag:s11] =	dma.local [spmem:s29], $0x20  }
0x1b: {  	_ =	swait.ge [sflag:s22], $0x20  }
0x1c: {  	[sflag:s22] =	ssyncset.done $0x0  }
0x1d: {  	s9 =	sadd.s32 $0x4E00, s9;
	s31 =	sshrl.u32 s13, $0x3;
	[sflag:s22] =	ssyncadd.s32 $0xFFFFFFE0  }
0x1e: {  	[hbm:s9], [sflag:s11] =	dma.local [spmem:s31], $0x20  }
0x1f: {  	_ =	swait.ge [sflag:s22], $0x20  }
0x20: {  	[sflag:s22] =	ssyncset.done $0x0  }
0x21: {  	[sflag:s22] =	ssyncadd.s32 $0xFFFFFFE0  }
.LBB2_7:
0x22: {  	s18 =	sadd.s32 $0x1, s18  }
0x23: {  	p3 =	sne.s32 s18, s19  }
.Ltmp1:
0x24: {  	_ = 	snop;
	(pc) =	sbr.rel @!p3 .LBB2_8-.Ltmp1, $1  }
0x25: {  	_ =	sdelay $0x3  }
.LBB2_1:
0x26: {  	[spmem:s21], [sflag:s11] =	dma.local [hbm:s1], $0x4E0  }
0x27: {  	_ =	swait.ge [sflag:s22], $0x4E0  }
0x28: {  	[sflag:s22] =	ssyncset.done $0x0  }
0x29: {  	[sflag:s22] =	ssyncadd.s32 $0xFFFFFB20  }
0x2a: {  	[spmem:s23], [sflag:s11] =	dma.local [hbm:s1], $0x4E0  }
0x2b: {  	_ =	swait.ge [sflag:s22], $0x4E0  }
0x2c: {  	[sflag:s22] =	ssyncset.done $0x0  }
0x2d: {  	s9 =	sshrl.u32 @!p0 s12, $0x3;
	[sflag:s22] =	ssyncadd.s32 $0xFFFFFB20  }
0x2e: {  	[spmem:s9], [sflag:s11] =	dma.local @!p0 [hbm:s1], $0x20  }
0x2f: {  	s9 =	simm.s32 @!p0 $0x2  }
0x30: {  	_ =	swait.ge @!p0 [sflag:s9], $0x20  }
0x31: {  	[sflag:s9] =	ssyncset.done @!p0 $0x0  }
0x32: {  	s10 =	sshrl.u32 @!p0 s13, $0x3;
	[sflag:s9] =	ssyncadd.s32 @!p0 $0xFFFFFFE0  }
0x33: {  	[spmem:s10], [sflag:s11] =	dma.local @!p0 [hbm:s1], $0x20  }
0x34: {  	_ =	swait.ge @!p0 [sflag:s9], $0x20  }
0x35: {  	[sflag:s9] =	ssyncset.done @!p0 $0x0  }
0x36: {  	[sflag:s9] =	ssyncadd.s32 @!p0 $0xFFFFFFE0  }
0x37: {  	[tilespmem:s24], [sflag:$0x2] =	stream.linear.gather [hbm4b:s6+s4], $0x800, $0x38;
	[tilespmem:$0xF260] =	vst v63  }
0x38: {  	_ =	swait.ge [sflag:s22], $0x800  }
0x39: {  	[sflag:s22] =	ssyncset.done $0x0  }
0x3a: {  	[sflag:s22] =	ssyncadd.s32 $0xFFFFF800  }
0x3b: {  	[tilespmem:s25], [sflag:$0x2] =	stream.linear.gather [hbm4b:s17+s4], $0x4E20, $0x38;
	[tilespmem:$0xF260] =	vst v63  }
0x3c: {  	_ =	swait.ge [sflag:s22], $0x4E20  }
0x3d: {  	[sflag:s22] =	ssyncset.done $0x0  }
0x3e: {  	[sflag:s22] =	ssyncadd.s32 $0xFFFFB1E0  }
0x3f: {  	[tilespmem:s26], [sflag:$0x2] =	stream.linear.gather [hbm4b:s20+s4], $0x4E20, $0x38;
	[tilespmem:$0xF260] =	vst v63  }
0x40: {  	_ =	swait.ge [sflag:s22], $0x4E20  }
0x41: {  	[sflag:s22] =	ssyncset.done $0x0  }
0x42: {  	[sflag:s22] =	ssyncadd.s32 $0xFFFFB1E0  }
0x43: {  	[bflag:$0x0] =	sbarrier.arrive $0xFFFF  }
0x44: {  	[spmem:s2] =	stream.indirect.scatter.add.f32 [tilespmem:s24], [sflag:$0x1], $0x10, s25, s28, $0xb8;
	[tilespmem:$0xF260] =	vst v63  }
0x45: {  	_ = 	snop  }
0x46: {  	[spmem:s3] =	stream.indirect.scatter.add.f32 [tilespmem:s24], [sflag:$0x1], $0x10, s26, s28, $0xb8;
	[tilespmem:$0xF260] =	vst v63  }
0x47: {  	s29 =	simm.s32 $0x4EA0  }
0x48: {  	[spmem:s2] =	stream.indirect.scatter.add.f32 [tilespmem:s24], [sflag:$0x1], $0x10, s29, s28, $0xb8;
	[tilespmem:$0xF260] =	vst v63  }
0x49: {  	s30 =	simm.s32 $0x9CC0  }
0x4a: {  	[spmem:s3] =	stream.indirect.scatter.add.f32 [tilespmem:s24], [sflag:$0x1], $0x10, s30, s28, $0xb8;
	[tilespmem:$0xF260] =	vst v63  }
0x4b: {  	s31 =	simm.s32 $0x4F20  }
0x4c: {  	[spmem:s2] =	stream.indirect.scatter.add.f32 [tilespmem:s24], [sflag:$0x1], $0x10, s31, s28, $0xb8;
	[tilespmem:$0xF260] =	vst v63  }
0x4d: {  	_ = 	snop  }
0x4e: {  	[spmem:s3] =	stream.indirect.scatter.add.f32 [tilespmem:s24], [sflag:$0x1], $0x10, s0, s28, $0xb8;
	[tilespmem:$0xF260] =	vst v63  }
0x4f: {  	_ = 	snop  }
0x50: {  	[spmem:s2] =	stream.indirect.scatter.add.f32 [tilespmem:s24], [sflag:$0x1], $0x10, s5, s28, $0xb8;
	[tilespmem:$0xF260] =	vst v63  }
0x51: {  	_ = 	snop  }
0x52: {  	[spmem:s3] =	stream.indirect.scatter.add.f32 [tilespmem:s24], [sflag:$0x1], $0x10, s14, s28, $0xb8;
	[tilespmem:$0xF260] =	vst v63  }
0x53: {  	s10 =	simm.s32 $0x5020  }
0x54: {  	[spmem:s2] =	stream.indirect.scatter.add.f32 [tilespmem:s24], [sflag:$0x1], $0x10, s10, s28, $0xb8;
	[tilespmem:$0xF260] =	vst v63  }
0x55: {  	s29 =	simm.s32 $0x9E40  }
0x56: {  	[spmem:s3] =	stream.indirect.scatter.add.f32 [tilespmem:s24], [sflag:$0x1], $0x10, s29, s28, $0xb8;
	[tilespmem:$0xF260] =	vst v63  }
0x57: {  	s30 =	simm.s32 $0x50A0  }
0x58: {  	[spmem:s2] =	stream.indirect.scatter.add.f32 [tilespmem:s24], [sflag:$0x1], $0x10, s30, s28, $0xb8;
	[tilespmem:$0xF260] =	vst v63  }
0x59: {  	s31 =	simm.s32 $0x9EC0  }
0x5a: {  	[spmem:s3] =	stream.indirect.scatter.add.f32 [tilespmem:s24], [sflag:$0x1], $0x10, s31, s28, $0xb8;
	[tilespmem:$0xF260] =	vst v63  }
0x5b: {  	s10 =	simm.s32 $0x5120  }
0x5c: {  	[spmem:s2] =	stream.indirect.scatter.add.f32 [tilespmem:s24], [sflag:$0x1], $0x10, s10, s28, $0xb8;
	[tilespmem:$0xF260] =	vst v63  }
0x5d: {  	s29 =	simm.s32 $0x9F40  }
0x5e: {  	[spmem:s3] =	stream.indirect.scatter.add.f32 [tilespmem:s24], [sflag:$0x1], $0x10, s29, s28, $0xb8;
	[tilespmem:$0xF260] =	vst v63  }
0x5f: {  	s30 =	simm.s32 $0x51A0  }
0x60: {  	[spmem:s2] =	stream.indirect.scatter.add.f32 [tilespmem:s24], [sflag:$0x1], $0x10, s30, s28, $0xb8;
	[tilespmem:$0xF260] =	vst v63  }
0x61: {  	s31 =	simm.s32 $0x9FC0  }
0x62: {  	[spmem:s3] =	stream.indirect.scatter.add.f32 [tilespmem:s24], [sflag:$0x1], $0x10, s31, s28, $0xb8;
	[tilespmem:$0xF260] =	vst v63  }
0x63: {  	_ =	swait.ge [sflag:s7], $0x800  }
0x64: {  	[sflag:s7] =	ssyncset.done $0x0  }
0x65: {  	[sflag:s7] =	ssyncadd.s32 $0xFFFFF800  }
0x66: {  	_ =	swait.ge [sflag:s7], $0x800  }
0x67: {  	[sflag:s7] =	ssyncset.done $0x0  }
0x68: {  	[sflag:s7] =	ssyncadd.s32 $0xFFFFF800  }
0x69: {  	_ =	swait.ge [sflag:s7], $0x800  }
0x6a: {  	[sflag:s7] =	ssyncset.done $0x0  }
0x6b: {  	[sflag:s7] =	ssyncadd.s32 $0xFFFFF800  }
0x6c: {  	_ =	swait.ge [sflag:s7], $0x800  }
0x6d: {  	[sflag:s7] =	ssyncset.done $0x0  }
0x6e: {  	[sflag:s7] =	ssyncadd.s32 $0xFFFFF800  }
0x6f: {  	_ =	swait.ge [sflag:s7], $0x800  }
0x70: {  	[sflag:s7] =	ssyncset.done $0x0  }
0x71: {  	[sflag:s7] =	ssyncadd.s32 $0xFFFFF800  }
0x72: {  	_ =	swait.ge [sflag:s7], $0x800  }
0x73: {  	[sflag:s7] =	ssyncset.done $0x0  }
0x74: {  	[sflag:s7] =	ssyncadd.s32 $0xFFFFF800  }
0x75: {  	_ =	swait.ge [sflag:s7], $0x800  }
0x76: {  	[sflag:s7] =	ssyncset.done $0x0  }
0x77: {  	[sflag:s7] =	ssyncadd.s32 $0xFFFFF800  }
0x78: {  	_ =	swait.ge [sflag:s7], $0x800  }
0x79: {  	s9 =	simm.s32 $0x1000;
	s10 =	simm.s32 $0x200;
	[sflag:s7] =	ssyncset.done $0x0  }
.LBB2_2:
0x7a: {  	s31 =	sadd.s32 $0x5020, s10  }
0x7b: {  	[sflag:s7] =	ssyncadd.s32 $0xFFFFF800;
	s29 =	smov.u32 s9;
	s30 =	sadd.s32 $0x800, s9  }
0x7c: {  	[spmem:s2] =	stream.indirect.scatter.add.f32 [tilespmem:s24], [sflag:$0x1], $0x10, s31, s28, $0xb8;
	[tilespmem:$0xF260] =	vst v63  }
0x7d: {  	p3 =	sne.s32 s9, $0x12800;
	s9 =	sadd.s32 $0x9E40, s10  }
0x7e: {  	[spmem:s3] =	stream.indirect.scatter.add.f32 [tilespmem:s24], [sflag:$0x1], $0x10, s9, s28, $0xb8;
	[tilespmem:$0xF260] =	vst v63  }
0x7f: {  	s9 =	sadd.s32 $0x50A0, s10  }
0x80: {  	[spmem:s2] =	stream.indirect.scatter.add.f32 [tilespmem:s24], [sflag:$0x1], $0x10, s9, s28, $0xb8;
	[tilespmem:$0xF260] =	vst v63  }
0x81: {  	s9 =	sadd.s32 $0x9EC0, s10  }
0x82: {  	[spmem:s3] =	stream.indirect.scatter.add.f32 [tilespmem:s24], [sflag:$0x1], $0x10, s9, s28, $0xb8;
	[tilespmem:$0xF260] =	vst v63  }
0x83: {  	s9 =	sadd.s32 $0x5120, s10  }
0x84: {  	[spmem:s2] =	stream.indirect.scatter.add.f32 [tilespmem:s24], [sflag:$0x1], $0x10, s9, s28, $0xb8;
	[tilespmem:$0xF260] =	vst v63  }
0x85: {  	s9 =	sadd.s32 $0x9F40, s10  }
0x86: {  	[spmem:s3] =	stream.indirect.scatter.add.f32 [tilespmem:s24], [sflag:$0x1], $0x10, s9, s28, $0xb8;
	[tilespmem:$0xF260] =	vst v63  }
0x87: {  	s9 =	sadd.s32 $0x51A0, s10  }
0x88: {  	[spmem:s2] =	stream.indirect.scatter.add.f32 [tilespmem:s24], [sflag:$0x1], $0x10, s9, s28, $0xb8;
	[tilespmem:$0xF260] =	vst v63  }
0x89: {  	s9 =	sadd.s32 $0x9FC0, s10  }
0x8a: {  	[spmem:s3] =	stream.indirect.scatter.add.f32 [tilespmem:s24], [sflag:$0x1], $0x10, s9, s28, $0xb8;
	[tilespmem:$0xF260] =	vst v63  }
0x8b: {  	_ =	swait.ge [sflag:s7], $0x800  }
0x8c: {  	[sflag:s7] =	ssyncset.done $0x0  }
0x8d: {  	[sflag:s7] =	ssyncadd.s32 $0xFFFFF800  }
0x8e: {  	_ =	swait.ge [sflag:s7], $0x800  }
0x8f: {  	[sflag:s7] =	ssyncset.done $0x0  }
0x90: {  	[sflag:s7] =	ssyncadd.s32 $0xFFFFF800  }
0x91: {  	_ =	swait.ge [sflag:s7], $0x800  }
0x92: {  	[sflag:s7] =	ssyncset.done $0x0  }
0x93: {  	[sflag:s7] =	ssyncadd.s32 $0xFFFFF800  }
0x94: {  	_ =	swait.ge [sflag:s7], $0x800  }
0x95: {  	[sflag:s7] =	ssyncset.done $0x0  }
0x96: {  	[sflag:s7] =	ssyncadd.s32 $0xFFFFF800  }
0x97: {  	_ =	swait.ge [sflag:s7], $0x800  }
0x98: {  	[sflag:s7] =	ssyncset.done $0x0  }
0x99: {  	[sflag:s7] =	ssyncadd.s32 $0xFFFFF800  }
0x9a: {  	_ =	swait.ge [sflag:s7], $0x800  }
0x9b: {  	[sflag:s7] =	ssyncset.done $0x0  }
0x9c: {  	[sflag:s7] =	ssyncadd.s32 $0xFFFFF800  }
.Ltmp2:
0x9d: {  	_ =	swait.ge [sflag:s7], $0x800;
	(pc) =	sbr.rel @p3 .LBB2_2-.Ltmp2, $4  }
0x9e: {  	[sflag:s7] =	ssyncset.done $0x0  }
0x9f: {  	[sflag:s7] =	ssyncadd.s32 $0xFFFFF800  }
0xa0: {  	_ =	swait.ge [sflag:s7], $0x800  }
0xa1: {  	s10 =	sshra.s32 s29, $0x2;
	s9 =	smov.u32 s30;
	[sflag:s7] =	ssyncset.done $0x0  }
0xa2: {  	s9 =	sadd.s32 $0x5020, s10;
	[sflag:s7] =	ssyncadd.s32 $0xFFFFF800  }
0xa3: {  	[spmem:s2] =	stream.indirect.scatter.add.f32 [tilespmem:s24], [sflag:$0x1], $0x10, s9, s28, $0xb8;
	[tilespmem:$0xF260] =	vst v63  }
0xa4: {  	s31 =	sadd.s32 $0x9E40, s10  }
0xa5: {  	[spmem:s3] =	stream.indirect.scatter.add.f32 [tilespmem:s24], [sflag:$0x1], $0x10, s31, s28, $0xb8;
	[tilespmem:$0xF260] =	vst v63  }
0xa6: {  	s29 =	sadd.s32 $0x50A0, s10  }
0xa7: {  	[spmem:s2] =	stream.indirect.scatter.add.f32 [tilespmem:s24], [sflag:$0x1], $0x10, s29, s28, $0xb8;
	[tilespmem:$0xF260] =	vst v63  }
0xa8: {  	s30 =	sadd.s32 $0x9EC0, s10  }
0xa9: {  	[spmem:s3] =	stream.indirect.scatter.add.f32 [tilespmem:s24], [sflag:$0x1], $0x10, s30, s28, $0xb8;
	[tilespmem:$0xF260] =	vst v63  }
0xaa: {  	s31 =	sadd.s32 $0x5120, s10  }
0xab: {  	[spmem:s2] =	stream.indirect.scatter.add.f32 [tilespmem:s24], [sflag:$0x1], $0x10, s31, s28, $0xb8;
	[tilespmem:$0xF260] =	vst v63  }
0xac: {  	s29 =	sadd.s32 $0x9F40, s10  }
0xad: {  	[spmem:s3] =	stream.indirect.scatter.add.f32 [tilespmem:s24], [sflag:$0x1], $0x10, s29, s28, $0xb8;
	[tilespmem:$0xF260] =	vst v63  }
0xae: {  	s30 =	sadd.s32 $0x51A0, s10  }
0xaf: {  	[spmem:s2] =	stream.indirect.scatter.add.f32 [tilespmem:s24], [sflag:$0x1], $0x10, s30, s28, $0xb8;
	[tilespmem:$0xF260] =	vst v63  }
0xb0: {  	s31 =	sadd.s32 $0x9FC0, s10  }
0xb1: {  	[spmem:s3] =	stream.indirect.scatter.add.f32 [tilespmem:s24], [sflag:$0x1], $0x10, s31, s28, $0xb8;
	[tilespmem:$0xF260] =	vst v63  }
0xb2: {  	_ =	swait.ge [sflag:s7], $0x800  }
0xb3: {  	[sflag:s7] =	ssyncset.done $0x0  }
0xb4: {  	[sflag:s7] =	ssyncadd.s32 $0xFFFFF800  }
0xb5: {  	_ =	swait.ge [sflag:s7], $0x800  }
0xb6: {  	[sflag:s7] =	ssyncset.done $0x0  }
0xb7: {  	[sflag:s7] =	ssyncadd.s32 $0xFFFFF800  }
0xb8: {  	_ =	swait.ge [sflag:s7], $0x800  }
0xb9: {  	[sflag:s7] =	ssyncset.done $0x0  }
0xba: {  	[sflag:s7] =	ssyncadd.s32 $0xFFFFF800  }
0xbb: {  	_ =	swait.ge [sflag:s7], $0x800  }
0xbc: {  	[sflag:s7] =	ssyncset.done $0x0  }
0xbd: {  	[sflag:s7] =	ssyncadd.s32 $0xFFFFF800  }
0xbe: {  	_ =	swait.ge [sflag:s7], $0x800  }
0xbf: {  	[sflag:s7] =	ssyncset.done $0x0  }
0xc0: {  	[sflag:s7] =	ssyncadd.s32 $0xFFFFF800  }
0xc1: {  	_ =	swait.ge [sflag:s7], $0x800  }
0xc2: {  	[sflag:s7] =	ssyncset.done $0x0  }
0xc3: {  	[sflag:s7] =	ssyncadd.s32 $0xFFFFF800  }
0xc4: {  	_ =	swait.ge [sflag:s7], $0x800  }
0xc5: {  	[sflag:s7] =	ssyncset.done $0x0  }
0xc6: {  	[sflag:s7] =	ssyncadd.s32 $0xFFFFF800  }
0xc7: {  	_ =	swait.ge [sflag:s7], $0x800  }
0xc8: {  	[sflag:s7] =	ssyncset.done $0x0  }
0xc9: {  	[sflag:s7] =	ssyncadd.s32 $0xFFFFF800  }
0xca: {  	_ =	swait.ge [sflag:s7], $0x800  }
0xcb: {  	[sflag:s7] =	ssyncset.done $0x0  }
0xcc: {  	[sflag:s7] =	ssyncadd.s32 $0xFFFFF800  }
0xcd: {  	_ =	swait.ge [sflag:s7], $0x800  }
0xce: {  	[sflag:s7] =	ssyncset.done $0x0  }
0xcf: {  	[sflag:s7] =	ssyncadd.s32 $0xFFFFF800  }
0xd0: {  	_ =	swait.ge [sflag:s7], $0x800  }
0xd1: {  	[sflag:s7] =	ssyncset.done $0x0  }
0xd2: {  	[sflag:s7] =	ssyncadd.s32 $0xFFFFF800  }
0xd3: {  	_ =	swait.ge [sflag:s7], $0x800  }
0xd4: {  	[sflag:s7] =	ssyncset.done $0x0  }
0xd5: {  	[sflag:s7] =	ssyncadd.s32 $0xFFFFF800  }
0xd6: {  	_ =	swait.ge [sflag:s7], $0x800  }
0xd7: {  	[sflag:s7] =	ssyncset.done $0x0  }
0xd8: {  	[sflag:s7] =	ssyncadd.s32 $0xFFFFF800  }
0xd9: {  	_ =	swait.ge [sflag:s7], $0x800  }
0xda: {  	[sflag:s7] =	ssyncset.done $0x0  }
0xdb: {  	[sflag:s7] =	ssyncadd.s32 $0xFFFFF800  }
0xdc: {  	_ =	swait.ge [sflag:s7], $0x800  }
0xdd: {  	[sflag:s7] =	ssyncset.done $0x0  }
0xde: {  	[sflag:s7] =	ssyncadd.s32 $0xFFFFF800  }
0xdf: {  	_ =	swait.ge [sflag:s7], $0x800  }
0xe0: {  	[sflag:s7] =	ssyncset.done $0x0  }
0xe1: {  	[sflag:s7] =	ssyncadd.s32 $0xFFFFF800  }
0xe2: {  	[spmem:s2] =	stream.indirect.scatter.add.f32 [tilespmem:s24], [sflag:$0x2], $0x10, s16, s15, $0xb8;
	[tilespmem:$0xF260] =	vst v63  }
0xe3: {  	_ =	swait.ge [sflag:s22], $0x200  }
0xe4: {  	[sflag:s22] =	ssyncset.done $0x0  }
0xe5: {  	[sflag:s22] =	ssyncadd.s32 $0xFFFFFE00  }
0xe6: {  	[spmem:s3] =	stream.indirect.scatter.add.f32 [tilespmem:s24], [sflag:$0x2], $0x10, s8, s15, $0xb8;
	[tilespmem:$0xF260] =	vst v63  }
.Ltmp3:
0xe7: {  	_ =	swait.ge [sflag:s22], $0x200;
	(pc) =	sbr.rel @p1 .LBB2_5-.Ltmp3, $3  }
0xe8: {  	[sflag:s22] =	ssyncset.done $0x0  }
0xe9: {  	[sflag:s22] =	ssyncadd.s32 $0xFFFFFE00  }
0xea: {  	[bflag:$0x0] =	sbarrier.arrive $0xFFFF;
	_ =	sdelay $0x1  }
0xeb: {  	s9 =	rddreg [dreg:$0xb]  }
0xec: {  	[hbm:s9], [sflag:s11] =	dma.local [spmem:s21], $0x4E0  }
0xed: {  	_ =	swait.ge [sflag:s22], $0x4E0  }
0xee: {  	[sflag:s22] =	ssyncset.done $0x0  }
0xef: {  	s31 =	rddreg [dreg:$0xc];
	[sflag:s22] =	ssyncadd.s32 $0xFFFFFB20  }
0xf0: {  	[hbm:s31], [sflag:s11] =	dma.local [spmem:s23], $0x4E0  }
.Ltmp4:
0xf1: {  	_ = 	snop;
	(pc) =	sbr.rel @p2 .LBB2_6-.Ltmp4, $4  }
.Ltmp5:
0xf2: {  	_ = 	snop;
	(pc) =	sbr.rel @!p2 .LBB2_7-.Ltmp5, $4  }
0xf3: {  	_ =	swait.ge [sflag:s22], $0x4E0  }
0xf4: {  	[sflag:s22] =	ssyncset.done $0x0;
	s10 =	rddreg [dreg:$0x5]  }
0xf5: {  	s9 =	rddreg [dreg:$0x6];
	[sflag:s22] =	ssyncadd.s32 $0xFFFFFB20  }
0xf6: {  	_ = 	snop  }
.LBB2_5:
0xf7: {  	s9 =	rddreg [dreg:$0x9]  }
0xf8: {  	[hbm:s9], [sflag:s11] =	dma.local [spmem:s21], $0x4E0  }
0xf9: {  	_ =	swait.ge [sflag:s22], $0x4E0  }
0xfa: {  	[sflag:s22] =	ssyncset.done $0x0  }
0xfb: {  	s31 =	rddreg [dreg:$0xa];
	[sflag:s22] =	ssyncadd.s32 $0xFFFFFB20  }
0xfc: {  	[hbm:s31], [sflag:s11] =	dma.local [spmem:s23], $0x4E0  }
.Ltmp6:
0xfd: {  	_ = 	snop;
	(pc) =	sbr.rel @p0 .LBB2_7-.Ltmp6, $4  }
.Ltmp7:
0xfe: {  	_ = 	snop;
	(pc) =	sbr.rel @!p0 .LBB2_6-.Ltmp7, $4  }
0xff: {  	_ =	swait.ge [sflag:s22], $0x4E0  }
0x100: {  	[sflag:s22] =	ssyncset.done $0x0;
	s10 =	rddreg [dreg:$0x7]  }
0x101: {  	s9 =	rddreg [dreg:$0x8];
	[sflag:s22] =	ssyncadd.s32 $0xFFFFFB20  }
0x102: {  	_ = 	snop  }
.LBB2_8:
0x103: {  	_ =	sfence.sel $0x180000  }
0x104: {  	[bflag:$0x0] =	sbarrier.arrive $0xFFFF  }
0x105: {  	_ =	strace $0x90000047  }
0x106: {  	s0 =	stileid.u32;
	[bflag:$0x2] =	sbarrier.arrive $0xFFFF  }
0x107: {  	p0 =	sne.s32 s0, $0x0;
	s0 =	rddreg [dreg:$0x4]  }
0x108: {  	s0 =	sadd.s32 @!p0 $0x100000, s0  }
0x109: {  	[sflag:s0] =	ssyncadd.tile.s32 @!p0 $0x1;
	_ =	shalt  }
.Lfunc_end2:
_tile_overlayer_lowered:
.L_overlay_start_2:
0x10a: {  	(tag) =	ssettag $0x2  }
0x10b: {  	s0 =	rddreg [dreg:$0x0];
	s2 =	stileid.u32  }
0x10c: {  	s1 =	rddreg [dreg:$0x1];
	p0 =	sne.s32 s2, $0x0  }
0x10d: {  	s3 =	rddreg [dreg:$0x2];
	[bflag:$0x3] =	sbarrier.arrive $0xFFFF;
	s2 =	simm.s32 @!p0 $0x1C02  }
0x10e: {  	[timem:s3], [sflag:s2] =	dma.local @!p0 [hbm:s0], s1  }
0x10f: {  	s0 =	simm.s32 @!p0 $0x2  }
0x110: {  	_ =	swait.ge @!p0 [sflag:s0], s1  }
0x111: {  	s1 =	ssub.s32 @!p0 $0x0, s1;
	[sflag:s0] =	ssyncset.done @!p0 $0x0  }
0x112: {  	[sflag:s0] =	ssyncadd.s32 @!p0 s1  }
0x113: {  	[bflag:$0x3] =	sbarrier.arrive $0xFFFF  }
0x114: {  	_ =	shalt  }

// kernel: kernel.9.cloned.1.call-start
scs
__scs_entry_jumppad:
0x0: {  	(pc) =	sbr.rel $0x88, $3  }
0x1: {  	(tag) =	ssettag $0x0;
	lr =	simm.s32 $0x1  }
0x2: {  	[smem:$0x3F9A] =	sst lr;
	_ =	strace $0xD0000000  }
0x3: {  	_ = 	snop  }
0x4: {  	_ = 	snop  }
0x5: {  	_ = 	snop  }
0x6: {  	_ = 	snop  }
0x7: {  	_ = 	snop  }
__scs_overlays_trampoline_lowered:
0x8: {  	[smem:$0x3FA9] =	sst s0  }
0x9: {  	[smem:$0x3FAA] =	sst s1  }
0xa: {  	[smem:$0x3FAB] =	sst s2  }
0xb: {  	[smem:$0x3FAC] =	sst s3  }
0xc: {  	[smem:$0x3FAD] =	sst s4  }
0xd: {  	[smem:$0x3FAE] =	sst s5  }
0xe: {  	[smem:$0x3FAF] =	sst s6  }
0xf: {  	[smem:$0x3FB0] =	sst s7  }
0x10: {  	[smem:$0x3FB1] =	sst s8  }
0x11: {  	[smem:$0x3FB2] =	sst s9;
	s0 =	simm.s32 @!p0 $0x0  }
0x12: {  	s1 =	sld [smem:$0x3F98];
	s0 =	simm.s32 @p0 $0x1  }
0x13: {  	[smem:$0x3FB3] =	sst s0;
	s0 =	simm.s32 @!p1 $0x0  }
0x14: {  	s2 =	sld [smem:$0x3F97];
	s0 =	simm.s32 @p1 $0x1  }
0x15: {  	[smem:$0x3FB4] =	sst s0;
	s0 =	simm.s32 @!p2 $0x0  }
0x16: {  	s3 =	sld [smem:$0x3FDB];
	s0 =	simm.s32 @p2 $0x1  }
0x17: {  	s4 =	simm.s32 $0x1BF5;
	[smem:$0x3FB6] =	sst s0  }
0x18: {  	s0 =	sld [smem:$0x3F99];
	_ =	swait.ge [sflag:s4], $0x0  }
0x19: {  	s7 =	sld [smem:$0x3F9A]  }
0x1a: {  	s8 =	sadd.s32 $0xFFFFE003, lr  }
0x1b: {  	s9 =	sadd.s32 $0xFFFFFEF7, lr;
	s5 =	simm.s32 $0xFFFFFFFF;
	p2 =	slt.u32 s8, $0xFFFFF086  }
0x1c: {  	p1 =	slt.u32 s9, $0xF7A;
	s5 =	simm.s32 @!p2 $0x0  }
0x1d: {  	s5 =	simm.s32 @p1 $0x1;
	p0 =	seq.s32 s7, s2  }
0x1e: {  	s7 =	smul.u32 @!p0 $0xF7A, s2;
	p2 =	seq.s32 @!p0 s5, $0x0  }
0x1f: {  	s9 =	smul.u32 $0xF7A, s1;
	s8 =	simm.s32 @!p0 $0x1BF5;
	p2 =	por !p2, p0  }
0x20: {  	[sflag:s8] =	ssyncset.s32 @!p0 $0xFFFFF086;
	s6 =	sadd.s32 @!p0 s3, s7;
	s7 =	simm.s32 @!p0 $0x108  }
0x21: {  	s3 =	sadd.s32 s3, s9;
	s6 =	sadd.s32 @!p0 $0x88, s6;
	s7 =	simm.s32 @p2 $0x1082  }
0x22: {  	[simem:s7], [sflag:s8] =	dma.local @!p0 [hbm:s6], $0xF7A  }
0x23: {  	s9 =	sor.u32 $0xD0000000, s2;
	s6 =	simm.s32 $0x108;
	_ =	swait.ge @!p0 [sflag:s8], $0x0  }
0x24: {  	s3 =	sadd.s32 $0x88, s3;
	s6 =	simm.s32 @!p1 $0x1082;
	[sflag:s4] =	ssyncset.s32 $0xFFFFF086  }
0x25: {  	[simem:s6], [sflag:s4] =	dma.local [hbm:s3], $0xF7A  }
0x26: {  	[smem:$0x3F9A] =	sst s1;
	(tag) =	ssettag s2;
	_ =	strace s9  }
0x27: {  	s1 =	sld [smem:$0x3FAA]  }
0x28: {  	s2 =	sld [smem:$0x3FAB]  }
0x29: {  	s4 =	sld [smem:$0x3FAD]  }
0x2a: {  	p0 =	seq.s32 s5, $0x0;
	s5 =	sld [smem:$0x3FAE]  }
0x2b: {  	s6 =	sld [smem:$0x3FAF]  }
0x2c: {  	s7 =	sld [smem:$0x3FB0]  }
0x2d: {  	s3 =	simm.s32 $0x108;
	s8 =	sld [smem:$0x3FB1]  }
0x2e: {  	s3 =	simm.s32 @!p0 $0x1082;
	s9 =	sld [smem:$0x3FB2]  }
0x2f: {  	lr =	sadd.s32 s0, s3;
	s0 =	sld [smem:$0x3FA9]  }
0x30: {  	s3 =	sld [smem:$0x3FAC]  }
0x31: {  	[smem:$0x3FB5] =	sst s10  }
0x32: {  	s10 =	sld [smem:$0x3FB3];
	_ =	sdelay $0x3  }
0x33: {  	p0 =	seq.s32 s10, $0x1;
	s10 =	sld [smem:$0x3FB5];
	_ =	sdelay $0x3  }
0x34: {  	[smem:$0x3FB5] =	sst s10  }
0x35: {  	s10 =	sld [smem:$0x3FB4];
	_ =	sdelay $0x3  }
0x36: {  	p1 =	seq.s32 s10, $0x1;
	s10 =	sld [smem:$0x3FB5];
	_ =	sdelay $0x3  }
0x37: {  	[smem:$0x3FB5] =	sst s10  }
0x38: {  	s10 =	sld [smem:$0x3FB6]  }
0x39: {  	_ = 	snop;
	(pc) =	sbr.ind lr, $3  }
0x3a: {  	_ = 	snop  }
0x3b: {  	_ = 	snop  }
0x3c: {  	p2 =	seq.s32 s10, $0x1;
	s10 =	sld [smem:$0x3FB5]  }
0x3d: {  	_ =	shalt  }
0x3e: {  	_ =	shalt  }
0x3f: {  	_ =	shalt  }
0x40: {  	_ =	shalt  }
0x41: {  	_ =	shalt  }
0x42: {  	_ =	shalt  }
0x43: {  	_ =	shalt  }
0x44: {  	_ =	shalt  }
0x45: {  	_ =	shalt  }
0x46: {  	_ =	shalt  }
0x47: {  	_ =	shalt  }
0x48: {  	_ =	shalt  }
0x49: {  	_ =	shalt  }
0x4a: {  	_ =	shalt  }
0x4b: {  	_ =	shalt  }
0x4c: {  	_ =	shalt  }
0x4d: {  	_ =	shalt  }
0x4e: {  	_ =	shalt  }
0x4f: {  	_ =	shalt  }
0x50: {  	_ =	shalt  }
0x51: {  	_ =	shalt  }
0x52: {  	_ =	shalt  }
0x53: {  	_ =	shalt  }
0x54: {  	_ =	shalt  }
0x55: {  	_ =	shalt  }
0x56: {  	_ =	shalt  }
0x57: {  	_ =	shalt  }
0x58: {  	_ =	shalt  }
0x59: {  	_ =	shalt  }
0x5a: {  	_ =	shalt  }
0x5b: {  	_ =	shalt  }
0x5c: {  	_ =	shalt  }
0x5d: {  	_ =	shalt  }
0x5e: {  	_ =	shalt  }
0x5f: {  	_ =	shalt  }
0x60: {  	_ =	shalt  }
0x61: {  	_ =	shalt  }
0x62: {  	_ =	shalt  }
0x63: {  	_ =	shalt  }
0x64: {  	_ =	shalt  }
0x65: {  	_ =	shalt  }
0x66: {  	_ =	shalt  }
0x67: {  	_ =	shalt  }
0x68: {  	_ =	shalt  }
0x69: {  	_ =	shalt  }
0x6a: {  	_ =	shalt  }
0x6b: {  	_ =	shalt  }
0x6c: {  	_ =	shalt  }
0x6d: {  	_ =	shalt  }
0x6e: {  	_ =	shalt  }
0x6f: {  	_ =	shalt  }
0x70: {  	_ =	shalt  }
0x71: {  	_ =	shalt  }
0x72: {  	_ =	shalt  }
0x73: {  	_ =	shalt  }
0x74: {  	_ =	shalt  }
0x75: {  	_ =	shalt  }
0x76: {  	_ =	shalt  }
0x77: {  	_ =	shalt  }
0x78: {  	_ =	shalt  }
0x79: {  	_ =	shalt  }
0x7a: {  	_ =	shalt  }
0x7b: {  	_ =	shalt  }
0x7c: {  	_ =	shalt  }
0x7d: {  	_ =	shalt  }
0x7e: {  	_ =	shalt  }
0x7f: {  	_ =	shalt  }
0x80: {  	_ =	shalt  }
0x81: {  	_ =	shalt  }
0x82: {  	_ =	shalt  }
0x83: {  	_ =	shalt  }
0x84: {  	_ =	shalt  }
0x85: {  	_ =	shalt  }
0x86: {  	_ =	shalt  }
0x87: {  	_ =	shalt  }
.Lfunc_end0:
.L_simem_size_0:
called_computation.1_lowered:
.L_overlay_start_0:
0x88: {  	s2 =	sld [smem:$0x3FD9]  }
0x89: {  	s3 =	sld [smem:$0x3FFE];
	_ =	sdelay $0x1  }
0x8a: {  	s1 =	srdreg.scid  }
0x8b: {  	s0 =	sand.u32 $0x1, s1  }
0x8c: {  	s17 =	sshll.u32 s0, $0xA;
	s2 =	sadd.s32 s3, s2  }
0x8d: {  	s2 =	sadd.s32 s2, s17  }
0x8e: {  	[smem:$0x3FC1] =	sst s2  }
0x8f: {  	_ = 	snop  }
0x90: {  	s2 =	sld [smem:$0x3FD0];
	(tm) =	ssettm $0x1  }
0x91: {  	s18 =	sld [smem:$0x3FFB];
	_ =	sdelay $0x3  }
0x92: {  	_ =	strace s18  }
0x93: {  	s3 =	sld [smem:$0x3FFC];
	_ =	sdelay $0x3  }
0x94: {  	_ =	strace s3  }
0x95: {  	s3 =	sld [smem:$0x3FFD];
	_ =	sdelay $0x3  }
0x96: {  	_ =	strace s3  }
0x97: {  	_ =	strace $0x8FFFFFFF  }
0x98: {  	s19 =	sld [smem:$0x3FDB];
	_ =	sdelay $0x1  }
0x99: {  	s4 =	simm.s32 $_scs_section_size  }
0x9a: {  	s5 =	simm.s32 $_size__tile_overlayer_lowered;
	s6 =	simm.s32 $_tile_overlayer_lowered  }
0x9b: {  	s22 =	simm.s32 $0x1BFF;
	s21 =	sshll.u32 s6, $0x1;
	s3 =	sadd.s32 s4, s19  }
0x9c: {  	s7 =	simm.s32 $0x0;
	s20 =	sshll.u32 s5, $0x1;
	s5 =	sadd.s32 s21, s3  }
0x9d: {  	[timem:s7], [sflag:s22] =	dma.local [hbm:s5], s20  }
0x9e: {  	_ =	swait.ge [sflag:s22], s20  }
0x9f: {  	s4 =	ssub.s32 $0x0, s20;
	[sflag:s22] =	ssyncset.done $0x0  }
0xa0: {  	[sflag:s22] =	ssyncadd.s32 s4;
	_ =	sdelay $0x1  }
0xa1: {  	s23 =	simm.s32 $0x1B8B  }
0xa2: {  	_ =	swait.ge [sflag:s23], $0x1  }
0xa3: {  	[sflag:s23] =	ssyncset.done $0x0  }
0xa4: {  	s25 =	simm.s32 $0x1B8E;
	s24 =	sld [smem:$0x3FFE];
	[sflag:s23] =	ssyncadd.s32 $0xFFFFFFFF  }
0xa5: {  	s26 =	simm.s32 $execute0_lowered;
	[smem:$0x3FD2] =	sst s25  }
0xa6: {  	s5 =	sshll.u32 s26, $0x1;
	_ =	strace $0x80000049;
	[dreg:$0x1] =	wrdreg $0xFFFFFFFF  }
0xa7: {  	s28 =	simm.s32 $_size_execute0_lowered;
	s3 =	sadd.s32 s3, s5;
	[dreg:$0x0] =	wrdreg $0x0  }
0xa8: {  	s5 =	sshll.u32 s28, $0x1;
	[dreg:$0x2] =	wrdreg s3  }
0xa9: {  	[dreg:$0x3] =	wrdreg s5  }
0xaa: {  	[dreg:$0x4] =	wrdreg $0xC0  }
0xab: {  	_ =	task [dreg:s7], $0x5FFFF  }
0xac: {  	[dreg:$0x1] =	wrdreg $0xFFFFFFFF  }
0xad: {  	[dreg:$0x0] =	wrdreg $0x60  }
0xae: {  	[dreg:$0x2] =	wrdreg s2  }
0xaf: {  	[dreg:$0x3] =	wrdreg s24  }
0xb0: {  	[dreg:$0x4] =	wrdreg $0x0  }
0xb1: {  	[dreg:$0x5] =	wrdreg $0x9  }
0xb2: {  	_ =	task.clear_ibuf [dreg:s7], $0x6FFFF;
	_ =	strace $0x90000049  }
0xb3: {  	s29 =	simm.s32 $0x9;
	_ =	strace $0x8000004B  }
0xb4: {  	_ =	swait.ge [sflag:s29], $0x1  }
0xb5: {  	[sflag:s29] =	ssyncadd.s32 $0xFFFFFFFF  }
0xb6: {  	_ =	strace $0x9000004B  }
0xb7: {  	_ =	sfence  }
0xb8: {  	s30 =	sld [smem:$0x0];
	_ =	sdelay $0x2  }
0xb9: {  	s31 =	sshll.u32 s1, $0xD;
	s1 =	sshrl.u32 s1, $0x2  }
0xba: {  	s3 =	sand.u32 $0x4000, s31;
	s1 =	sadd.s32 s1, s30  }
0xbb: {  	s0 =	sor.u32 s3, s0;
	s1 =	sshll.u32 s1, $0x11  }
0xbc: {  	s0 =	sor.u32 s1, s0  }
0xbd: {  	s0 =	sadd.s32 $0x8F2B, s0  }
0xbe: {  	[sflag:s0] =	ssyncadd.remote.s32 $0x1  }
0xbf: {  	_ =	sfence.sel $0xFFFF  }
0xc0: {  	[dreg:$0x0] =	wrdreg $0xFFFFFFFF;
	(pc) =	sbr.abs _section_cstart, $3  }
0xc1: {  	[dreg:$0x1] =	wrdreg $0xFFFFFFFF  }
0xc2: {  	_ =	task.clear_ibuf [dreg:s7], $0x2FFFF;
	_ =	strace $0x9FFFFFFF  }
0xc3: {  	(tm) =	ssettm $0x7FFFFFFF  }
tec
execute0_lowered:
.L_overlay_start_1:
0x0: {  	(tag) =	ssettag $0x1  }
0x1: {  	s1 =	rddreg [dreg:$0x0]  }
0x2: {  	s0 =	rddreg [dreg:$0x1]  }
0x3: {  	s2 =	rddreg [dreg:$0x2];
	s15 =	simm.s32 $0x0  }
0x4: {  	s3 =	srdreg.scid;
	s10 =	stileid.u32;
	s30 =	simm.s32 $0x15F90  }
0x5: {  	s29 =	simm.s32 $0xC;
	s31 =	simm.s32 $0x18650;
	s28 =	simm.s32 $0x18678  }
0x6: {  	[smem:$0x7FF] =	sst s15;
	s5 =	sadd.s32 $0x3E800, s0;
	s11 =	sadd.s32 $0x16C00, s0  }
0x7: {  	s12 =	sadd.s32 $0x3200, s0;
	s3 =	sand.u32 $0x1, s3;
	s6 =	smul.u32 $0x13800, s10  }
0x8: {  	s4 =	sadd.s32 $0x2A600, s0;
	s13 =	sadd.s32 $0x65A00, s0;
	s8 =	smul.u32 $0x4E20, s10  }
0x9: {  	s23 =	sadd.s32 $0x138000, s2;
	_ =	strace $0x8000004A;
	[dreg:$0x7] =	wrdreg s4  }
0xa: {  	s14 =	sadd.s32 $0x8CC00, s0;
	s20 =	sshll.u32 s10, $0x6;
	[dreg:$0xc] =	wrdreg s23  }
0xb: {  	p1 =	sne.s32 s10, $0xF;
	p2 =	seq.s32 s10, $0xF;
	[dreg:$0x6] =	wrdreg s12  }
0xc: {  	s10 =	simm.s32 $0x1;
	s19 =	ssub.s32 $0x2, s3;
	[dreg:$0x9] =	wrdreg s14  }
0xd: {  	s24 =	sor.u32 $0x1C0D, s20;
	p0 =	sne.s32 s3, $0x0;
	[dreg:$0x5] =	wrdreg s11  }
0xe: {  	[dreg:$0x8] =	wrdreg s13;
	s4 =	simm.s32 $0x186A0;
	s3 =	simm.s32 $0x9  }
0xf: {  	s7 =	sshrl.u32 s19, $0x1;
	s21 =	sadd.s32 s6, s2;
	s22 =	sshrl.u32 s8, $0x3  }
0x10: {  	s16 =	sadd.s32 $0x1388, s8;
	s6 =	sshrl.u32 s6, $0x3;
	[dreg:$0xb] =	wrdreg s24  }
0x11: {  	s8 =	simm.s32 $0x3;
	s0 =	ssub.s32 s19, s7;
	[dreg:$0xa] =	wrdreg s21  }
0x12: {  	s25 =	sadd.s32 s12, s22;
	s26 =	sadd.s32 $0x9C40, s22;
	s17 =	sadd.s32 $0x4E2, s22  }
0x13: {  	s19 =	sadd.s32 $0xA122, s22;
	s20 =	sadd.s32 s14, s6;
	[dreg:$0xd] =	wrdreg s25  }
0x14: {  	s21 =	sadd.s32 s11, s22;
	s14 =	simm.s32 $0x19AA0;
	[dreg:$0x11] =	wrdreg s20  }
0x15: {  	s7 =	simm.s32 $0xA;
	s9 =	sadd.s32 s12, s26;
	[dreg:$0x12] =	wrdreg s21  }
0x16: {  	s18 =	sadd.s32 s12, s17;
	s12 =	sadd.s32 s12, s19;
	[dreg:$0xe] =	wrdreg s9  }
0x17: {  	s22 =	sadd.s32 s11, s26;
	s23 =	sadd.s32 s11, s17;
	[dreg:$0xf] =	wrdreg s18  }
0x18: {  	s25 =	sadd.s32 s11, s19;
	s26 =	sadd.s32 s13, s6;
	[dreg:$0x10] =	wrdreg s12  }
0x19: {  	s0 =	smax.u32 s0, $0x1;
	s20 =	simm.s32 $0xD;
	[dreg:$0x13] =	wrdreg s22  }
0x1a: {  	s19 =	simm.s32 $0x1AEA0;
	s21 =	simm.s32 $0x1C2A0;
	[dreg:$0x14] =	wrdreg s23  }
.Ltmp0:
0x1b: {  	s11 =	simm.s32 $0x6;
	[dreg:$0x15] =	wrdreg s25;
	(pc) =	sbr.rel .LBB2_1-.Ltmp0, $4  }
0x1c: {  	s13 =	simm.s32 $0x7;
	s6 =	simm.s32 $0x5;
	[dreg:$0x16] =	wrdreg s26  }
0x1d: {  	[dreg:$0x17] =	wrdreg s0;
	s0 =	simm.s32 $0x28;
	s9 =	simm.s32 $0x1D6A0  }
0x1e: {  	s25 =	simm.s32 $0x2;
	s12 =	simm.s32 $0x8;
	s26 =	simm.s32 $0x4  }
0x1f: {  	s18 =	simm.s32 $0x185D8;
	s22 =	simm.s32 $0x18600;
	s23 =	simm.s32 $0x18628  }
.LBB2_16:
0x20: {  	s17 =	rddreg [dreg:$0xc]  }
0x21: {  	s15 =	sadd.s32 $0x27000, s15;
	s17 =	sshrl.u32 s17, $0x3  }
0x22: {  	[hbm:s15], [sflag:s24] =	dma.local [spmem:s17], $0x100  }
0x23: {  	s17 =	simm.s32 $0xD  }
0x24: {  	_ =	swait.ge [sflag:s17], $0x100  }
0x25: {  	[sflag:s17] =	ssyncset.done $0x0  }
0x26: {  	[sflag:s17] =	ssyncadd.s32 $0xFFFFFF00  }
.LBB2_17:
0x27: {  	s20 =	sadd.s32 $0x1, s20;
	s15 =	rddreg [dreg:$0x17]  }
0x28: {  	p3 =	sne.s32 s20, s15  }
.Ltmp1:
0x29: {  	_ = 	snop;
	(pc) =	sbr.rel @!p3 .LBB2_18-.Ltmp1, $2  }
0x2a: {  	_ =	sdelay $0x2  }
0x2b: {  	s15 =	smov.u32 s20;
	s20 =	simm.s32 $0xD  }
.LBB2_1:
0x2c: {  	[dreg:$0x4] =	wrdreg s15  }
0x2d: {  	s17 =	rddreg [dreg:$0xa]  }
0x2e: {  	s15 =	sshrl.u32 s17, $0x3;
	s17 =	rddreg [dreg:$0x7]  }
0x2f: {  	[dreg:$0x18] =	wrdreg s15  }
0x30: {  	[spmem:s15], [sflag:s24] =	dma.local [hbm:s17], $0x2700  }
0x31: {  	_ =	swait.ge [sflag:s20], $0x2700  }
0x32: {  	[sflag:s20] =	ssyncset.done $0x0;
	s15 =	rddreg [dreg:$0xc]  }
0x33: {  	[sflag:s20] =	ssyncadd.s32 $0xFFFFD900;
	s15 =	sshrl.u32 @!p1 s15, $0x3  }
0x34: {  	[spmem:s15], [sflag:s24] =	dma.local @!p1 [hbm:s17], $0x100  }
0x35: {  	s15 =	simm.s32 @!p1 $0xD  }
.Ltmp2:
0x36: {  	_ =	swait.ge @!p1 [sflag:s15], $0x100;
	(pc) =	sbr.rel @p0 .LBB2_9-.Ltmp2, $4  }
0x37: {  	[sflag:s15] =	ssyncset.done @!p1 $0x0  }
0x38: {  	[sflag:s15] =	ssyncadd.s32 @!p1 $0xFFFFFF00  }
0x39: {  	[bflag:$0x0] =	sbarrier.arrive $0xFFFF  }
0x3a: {  	s15 =	simm.s32 $0x0  }
0x3b: {  	s17 =	rddreg [dreg:$0x12];
	s24 =	simm.s32 $0x13880  }
0x3c: {  	[tilespmem:s24], [sflag:$0xD] =	stream.linear.gather [hbm4b:s17+s15], $0x1388, $0x38;
	[tilespmem:$0x1EAA0] =	vst v63  }
0x3d: {  	_ =	swait.ge [sflag:s20], $0x1388  }
0x3e: {  	[sflag:s20] =	ssyncset.done $0x0  }
0x3f: {  	s24 =	simm.s32 $0x14C08;
	s17 =	rddreg [dreg:$0x13];
	[sflag:s20] =	ssyncadd.s32 $0xFFFFEC78  }
0x40: {  	[tilespmem:s24], [sflag:$0xD] =	stream.linear.gather [hbm4b:s17+s15], $0x1388, $0x38;
	[tilespmem:$0x1EAA0] =	vst v63  }
0x41: {  	_ =	swait.ge [sflag:s20], $0x1388  }
0x42: {  	p5 =	por $0x1, $0x1;
	[sflag:s20] =	ssyncset.done $0x0  }
0x43: {  	p4 =	por $0x0, $0x0;
	[sflag:s20] =	ssyncadd.s32 $0xFFFFEC78;
	s20 =	simm.s32 $0x0  }
.LBB2_3:
0x44: {  	s24 =	simm.s32 @p4 $0xB  }
0x45: {  	_ =	swait.ge @p4 [sflag:s24], $0x1388  }
0x46: {  	[sflag:s24] =	ssyncset.done @p4 $0x0  }
0x47: {  	[sflag:s24] =	ssyncadd.s32 @p4 $0xFFFFEC78  }
0x48: {  	s20 =	sadd.s32 s20, s16;
	_ =	swait.ge @p4 [sflag:s24], $0x1388  }
0x49: {  	s20 =	sshrl.u32 s20, $0x3;
	[sflag:s24] =	ssyncset.done @p4 $0x0;
	s17 =	rddreg [dreg:$0x5]  }
0x4a: {  	[sflag:s24] =	ssyncadd.s32 @p4 $0xFFFFEC78;
	s20 =	sadd.s32 s17, s20  }
0x4b: {  	[tilespmem:s30], [sflag:$0xC] =	stream.linear.gather [hbm4b:s20+s15], $0x1388, $0x38;
	[tilespmem:$0x1EAA0] =	vst v63  }
0x4c: {  	s24 =	simm.s32 $0x17318;
	s20 =	sadd.s32 $0x9C40, s20  }
0x4d: {  	[tilespmem:s24], [sflag:$0xC] =	stream.linear.gather [hbm4b:s20+s15], $0x1388, $0x38;
	[tilespmem:$0x1EAA0] =	vst v63  }
0x4e: {  	s20 =	simm.s32 $0x13880  }
0x4f: {  	[tilespmem:s4], [sflag:$0x1] =	stream.indirect.gather [hbm4b:s1+s0], $0x80, s20, s0, $0xb8;
	[tilespmem:$0x1EAA0] =	vst v63  }
0x50: {  	s24 =	simm.s32 $0x138A8  }
0x51: {  	[tilespmem:s14], [sflag:$0x2] =	stream.indirect.gather [hbm4b:s1+s0], $0x80, s24, s0, $0xb8;
	[tilespmem:$0x1EAA0] =	vst v63  }
0x52: {  	s20 =	simm.s32 $0x138D0  }
0x53: {  	[tilespmem:s19], [sflag:$0x3] =	stream.indirect.gather [hbm4b:s1+s0], $0x80, s20, s0, $0xb8;
	[tilespmem:$0x1EAA0] =	vst v63  }
0x54: {  	s24 =	simm.s32 $0x138F8  }
0x55: {  	[tilespmem:s21], [sflag:$0x4] =	stream.indirect.gather [hbm4b:s1+s0], $0x80, s24, s0, $0xb8;
	[tilespmem:$0x1EAA0] =	vst v63  }
0x56: {  	s20 =	simm.s32 $0x13920  }
0x57: {  	[tilespmem:s9], [sflag:$0x5] =	stream.indirect.gather [hbm4b:s1+s0], $0x80, s20, s0, $0xb8;
	[tilespmem:$0x1EAA0] =	vst v63  }
0x58: {  	_ =	swait.ge [sflag:s10], $0x1400  }
0x59: {  	[sflag:s10] =	ssyncset.done $0x0  }
0x5a: {  	s24 =	simm.s32 $0x14C08;
	[sflag:s10] =	ssyncadd.s32 $0xFFFFEC00  }
0x5b: {  	[spmem:s2] =	stream.indirect.scatter.add.f32 [tilespmem:s4], [sflag:$0x6], $0x80, s24, s0, $0xb8;
	[tilespmem:$0x1EAA0] =	vst v63  }
0x5c: {  	_ =	swait.ge [sflag:s11], $0x1400  }
0x5d: {  	[sflag:s11] =	ssyncset.done $0x0  }
0x5e: {  	s17 =	simm.s32 $0x13948;
	[sflag:s11] =	ssyncadd.s32 $0xFFFFEC00  }
0x5f: {  	[tilespmem:s4], [sflag:$0x1] =	stream.indirect.gather [hbm4b:s1+s0], $0x80, s17, s0, $0xb8;
	[tilespmem:$0x1EAA0] =	vst v63  }
0x60: {  	_ =	swait.ge [sflag:s25], $0x1400  }
0x61: {  	[sflag:s25] =	ssyncset.done $0x0  }
0x62: {  	s24 =	simm.s32 $0x14C30;
	[sflag:s25] =	ssyncadd.s32 $0xFFFFEC00  }
0x63: {  	[spmem:s2] =	stream.indirect.scatter.add.f32 [tilespmem:s14], [sflag:$0x7], $0x80, s24, s0, $0xb8;
	[tilespmem:$0x1EAA0] =	vst v63  }
0x64: {  	_ =	swait.ge [sflag:s13], $0x1400  }
0x65: {  	[sflag:s13] =	ssyncset.done $0x0  }
0x66: {  	s17 =	simm.s32 $0x13970;
	[sflag:s13] =	ssyncadd.s32 $0xFFFFEC00  }
0x67: {  	[tilespmem:s14], [sflag:$0x2] =	stream.indirect.gather [hbm4b:s1+s0], $0x80, s17, s0, $0xb8;
	[tilespmem:$0x1EAA0] =	vst v63  }
0x68: {  	_ =	swait.ge [sflag:s8], $0x1400  }
0x69: {  	[sflag:s8] =	ssyncset.done $0x0  }
0x6a: {  	s24 =	simm.s32 $0x14C58;
	[sflag:s8] =	ssyncadd.s32 $0xFFFFEC00  }
0x6b: {  	[spmem:s2] =	stream.indirect.scatter.add.f32 [tilespmem:s19], [sflag:$0x8], $0x80, s24, s0, $0xb8;
	[tilespmem:$0x1EAA0] =	vst v63  }
0x6c: {  	_ =	swait.ge [sflag:s12], $0x1400  }
0x6d: {  	[sflag:s12] =	ssyncset.done $0x0  }
0x6e: {  	s17 =	simm.s32 $0x13998;
	[sflag:s12] =	ssyncadd.s32 $0xFFFFEC00  }
0x6f: {  	[tilespmem:s19], [sflag:$0x3] =	stream.indirect.gather [hbm4b:s1+s0], $0x80, s17, s0, $0xb8;
	[tilespmem:$0x1EAA0] =	vst v63  }
0x70: {  	_ =	swait.ge [sflag:s26], $0x1400  }
0x71: {  	[sflag:s26] =	ssyncset.done $0x0  }
0x72: {  	s24 =	simm.s32 $0x14C80;
	[sflag:s26] =	ssyncadd.s32 $0xFFFFEC00  }
0x73: {  	[spmem:s2] =	stream.indirect.scatter.add.f32 [tilespmem:s21], [sflag:$0x9], $0x80, s24, s0, $0xb8;
	[tilespmem:$0x1EAA0] =	vst v63  }
0x74: {  	_ =	swait.ge [sflag:s3], $0x1400  }
0x75: {  	[sflag:s3] =	ssyncset.done $0x0  }
0x76: {  	s17 =	simm.s32 $0x139C0;
	[sflag:s3] =	ssyncadd.s32 $0xFFFFEC00  }
0x77: {  	[tilespmem:s21], [sflag:$0x4] =	stream.indirect.gather [hbm4b:s1+s0], $0x80, s17, s0, $0xb8;
	[tilespmem:$0x1EAA0] =	vst v63  }
0x78: {  	_ =	swait.ge [sflag:s6], $0x1400  }
0x79: {  	[sflag:s6] =	ssyncset.done $0x0  }
0x7a: {  	s24 =	simm.s32 $0x14CA8;
	[sflag:s6] =	ssyncadd.s32 $0xFFFFEC00  }
0x7b: {  	[spmem:s2] =	stream.indirect.scatter.add.f32 [tilespmem:s9], [sflag:$0xA], $0x80, s24, s0, $0xb8;
	[tilespmem:$0x1EAA0] =	vst v63  }
0x7c: {  	_ =	swait.ge [sflag:s7], $0x1400  }
0x7d: {  	p3 =	por p5, p5;
	[sflag:s7] =	ssyncset.done $0x0  }
0x7e: {  	s20 =	simm.s32 $0x320;
	s24 =	simm.s32 $0x139E8;
	[sflag:s7] =	ssyncadd.s32 $0xFFFFEC00  }
.LBB2_4:
0x7f: {  	[tilespmem:s9], [sflag:$0x5] =	stream.indirect.gather [hbm4b:s1+s0], $0x80, s24, s0, $0xb8;
	[tilespmem:$0x1EAA0] =	vst v63  }
0x80: {  	s24 =	smov.u32 s20  }
0x81: {  	p5 =	sne.s32 s20, $0x47E0;
	s20 =	sadd.s32 $0x320, s20;
	_ =	swait.ge [sflag:s10], $0x1400  }
0x82: {  	s24 =	sshra.s32 s24, $0x2;
	[sflag:s10] =	ssyncset.done $0x0  }
0x83: {  	s17 =	sadd.s32 $0x14C08, s24;
	[sflag:s10] =	ssyncadd.s32 $0xFFFFEC00  }
0x84: {  	[spmem:s2] =	stream.indirect.scatter.add.f32 [tilespmem:s4], [sflag:$0x6], $0x80, s17, s0, $0xb8;
	[tilespmem:$0x1EAA0] =	vst v63  }
0x85: {  	_ =	swait.ge [sflag:s11], $0x1400  }
0x86: {  	[sflag:s11] =	ssyncset.done $0x0  }
0x87: {  	s17 =	sadd.s32 $0x13948, s24;
	[sflag:s11] =	ssyncadd.s32 $0xFFFFEC00  }
0x88: {  	[tilespmem:s4], [sflag:$0x1] =	stream.indirect.gather [hbm4b:s1+s0], $0x80, s17, s0, $0xb8;
	[tilespmem:$0x1EAA0] =	vst v63  }
0x89: {  	_ =	swait.ge [sflag:s25], $0x1400  }
0x8a: {  	[sflag:s25] =	ssyncset.done $0x0  }
0x8b: {  	s17 =	sadd.s32 $0x14C30, s24;
	[sflag:s25] =	ssyncadd.s32 $0xFFFFEC00  }
0x8c: {  	[spmem:s2] =	stream.indirect.scatter.add.f32 [tilespmem:s14], [sflag:$0x7], $0x80, s17, s0, $0xb8;
	[tilespmem:$0x1EAA0] =	vst v63  }
0x8d: {  	_ =	swait.ge [sflag:s13], $0x1400  }
0x8e: {  	[sflag:s13] =	ssyncset.done $0x0  }
0x8f: {  	s17 =	sadd.s32 $0x13970, s24;
	[sflag:s13] =	ssyncadd.s32 $0xFFFFEC00  }
0x90: {  	[tilespmem:s14], [sflag:$0x2] =	stream.indirect.gather [hbm4b:s1+s0], $0x80, s17, s0, $0xb8;
	[tilespmem:$0x1EAA0] =	vst v63  }
0x91: {  	_ =	swait.ge [sflag:s8], $0x1400  }
0x92: {  	[sflag:s8] =	ssyncset.done $0x0  }
0x93: {  	s17 =	sadd.s32 $0x14C58, s24;
	[sflag:s8] =	ssyncadd.s32 $0xFFFFEC00  }
0x94: {  	[spmem:s2] =	stream.indirect.scatter.add.f32 [tilespmem:s19], [sflag:$0x8], $0x80, s17, s0, $0xb8;
	[tilespmem:$0x1EAA0] =	vst v63  }
0x95: {  	_ =	swait.ge [sflag:s12], $0x1400  }
0x96: {  	[sflag:s12] =	ssyncset.done $0x0  }
0x97: {  	s17 =	sadd.s32 $0x13998, s24;
	[sflag:s12] =	ssyncadd.s32 $0xFFFFEC00  }
0x98: {  	[tilespmem:s19], [sflag:$0x3] =	stream.indirect.gather [hbm4b:s1+s0], $0x80, s17, s0, $0xb8;
	[tilespmem:$0x1EAA0] =	vst v63  }
0x99: {  	_ =	swait.ge [sflag:s26], $0x1400  }
0x9a: {  	[sflag:s26] =	ssyncset.done $0x0  }
0x9b: {  	s17 =	sadd.s32 $0x14C80, s24;
	[sflag:s26] =	ssyncadd.s32 $0xFFFFEC00  }
0x9c: {  	[spmem:s2] =	stream.indirect.scatter.add.f32 [tilespmem:s21], [sflag:$0x9], $0x80, s17, s0, $0xb8;
	[tilespmem:$0x1EAA0] =	vst v63  }
0x9d: {  	_ =	swait.ge [sflag:s3], $0x1400  }
0x9e: {  	[sflag:s3] =	ssyncset.done $0x0  }
0x9f: {  	s17 =	sadd.s32 $0x139C0, s24;
	[sflag:s3] =	ssyncadd.s32 $0xFFFFEC00  }
0xa0: {  	[tilespmem:s21], [sflag:$0x4] =	stream.indirect.gather [hbm4b:s1+s0], $0x80, s17, s0, $0xb8;
	[tilespmem:$0x1EAA0] =	vst v63  }
0xa1: {  	_ =	swait.ge [sflag:s6], $0x1400  }
0xa2: {  	[sflag:s6] =	ssyncset.done $0x0  }
.Ltmp3:
0xa3: {  	s17 =	sadd.s32 $0x14CA8, s24;
	[sflag:s6] =	ssyncadd.s32 $0xFFFFEC00;
	(pc) =	sbr.rel @p5 .LBB2_4-.Ltmp3, $4  }
0xa4: {  	[spmem:s2] =	stream.indirect.scatter.add.f32 [tilespmem:s9], [sflag:$0xA], $0x80, s17, s0, $0xb8;
	[tilespmem:$0x1EAA0] =	vst v63  }
0xa5: {  	_ =	swait.ge [sflag:s7], $0x1400  }
0xa6: {  	[sflag:s7] =	ssyncset.done $0x0  }
0xa7: {  	s24 =	sadd.s32 $0x139E8, s24;
	[sflag:s7] =	ssyncadd.s32 $0xFFFFEC00  }
0xa8: {  	[tilespmem:s9], [sflag:$0x5] =	stream.indirect.gather [hbm4b:s1+s0], $0x80, s24, s0, $0xb8;
	[tilespmem:$0x1EAA0] =	vst v63  }
0xa9: {  	_ =	swait.ge [sflag:s10], $0x1400  }
0xaa: {  	[sflag:s10] =	ssyncset.done $0x0  }
0xab: {  	s17 =	simm.s32 $0x15EC8;
	[sflag:s10] =	ssyncadd.s32 $0xFFFFEC00  }
0xac: {  	[spmem:s2] =	stream.indirect.scatter.add.f32 [tilespmem:s4], [sflag:$0x6], $0x80, s17, s0, $0xb8;
	[tilespmem:$0x1EAA0] =	vst v63  }
0xad: {  	_ =	swait.ge [sflag:s25], $0x1400  }
0xae: {  	[sflag:s25] =	ssyncset.done $0x0  }
0xaf: {  	s24 =	simm.s32 $0x15EF0;
	[sflag:s25] =	ssyncadd.s32 $0xFFFFEC00  }
0xb0: {  	[spmem:s2] =	stream.indirect.scatter.add.f32 [tilespmem:s14], [sflag:$0x7], $0x80, s24, s0, $0xb8;
	[tilespmem:$0x1EAA0] =	vst v63  }
0xb1: {  	_ =	swait.ge [sflag:s8], $0x1400  }
0xb2: {  	[sflag:s8] =	ssyncset.done $0x0  }
0xb3: {  	s20 =	simm.s32 $0x15F18;
	[sflag:s8] =	ssyncadd.s32 $0xFFFFEC00  }
0xb4: {  	[spmem:s2] =	stream.indirect.scatter.add.f32 [tilespmem:s19], [sflag:$0x8], $0x80, s20, s0, $0xb8;
	[tilespmem:$0x1EAA0] =	vst v63  }
0xb5: {  	_ =	swait.ge [sflag:s26], $0x1400  }
0xb6: {  	[sflag:s26] =	ssyncset.done $0x0  }
0xb7: {  	s24 =	simm.s32 $0x15F40;
	[sflag:s26] =	ssyncadd.s32 $0xFFFFEC00  }
0xb8: {  	[spmem:s2] =	stream.indirect.scatter.add.f32 [tilespmem:s21], [sflag:$0x9], $0x80, s24, s0, $0xb8;
	[tilespmem:$0x1EAA0] =	vst v63  }
0xb9: {  	_ =	swait.ge [sflag:s6], $0x1400  }
0xba: {  	[sflag:s6] =	ssyncset.done $0x0  }
0xbb: {  	s20 =	simm.s32 $0x15F68;
	[sflag:s6] =	ssyncadd.s32 $0xFFFFEC00  }
0xbc: {  	[spmem:s2] =	stream.indirect.scatter.add.f32 [tilespmem:s9], [sflag:$0xA], $0x80, s20, s0, $0xb8;
	[tilespmem:$0x1EAA0] =	vst v63  }
0xbd: {  	_ =	swait.ge [sflag:s11], $0x1400  }
0xbe: {  	[sflag:s11] =	ssyncset.done $0x0  }
0xbf: {  	[sflag:s11] =	ssyncadd.s32 $0xFFFFEC00  }
0xc0: {  	_ =	swait.ge [sflag:s13], $0x1400  }
0xc1: {  	[sflag:s13] =	ssyncset.done $0x0  }
0xc2: {  	[sflag:s13] =	ssyncadd.s32 $0xFFFFEC00  }
0xc3: {  	_ =	swait.ge [sflag:s12], $0x1400  }
0xc4: {  	[sflag:s12] =	ssyncset.done $0x0  }
0xc5: {  	[sflag:s12] =	ssyncadd.s32 $0xFFFFEC00  }
0xc6: {  	_ =	swait.ge [sflag:s3], $0x1400  }
0xc7: {  	[sflag:s3] =	ssyncset.done $0x0  }
0xc8: {  	[sflag:s3] =	ssyncadd.s32 $0xFFFFEC00  }
0xc9: {  	_ =	swait.ge [sflag:s7], $0x1400  }
0xca: {  	[sflag:s7] =	ssyncset.done $0x0  }
0xcb: {  	[sflag:s7] =	ssyncadd.s32 $0xFFFFEC00  }
0xcc: {  	_ =	swait.ge [sflag:s29], $0x1388  }
0xcd: {  	[sflag:s29] =	ssyncset.done $0x0  }
0xce: {  	[sflag:s29] =	ssyncadd.s32 $0xFFFFEC78  }
0xcf: {  	_ =	swait.ge [sflag:s29], $0x1388  }
0xd0: {  	s17 =	simm.s32 @!p4 $0x0;
	[sflag:s29] =	ssyncset.done $0x0  }
0xd1: {  	s20 =	simm.s32 @!p4 $0x13880;
	s24 =	rddreg [dreg:$0x14];
	[sflag:s29] =	ssyncadd.s32 $0xFFFFEC78  }
0xd2: {  	[tilespmem:s20], [sflag:$0xB] =	stream.linear.gather @!p4 [hbm4b:s24+s17], $0x1388, $0x38;
	[tilespmem:$0x1EAA0] =	vst v63  }
0xd3: {  	s20 =	simm.s32 @!p4 $0x14C08;
	s24 =	rddreg [dreg:$0x15]  }
0xd4: {  	[tilespmem:s20], [sflag:$0xB] =	stream.linear.gather @!p4 [hbm4b:s24+s17], $0x1388, $0x38;
	[tilespmem:$0x1EAA0] =	vst v63  }
0xd5: {  	_ = 	snop  }
0xd6: {  	[tilespmem:s4], [sflag:$0x1] =	stream.indirect.gather [hbm4b:s1+s0], $0x80, s30, s0, $0xb8;
	[tilespmem:$0x1EAA0] =	vst v63  }
0xd7: {  	s24 =	simm.s32 $0x15FB8  }
0xd8: {  	[tilespmem:s14], [sflag:$0x2] =	stream.indirect.gather [hbm4b:s1+s0], $0x80, s24, s0, $0xb8;
	[tilespmem:$0x1EAA0] =	vst v63  }
0xd9: {  	s20 =	simm.s32 $0x15FE0  }
0xda: {  	[tilespmem:s19], [sflag:$0x3] =	stream.indirect.gather [hbm4b:s1+s0], $0x80, s20, s0, $0xb8;
	[tilespmem:$0x1EAA0] =	vst v63  }
0xdb: {  	s24 =	simm.s32 $0x16008  }
0xdc: {  	[tilespmem:s21], [sflag:$0x4] =	stream.indirect.gather [hbm4b:s1+s0], $0x80, s24, s0, $0xb8;
	[tilespmem:$0x1EAA0] =	vst v63  }
0xdd: {  	s20 =	simm.s32 $0x16030  }
0xde: {  	[tilespmem:s9], [sflag:$0x5] =	stream.indirect.gather [hbm4b:s1+s0], $0x80, s20, s0, $0xb8;
	[tilespmem:$0x1EAA0] =	vst v63  }
0xdf: {  	_ =	swait.ge [sflag:s10], $0x1400  }
0xe0: {  	[sflag:s10] =	ssyncset.done $0x0  }
0xe1: {  	s24 =	simm.s32 $0x17318;
	[sflag:s10] =	ssyncadd.s32 $0xFFFFEC00  }
0xe2: {  	[spmem:s2] =	stream.indirect.scatter.add.f32 [tilespmem:s4], [sflag:$0x6], $0x80, s24, s0, $0xb8;
	[tilespmem:$0x1EAA0] =	vst v63  }
0xe3: {  	_ =	swait.ge [sflag:s11], $0x1400  }
0xe4: {  	[sflag:s11] =	ssyncset.done $0x0  }
0xe5: {  	s20 =	simm.s32 $0x16058;
	[sflag:s11] =	ssyncadd.s32 $0xFFFFEC00  }
0xe6: {  	[tilespmem:s4], [sflag:$0x1] =	stream.indirect.gather [hbm4b:s1+s0], $0x80, s20, s0, $0xb8;
	[tilespmem:$0x1EAA0] =	vst v63  }
0xe7: {  	_ =	swait.ge [sflag:s25], $0x1400  }
0xe8: {  	[sflag:s25] =	ssyncset.done $0x0  }
0xe9: {  	s24 =	simm.s32 $0x17340;
	[sflag:s25] =	ssyncadd.s32 $0xFFFFEC00  }
0xea: {  	[spmem:s2] =	stream.indirect.scatter.add.f32 [tilespmem:s14], [sflag:$0x7], $0x80, s24, s0, $0xb8;
	[tilespmem:$0x1EAA0] =	vst v63  }
0xeb: {  	_ =	swait.ge [sflag:s13], $0x1400  }
0xec: {  	[sflag:s13] =	ssyncset.done $0x0  }
0xed: {  	s20 =	simm.s32 $0x16080;
	[sflag:s13] =	ssyncadd.s32 $0xFFFFEC00  }
0xee: {  	[tilespmem:s14], [sflag:$0x2] =	stream.indirect.gather [hbm4b:s1+s0], $0x80, s20, s0, $0xb8;
	[tilespmem:$0x1EAA0] =	vst v63  }
0xef: {  	_ =	swait.ge [sflag:s8], $0x1400  }
0xf0: {  	[sflag:s8] =	ssyncset.done $0x0  }
0xf1: {  	s24 =	simm.s32 $0x17368;
	[sflag:s8] =	ssyncadd.s32 $0xFFFFEC00  }
0xf2: {  	[spmem:s2] =	stream.indirect.scatter.add.f32 [tilespmem:s19], [sflag:$0x8], $0x80, s24, s0, $0xb8;
	[tilespmem:$0x1EAA0] =	vst v63  }
0xf3: {  	_ =	swait.ge [sflag:s12], $0x1400  }
0xf4: {  	[sflag:s12] =	ssyncset.done $0x0  }
0xf5: {  	s20 =	simm.s32 $0x160A8;
	[sflag:s12] =	ssyncadd.s32 $0xFFFFEC00  }
0xf6: {  	[tilespmem:s19], [sflag:$0x3] =	stream.indirect.gather [hbm4b:s1+s0], $0x80, s20, s0, $0xb8;
	[tilespmem:$0x1EAA0] =	vst v63  }
0xf7: {  	_ =	swait.ge [sflag:s26], $0x1400  }
0xf8: {  	[sflag:s26] =	ssyncset.done $0x0  }
0xf9: {  	s24 =	simm.s32 $0x17390;
	[sflag:s26] =	ssyncadd.s32 $0xFFFFEC00  }
0xfa: {  	[spmem:s2] =	stream.indirect.scatter.add.f32 [tilespmem:s21], [sflag:$0x9], $0x80, s24, s0, $0xb8;
	[tilespmem:$0x1EAA0] =	vst v63  }
0xfb: {  	_ =	swait.ge [sflag:s3], $0x1400  }
0xfc: {  	[sflag:s3] =	ssyncset.done $0x0  }
0xfd: {  	s20 =	simm.s32 $0x160D0;
	[sflag:s3] =	ssyncadd.s32 $0xFFFFEC00  }
0xfe: {  	[tilespmem:s21], [sflag:$0x4] =	stream.indirect.gather [hbm4b:s1+s0], $0x80, s20, s0, $0xb8;
	[tilespmem:$0x1EAA0] =	vst v63  }
0xff: {  	_ =	swait.ge [sflag:s6], $0x1400  }
0x100: {  	[sflag:s6] =	ssyncset.done $0x0  }
0x101: {  	s24 =	simm.s32 $0x173B8;
	[sflag:s6] =	ssyncadd.s32 $0xFFFFEC00  }
0x102: {  	[spmem:s2] =	stream.indirect.scatter.add.f32 [tilespmem:s9], [sflag:$0xA], $0x80, s24, s0, $0xb8;
	[tilespmem:$0x1EAA0] =	vst v63  }
0x103: {  	_ =	swait.ge [sflag:s7], $0x1400  }
0x104: {  	[sflag:s7] =	ssyncset.done $0x0  }
0x105: {  	s20 =	simm.s32 $0x320;
	s24 =	simm.s32 $0x160F8;
	[sflag:s7] =	ssyncadd.s32 $0xFFFFEC00  }
.LBB2_6:
0x106: {  	[tilespmem:s9], [sflag:$0x5] =	stream.indirect.gather [hbm4b:s1+s0], $0x80, s24, s0, $0xb8;
	[tilespmem:$0x1EAA0] =	vst v63  }
0x107: {  	s17 =	smov.u32 s20  }
0x108: {  	p4 =	sne.s32 s20, $0x47E0;
	s20 =	sadd.s32 $0x320, s20;
	_ =	swait.ge [sflag:s10], $0x1400  }
0x109: {  	s24 =	sshra.s32 s17, $0x2;
	[sflag:s10] =	ssyncset.done $0x0  }
0x10a: {  	s17 =	sadd.s32 $0x17318, s24;
	[sflag:s10] =	ssyncadd.s32 $0xFFFFEC00  }
0x10b: {  	[spmem:s2] =	stream.indirect.scatter.add.f32 [tilespmem:s4], [sflag:$0x6], $0x80, s17, s0, $0xb8;
	[tilespmem:$0x1EAA0] =	vst v63  }
0x10c: {  	_ =	swait.ge [sflag:s11], $0x1400  }
0x10d: {  	[sflag:s11] =	ssyncset.done $0x0  }
0x10e: {  	s17 =	sadd.s32 $0x16058, s24;
	[sflag:s11] =	ssyncadd.s32 $0xFFFFEC00  }
0x10f: {  	[tilespmem:s4], [sflag:$0x1] =	stream.indirect.gather [hbm4b:s1+s0], $0x80, s17, s0, $0xb8;
	[tilespmem:$0x1EAA0] =	vst v63  }
0x110: {  	_ =	swait.ge [sflag:s25], $0x1400  }
0x111: {  	[sflag:s25] =	ssyncset.done $0x0  }
0x112: {  	s17 =	sadd.s32 $0x17340, s24;
	[sflag:s25] =	ssyncadd.s32 $0xFFFFEC00  }
0x113: {  	[spmem:s2] =	stream.indirect.scatter.add.f32 [tilespmem:s14], [sflag:$0x7], $0x80, s17, s0, $0xb8;
	[tilespmem:$0x1EAA0] =	vst v63  }
0x114: {  	_ =	swait.ge [sflag:s13], $0x1400  }
0x115: {  	[sflag:s13] =	ssyncset.done $0x0  }
0x116: {  	s17 =	sadd.s32 $0x16080, s24;
	[sflag:s13] =	ssyncadd.s32 $0xFFFFEC00  }
0x117: {  	[tilespmem:s14], [sflag:$0x2] =	stream.indirect.gather [hbm4b:s1+s0], $0x80, s17, s0, $0xb8;
	[tilespmem:$0x1EAA0] =	vst v63  }
0x118: {  	_ =	swait.ge [sflag:s8], $0x1400  }
0x119: {  	[sflag:s8] =	ssyncset.done $0x0  }
0x11a: {  	s17 =	sadd.s32 $0x17368, s24;
	[sflag:s8] =	ssyncadd.s32 $0xFFFFEC00  }
0x11b: {  	[spmem:s2] =	stream.indirect.scatter.add.f32 [tilespmem:s19], [sflag:$0x8], $0x80, s17, s0, $0xb8;
	[tilespmem:$0x1EAA0] =	vst v63  }
0x11c: {  	_ =	swait.ge [sflag:s12], $0x1400  }
0x11d: {  	[sflag:s12] =	ssyncset.done $0x0  }
0x11e: {  	s17 =	sadd.s32 $0x160A8, s24;
	[sflag:s12] =	ssyncadd.s32 $0xFFFFEC00  }
0x11f: {  	[tilespmem:s19], [sflag:$0x3] =	stream.indirect.gather [hbm4b:s1+s0], $0x80, s17, s0, $0xb8;
	[tilespmem:$0x1EAA0] =	vst v63  }
0x120: {  	_ =	swait.ge [sflag:s26], $0x1400  }
0x121: {  	[sflag:s26] =	ssyncset.done $0x0  }
0x122: {  	s17 =	sadd.s32 $0x17390, s24;
	[sflag:s26] =	ssyncadd.s32 $0xFFFFEC00  }
0x123: {  	[spmem:s2] =	stream.indirect.scatter.add.f32 [tilespmem:s21], [sflag:$0x9], $0x80, s17, s0, $0xb8;
	[tilespmem:$0x1EAA0] =	vst v63  }
0x124: {  	_ =	swait.ge [sflag:s3], $0x1400  }
0x125: {  	[sflag:s3] =	ssyncset.done $0x0  }
0x126: {  	s17 =	sadd.s32 $0x160D0, s24;
	[sflag:s3] =	ssyncadd.s32 $0xFFFFEC00  }
0x127: {  	[tilespmem:s21], [sflag:$0x4] =	stream.indirect.gather [hbm4b:s1+s0], $0x80, s17, s0, $0xb8;
	[tilespmem:$0x1EAA0] =	vst v63  }
0x128: {  	_ =	swait.ge [sflag:s6], $0x1400  }
0x129: {  	[sflag:s6] =	ssyncset.done $0x0  }
.Ltmp4:
0x12a: {  	s17 =	sadd.s32 $0x173B8, s24;
	[sflag:s6] =	ssyncadd.s32 $0xFFFFEC00;
	(pc) =	sbr.rel @p4 .LBB2_6-.Ltmp4, $4  }
0x12b: {  	[spmem:s2] =	stream.indirect.scatter.add.f32 [tilespmem:s9], [sflag:$0xA], $0x80, s17, s0, $0xb8;
	[tilespmem:$0x1EAA0] =	vst v63  }
0x12c: {  	_ =	swait.ge [sflag:s7], $0x1400  }
0x12d: {  	[sflag:s7] =	ssyncset.done $0x0  }
0x12e: {  	s24 =	sadd.s32 $0x160F8, s24;
	[sflag:s7] =	ssyncadd.s32 $0xFFFFEC00  }
0x12f: {  	[tilespmem:s9], [sflag:$0x5] =	stream.indirect.gather [hbm4b:s1+s0], $0x80, s24, s0, $0xb8;
	[tilespmem:$0x1EAA0] =	vst v63  }
0x130: {  	_ =	swait.ge [sflag:s10], $0x1400  }
0x131: {  	[sflag:s10] =	ssyncset.done $0x0  }
0x132: {  	[sflag:s10] =	ssyncadd.s32 $0xFFFFEC00  }
0x133: {  	[spmem:s2] =	stream.indirect.scatter.add.f32 [tilespmem:s4], [sflag:$0x6], $0x80, s18, s0, $0xb8;
	[tilespmem:$0x1EAA0] =	vst v63  }
0x134: {  	_ =	swait.ge [sflag:s25], $0x1400  }
0x135: {  	[sflag:s25] =	ssyncset.done $0x0  }
0x136: {  	[sflag:s25] =	ssyncadd.s32 $0xFFFFEC00  }
0x137: {  	[spmem:s2] =	stream.indirect.scatter.add.f32 [tilespmem:s14], [sflag:$0x7], $0x80, s22, s0, $0xb8;
	[tilespmem:$0x1EAA0] =	vst v63  }
0x138: {  	_ =	swait.ge [sflag:s8], $0x1400  }
0x139: {  	[sflag:s8] =	ssyncset.done $0x0  }
0x13a: {  	[sflag:s8] =	ssyncadd.s32 $0xFFFFEC00  }
0x13b: {  	[spmem:s2] =	stream.indirect.scatter.add.f32 [tilespmem:s19], [sflag:$0x8], $0x80, s23, s0, $0xb8;
	[tilespmem:$0x1EAA0] =	vst v63  }
0x13c: {  	_ =	swait.ge [sflag:s26], $0x1400  }
0x13d: {  	[sflag:s26] =	ssyncset.done $0x0  }
0x13e: {  	[sflag:s26] =	ssyncadd.s32 $0xFFFFEC00  }
0x13f: {  	[spmem:s2] =	stream.indirect.scatter.add.f32 [tilespmem:s21], [sflag:$0x9], $0x80, s31, s0, $0xb8;
	[tilespmem:$0x1EAA0] =	vst v63  }
0x140: {  	_ =	swait.ge [sflag:s6], $0x1400  }
0x141: {  	[sflag:s6] =	ssyncset.done $0x0  }
0x142: {  	[sflag:s6] =	ssyncadd.s32 $0xFFFFEC00  }
0x143: {  	[spmem:s2] =	stream.indirect.scatter.add.f32 [tilespmem:s9], [sflag:$0xA], $0x80, s28, s0, $0xb8;
	[tilespmem:$0x1EAA0] =	vst v63  }
0x144: {  	_ =	swait.ge [sflag:s11], $0x1400  }
0x145: {  	[sflag:s11] =	ssyncset.done $0x0  }
0x146: {  	[sflag:s11] =	ssyncadd.s32 $0xFFFFEC00  }
0x147: {  	_ =	swait.ge [sflag:s13], $0x1400  }
0x148: {  	[sflag:s13] =	ssyncset.done $0x0  }
0x149: {  	[sflag:s13] =	ssyncadd.s32 $0xFFFFEC00  }
0x14a: {  	_ =	swait.ge [sflag:s12], $0x1400  }
0x14b: {  	[sflag:s12] =	ssyncset.done $0x0  }
0x14c: {  	[sflag:s12] =	ssyncadd.s32 $0xFFFFEC00  }
0x14d: {  	_ =	swait.ge [sflag:s3], $0x1400  }
.Ltmp5:
0x14e: {  	[sflag:s3] =	ssyncset.done $0x0;
	(pc) =	sbr.rel @p3 .LBB2_3-.Ltmp5, $4  }
0x14f: {  	[sflag:s3] =	ssyncadd.s32 $0xFFFFEC00  }
0x150: {  	_ =	swait.ge [sflag:s7], $0x1400  }
0x151: {  	s20 =	simm.s32 $0x2710;
	[sflag:s7] =	ssyncset.done $0x0  }
0x152: {  	p5 =	por $0x0, $0x0;
	p4 =	por $0x1, $0x1;
	[sflag:s7] =	ssyncadd.s32 $0xFFFFEC00  }
0x153: {  	[bflag:$0x0] =	sbarrier.arrive $0xFFFF  }
0x154: {  	s24 =	rddreg [dreg:$0xb]  }
0x155: {  	s15 =	rddreg [dreg:$0x16]  }
0x156: {  	s17 =	rddreg [dreg:$0x18]  }
0x157: {  	[hbm:s15], [sflag:s24] =	dma.local [spmem:s17], $0x2700  }
.Ltmp6:
0x158: {  	_ = 	snop;
	(pc) =	sbr.rel @p2 .LBB2_16-.Ltmp6, $4  }
.Ltmp7:
0x159: {  	s20 =	simm.s32 $0xD;
	(pc) =	sbr.rel @!p2 .LBB2_17-.Ltmp7, $4  }
0x15a: {  	_ =	swait.ge [sflag:s20], $0x2700  }
0x15b: {  	[sflag:s20] =	ssyncset.done $0x0;
	s15 =	rddreg [dreg:$0x8]  }
0x15c: {  	[sflag:s20] =	ssyncadd.s32 $0xFFFFD900;
	s20 =	rddreg [dreg:$0x4]  }
0x15d: {  	_ = 	snop  }
.LBB2_9:
0x15e: {  	s17 =	rddreg [dreg:$0xd];
	s24 =	simm.s32 $0x13880  }
0x15f: {  	[tilespmem:s24], [sflag:$0xD] =	stream.linear.gather [hbm4b:s17+s15], $0x1388, $0x38;
	[tilespmem:$0x1EAA0] =	vst v63  }
0x160: {  	_ =	swait.ge [sflag:s20], $0x1388  }
0x161: {  	[sflag:s20] =	ssyncset.done $0x0  }
0x162: {  	s24 =	simm.s32 $0x14C08;
	s17 =	rddreg [dreg:$0xe];
	[sflag:s20] =	ssyncadd.s32 $0xFFFFEC78  }
0x163: {  	[tilespmem:s24], [sflag:$0xD] =	stream.linear.gather [hbm4b:s17+s15], $0x1388, $0x38;
	[tilespmem:$0x1EAA0] =	vst v63  }
0x164: {  	_ =	swait.ge [sflag:s20], $0x1388  }
0x165: {  	p5 =	por $0x1, $0x1;
	[sflag:s20] =	ssyncset.done $0x0  }
0x166: {  	p4 =	por $0x0, $0x0;
	[sflag:s20] =	ssyncadd.s32 $0xFFFFEC78;
	s20 =	simm.s32 $0x0  }
.LBB2_10:
0x167: {  	s17 =	simm.s32 @p4 $0xB  }
0x168: {  	_ =	swait.ge @p4 [sflag:s17], $0x1388  }
0x169: {  	[sflag:s17] =	ssyncset.done @p4 $0x0  }
0x16a: {  	[sflag:s17] =	ssyncadd.s32 @p4 $0xFFFFEC78  }
0x16b: {  	s20 =	sadd.s32 s20, s16;
	_ =	swait.ge @p4 [sflag:s17], $0x1388  }
0x16c: {  	s20 =	sshrl.u32 s20, $0x3;
	[sflag:s17] =	ssyncset.done @p4 $0x0;
	s24 =	rddreg [dreg:$0x6]  }
0x16d: {  	[sflag:s17] =	ssyncadd.s32 @p4 $0xFFFFEC78;
	s17 =	sadd.s32 s24, s20  }
0x16e: {  	[tilespmem:s30], [sflag:$0xC] =	stream.linear.gather [hbm4b:s17+s15], $0x1388, $0x38;
	[tilespmem:$0x1EAA0] =	vst v63  }
0x16f: {  	s24 =	simm.s32 $0x17318;
	s17 =	sadd.s32 $0x9C40, s17  }
0x170: {  	[tilespmem:s24], [sflag:$0xC] =	stream.linear.gather [hbm4b:s17+s15], $0x1388, $0x38;
	[tilespmem:$0x1EAA0] =	vst v63  }
0x171: {  	s20 =	simm.s32 $0x13880  }
0x172: {  	[tilespmem:s4], [sflag:$0x1] =	stream.indirect.gather [hbm4b:s5+s0], $0x80, s20, s0, $0xb8;
	[tilespmem:$0x1EAA0] =	vst v63  }
0x173: {  	s24 =	simm.s32 $0x138A8  }
0x174: {  	[tilespmem:s14], [sflag:$0x2] =	stream.indirect.gather [hbm4b:s5+s0], $0x80, s24, s0, $0xb8;
	[tilespmem:$0x1EAA0] =	vst v63  }
0x175: {  	s20 =	simm.s32 $0x138D0  }
0x176: {  	[tilespmem:s19], [sflag:$0x3] =	stream.indirect.gather [hbm4b:s5+s0], $0x80, s20, s0, $0xb8;
	[tilespmem:$0x1EAA0] =	vst v63  }
0x177: {  	s24 =	simm.s32 $0x138F8  }
0x178: {  	[tilespmem:s21], [sflag:$0x4] =	stream.indirect.gather [hbm4b:s5+s0], $0x80, s24, s0, $0xb8;
	[tilespmem:$0x1EAA0] =	vst v63  }
0x179: {  	s20 =	simm.s32 $0x13920  }
0x17a: {  	[tilespmem:s9], [sflag:$0x5] =	stream.indirect.gather [hbm4b:s5+s0], $0x80, s20, s0, $0xb8;
	[tilespmem:$0x1EAA0] =	vst v63  }
0x17b: {  	_ =	swait.ge [sflag:s10], $0x1400  }
0x17c: {  	[sflag:s10] =	ssyncset.done $0x0  }
0x17d: {  	s24 =	simm.s32 $0x14C08;
	[sflag:s10] =	ssyncadd.s32 $0xFFFFEC00  }
0x17e: {  	[spmem:s2] =	stream.indirect.scatter.add.f32 [tilespmem:s4], [sflag:$0x6], $0x80, s24, s0, $0xb8;
	[tilespmem:$0x1EAA0] =	vst v63  }
0x17f: {  	_ =	swait.ge [sflag:s11], $0x1400  }
0x180: {  	[sflag:s11] =	ssyncset.done $0x0  }
0x181: {  	s20 =	simm.s32 $0x13948;
	[sflag:s11] =	ssyncadd.s32 $0xFFFFEC00  }
0x182: {  	[tilespmem:s4], [sflag:$0x1] =	stream.indirect.gather [hbm4b:s5+s0], $0x80, s20, s0, $0xb8;
	[tilespmem:$0x1EAA0] =	vst v63  }
0x183: {  	_ =	swait.ge [sflag:s25], $0x1400  }
0x184: {  	[sflag:s25] =	ssyncset.done $0x0  }
0x185: {  	s24 =	simm.s32 $0x14C30;
	[sflag:s25] =	ssyncadd.s32 $0xFFFFEC00  }
0x186: {  	[spmem:s2] =	stream.indirect.scatter.add.f32 [tilespmem:s14], [sflag:$0x7], $0x80, s24, s0, $0xb8;
	[tilespmem:$0x1EAA0] =	vst v63  }
0x187: {  	_ =	swait.ge [sflag:s13], $0x1400  }
0x188: {  	[sflag:s13] =	ssyncset.done $0x0  }
0x189: {  	s20 =	simm.s32 $0x13970;
	[sflag:s13] =	ssyncadd.s32 $0xFFFFEC00  }
0x18a: {  	[tilespmem:s14], [sflag:$0x2] =	stream.indirect.gather [hbm4b:s5+s0], $0x80, s20, s0, $0xb8;
	[tilespmem:$0x1EAA0] =	vst v63  }
0x18b: {  	_ =	swait.ge [sflag:s8], $0x1400  }
0x18c: {  	[sflag:s8] =	ssyncset.done $0x0  }
0x18d: {  	s24 =	simm.s32 $0x14C58;
	[sflag:s8] =	ssyncadd.s32 $0xFFFFEC00  }
0x18e: {  	[spmem:s2] =	stream.indirect.scatter.add.f32 [tilespmem:s19], [sflag:$0x8], $0x80, s24, s0, $0xb8;
	[tilespmem:$0x1EAA0] =	vst v63  }
0x18f: {  	_ =	swait.ge [sflag:s12], $0x1400  }
0x190: {  	[sflag:s12] =	ssyncset.done $0x0  }
0x191: {  	s20 =	simm.s32 $0x13998;
	[sflag:s12] =	ssyncadd.s32 $0xFFFFEC00  }
0x192: {  	[tilespmem:s19], [sflag:$0x3] =	stream.indirect.gather [hbm4b:s5+s0], $0x80, s20, s0, $0xb8;
	[tilespmem:$0x1EAA0] =	vst v63  }
0x193: {  	_ =	swait.ge [sflag:s26], $0x1400  }
0x194: {  	[sflag:s26] =	ssyncset.done $0x0  }
0x195: {  	s24 =	simm.s32 $0x14C80;
	[sflag:s26] =	ssyncadd.s32 $0xFFFFEC00  }
0x196: {  	[spmem:s2] =	stream.indirect.scatter.add.f32 [tilespmem:s21], [sflag:$0x9], $0x80, s24, s0, $0xb8;
	[tilespmem:$0x1EAA0] =	vst v63  }
0x197: {  	_ =	swait.ge [sflag:s3], $0x1400  }
0x198: {  	[sflag:s3] =	ssyncset.done $0x0  }
0x199: {  	s20 =	simm.s32 $0x139C0;
	[sflag:s3] =	ssyncadd.s32 $0xFFFFEC00  }
0x19a: {  	[tilespmem:s21], [sflag:$0x4] =	stream.indirect.gather [hbm4b:s5+s0], $0x80, s20, s0, $0xb8;
	[tilespmem:$0x1EAA0] =	vst v63  }
0x19b: {  	_ =	swait.ge [sflag:s6], $0x1400  }
0x19c: {  	[sflag:s6] =	ssyncset.done $0x0  }
0x19d: {  	s24 =	simm.s32 $0x14CA8;
	[sflag:s6] =	ssyncadd.s32 $0xFFFFEC00  }
0x19e: {  	[spmem:s2] =	stream.indirect.scatter.add.f32 [tilespmem:s9], [sflag:$0xA], $0x80, s24, s0, $0xb8;
	[tilespmem:$0x1EAA0] =	vst v63  }
0x19f: {  	_ =	swait.ge [sflag:s7], $0x1400  }
0x1a0: {  	p3 =	por p5, p5;
	[sflag:s7] =	ssyncset.done $0x0  }
0x1a1: {  	s20 =	simm.s32 $0x320;
	s24 =	simm.s32 $0x139E8;
	[sflag:s7] =	ssyncadd.s32 $0xFFFFEC00  }
.LBB2_11:
0x1a2: {  	[tilespmem:s9], [sflag:$0x5] =	stream.indirect.gather [hbm4b:s5+s0], $0x80, s24, s0, $0xb8;
	[tilespmem:$0x1EAA0] =	vst v63  }
0x1a3: {  	s17 =	smov.u32 s20  }
0x1a4: {  	p5 =	sne.s32 s20, $0x47E0;
	s20 =	sadd.s32 $0x320, s20;
	_ =	swait.ge [sflag:s10], $0x1400  }
0x1a5: {  	s24 =	sshra.s32 s17, $0x2;
	[sflag:s10] =	ssyncset.done $0x0  }
0x1a6: {  	s17 =	sadd.s32 $0x14C08, s24;
	[sflag:s10] =	ssyncadd.s32 $0xFFFFEC00  }
0x1a7: {  	[spmem:s2] =	stream.indirect.scatter.add.f32 [tilespmem:s4], [sflag:$0x6], $0x80, s17, s0, $0xb8;
	[tilespmem:$0x1EAA0] =	vst v63  }
0x1a8: {  	_ =	swait.ge [sflag:s11], $0x1400  }
0x1a9: {  	[sflag:s11] =	ssyncset.done $0x0  }
0x1aa: {  	s17 =	sadd.s32 $0x13948, s24;
	[sflag:s11] =	ssyncadd.s32 $0xFFFFEC00  }
0x1ab: {  	[tilespmem:s4], [sflag:$0x1] =	stream.indirect.gather [hbm4b:s5+s0], $0x80, s17, s0, $0xb8;
	[tilespmem:$0x1EAA0] =	vst v63  }
0x1ac: {  	_ =	swait.ge [sflag:s25], $0x1400  }
0x1ad: {  	[sflag:s25] =	ssyncset.done $0x0  }
0x1ae: {  	s17 =	sadd.s32 $0x14C30, s24;
	[sflag:s25] =	ssyncadd.s32 $0xFFFFEC00  }
0x1af: {  	[spmem:s2] =	stream.indirect.scatter.add.f32 [tilespmem:s14], [sflag:$0x7], $0x80, s17, s0, $0xb8;
	[tilespmem:$0x1EAA0] =	vst v63  }
0x1b0: {  	_ =	swait.ge [sflag:s13], $0x1400  }
0x1b1: {  	[sflag:s13] =	ssyncset.done $0x0  }
0x1b2: {  	s17 =	sadd.s32 $0x13970, s24;
	[sflag:s13] =	ssyncadd.s32 $0xFFFFEC00  }
0x1b3: {  	[tilespmem:s14], [sflag:$0x2] =	stream.indirect.gather [hbm4b:s5+s0], $0x80, s17, s0, $0xb8;
	[tilespmem:$0x1EAA0] =	vst v63  }
0x1b4: {  	_ =	swait.ge [sflag:s8], $0x1400  }
0x1b5: {  	[sflag:s8] =	ssyncset.done $0x0  }
0x1b6: {  	s17 =	sadd.s32 $0x14C58, s24;
	[sflag:s8] =	ssyncadd.s32 $0xFFFFEC00  }
0x1b7: {  	[spmem:s2] =	stream.indirect.scatter.add.f32 [tilespmem:s19], [sflag:$0x8], $0x80, s17, s0, $0xb8;
	[tilespmem:$0x1EAA0] =	vst v63  }
0x1b8: {  	_ =	swait.ge [sflag:s12], $0x1400  }
0x1b9: {  	[sflag:s12] =	ssyncset.done $0x0  }
0x1ba: {  	s17 =	sadd.s32 $0x13998, s24;
	[sflag:s12] =	ssyncadd.s32 $0xFFFFEC00  }
0x1bb: {  	[tilespmem:s19], [sflag:$0x3] =	stream.indirect.gather [hbm4b:s5+s0], $0x80, s17, s0, $0xb8;
	[tilespmem:$0x1EAA0] =	vst v63  }
0x1bc: {  	_ =	swait.ge [sflag:s26], $0x1400  }
0x1bd: {  	[sflag:s26] =	ssyncset.done $0x0  }
0x1be: {  	s17 =	sadd.s32 $0x14C80, s24;
	[sflag:s26] =	ssyncadd.s32 $0xFFFFEC00  }
0x1bf: {  	[spmem:s2] =	stream.indirect.scatter.add.f32 [tilespmem:s21], [sflag:$0x9], $0x80, s17, s0, $0xb8;
	[tilespmem:$0x1EAA0] =	vst v63  }
0x1c0: {  	_ =	swait.ge [sflag:s3], $0x1400  }
0x1c1: {  	[sflag:s3] =	ssyncset.done $0x0  }
0x1c2: {  	s17 =	sadd.s32 $0x139C0, s24;
	[sflag:s3] =	ssyncadd.s32 $0xFFFFEC00  }
0x1c3: {  	[tilespmem:s21], [sflag:$0x4] =	stream.indirect.gather [hbm4b:s5+s0], $0x80, s17, s0, $0xb8;
	[tilespmem:$0x1EAA0] =	vst v63  }
0x1c4: {  	_ =	swait.ge [sflag:s6], $0x1400  }
0x1c5: {  	[sflag:s6] =	ssyncset.done $0x0  }
.Ltmp8:
0x1c6: {  	s17 =	sadd.s32 $0x14CA8, s24;
	[sflag:s6] =	ssyncadd.s32 $0xFFFFEC00;
	(pc) =	sbr.rel @p5 .LBB2_11-.Ltmp8, $4  }
0x1c7: {  	[spmem:s2] =	stream.indirect.scatter.add.f32 [tilespmem:s9], [sflag:$0xA], $0x80, s17, s0, $0xb8;
	[tilespmem:$0x1EAA0] =	vst v63  }
0x1c8: {  	_ =	swait.ge [sflag:s7], $0x1400  }
0x1c9: {  	[sflag:s7] =	ssyncset.done $0x0  }
0x1ca: {  	s24 =	sadd.s32 $0x139E8, s24;
	[sflag:s7] =	ssyncadd.s32 $0xFFFFEC00  }
0x1cb: {  	[tilespmem:s9], [sflag:$0x5] =	stream.indirect.gather [hbm4b:s5+s0], $0x80, s24, s0, $0xb8;
	[tilespmem:$0x1EAA0] =	vst v63  }
0x1cc: {  	_ =	swait.ge [sflag:s10], $0x1400  }
0x1cd: {  	[sflag:s10] =	ssyncset.done $0x0  }
0x1ce: {  	s17 =	simm.s32 $0x15EC8;
	[sflag:s10] =	ssyncadd.s32 $0xFFFFEC00  }
0x1cf: {  	[spmem:s2] =	stream.indirect.scatter.add.f32 [tilespmem:s4], [sflag:$0x6], $0x80, s17, s0, $0xb8;
	[tilespmem:$0x1EAA0] =	vst v63  }
0x1d0: {  	_ =	swait.ge [sflag:s25], $0x1400  }
0x1d1: {  	[sflag:s25] =	ssyncset.done $0x0  }
0x1d2: {  	s24 =	simm.s32 $0x15EF0;
	[sflag:s25] =	ssyncadd.s32 $0xFFFFEC00  }
0x1d3: {  	[spmem:s2] =	stream.indirect.scatter.add.f32 [tilespmem:s14], [sflag:$0x7], $0x80, s24, s0, $0xb8;
	[tilespmem:$0x1EAA0] =	vst v63  }
0x1d4: {  	_ =	swait.ge [sflag:s8], $0x1400  }
0x1d5: {  	[sflag:s8] =	ssyncset.done $0x0  }
0x1d6: {  	s20 =	simm.s32 $0x15F18;
	[sflag:s8] =	ssyncadd.s32 $0xFFFFEC00  }
0x1d7: {  	[spmem:s2] =	stream.indirect.scatter.add.f32 [tilespmem:s19], [sflag:$0x8], $0x80, s20, s0, $0xb8;
	[tilespmem:$0x1EAA0] =	vst v63  }
0x1d8: {  	_ =	swait.ge [sflag:s26], $0x1400  }
0x1d9: {  	[sflag:s26] =	ssyncset.done $0x0  }
0x1da: {  	s24 =	simm.s32 $0x15F40;
	[sflag:s26] =	ssyncadd.s32 $0xFFFFEC00  }
0x1db: {  	[spmem:s2] =	stream.indirect.scatter.add.f32 [tilespmem:s21], [sflag:$0x9], $0x80, s24, s0, $0xb8;
	[tilespmem:$0x1EAA0] =	vst v63  }
0x1dc: {  	_ =	swait.ge [sflag:s6], $0x1400  }
0x1dd: {  	[sflag:s6] =	ssyncset.done $0x0  }
0x1de: {  	s20 =	simm.s32 $0x15F68;
	[sflag:s6] =	ssyncadd.s32 $0xFFFFEC00  }
0x1df: {  	[spmem:s2] =	stream.indirect.scatter.add.f32 [tilespmem:s9], [sflag:$0xA], $0x80, s20, s0, $0xb8;
	[tilespmem:$0x1EAA0] =	vst v63  }
0x1e0: {  	_ =	swait.ge [sflag:s11], $0x1400  }
0x1e1: {  	[sflag:s11] =	ssyncset.done $0x0  }
0x1e2: {  	[sflag:s11] =	ssyncadd.s32 $0xFFFFEC00  }
0x1e3: {  	_ =	swait.ge [sflag:s13], $0x1400  }
0x1e4: {  	[sflag:s13] =	ssyncset.done $0x0  }
0x1e5: {  	[sflag:s13] =	ssyncadd.s32 $0xFFFFEC00  }
0x1e6: {  	_ =	swait.ge [sflag:s12], $0x1400  }
0x1e7: {  	[sflag:s12] =	ssyncset.done $0x0  }
0x1e8: {  	[sflag:s12] =	ssyncadd.s32 $0xFFFFEC00  }
0x1e9: {  	_ =	swait.ge [sflag:s3], $0x1400  }
0x1ea: {  	[sflag:s3] =	ssyncset.done $0x0  }
0x1eb: {  	[sflag:s3] =	ssyncadd.s32 $0xFFFFEC00  }
0x1ec: {  	_ =	swait.ge [sflag:s7], $0x1400  }
0x1ed: {  	[sflag:s7] =	ssyncset.done $0x0  }
0x1ee: {  	[sflag:s7] =	ssyncadd.s32 $0xFFFFEC00  }
0x1ef: {  	_ =	swait.ge [sflag:s29], $0x1388  }
0x1f0: {  	[sflag:s29] =	ssyncset.done $0x0  }
0x1f1: {  	[sflag:s29] =	ssyncadd.s32 $0xFFFFEC78  }
0x1f2: {  	_ =	swait.ge [sflag:s29], $0x1388  }
0x1f3: {  	s17 =	simm.s32 @!p4 $0x0;
	[sflag:s29] =	ssyncset.done $0x0  }
0x1f4: {  	s20 =	simm.s32 @!p4 $0x13880;
	s24 =	rddreg [dreg:$0xf];
	[sflag:s29] =	ssyncadd.s32 $0xFFFFEC78  }
0x1f5: {  	[tilespmem:s20], [sflag:$0xB] =	stream.linear.gather @!p4 [hbm4b:s24+s17], $0x1388, $0x38;
	[tilespmem:$0x1EAA0] =	vst v63  }
0x1f6: {  	s20 =	simm.s32 @!p4 $0x14C08;
	s24 =	rddreg [dreg:$0x10]  }
0x1f7: {  	[tilespmem:s20], [sflag:$0xB] =	stream.linear.gather @!p4 [hbm4b:s24+s17], $0x1388, $0x38;
	[tilespmem:$0x1EAA0] =	vst v63  }
0x1f8: {  	_ = 	snop  }
0x1f9: {  	[tilespmem:s4], [sflag:$0x1] =	stream.indirect.gather [hbm4b:s5+s0], $0x80, s30, s0, $0xb8;
	[tilespmem:$0x1EAA0] =	vst v63  }
0x1fa: {  	s24 =	simm.s32 $0x15FB8  }
0x1fb: {  	[tilespmem:s14], [sflag:$0x2] =	stream.indirect.gather [hbm4b:s5+s0], $0x80, s24, s0, $0xb8;
	[tilespmem:$0x1EAA0] =	vst v63  }
0x1fc: {  	s20 =	simm.s32 $0x15FE0  }
0x1fd: {  	[tilespmem:s19], [sflag:$0x3] =	stream.indirect.gather [hbm4b:s5+s0], $0x80, s20, s0, $0xb8;
	[tilespmem:$0x1EAA0] =	vst v63  }
0x1fe: {  	s24 =	simm.s32 $0x16008  }
0x1ff: {  	[tilespmem:s21], [sflag:$0x4] =	stream.indirect.gather [hbm4b:s5+s0], $0x80, s24, s0, $0xb8;
	[tilespmem:$0x1EAA0] =	vst v63  }
0x200: {  	s20 =	simm.s32 $0x16030  }
0x201: {  	[tilespmem:s9], [sflag:$0x5] =	stream.indirect.gather [hbm4b:s5+s0], $0x80, s20, s0, $0xb8;
	[tilespmem:$0x1EAA0] =	vst v63  }
0x202: {  	_ =	swait.ge [sflag:s10], $0x1400  }
0x203: {  	[sflag:s10] =	ssyncset.done $0x0  }
0x204: {  	s24 =	simm.s32 $0x17318;
	[sflag:s10] =	ssyncadd.s32 $0xFFFFEC00  }
0x205: {  	[spmem:s2] =	stream.indirect.scatter.add.f32 [tilespmem:s4], [sflag:$0x6], $0x80, s24, s0, $0xb8;
	[tilespmem:$0x1EAA0] =	vst v63  }
0x206: {  	_ =	swait.ge [sflag:s11], $0x1400  }
0x207: {  	[sflag:s11] =	ssyncset.done $0x0  }
0x208: {  	s20 =	simm.s32 $0x16058;
	[sflag:s11] =	ssyncadd.s32 $0xFFFFEC00  }
0x209: {  	[tilespmem:s4], [sflag:$0x1] =	stream.indirect.gather [hbm4b:s5+s0], $0x80, s20, s0, $0xb8;
	[tilespmem:$0x1EAA0] =	vst v63  }
0x20a: {  	_ =	swait.ge [sflag:s25], $0x1400  }
0x20b: {  	[sflag:s25] =	ssyncset.done $0x0  }
0x20c: {  	s24 =	simm.s32 $0x17340;
	[sflag:s25] =	ssyncadd.s32 $0xFFFFEC00  }
0x20d: {  	[spmem:s2] =	stream.indirect.scatter.add.f32 [tilespmem:s14], [sflag:$0x7], $0x80, s24, s0, $0xb8;
	[tilespmem:$0x1EAA0] =	vst v63  }
0x20e: {  	_ =	swait.ge [sflag:s13], $0x1400  }
0x20f: {  	[sflag:s13] =	ssyncset.done $0x0  }
0x210: {  	s20 =	simm.s32 $0x16080;
	[sflag:s13] =	ssyncadd.s32 $0xFFFFEC00  }
0x211: {  	[tilespmem:s14], [sflag:$0x2] =	stream.indirect.gather [hbm4b:s5+s0], $0x80, s20, s0, $0xb8;
	[tilespmem:$0x1EAA0] =	vst v63  }
0x212: {  	_ =	swait.ge [sflag:s8], $0x1400  }
0x213: {  	[sflag:s8] =	ssyncset.done $0x0  }
0x214: {  	s24 =	simm.s32 $0x17368;
	[sflag:s8] =	ssyncadd.s32 $0xFFFFEC00  }
0x215: {  	[spmem:s2] =	stream.indirect.scatter.add.f32 [tilespmem:s19], [sflag:$0x8], $0x80, s24, s0, $0xb8;
	[tilespmem:$0x1EAA0] =	vst v63  }
0x216: {  	_ =	swait.ge [sflag:s12], $0x1400  }
0x217: {  	[sflag:s12] =	ssyncset.done $0x0  }
0x218: {  	s20 =	simm.s32 $0x160A8;
	[sflag:s12] =	ssyncadd.s32 $0xFFFFEC00  }
0x219: {  	[tilespmem:s19], [sflag:$0x3] =	stream.indirect.gather [hbm4b:s5+s0], $0x80, s20, s0, $0xb8;
	[tilespmem:$0x1EAA0] =	vst v63  }
0x21a: {  	_ =	swait.ge [sflag:s26], $0x1400  }
0x21b: {  	[sflag:s26] =	ssyncset.done $0x0  }
0x21c: {  	s24 =	simm.s32 $0x17390;
	[sflag:s26] =	ssyncadd.s32 $0xFFFFEC00  }
0x21d: {  	[spmem:s2] =	stream.indirect.scatter.add.f32 [tilespmem:s21], [sflag:$0x9], $0x80, s24, s0, $0xb8;
	[tilespmem:$0x1EAA0] =	vst v63  }
0x21e: {  	_ =	swait.ge [sflag:s3], $0x1400  }
0x21f: {  	[sflag:s3] =	ssyncset.done $0x0  }
0x220: {  	s20 =	simm.s32 $0x160D0;
	[sflag:s3] =	ssyncadd.s32 $0xFFFFEC00  }
0x221: {  	[tilespmem:s21], [sflag:$0x4] =	stream.indirect.gather [hbm4b:s5+s0], $0x80, s20, s0, $0xb8;
	[tilespmem:$0x1EAA0] =	vst v63  }
0x222: {  	_ =	swait.ge [sflag:s6], $0x1400  }
0x223: {  	[sflag:s6] =	ssyncset.done $0x0  }
0x224: {  	s24 =	simm.s32 $0x173B8;
	[sflag:s6] =	ssyncadd.s32 $0xFFFFEC00  }
0x225: {  	[spmem:s2] =	stream.indirect.scatter.add.f32 [tilespmem:s9], [sflag:$0xA], $0x80, s24, s0, $0xb8;
	[tilespmem:$0x1EAA0] =	vst v63  }
0x226: {  	_ =	swait.ge [sflag:s7], $0x1400  }
0x227: {  	[sflag:s7] =	ssyncset.done $0x0  }
0x228: {  	s20 =	simm.s32 $0x320;
	s24 =	simm.s32 $0x160F8;
	[sflag:s7] =	ssyncadd.s32 $0xFFFFEC00  }
.LBB2_13:
0x229: {  	[tilespmem:s9], [sflag:$0x5] =	stream.indirect.gather [hbm4b:s5+s0], $0x80, s24, s0, $0xb8;
	[tilespmem:$0x1EAA0] =	vst v63  }
0x22a: {  	s17 =	smov.u32 s20  }
0x22b: {  	p4 =	sne.s32 s20, $0x47E0;
	s20 =	sadd.s32 $0x320, s20;
	_ =	swait.ge [sflag:s10], $0x1400  }
0x22c: {  	s24 =	sshra.s32 s17, $0x2;
	[sflag:s10] =	ssyncset.done $0x0  }
0x22d: {  	s17 =	sadd.s32 $0x17318, s24;
	[sflag:s10] =	ssyncadd.s32 $0xFFFFEC00  }
0x22e: {  	[spmem:s2] =	stream.indirect.scatter.add.f32 [tilespmem:s4], [sflag:$0x6], $0x80, s17, s0, $0xb8;
	[tilespmem:$0x1EAA0] =	vst v63  }
0x22f: {  	_ =	swait.ge [sflag:s11], $0x1400  }
0x230: {  	[sflag:s11] =	ssyncset.done $0x0  }
0x231: {  	s17 =	sadd.s32 $0x16058, s24;
	[sflag:s11] =	ssyncadd.s32 $0xFFFFEC00  }
0x232: {  	[tilespmem:s4], [sflag:$0x1] =	stream.indirect.gather [hbm4b:s5+s0], $0x80, s17, s0, $0xb8;
	[tilespmem:$0x1EAA0] =	vst v63  }
0x233: {  	_ =	swait.ge [sflag:s25], $0x1400  }
0x234: {  	[sflag:s25] =	ssyncset.done $0x0  }
0x235: {  	s17 =	sadd.s32 $0x17340, s24;
	[sflag:s25] =	ssyncadd.s32 $0xFFFFEC00  }
0x236: {  	[spmem:s2] =	stream.indirect.scatter.add.f32 [tilespmem:s14], [sflag:$0x7], $0x80, s17, s0, $0xb8;
	[tilespmem:$0x1EAA0] =	vst v63  }
0x237: {  	_ =	swait.ge [sflag:s13], $0x1400  }
0x238: {  	[sflag:s13] =	ssyncset.done $0x0  }
0x239: {  	s17 =	sadd.s32 $0x16080, s24;
	[sflag:s13] =	ssyncadd.s32 $0xFFFFEC00  }
0x23a: {  	[tilespmem:s14], [sflag:$0x2] =	stream.indirect.gather [hbm4b:s5+s0], $0x80, s17, s0, $0xb8;
	[tilespmem:$0x1EAA0] =	vst v63  }
0x23b: {  	_ =	swait.ge [sflag:s8], $0x1400  }
0x23c: {  	[sflag:s8] =	ssyncset.done $0x0  }
0x23d: {  	s17 =	sadd.s32 $0x17368, s24;
	[sflag:s8] =	ssyncadd.s32 $0xFFFFEC00  }
0x23e: {  	[spmem:s2] =	stream.indirect.scatter.add.f32 [tilespmem:s19], [sflag:$0x8], $0x80, s17, s0, $0xb8;
	[tilespmem:$0x1EAA0] =	vst v63  }
0x23f: {  	_ =	swait.ge [sflag:s12], $0x1400  }
0x240: {  	[sflag:s12] =	ssyncset.done $0x0  }
0x241: {  	s17 =	sadd.s32 $0x160A8, s24;
	[sflag:s12] =	ssyncadd.s32 $0xFFFFEC00  }
0x242: {  	[tilespmem:s19], [sflag:$0x3] =	stream.indirect.gather [hbm4b:s5+s0], $0x80, s17, s0, $0xb8;
	[tilespmem:$0x1EAA0] =	vst v63  }
0x243: {  	_ =	swait.ge [sflag:s26], $0x1400  }
0x244: {  	[sflag:s26] =	ssyncset.done $0x0  }
0x245: {  	s17 =	sadd.s32 $0x17390, s24;
	[sflag:s26] =	ssyncadd.s32 $0xFFFFEC00  }
0x246: {  	[spmem:s2] =	stream.indirect.scatter.add.f32 [tilespmem:s21], [sflag:$0x9], $0x80, s17, s0, $0xb8;
	[tilespmem:$0x1EAA0] =	vst v63  }
0x247: {  	_ =	swait.ge [sflag:s3], $0x1400  }
0x248: {  	[sflag:s3] =	ssyncset.done $0x0  }
0x249: {  	s17 =	sadd.s32 $0x160D0, s24;
	[sflag:s3] =	ssyncadd.s32 $0xFFFFEC00  }
0x24a: {  	[tilespmem:s21], [sflag:$0x4] =	stream.indirect.gather [hbm4b:s5+s0], $0x80, s17, s0, $0xb8;
	[tilespmem:$0x1EAA0] =	vst v63  }
0x24b: {  	_ =	swait.ge [sflag:s6], $0x1400  }
0x24c: {  	[sflag:s6] =	ssyncset.done $0x0  }
.Ltmp9:
0x24d: {  	s17 =	sadd.s32 $0x173B8, s24;
	[sflag:s6] =	ssyncadd.s32 $0xFFFFEC00;
	(pc) =	sbr.rel @p4 .LBB2_13-.Ltmp9, $4  }
0x24e: {  	[spmem:s2] =	stream.indirect.scatter.add.f32 [tilespmem:s9], [sflag:$0xA], $0x80, s17, s0, $0xb8;
	[tilespmem:$0x1EAA0] =	vst v63  }
0x24f: {  	_ =	swait.ge [sflag:s7], $0x1400  }
0x250: {  	[sflag:s7] =	ssyncset.done $0x0  }
0x251: {  	s24 =	sadd.s32 $0x160F8, s24;
	[sflag:s7] =	ssyncadd.s32 $0xFFFFEC00  }
0x252: {  	[tilespmem:s9], [sflag:$0x5] =	stream.indirect.gather [hbm4b:s5+s0], $0x80, s24, s0, $0xb8;
	[tilespmem:$0x1EAA0] =	vst v63  }
0x253: {  	_ =	swait.ge [sflag:s10], $0x1400  }
0x254: {  	[sflag:s10] =	ssyncset.done $0x0  }
0x255: {  	[sflag:s10] =	ssyncadd.s32 $0xFFFFEC00  }
0x256: {  	[spmem:s2] =	stream.indirect.scatter.add.f32 [tilespmem:s4], [sflag:$0x6], $0x80, s18, s0, $0xb8;
	[tilespmem:$0x1EAA0] =	vst v63  }
0x257: {  	_ =	swait.ge [sflag:s25], $0x1400  }
0x258: {  	[sflag:s25] =	ssyncset.done $0x0  }
0x259: {  	[sflag:s25] =	ssyncadd.s32 $0xFFFFEC00  }
0x25a: {  	[spmem:s2] =	stream.indirect.scatter.add.f32 [tilespmem:s14], [sflag:$0x7], $0x80, s22, s0, $0xb8;
	[tilespmem:$0x1EAA0] =	vst v63  }
0x25b: {  	_ =	swait.ge [sflag:s8], $0x1400  }
0x25c: {  	[sflag:s8] =	ssyncset.done $0x0  }
0x25d: {  	[sflag:s8] =	ssyncadd.s32 $0xFFFFEC00  }
0x25e: {  	[spmem:s2] =	stream.indirect.scatter.add.f32 [tilespmem:s19], [sflag:$0x8], $0x80, s23, s0, $0xb8;
	[tilespmem:$0x1EAA0] =	vst v63  }
0x25f: {  	_ =	swait.ge [sflag:s26], $0x1400  }
0x260: {  	[sflag:s26] =	ssyncset.done $0x0  }
0x261: {  	[sflag:s26] =	ssyncadd.s32 $0xFFFFEC00  }
0x262: {  	[spmem:s2] =	stream.indirect.scatter.add.f32 [tilespmem:s21], [sflag:$0x9], $0x80, s31, s0, $0xb8;
	[tilespmem:$0x1EAA0] =	vst v63  }
0x263: {  	_ =	swait.ge [sflag:s6], $0x1400  }
0x264: {  	[sflag:s6] =	ssyncset.done $0x0  }
0x265: {  	[sflag:s6] =	ssyncadd.s32 $0xFFFFEC00  }
0x266: {  	[spmem:s2] =	stream.indirect.scatter.add.f32 [tilespmem:s9], [sflag:$0xA], $0x80, s28, s0, $0xb8;
	[tilespmem:$0x1EAA0] =	vst v63  }
0x267: {  	_ =	swait.ge [sflag:s11], $0x1400  }
0x268: {  	[sflag:s11] =	ssyncset.done $0x0  }
0x269: {  	[sflag:s11] =	ssyncadd.s32 $0xFFFFEC00  }
0x26a: {  	_ =	swait.ge [sflag:s13], $0x1400  }
0x26b: {  	[sflag:s13] =	ssyncset.done $0x0  }
0x26c: {  	[sflag:s13] =	ssyncadd.s32 $0xFFFFEC00  }
0x26d: {  	_ =	swait.ge [sflag:s12], $0x1400  }
0x26e: {  	[sflag:s12] =	ssyncset.done $0x0  }
0x26f: {  	[sflag:s12] =	ssyncadd.s32 $0xFFFFEC00  }
0x270: {  	_ =	swait.ge [sflag:s3], $0x1400  }
.Ltmp10:
0x271: {  	[sflag:s3] =	ssyncset.done $0x0;
	(pc) =	sbr.rel @p3 .LBB2_10-.Ltmp10, $4  }
0x272: {  	[sflag:s3] =	ssyncadd.s32 $0xFFFFEC00  }
0x273: {  	_ =	swait.ge [sflag:s7], $0x1400  }
0x274: {  	s20 =	simm.s32 $0x2710;
	[sflag:s7] =	ssyncset.done $0x0  }
0x275: {  	p5 =	por $0x0, $0x0;
	p4 =	por $0x1, $0x1;
	[sflag:s7] =	ssyncadd.s32 $0xFFFFEC00  }
0x276: {  	[bflag:$0x0] =	sbarrier.arrive $0xFFFF  }
0x277: {  	s24 =	rddreg [dreg:$0xb]  }
0x278: {  	s15 =	rddreg [dreg:$0x11]  }
0x279: {  	s17 =	rddreg [dreg:$0x18]  }
0x27a: {  	[hbm:s15], [sflag:s24] =	dma.local [spmem:s17], $0x2700  }
.Ltmp11:
0x27b: {  	_ = 	snop;
	(pc) =	sbr.rel @p1 .LBB2_17-.Ltmp11, $4  }
.Ltmp12:
0x27c: {  	s20 =	simm.s32 $0xD;
	(pc) =	sbr.rel @!p1 .LBB2_16-.Ltmp12, $4  }
0x27d: {  	_ =	swait.ge [sflag:s20], $0x2700  }
0x27e: {  	[sflag:s20] =	ssyncset.done $0x0;
	s15 =	rddreg [dreg:$0x9]  }
0x27f: {  	[sflag:s20] =	ssyncadd.s32 $0xFFFFD900;
	s20 =	rddreg [dreg:$0x4]  }
0x280: {  	_ = 	snop  }
.LBB2_18:
0x281: {  	_ =	sfence.sel $0x180000  }
0x282: {  	[bflag:$0x0] =	sbarrier.arrive $0xFFFF  }
0x283: {  	_ =	strace $0x9000004A  }
0x284: {  	s0 =	stileid.u32;
	[bflag:$0x2] =	sbarrier.arrive $0xFFFF  }
0x285: {  	p0 =	sne.s32 s0, $0x0;
	s0 =	rddreg [dreg:$0x3]  }
0x286: {  	s0 =	sadd.s32 @!p0 $0x100000, s0  }
0x287: {  	[sflag:s0] =	ssyncadd.tile.s32 @!p0 $0x1;
	_ =	shalt  }
.Lfunc_end2:
_tile_overlayer_lowered:
.L_overlay_start_2:
0x288: {  	(tag) =	ssettag $0x2  }
0x289: {  	s0 =	rddreg [dreg:$0x0];
	s2 =	stileid.u32  }
0x28a: {  	s1 =	rddreg [dreg:$0x1];
	p0 =	sne.s32 s2, $0x0  }
0x28b: {  	s3 =	rddreg [dreg:$0x2];
	[bflag:$0x3] =	sbarrier.arrive $0xFFFF;
	s2 =	simm.s32 @!p0 $0x1C0D  }
0x28c: {  	[timem:s3], [sflag:s2] =	dma.local @!p0 [hbm:s0], s1  }
0x28d: {  	s0 =	simm.s32 @!p0 $0xD  }
0x28e: {  	_ =	swait.ge @!p0 [sflag:s0], s1  }
0x28f: {  	s1 =	ssub.s32 @!p0 $0x0, s1;
	[sflag:s0] =	ssyncset.done @!p0 $0x0  }
0x290: {  	[sflag:s0] =	ssyncadd.s32 @!p0 s1  }
0x291: {  	[bflag:$0x3] =	sbarrier.arrive $0xFFFF  }
0x292: {  	_ =	shalt  }

</sc_bundles>
